<compile_context>
chip_gen: v7x
topology: tpu7x:2x2x1
jax: 0.10.2.dev20260603
libtpu: 0.0.44.dev20260713+nightly
codegen_flags: <defaults>
</compile_context>

<pallas_src>
import functools

import jax
import jax.numpy as jnp
from jax import lax
from jax.experimental import pallas as pl
from jax.experimental.pallas import tpu as pltpu
from jax.experimental.pallas import tpu_sc as plsc

N = 10000
E = 320000
D = 128

NC = 2
NS = 16
NW = NC * NS

K = 96
NCHUNK = -(-E // (NW * K * 6)) * 6
EPW = NCHUNK * K
EPAD = NW * EPW
TRASH = N
SLAB = K
NSLAB = 7
RPT = SLAB * NSLAB
HPAD = RPT * NS

_mesh = plsc.VectorSubcoreMesh(
    core_axis_name="c", subcore_axis_name="s", num_cores=NC, num_subcores=NS
)


@functools.partial(
    pl.kernel,
    out_type=jax.ShapeDtypeStruct((NW, HPAD), jnp.float32),
    mesh=_mesh,
    scratch_types=[
        pltpu.VMEM((EPW,), jnp.int32),
        pltpu.VMEM((HPAD,), jnp.float32),
    ],
    compiler_params=pltpu.CompilerParams(needs_layout_passes=False),
)
def _deg_kernel(dst_hbm, out_hbm, idx_v, hist_v):
    wid = lax.axis_index("s") * NC + lax.axis_index("c")
    zero16 = jnp.zeros((16,), jnp.float32)

    def zbody(i, carry):
        hist_v[pl.ds(i * 16, 16)] = zero16
        return carry

    lax.fori_loop(0, HPAD // 16, zbody, 0)
    pltpu.sync_copy(dst_hbm.at[pl.ds(wid * EPW, EPW)], idx_v)
    ones16 = jnp.ones((16,), jnp.float32)

    def body(i, carry):
        idx = idx_v[pl.ds(i * 16, 16)]
        plsc.addupdate_scatter(hist_v, [idx], ones16)
        return carry

    lax.fori_loop(0, EPW // 16, body, 0)
    pltpu.sync_copy(hist_v, out_hbm.at[wid])


_RM = HPAD // 8


def _mm_body(parts_ref, x_ref, w_ref, g_ref, dis_ref):
    deg = jnp.sum(parts_ref[...], axis=1) + 1.0
    dis = lax.rsqrt(deg)
    h = jnp.dot(x_ref[...], w_ref[...], preferred_element_type=jnp.float32)
    g_ref[...] = dis[:, None] * h
    dis_ref[...] = dis[:, None]


def _mm_call(parts, x, W):
    return pl.pallas_call(
        _mm_body,
        grid=(HPAD // _RM,),
        in_specs=[
            pl.BlockSpec((_RM, NW), lambda i: (i, 0)),
            pl.BlockSpec((_RM, D), lambda i: (i, 0)),
            pl.BlockSpec((D, D), lambda i: (0, 0)),
        ],
        out_specs=[
            pl.BlockSpec((_RM, D), lambda i: (i, 0)),
            pl.BlockSpec((_RM, 1), lambda i: (i, 0)),
        ],
        out_shape=[
            jax.ShapeDtypeStruct((HPAD, D), jnp.float32),
            jax.ShapeDtypeStruct((HPAD, 1), jnp.float32),
        ],
    )(parts, x, W)


@functools.partial(
    pl.kernel,
    out_type=jax.ShapeDtypeStruct((NC, HPAD, D), jnp.float32),
    mesh=_mesh,
    scratch_types=[
        pltpu.VMEM((6, 2, K), jnp.int32),
        pltpu.VMEM((3, K, D), jnp.float32),
        pltpu.VMEM_SHARED((HPAD, D), jnp.float32),
        [pltpu.SemaphoreType.DMA] * 6,
        [pltpu.SemaphoreType.DMA] * 3,
        [pltpu.SemaphoreType.DMA] * 2,
    ],
)
def _edge_kernel(g_hbm, eidx_hbm, out_hbm, ibuf, rows_v, acc_sh,
                 isems, gsems, ssems):
    cid = lax.axis_index("c")
    sid = lax.axis_index("s")
    wid = sid * NC + cid
    wbase = wid * NCHUNK
    tbase = sid * RPT

    pltpu.async_copy(eidx_hbm.at[wbase], ibuf.at[0], isems[0])
    pltpu.async_copy(eidx_hbm.at[wbase + 1], ibuf.at[1], isems[1])
    pltpu.async_copy(eidx_hbm.at[wbase + 2], ibuf.at[2], isems[2])

    for j in range(NSLAB):
        sl = pl.ds(tbase + j * SLAB, SLAB)
        pltpu.sync_copy(g_hbm.at[sl], rows_v.at[j % 3])
        pltpu.sync_copy(rows_v.at[j % 3], acc_sh.at[sl])
    plsc.subcore_barrier()
    pltpu.make_async_copy(eidx_hbm.at[wbase], ibuf.at[0], isems[0]).wait()
    pltpu.async_copy(g_hbm.at[ibuf.at[0, 0]], rows_v.at[0], gsems[0])
    pltpu.make_async_copy(eidx_hbm.at[wbase], ibuf.at[1], isems[1]).wait()
    pltpu.async_copy(g_hbm.at[ibuf.at[1, 0]], rows_v.at[1], gsems[1])

    def step(i, r, s, q, has_prev, has_next2, has_idx):
        pltpu.make_async_copy(
            g_hbm.at[ibuf.at[q, 0]], rows_v.at[r], gsems[r]
        ).wait()
        if has_prev:
            pltpu.make_async_copy(
                rows_v.at[r], acc_sh.at[ibuf.at[q, 1]], ssems[1 - s]
            ).wait()
        if has_next2:
            pltpu.make_async_copy(
                eidx_hbm.at[wbase], ibuf.at[(q + 2) % 6], isems[(q + 2) % 6]
            ).wait()
            pltpu.async_copy(
                g_hbm.at[ibuf.at[(q + 2) % 6, 0]], rows_v.at[(r + 2) % 3],
                gsems[(r + 2) % 3]
            )
        pltpu.async_copy(
            rows_v.at[r], acc_sh.at[ibuf.at[q, 1]], ssems[s], add=True
        )
        if has_idx:
            pltpu.async_copy(
                eidx_hbm.at[wbase + i + 3], ibuf.at[(q + 3) % 6],
                isems[(q + 3) % 6]
            )

    for i in range(6):
        step(i, i % 3, i % 2, i % 6, i > 0, True, True)

    def body(g, carry):
        for u6 in range(6):
            step(g * 6 + u6, u6 % 3, u6 % 2, u6, True, True, True)
        return carry

    lax.fori_loop(1, NCHUNK // 6 - 1, body, 0)
    for i in range(NCHUNK - 6, NCHUNK):
        step(i, i % 3, i % 2, i % 6, True, i + 2 < NCHUNK, i + 3 < NCHUNK)

    pltpu.make_async_copy(
        rows_v.at[(NCHUNK - 1) % 3], acc_sh.at[ibuf.at[0, 1]],
        ssems[(NCHUNK - 1) % 2]
    ).wait()

    plsc.subcore_barrier()
    for j in range(NSLAB):
        sl = pl.ds(tbase + j * SLAB, SLAB)
        pltpu.sync_copy(acc_sh.at[sl], rows_v.at[j % 2])
        pltpu.sync_copy(rows_v.at[j % 2], out_hbm.at[cid, sl])


def _ep_body(p_ref, g_ref, dis_ref, b_ref, o_ref):
    s = p_ref[0] + p_ref[1] - g_ref[...]
    y = dis_ref[...] * s + b_ref[...]
    o_ref[...] = jnp.where(y >= 0, y, 0.01 * y)


_RE = 2000


def _ep_call(partial, g, dis, b2):
    return pl.pallas_call(
        _ep_body,
        grid=(N // _RE,),
        in_specs=[
            pl.BlockSpec((NC, _RE, D), lambda i: (0, i, 0)),
            pl.BlockSpec((_RE, D), lambda i: (i, 0)),
            pl.BlockSpec((_RE, 1), lambda i: (i, 0)),
            pl.BlockSpec((1, D), lambda i: (0, 0)),
        ],
        out_specs=pl.BlockSpec((_RE, D), lambda i: (i, 0)),
        out_shape=jax.ShapeDtypeStruct((N, D), jnp.float32),
    )(partial, g, dis, b2)


def kernel(x, edge_index, W, b):
    src = edge_index[0].astype(jnp.int32)
    dst = edge_index[1].astype(jnp.int32)
    pad = EPAD - E
    pad_iota = jnp.arange(pad, dtype=jnp.int32)
    src_p = jnp.concatenate([src, pad_iota % N])
    dst_p = jnp.concatenate([dst, TRASH + pad_iota % (HPAD - N)])

    parts = _deg_kernel(dst_p)
    x_pad = jnp.pad(x, ((0, HPAD - N), (0, 0)))
    g, dis = _mm_call(parts.T, x_pad, W)
    epairs = jnp.stack(
        [src_p.reshape(NW * NCHUNK, K), dst_p.reshape(NW * NCHUNK, K)], axis=1
    )
    partial = _edge_kernel(g, epairs)
    return _ep_call(partial, g, dis, b.reshape(1, D))

# --- scband reference (transcript-rebuilt; emitter-appended) ---
"""Pipeline reference for scband-gcn-1-16896401342681 (READ-ONLY COPY).

The authoritative reference and input builder live on the scoring server;
editing this copy changes nothing except your own understanding.
"""

import jax, jax.numpy as jnp
import numpy as np

N_NODES = 10000
N_EDGES = 320000
D_IN = 128
D_OUT = 128


def setup_inputs(seed: int = 0) -> dict:
    key = jax.random.key(seed)
    k1, k2, k3, k4 = jax.random.split(key, 4)
    x = jax.random.normal(k1, (N_NODES, D_IN), dtype=jnp.float32)
    edge_index = jax.random.randint(k2, (2, N_EDGES), 0, N_NODES, dtype=jnp.int64)
    # GCNConv weights: lin = Linear(in_channels, out_channels, bias=False); bias added after aggregation
    W = jax.random.normal(k3, (D_IN, D_OUT), dtype=jnp.float32) * (1.0 / np.sqrt(D_IN))
    b = jax.random.normal(k4, (D_OUT,), dtype=jnp.float32) * 0.01
    return {"x": x, "edge_index": edge_index, "W": W, "b": b}


def reference(x, edge_index, W, b):
    N = x.shape[0]
    src = edge_index[0]
    dst = edge_index[1]
    # add self loops (GCNConv default add_self_loops=True)
    loop = jnp.arange(N, dtype=edge_index.dtype)
    src = jnp.concatenate([src, loop])
    dst = jnp.concatenate([dst, loop])
    # symmetric gcn normalization: deg over dst (col)
    deg = jnp.zeros((N,), dtype=x.dtype).at[dst].add(1.0)
    deg_inv_sqrt = jnp.where(deg > 0, deg ** -0.5, 0.0)
    norm = deg_inv_sqrt[src] * deg_inv_sqrt[dst]
    # linear transform
    h = x @ W
    # message passing: gather from src, scale, scatter-add to dst
    msg = h[src] * norm[:, None]
    out = jnp.zeros((N, W.shape[1]), dtype=x.dtype).at[dst].add(msg)
    out = out + b
    # LeakyReLU (default negative_slope=0.01)
    return jax.nn.leaky_relu(out, negative_slope=0.01)

if __name__ == "__main__":
    import jax
    _d = setup_inputs()
    print(jax.jit(kernel)(*tuple(_d.values())))

</pallas_src>

<mosaic_0001>
#map = affine_map<(d0, d1) -> (0, 0)>
#map1 = affine_map<(d0, d1) -> (0, 0, 0)>
module attributes {stable_mosaic.version = 14 : i64} {
  func.func @_edge_kernel(%arg0: i32, %arg1: i32, %arg2: memref<10752x128xf32, #tpu.memory_space<hbm>>, %arg3: memref<3456x2x96xi32, #tpu.memory_space<hbm>>, %arg4: memref<2x10752x128xf32, #tpu.memory_space<hbm>>, %arg5: memref<6x2x96xi32, #tpu.memory_space<vmem>>, %arg6: memref<3x96x128xf32, #tpu.memory_space<vmem>>, %arg7: memref<10752x128xf32, #tpu.memory_space<vmem_shared>>, %arg8: memref<!tpu.dma_semaphore, #tpu.memory_space<semaphore_mem>>, %arg9: memref<!tpu.dma_semaphore, #tpu.memory_space<semaphore_mem>>, %arg10: memref<!tpu.dma_semaphore, #tpu.memory_space<semaphore_mem>>, %arg11: memref<!tpu.dma_semaphore, #tpu.memory_space<semaphore_mem>>, %arg12: memref<!tpu.dma_semaphore, #tpu.memory_space<semaphore_mem>>, %arg13: memref<!tpu.dma_semaphore, #tpu.memory_space<semaphore_mem>>, %arg14: memref<!tpu.dma_semaphore, #tpu.memory_space<semaphore_mem>>, %arg15: memref<!tpu.dma_semaphore, #tpu.memory_space<semaphore_mem>>, %arg16: memref<!tpu.dma_semaphore, #tpu.memory_space<semaphore_mem>>, %arg17: memref<!tpu.dma_semaphore, #tpu.memory_space<semaphore_mem>>, %arg18: memref<!tpu.dma_semaphore, #tpu.memory_space<semaphore_mem>>) attributes {dimension_semantics = [#tpu.dimension_semantics<core_parallel>, #tpu.dimension_semantics<subcore_parallel>], iteration_bounds = array<i64: 2, 16>, scalar_prefetch = 0 : i64, scratch_operands = 14 : i64, tpu.core_type = #tpu.core_type<sc_vector_subcore>, window_params = [{transform_indices = #map}, {transform_indices = #map1}, {transform_indices = #map1}]} {
    %mul3A = arith.constant 2 : i32
    %mul3A_0 = arith.muli %arg1, %mul3A : i32
    %add3A = arith.addi %mul3A_0, %arg0 : i32
    %mul3A_1 = arith.constant 108 : i32
    %mul3A_2 = arith.muli %add3A, %mul3A_1 : i32
    %mul3A_3 = arith.constant 672 : i32
    %mul3A_4 = arith.muli %arg1, %mul3A_3 : i32
    %dma_start3A = arith.constant 0 : i32
    %dma_start3A_5 = arith.constant 0 : i32
    %dma_start3A_6 = arith.constant 0 : i32
    %dma_start3A_7 = tpu.memref_slice %arg5[%dma_start3A, %dma_start3A_5, %dma_start3A_6] : memref<6x2x96xi32, #tpu.memory_space<vmem>> -> memref<1x2x96xi32, #tpu.memory_space<vmem>>
    %dma_start3A_8 = tpu.memref_squeeze %dma_start3A_7 : memref<1x2x96xi32, #tpu.memory_space<vmem>> -> memref<2x96xi32, #tpu.memory_space<vmem>>
    %dma_start3A_9 = arith.constant 0 : i32
    %dma_start3A_10 = arith.constant 0 : i32
    %dma_start3A_11 = tpu.memref_slice %arg3[%mul3A_2, %dma_start3A_9, %dma_start3A_10] : memref<3456x2x96xi32, #tpu.memory_space<hbm>> -> memref<1x2x96xi32, #tpu.memory_space<hbm>>
    %dma_start3A_12 = tpu.memref_squeeze %dma_start3A_11 : memref<1x2x96xi32, #tpu.memory_space<hbm>> -> memref<2x96xi32, #tpu.memory_space<hbm>>
    %dma_start3A_13 = arith.constant 0 : i32
    %dma_start3A_14 = arith.constant 0 : i32
    %dma_start3A_15 = tpu.memref_slice %arg5[%dma_start3A, %dma_start3A_13, %dma_start3A_14] : memref<6x2x96xi32, #tpu.memory_space<vmem>> -> memref<1x2x96xi32, #tpu.memory_space<vmem>>
    %dma_start3A_16 = tpu.memref_squeeze %dma_start3A_15 : memref<1x2x96xi32, #tpu.memory_space<vmem>> -> memref<2x96xi32, #tpu.memory_space<vmem>>
    %dma_start3A_17 = arith.constant 0 : i32
    %dma_start3A_18 = arith.constant 0 : i32
    %dma_start3A_19 = tpu.memref_slice %arg3[%mul3A_2, %dma_start3A_17, %dma_start3A_18] : memref<3456x2x96xi32, #tpu.memory_space<hbm>> -> memref<1x2x96xi32, #tpu.memory_space<hbm>>
    %dma_start3A_20 = tpu.memref_squeeze %dma_start3A_19 : memref<1x2x96xi32, #tpu.memory_space<hbm>> -> memref<2x96xi32, #tpu.memory_space<hbm>>
    tpu.enqueue_dma source(%dma_start3A_20 : memref<2x96xi32, #tpu.memory_space<hbm>>) target(%dma_start3A_16 : memref<2x96xi32, #tpu.memory_space<vmem>>) target_semaphore(%arg8 : memref<!tpu.dma_semaphore, #tpu.memory_space<semaphore_mem>>)
    %add3A_21 = arith.constant 1 : i32
    %add3A_22 = arith.addi %mul3A_2, %add3A_21 : i32
    %dma_start3A_23 = arith.constant 1 : i32
    %dma_start3A_24 = arith.constant 0 : i32
    %dma_start3A_25 = arith.constant 0 : i32
    %dma_start3A_26 = tpu.memref_slice %arg5[%dma_start3A_23, %dma_start3A_24, %dma_start3A_25] : memref<6x2x96xi32, #tpu.memory_space<vmem>> -> memref<1x2x96xi32, #tpu.memory_space<vmem>>
    %dma_start3A_27 = tpu.memref_squeeze %dma_start3A_26 : memref<1x2x96xi32, #tpu.memory_space<vmem>> -> memref<2x96xi32, #tpu.memory_space<vmem>>
    %dma_start3A_28 = arith.constant 0 : i32
    %dma_start3A_29 = arith.constant 0 : i32
    %dma_start3A_30 = tpu.memref_slice %arg3[%add3A_22, %dma_start3A_28, %dma_start3A_29] : memref<3456x2x96xi32, #tpu.memory_space<hbm>> -> memref<1x2x96xi32, #tpu.memory_space<hbm>>
    %dma_start3A_31 = tpu.memref_squeeze %dma_start3A_30 : memref<1x2x96xi32, #tpu.memory_space<hbm>> -> memref<2x96xi32, #tpu.memory_space<hbm>>
    %dma_start3A_32 = arith.constant 0 : i32
    %dma_start3A_33 = arith.constant 0 : i32
    %dma_start3A_34 = tpu.memref_slice %arg5[%dma_start3A_23, %dma_start3A_32, %dma_start3A_33] : memref<6x2x96xi32, #tpu.memory_space<vmem>> -> memref<1x2x96xi32, #tpu.memory_space<vmem>>
    %dma_start3A_35 = tpu.memref_squeeze %dma_start3A_34 : memref<1x2x96xi32, #tpu.memory_space<vmem>> -> memref<2x96xi32, #tpu.memory_space<vmem>>
    %dma_start3A_36 = arith.constant 0 : i32
    %dma_start3A_37 = arith.constant 0 : i32
    %dma_start3A_38 = tpu.memref_slice %arg3[%add3A_22, %dma_start3A_36, %dma_start3A_37] : memref<3456x2x96xi32, #tpu.memory_space<hbm>> -> memref<1x2x96xi32, #tpu.memory_space<hbm>>
    %dma_start3A_39 = tpu.memref_squeeze %dma_start3A_38 : memref<1x2x96xi32, #tpu.memory_space<hbm>> -> memref<2x96xi32, #tpu.memory_space<hbm>>
    tpu.enqueue_dma source(%dma_start3A_39 : memref<2x96xi32, #tpu.memory_space<hbm>>) target(%dma_start3A_35 : memref<2x96xi32, #tpu.memory_space<vmem>>) target_semaphore(%arg9 : memref<!tpu.dma_semaphore, #tpu.memory_space<semaphore_mem>>)
    %add3A_40 = arith.constant 2 : i32
    %add3A_41 = arith.addi %mul3A_2, %add3A_40 : i32
    %dma_start3A_42 = arith.constant 2 : i32
    %dma_start3A_43 = arith.constant 0 : i32
    %dma_start3A_44 = arith.constant 0 : i32
    %dma_start3A_45 = tpu.memref_slice %arg5[%dma_start3A_42, %dma_start3A_43, %dma_start3A_44] : memref<6x2x96xi32, #tpu.memory_space<vmem>> -> memref<1x2x96xi32, #tpu.memory_space<vmem>>
    %dma_start3A_46 = tpu.memref_squeeze %dma_start3A_45 : memref<1x2x96xi32, #tpu.memory_space<vmem>> -> memref<2x96xi32, #tpu.memory_space<vmem>>
    %dma_start3A_47 = arith.constant 0 : i32
    %dma_start3A_48 = arith.constant 0 : i32
    %dma_start3A_49 = tpu.memref_slice %arg3[%add3A_41, %dma_start3A_47, %dma_start3A_48] : memref<3456x2x96xi32, #tpu.memory_space<hbm>> -> memref<1x2x96xi32, #tpu.memory_space<hbm>>
    %dma_start3A_50 = tpu.memref_squeeze %dma_start3A_49 : memref<1x2x96xi32, #tpu.memory_space<hbm>> -> memref<2x96xi32, #tpu.memory_space<hbm>>
    %dma_start3A_51 = arith.constant 0 : i32
    %dma_start3A_52 = arith.constant 0 : i32
    %dma_start3A_53 = tpu.memref_slice %arg5[%dma_start3A_42, %dma_start3A_51, %dma_start3A_52] : memref<6x2x96xi32, #tpu.memory_space<vmem>> -> memref<1x2x96xi32, #tpu.memory_space<vmem>>
    %dma_start3A_54 = tpu.memref_squeeze %dma_start3A_53 : memref<1x2x96xi32, #tpu.memory_space<vmem>> -> memref<2x96xi32, #tpu.memory_space<vmem>>
    %dma_start3A_55 = arith.constant 0 : i32
    %dma_start3A_56 = arith.constant 0 : i32
    %dma_start3A_57 = tpu.memref_slice %arg3[%add3A_41, %dma_start3A_55, %dma_start3A_56] : memref<3456x2x96xi32, #tpu.memory_space<hbm>> -> memref<1x2x96xi32, #tpu.memory_space<hbm>>
    %dma_start3A_58 = tpu.memref_squeeze %dma_start3A_57 : memref<1x2x96xi32, #tpu.memory_space<hbm>> -> memref<2x96xi32, #tpu.memory_space<hbm>>
    tpu.enqueue_dma source(%dma_start3A_58 : memref<2x96xi32, #tpu.memory_space<hbm>>) target(%dma_start3A_54 : memref<2x96xi32, #tpu.memory_space<vmem>>) target_semaphore(%arg10 : memref<!tpu.dma_semaphore, #tpu.memory_space<semaphore_mem>>)
    %add3A_59 = arith.constant 0 : i32
    %add3A_60 = arith.addi %mul3A_4, %add3A_59 : i32
    %run_scoped3A = arith.constant 0 : i32
    "tpu.region"() ({
      %run_scoped3A_1136 = tpu.sem_alloc : memref<!tpu.dma_semaphore, #tpu.memory_space<semaphore_mem>>
      %dma_start3A_1137 = arith.constant 0 : i32
      %dma_start3A_1138 = arith.constant 0 : i32
      %dma_start3A_1139 = tpu.memref_slice %arg6[%run_scoped3A, %dma_start3A_1137, %dma_start3A_1138] : memref<3x96x128xf32, #tpu.memory_space<vmem>> -> memref<1x96x128xf32, #tpu.memory_space<vmem>>
      %dma_start3A_1140 = tpu.memref_squeeze %dma_start3A_1139 : memref<1x96x128xf32, #tpu.memory_space<vmem>> -> memref<96x128xf32, #tpu.memory_space<vmem>>
      %dma_start3A_1141 = arith.constant 0 : i32
      %dma_start3A_1142 = tpu.memref_slice %arg2[%add3A_60, %dma_start3A_1141] : memref<10752x128xf32, #tpu.memory_space<hbm>> -> memref<96x128xf32, #tpu.memory_space<hbm>>
      %dma_start3A_1143 = arith.constant 0 : i32
      %dma_start3A_1144 = arith.constant 0 : i32
      %dma_start3A_1145 = tpu.memref_slice %arg6[%run_scoped3A, %dma_start3A_1143, %dma_start3A_1144] : memref<3x96x128xf32, #tpu.memory_space<vmem>> -> memref<1x96x128xf32, #tpu.memory_space<vmem>>
      %dma_start3A_1146 = tpu.memref_squeeze %dma_start3A_1145 : memref<1x96x128xf32, #tpu.memory_space<vmem>> -> memref<96x128xf32, #tpu.memory_space<vmem>>
      %dma_start3A_1147 = arith.constant 0 : i32
      %dma_start3A_1148 = tpu.memref_slice %arg2[%add3A_60, %dma_start3A_1147] : memref<10752x128xf32, #tpu.memory_space<hbm>> -> memref<96x128xf32, #tpu.memory_space<hbm>>
      tpu.enqueue_dma source(%dma_start3A_1148 : memref<96x128xf32, #tpu.memory_space<hbm>>) target(%dma_start3A_1146 : memref<96x128xf32, #tpu.memory_space<vmem>>) target_semaphore(%run_scoped3A_1136 : memref<!tpu.dma_semaphore, #tpu.memory_space<semaphore_mem>>)
      %dma_wait3A_1149 = arith.constant 0 : i32
      %dma_wait3A_1150 = arith.constant 0 : i32
      %dma_wait3A_1151 = tpu.memref_slice %arg6[%run_scoped3A, %dma_wait3A_1149, %dma_wait3A_1150] : memref<3x96x128xf32, #tpu.memory_space<vmem>> -> memref<1x96x128xf32, #tpu.memory_space<vmem>>
      %dma_wait3A_1152 = tpu.memref_squeeze %dma_wait3A_1151 : memref<1x96x128xf32, #tpu.memory_space<vmem>> -> memref<96x128xf32, #tpu.memory_space<vmem>>
      %dma_wait3A_1153 = arith.constant 0 : i32
      %dma_wait3A_1154 = tpu.memref_slice %arg2[%add3A_60, %dma_wait3A_1153] : memref<10752x128xf32, #tpu.memory_space<hbm>> -> memref<96x128xf32, #tpu.memory_space<hbm>>
      %dma_wait3A_1155 = arith.constant 0 : i32
      %dma_wait3A_1156 = arith.constant 0 : i32
      %dma_wait3A_1157 = tpu.memref_slice %arg6[%run_scoped3A, %dma_wait3A_1155, %dma_wait3A_1156] : memref<3x96x128xf32, #tpu.memory_space<vmem>> -> memref<1x96x128xf32, #tpu.memory_space<vmem>>
      %dma_wait3A_1158 = tpu.memref_squeeze %dma_wait3A_1157 : memref<1x96x128xf32, #tpu.memory_space<vmem>> -> memref<96x128xf32, #tpu.memory_space<vmem>>
      %dma_wait3A_1159 = arith.constant 0 : i32
      %dma_wait3A_1160 = tpu.memref_slice %arg2[%add3A_60, %dma_wait3A_1159] : memref<10752x128xf32, #tpu.memory_space<hbm>> -> memref<96x128xf32, #tpu.memory_space<hbm>>
      tpu.wait_dma2 semaphore(%run_scoped3A_1136 : memref<!tpu.dma_semaphore, #tpu.memory_space<semaphore_mem>>) src(%dma_wait3A_1160 : memref<96x128xf32, #tpu.memory_space<hbm>>) dst(%dma_wait3A_1158 : memref<96x128xf32, #tpu.memory_space<vmem>>)
      tpu.yield
    }) : () -> ()
    %run_scoped3A_61 = arith.constant 0 : i32
    "tpu.region"() ({
      %run_scoped3A_1136 = tpu.sem_alloc : memref<!tpu.dma_semaphore, #tpu.memory_space<semaphore_mem>>
      %dma_start3A_1137 = arith.constant 0 : i32
      %dma_start3A_1138 = arith.constant 0 : i32
      %dma_start3A_1139 = tpu.memref_slice %arg6[%run_scoped3A_61, %dma_start3A_1137, %dma_start3A_1138] : memref<3x96x128xf32, #tpu.memory_space<vmem>> -> memref<1x96x128xf32, #tpu.memory_space<vmem>>
      %dma_start3A_1140 = tpu.memref_squeeze %dma_start3A_1139 : memref<1x96x128xf32, #tpu.memory_space<vmem>> -> memref<96x128xf32, #tpu.memory_space<vmem>>
      %dma_start3A_1141 = arith.constant 0 : i32
      %dma_start3A_1142 = tpu.memref_slice %arg7[%add3A_60, %dma_start3A_1141] : memref<10752x128xf32, #tpu.memory_space<vmem_shared>> -> memref<96x128xf32, #tpu.memory_space<vmem_shared>>
      %dma_start3A_1143 = arith.constant 0 : i32
      %dma_start3A_1144 = tpu.memref_slice %arg7[%add3A_60, %dma_start3A_1143] : memref<10752x128xf32, #tpu.memory_space<vmem_shared>> -> memref<96x128xf32, #tpu.memory_space<vmem_shared>>
      %dma_start3A_1145 = arith.constant 0 : i32
      %dma_start3A_1146 = arith.constant 0 : i32
      %dma_start3A_1147 = tpu.memref_slice %arg6[%run_scoped3A_61, %dma_start3A_1145, %dma_start3A_1146] : memref<3x96x128xf32, #tpu.memory_space<vmem>> -> memref<1x96x128xf32, #tpu.memory_space<vmem>>
      %dma_start3A_1148 = tpu.memref_squeeze %dma_start3A_1147 : memref<1x96x128xf32, #tpu.memory_space<vmem>> -> memref<96x128xf32, #tpu.memory_space<vmem>>
      tpu.enqueue_dma source(%dma_start3A_1148 : memref<96x128xf32, #tpu.memory_space<vmem>>) target(%dma_start3A_1144 : memref<96x128xf32, #tpu.memory_space<vmem_shared>>) target_semaphore(%run_scoped3A_1136 : memref<!tpu.dma_semaphore, #tpu.memory_space<semaphore_mem>>)
      %dma_wait3A_1149 = arith.constant 0 : i32
      %dma_wait3A_1150 = arith.constant 0 : i32
      %dma_wait3A_1151 = tpu.memref_slice %arg6[%run_scoped3A_61, %dma_wait3A_1149, %dma_wait3A_1150] : memref<3x96x128xf32, #tpu.memory_space<vmem>> -> memref<1x96x128xf32, #tpu.memory_space<vmem>>
      %dma_wait3A_1152 = tpu.memref_squeeze %dma_wait3A_1151 : memref<1x96x128xf32, #tpu.memory_space<vmem>> -> memref<96x128xf32, #tpu.memory_space<vmem>>
      %dma_wait3A_1153 = arith.constant 0 : i32
      %dma_wait3A_1154 = tpu.memref_slice %arg7[%add3A_60, %dma_wait3A_1153] : memref<10752x128xf32, #tpu.memory_space<vmem_shared>> -> memref<96x128xf32, #tpu.memory_space<vmem_shared>>
      %dma_wait3A_1155 = arith.constant 0 : i32
      %dma_wait3A_1156 = tpu.memref_slice %arg7[%add3A_60, %dma_wait3A_1155] : memref<10752x128xf32, #tpu.memory_space<vmem_shared>> -> memref<96x128xf32, #tpu.memory_space<vmem_shared>>
      %dma_wait3A_1157 = arith.constant 0 : i32
      %dma_wait3A_1158 = arith.constant 0 : i32
      %dma_wait3A_1159 = tpu.memref_slice %arg6[%run_scoped3A_61, %dma_wait3A_1157, %dma_wait3A_1158] : memref<3x96x128xf32, #tpu.memory_space<vmem>> -> memref<1x96x128xf32, #tpu.memory_space<vmem>>
      %dma_wait3A_1160 = tpu.memref_squeeze %dma_wait3A_1159 : memref<1x96x128xf32, #tpu.memory_space<vmem>> -> memref<96x128xf32, #tpu.memory_space<vmem>>
      tpu.wait_dma2 semaphore(%run_scoped3A_1136 : memref<!tpu.dma_semaphore, #tpu.memory_space<semaphore_mem>>) src(%dma_wait3A_1160 : memref<96x128xf32, #tpu.memory_space<vmem>>) dst(%dma_wait3A_1156 : memref<96x128xf32, #tpu.memory_space<vmem_shared>>)
      tpu.yield
    }) : () -> ()
    %add3A_62 = arith.constant 96 : i32
    %add3A_63 = arith.addi %mul3A_4, %add3A_62 : i32
    %run_scoped3A_64 = arith.constant 1 : i32
    "tpu.region"() ({
      %run_scoped3A_1136 = tpu.sem_alloc : memref<!tpu.dma_semaphore, #tpu.memory_space<semaphore_mem>>
      %dma_start3A_1137 = arith.constant 0 : i32
      %dma_start3A_1138 = arith.constant 0 : i32
      %dma_start3A_1139 = tpu.memref_slice %arg6[%run_scoped3A_64, %dma_start3A_1137, %dma_start3A_1138] : memref<3x96x128xf32, #tpu.memory_space<vmem>> -> memref<1x96x128xf32, #tpu.memory_space<vmem>>
      %dma_start3A_1140 = tpu.memref_squeeze %dma_start3A_1139 : memref<1x96x128xf32, #tpu.memory_space<vmem>> -> memref<96x128xf32, #tpu.memory_space<vmem>>
      %dma_start3A_1141 = arith.constant 0 : i32
      %dma_start3A_1142 = tpu.memref_slice %arg2[%add3A_63, %dma_start3A_1141] : memref<10752x128xf32, #tpu.memory_space<hbm>> -> memref<96x128xf32, #tpu.memory_space<hbm>>
      %dma_start3A_1143 = arith.constant 0 : i32
      %dma_start3A_1144 = arith.constant 0 : i32
      %dma_start3A_1145 = tpu.memref_slice %arg6[%run_scoped3A_64, %dma_start3A_1143, %dma_start3A_1144] : memref<3x96x128xf32, #tpu.memory_space<vmem>> -> memref<1x96x128xf32, #tpu.memory_space<vmem>>
      %dma_start3A_1146 = tpu.memref_squeeze %dma_start3A_1145 : memref<1x96x128xf32, #tpu.memory_space<vmem>> -> memref<96x128xf32, #tpu.memory_space<vmem>>
      %dma_start3A_1147 = arith.constant 0 : i32
      %dma_start3A_1148 = tpu.memref_slice %arg2[%add3A_63, %dma_start3A_1147] : memref<10752x128xf32, #tpu.memory_space<hbm>> -> memref<96x128xf32, #tpu.memory_space<hbm>>
      tpu.enqueue_dma source(%dma_start3A_1148 : memref<96x128xf32, #tpu.memory_space<hbm>>) target(%dma_start3A_1146 : memref<96x128xf32, #tpu.memory_space<vmem>>) target_semaphore(%run_scoped3A_1136 : memref<!tpu.dma_semaphore, #tpu.memory_space<semaphore_mem>>)
      %dma_wait3A_1149 = arith.constant 0 : i32
      %dma_wait3A_1150 = arith.constant 0 : i32
      %dma_wait3A_1151 = tpu.memref_slice %arg6[%run_scoped3A_64, %dma_wait3A_1149, %dma_wait3A_1150] : memref<3x96x128xf32, #tpu.memory_space<vmem>> -> memref<1x96x128xf32, #tpu.memory_space<vmem>>
      %dma_wait3A_1152 = tpu.memref_squeeze %dma_wait3A_1151 : memref<1x96x128xf32, #tpu.memory_space<vmem>> -> memref<96x128xf32, #tpu.memory_space<vmem>>
      %dma_wait3A_1153 = arith.constant 0 : i32
      %dma_wait3A_1154 = tpu.memref_slice %arg2[%add3A_63, %dma_wait3A_1153] : memref<10752x128xf32, #tpu.memory_space<hbm>> -> memref<96x128xf32, #tpu.memory_space<hbm>>
      %dma_wait3A_1155 = arith.constant 0 : i32
      %dma_wait3A_1156 = arith.constant 0 : i32
      %dma_wait3A_1157 = tpu.memref_slice %arg6[%run_scoped3A_64, %dma_wait3A_1155, %dma_wait3A_1156] : memref<3x96x128xf32, #tpu.memory_space<vmem>> -> memref<1x96x128xf32, #tpu.memory_space<vmem>>
      %dma_wait3A_1158 = tpu.memref_squeeze %dma_wait3A_1157 : memref<1x96x128xf32, #tpu.memory_space<vmem>> -> memref<96x128xf32, #tpu.memory_space<vmem>>
      %dma_wait3A_1159 = arith.constant 0 : i32
      %dma_wait3A_1160 = tpu.memref_slice %arg2[%add3A_63, %dma_wait3A_1159] : memref<10752x128xf32, #tpu.memory_space<hbm>> -> memref<96x128xf32, #tpu.memory_space<hbm>>
      tpu.wait_dma2 semaphore(%run_scoped3A_1136 : memref<!tpu.dma_semaphore, #tpu.memory_space<semaphore_mem>>) src(%dma_wait3A_1160 : memref<96x128xf32, #tpu.memory_space<hbm>>) dst(%dma_wait3A_1158 : memref<96x128xf32, #tpu.memory_space<vmem>>)
      tpu.yield
    }) : () -> ()
    %run_scoped3A_65 = arith.constant 1 : i32
    "tpu.region"() ({
      %run_scoped3A_1136 = tpu.sem_alloc : memref<!tpu.dma_semaphore, #tpu.memory_space<semaphore_mem>>
      %dma_start3A_1137 = arith.constant 0 : i32
      %dma_start3A_1138 = arith.constant 0 : i32
      %dma_start3A_1139 = tpu.memref_slice %arg6[%run_scoped3A_65, %dma_start3A_1137, %dma_start3A_1138] : memref<3x96x128xf32, #tpu.memory_space<vmem>> -> memref<1x96x128xf32, #tpu.memory_space<vmem>>
      %dma_start3A_1140 = tpu.memref_squeeze %dma_start3A_1139 : memref<1x96x128xf32, #tpu.memory_space<vmem>> -> memref<96x128xf32, #tpu.memory_space<vmem>>
      %dma_start3A_1141 = arith.constant 0 : i32
      %dma_start3A_1142 = tpu.memref_slice %arg7[%add3A_63, %dma_start3A_1141] : memref<10752x128xf32, #tpu.memory_space<vmem_shared>> -> memref<96x128xf32, #tpu.memory_space<vmem_shared>>
      %dma_start3A_1143 = arith.constant 0 : i32
      %dma_start3A_1144 = tpu.memref_slice %arg7[%add3A_63, %dma_start3A_1143] : memref<10752x128xf32, #tpu.memory_space<vmem_shared>> -> memref<96x128xf32, #tpu.memory_space<vmem_shared>>
      %dma_start3A_1145 = arith.constant 0 : i32
      %dma_start3A_1146 = arith.constant 0 : i32
      %dma_start3A_1147 = tpu.memref_slice %arg6[%run_scoped3A_65, %dma_start3A_1145, %dma_start3A_1146] : memref<3x96x128xf32, #tpu.memory_space<vmem>> -> memref<1x96x128xf32, #tpu.memory_space<vmem>>
      %dma_start3A_1148 = tpu.memref_squeeze %dma_start3A_1147 : memref<1x96x128xf32, #tpu.memory_space<vmem>> -> memref<96x128xf32, #tpu.memory_space<vmem>>
      tpu.enqueue_dma source(%dma_start3A_1148 : memref<96x128xf32, #tpu.memory_space<vmem>>) target(%dma_start3A_1144 : memref<96x128xf32, #tpu.memory_space<vmem_shared>>) target_semaphore(%run_scoped3A_1136 : memref<!tpu.dma_semaphore, #tpu.memory_space<semaphore_mem>>)
      %dma_wait3A_1149 = arith.constant 0 : i32
      %dma_wait3A_1150 = arith.constant 0 : i32
      %dma_wait3A_1151 = tpu.memref_slice %arg6[%run_scoped3A_65, %dma_wait3A_1149, %dma_wait3A_1150] : memref<3x96x128xf32, #tpu.memory_space<vmem>> -> memref<1x96x128xf32, #tpu.memory_space<vmem>>
      %dma_wait3A_1152 = tpu.memref_squeeze %dma_wait3A_1151 : memref<1x96x128xf32, #tpu.memory_space<vmem>> -> memref<96x128xf32, #tpu.memory_space<vmem>>
      %dma_wait3A_1153 = arith.constant 0 : i32
      %dma_wait3A_1154 = tpu.memref_slice %arg7[%add3A_63, %dma_wait3A_1153] : memref<10752x128xf32, #tpu.memory_space<vmem_shared>> -> memref<96x128xf32, #tpu.memory_space<vmem_shared>>
      %dma_wait3A_1155 = arith.constant 0 : i32
      %dma_wait3A_1156 = tpu.memref_slice %arg7[%add3A_63, %dma_wait3A_1155] : memref<10752x128xf32, #tpu.memory_space<vmem_shared>> -> memref<96x128xf32, #tpu.memory_space<vmem_shared>>
      %dma_wait3A_1157 = arith.constant 0 : i32
      %dma_wait3A_1158 = arith.constant 0 : i32
      %dma_wait3A_1159 = tpu.memref_slice %arg6[%run_scoped3A_65, %dma_wait3A_1157, %dma_wait3A_1158] : memref<3x96x128xf32, #tpu.memory_space<vmem>> -> memref<1x96x128xf32, #tpu.memory_space<vmem>>
      %dma_wait3A_1160 = tpu.memref_squeeze %dma_wait3A_1159 : memref<1x96x128xf32, #tpu.memory_space<vmem>> -> memref<96x128xf32, #tpu.memory_space<vmem>>
      tpu.wait_dma2 semaphore(%run_scoped3A_1136 : memref<!tpu.dma_semaphore, #tpu.memory_space<semaphore_mem>>) src(%dma_wait3A_1160 : memref<96x128xf32, #tpu.memory_space<vmem>>) dst(%dma_wait3A_1156 : memref<96x128xf32, #tpu.memory_space<vmem_shared>>)
      tpu.yield
    }) : () -> ()
    %add3A_66 = arith.constant 192 : i32
    %add3A_67 = arith.addi %mul3A_4, %add3A_66 : i32
    %run_scoped3A_68 = arith.constant 2 : i32
    "tpu.region"() ({
      %run_scoped3A_1136 = tpu.sem_alloc : memref<!tpu.dma_semaphore, #tpu.memory_space<semaphore_mem>>
      %dma_start3A_1137 = arith.constant 0 : i32
      %dma_start3A_1138 = arith.constant 0 : i32
      %dma_start3A_1139 = tpu.memref_slice %arg6[%run_scoped3A_68, %dma_start3A_1137, %dma_start3A_1138] : memref<3x96x128xf32, #tpu.memory_space<vmem>> -> memref<1x96x128xf32, #tpu.memory_space<vmem>>
      %dma_start3A_1140 = tpu.memref_squeeze %dma_start3A_1139 : memref<1x96x128xf32, #tpu.memory_space<vmem>> -> memref<96x128xf32, #tpu.memory_space<vmem>>
      %dma_start3A_1141 = arith.constant 0 : i32
      %dma_start3A_1142 = tpu.memref_slice %arg2[%add3A_67, %dma_start3A_1141] : memref<10752x128xf32, #tpu.memory_space<hbm>> -> memref<96x128xf32, #tpu.memory_space<hbm>>
      %dma_start3A_1143 = arith.constant 0 : i32
      %dma_start3A_1144 = arith.constant 0 : i32
      %dma_start3A_1145 = tpu.memref_slice %arg6[%run_scoped3A_68, %dma_start3A_1143, %dma_start3A_1144] : memref<3x96x128xf32, #tpu.memory_space<vmem>> -> memref<1x96x128xf32, #tpu.memory_space<vmem>>
      %dma_start3A_1146 = tpu.memref_squeeze %dma_start3A_1145 : memref<1x96x128xf32, #tpu.memory_space<vmem>> -> memref<96x128xf32, #tpu.memory_space<vmem>>
      %dma_start3A_1147 = arith.constant 0 : i32
      %dma_start3A_1148 = tpu.memref_slice %arg2[%add3A_67, %dma_start3A_1147] : memref<10752x128xf32, #tpu.memory_space<hbm>> -> memref<96x128xf32, #tpu.memory_space<hbm>>
      tpu.enqueue_dma source(%dma_start3A_1148 : memref<96x128xf32, #tpu.memory_space<hbm>>) target(%dma_start3A_1146 : memref<96x128xf32, #tpu.memory_space<vmem>>) target_semaphore(%run_scoped3A_1136 : memref<!tpu.dma_semaphore, #tpu.memory_space<semaphore_mem>>)
      %dma_wait3A_1149 = arith.constant 0 : i32
      %dma_wait3A_1150 = arith.constant 0 : i32
      %dma_wait3A_1151 = tpu.memref_slice %arg6[%run_scoped3A_68, %dma_wait3A_1149, %dma_wait3A_1150] : memref<3x96x128xf32, #tpu.memory_space<vmem>> -> memref<1x96x128xf32, #tpu.memory_space<vmem>>
      %dma_wait3A_1152 = tpu.memref_squeeze %dma_wait3A_1151 : memref<1x96x128xf32, #tpu.memory_space<vmem>> -> memref<96x128xf32, #tpu.memory_space<vmem>>
      %dma_wait3A_1153 = arith.constant 0 : i32
      %dma_wait3A_1154 = tpu.memref_slice %arg2[%add3A_67, %dma_wait3A_1153] : memref<10752x128xf32, #tpu.memory_space<hbm>> -> memref<96x128xf32, #tpu.memory_space<hbm>>
      %dma_wait3A_1155 = arith.constant 0 : i32
      %dma_wait3A_1156 = arith.constant 0 : i32
      %dma_wait3A_1157 = tpu.memref_slice %arg6[%run_scoped3A_68, %dma_wait3A_1155, %dma_wait3A_1156] : memref<3x96x128xf32, #tpu.memory_space<vmem>> -> memref<1x96x128xf32, #tpu.memory_space<vmem>>
      %dma_wait3A_1158 = tpu.memref_squeeze %dma_wait3A_1157 : memref<1x96x128xf32, #tpu.memory_space<vmem>> -> memref<96x128xf32, #tpu.memory_space<vmem>>
      %dma_wait3A_1159 = arith.constant 0 : i32
      %dma_wait3A_1160 = tpu.memref_slice %arg2[%add3A_67, %dma_wait3A_1159] : memref<10752x128xf32, #tpu.memory_space<hbm>> -> memref<96x128xf32, #tpu.memory_space<hbm>>
      tpu.wait_dma2 semaphore(%run_scoped3A_1136 : memref<!tpu.dma_semaphore, #tpu.memory_space<semaphore_mem>>) src(%dma_wait3A_1160 : memref<96x128xf32, #tpu.memory_space<hbm>>) dst(%dma_wait3A_1158 : memref<96x128xf32, #tpu.memory_space<vmem>>)
      tpu.yield
    }) : () -> ()
    %run_scoped3A_69 = arith.constant 2 : i32
    "tpu.region"() ({
      %run_scoped3A_1136 = tpu.sem_alloc : memref<!tpu.dma_semaphore, #tpu.memory_space<semaphore_mem>>
      %dma_start3A_1137 = arith.constant 0 : i32
      %dma_start3A_1138 = arith.constant 0 : i32
      %dma_start3A_1139 = tpu.memref_slice %arg6[%run_scoped3A_69, %dma_start3A_1137, %dma_start3A_1138] : memref<3x96x128xf32, #tpu.memory_space<vmem>> -> memref<1x96x128xf32, #tpu.memory_space<vmem>>
      %dma_start3A_1140 = tpu.memref_squeeze %dma_start3A_1139 : memref<1x96x128xf32, #tpu.memory_space<vmem>> -> memref<96x128xf32, #tpu.memory_space<vmem>>
      %dma_start3A_1141 = arith.constant 0 : i32
      %dma_start3A_1142 = tpu.memref_slice %arg7[%add3A_67, %dma_start3A_1141] : memref<10752x128xf32, #tpu.memory_space<vmem_shared>> -> memref<96x128xf32, #tpu.memory_space<vmem_shared>>
      %dma_start3A_1143 = arith.constant 0 : i32
      %dma_start3A_1144 = tpu.memref_slice %arg7[%add3A_67, %dma_start3A_1143] : memref<10752x128xf32, #tpu.memory_space<vmem_shared>> -> memref<96x128xf32, #tpu.memory_space<vmem_shared>>
      %dma_start3A_1145 = arith.constant 0 : i32
      %dma_start3A_1146 = arith.constant 0 : i32
      %dma_start3A_1147 = tpu.memref_slice %arg6[%run_scoped3A_69, %dma_start3A_1145, %dma_start3A_1146] : memref<3x96x128xf32, #tpu.memory_space<vmem>> -> memref<1x96x128xf32, #tpu.memory_space<vmem>>
      %dma_start3A_1148 = tpu.memref_squeeze %dma_start3A_1147 : memref<1x96x128xf32, #tpu.memory_space<vmem>> -> memref<96x128xf32, #tpu.memory_space<vmem>>
      tpu.enqueue_dma source(%dma_start3A_1148 : memref<96x128xf32, #tpu.memory_space<vmem>>) target(%dma_start3A_1144 : memref<96x128xf32, #tpu.memory_space<vmem_shared>>) target_semaphore(%run_scoped3A_1136 : memref<!tpu.dma_semaphore, #tpu.memory_space<semaphore_mem>>)
      %dma_wait3A_1149 = arith.constant 0 : i32
      %dma_wait3A_1150 = arith.constant 0 : i32
      %dma_wait3A_1151 = tpu.memref_slice %arg6[%run_scoped3A_69, %dma_wait3A_1149, %dma_wait3A_1150] : memref<3x96x128xf32, #tpu.memory_space<vmem>> -> memref<1x96x128xf32, #tpu.memory_space<vmem>>
      %dma_wait3A_1152 = tpu.memref_squeeze %dma_wait3A_1151 : memref<1x96x128xf32, #tpu.memory_space<vmem>> -> memref<96x128xf32, #tpu.memory_space<vmem>>
      %dma_wait3A_1153 = arith.constant 0 : i32
      %dma_wait3A_1154 = tpu.memref_slice %arg7[%add3A_67, %dma_wait3A_1153] : memref<10752x128xf32, #tpu.memory_space<vmem_shared>> -> memref<96x128xf32, #tpu.memory_space<vmem_shared>>
      %dma_wait3A_1155 = arith.constant 0 : i32
      %dma_wait3A_1156 = tpu.memref_slice %arg7[%add3A_67, %dma_wait3A_1155] : memref<10752x128xf32, #tpu.memory_space<vmem_shared>> -> memref<96x128xf32, #tpu.memory_space<vmem_shared>>
      %dma_wait3A_1157 = arith.constant 0 : i32
      %dma_wait3A_1158 = arith.constant 0 : i32
      %dma_wait3A_1159 = tpu.memref_slice %arg6[%run_scoped3A_69, %dma_wait3A_1157, %dma_wait3A_1158] : memref<3x96x128xf32, #tpu.memory_space<vmem>> -> memref<1x96x128xf32, #tpu.memory_space<vmem>>
      %dma_wait3A_1160 = tpu.memref_squeeze %dma_wait3A_1159 : memref<1x96x128xf32, #tpu.memory_space<vmem>> -> memref<96x128xf32, #tpu.memory_space<vmem>>
      tpu.wait_dma2 semaphore(%run_scoped3A_1136 : memref<!tpu.dma_semaphore, #tpu.memory_space<semaphore_mem>>) src(%dma_wait3A_1160 : memref<96x128xf32, #tpu.memory_space<vmem>>) dst(%dma_wait3A_1156 : memref<96x128xf32, #tpu.memory_space<vmem_shared>>)
      tpu.yield
    }) : () -> ()
    %add3A_70 = arith.constant 288 : i32
    %add3A_71 = arith.addi %mul3A_4, %add3A_70 : i32
    %run_scoped3A_72 = arith.constant 0 : i32
    "tpu.region"() ({
      %run_scoped3A_1136 = tpu.sem_alloc : memref<!tpu.dma_semaphore, #tpu.memory_space<semaphore_mem>>
      %dma_start3A_1137 = arith.constant 0 : i32
      %dma_start3A_1138 = arith.constant 0 : i32
      %dma_start3A_1139 = tpu.memref_slice %arg6[%run_scoped3A_72, %dma_start3A_1137, %dma_start3A_1138] : memref<3x96x128xf32, #tpu.memory_space<vmem>> -> memref<1x96x128xf32, #tpu.memory_space<vmem>>
      %dma_start3A_1140 = tpu.memref_squeeze %dma_start3A_1139 : memref<1x96x128xf32, #tpu.memory_space<vmem>> -> memref<96x128xf32, #tpu.memory_space<vmem>>
      %dma_start3A_1141 = arith.constant 0 : i32
      %dma_start3A_1142 = tpu.memref_slice %arg2[%add3A_71, %dma_start3A_1141] : memref<10752x128xf32, #tpu.memory_space<hbm>> -> memref<96x128xf32, #tpu.memory_space<hbm>>
      %dma_start3A_1143 = arith.constant 0 : i32
      %dma_start3A_1144 = arith.constant 0 : i32
      %dma_start3A_1145 = tpu.memref_slice %arg6[%run_scoped3A_72, %dma_start3A_1143, %dma_start3A_1144] : memref<3x96x128xf32, #tpu.memory_space<vmem>> -> memref<1x96x128xf32, #tpu.memory_space<vmem>>
      %dma_start3A_1146 = tpu.memref_squeeze %dma_start3A_1145 : memref<1x96x128xf32, #tpu.memory_space<vmem>> -> memref<96x128xf32, #tpu.memory_space<vmem>>
      %dma_start3A_1147 = arith.constant 0 : i32
      %dma_start3A_1148 = tpu.memref_slice %arg2[%add3A_71, %dma_start3A_1147] : memref<10752x128xf32, #tpu.memory_space<hbm>> -> memref<96x128xf32, #tpu.memory_space<hbm>>
      tpu.enqueue_dma source(%dma_start3A_1148 : memref<96x128xf32, #tpu.memory_space<hbm>>) target(%dma_start3A_1146 : memref<96x128xf32, #tpu.memory_space<vmem>>) target_semaphore(%run_scoped3A_1136 : memref<!tpu.dma_semaphore, #tpu.memory_space<semaphore_mem>>)
      %dma_wait3A_1149 = arith.constant 0 : i32
      %dma_wait3A_1150 = arith.constant 0 : i32
      %dma_wait3A_1151 = tpu.memref_slice %arg6[%run_scoped3A_72, %dma_wait3A_1149, %dma_wait3A_1150] : memref<3x96x128xf32, #tpu.memory_space<vmem>> -> memref<1x96x128xf32, #tpu.memory_space<vmem>>
      %dma_wait3A_1152 = tpu.memref_squeeze %dma_wait3A_1151 : memref<1x96x128xf32, #tpu.memory_space<vmem>> -> memref<96x128xf32, #tpu.memory_space<vmem>>
      %dma_wait3A_1153 = arith.constant 0 : i32
      %dma_wait3A_1154 = tpu.memref_slice %arg2[%add3A_71, %dma_wait3A_1153] : memref<10752x128xf32, #tpu.memory_space<hbm>> -> memref<96x128xf32, #tpu.memory_space<hbm>>
      %dma_wait3A_1155 = arith.constant 0 : i32
      %dma_wait3A_1156 = arith.constant 0 : i32
      %dma_wait3A_1157 = tpu.memref_slice %arg6[%run_scoped3A_72, %dma_wait3A_1155, %dma_wait3A_1156] : memref<3x96x128xf32, #tpu.memory_space<vmem>> -> memref<1x96x128xf32, #tpu.memory_space<vmem>>
      %dma_wait3A_1158 = tpu.memref_squeeze %dma_wait3A_1157 : memref<1x96x128xf32, #tpu.memory_space<vmem>> -> memref<96x128xf32, #tpu.memory_space<vmem>>
      %dma_wait3A_1159 = arith.constant 0 : i32
      %dma_wait3A_1160 = tpu.memref_slice %arg2[%add3A_71, %dma_wait3A_1159] : memref<10752x128xf32, #tpu.memory_space<hbm>> -> memref<96x128xf32, #tpu.memory_space<hbm>>
      tpu.wait_dma2 semaphore(%run_scoped3A_1136 : memref<!tpu.dma_semaphore, #tpu.memory_space<semaphore_mem>>) src(%dma_wait3A_1160 : memref<96x128xf32, #tpu.memory_space<hbm>>) dst(%dma_wait3A_1158 : memref<96x128xf32, #tpu.memory_space<vmem>>)
      tpu.yield
    }) : () -> ()
    %run_scoped3A_73 = arith.constant 0 : i32
    "tpu.region"() ({
      %run_scoped3A_1136 = tpu.sem_alloc : memref<!tpu.dma_semaphore, #tpu.memory_space<semaphore_mem>>
      %dma_start3A_1137 = arith.constant 0 : i32
      %dma_start3A_1138 = arith.constant 0 : i32
      %dma_start3A_1139 = tpu.memref_slice %arg6[%run_scoped3A_73, %dma_start3A_1137, %dma_start3A_1138] : memref<3x96x128xf32, #tpu.memory_space<vmem>> -> memref<1x96x128xf32, #tpu.memory_space<vmem>>
      %dma_start3A_1140 = tpu.memref_squeeze %dma_start3A_1139 : memref<1x96x128xf32, #tpu.memory_space<vmem>> -> memref<96x128xf32, #tpu.memory_space<vmem>>
      %dma_start3A_1141 = arith.constant 0 : i32
      %dma_start3A_1142 = tpu.memref_slice %arg7[%add3A_71, %dma_start3A_1141] : memref<10752x128xf32, #tpu.memory_space<vmem_shared>> -> memref<96x128xf32, #tpu.memory_space<vmem_shared>>
      %dma_start3A_1143 = arith.constant 0 : i32
      %dma_start3A_1144 = tpu.memref_slice %arg7[%add3A_71, %dma_start3A_1143] : memref<10752x128xf32, #tpu.memory_space<vmem_shared>> -> memref<96x128xf32, #tpu.memory_space<vmem_shared>>
      %dma_start3A_1145 = arith.constant 0 : i32
      %dma_start3A_1146 = arith.constant 0 : i32
      %dma_start3A_1147 = tpu.memref_slice %arg6[%run_scoped3A_73, %dma_start3A_1145, %dma_start3A_1146] : memref<3x96x128xf32, #tpu.memory_space<vmem>> -> memref<1x96x128xf32, #tpu.memory_space<vmem>>
      %dma_start3A_1148 = tpu.memref_squeeze %dma_start3A_1147 : memref<1x96x128xf32, #tpu.memory_space<vmem>> -> memref<96x128xf32, #tpu.memory_space<vmem>>
      tpu.enqueue_dma source(%dma_start3A_1148 : memref<96x128xf32, #tpu.memory_space<vmem>>) target(%dma_start3A_1144 : memref<96x128xf32, #tpu.memory_space<vmem_shared>>) target_semaphore(%run_scoped3A_1136 : memref<!tpu.dma_semaphore, #tpu.memory_space<semaphore_mem>>)
      %dma_wait3A_1149 = arith.constant 0 : i32
      %dma_wait3A_1150 = arith.constant 0 : i32
      %dma_wait3A_1151 = tpu.memref_slice %arg6[%run_scoped3A_73, %dma_wait3A_1149, %dma_wait3A_1150] : memref<3x96x128xf32, #tpu.memory_space<vmem>> -> memref<1x96x128xf32, #tpu.memory_space<vmem>>
      %dma_wait3A_1152 = tpu.memref_squeeze %dma_wait3A_1151 : memref<1x96x128xf32, #tpu.memory_space<vmem>> -> memref<96x128xf32, #tpu.memory_space<vmem>>
      %dma_wait3A_1153 = arith.constant 0 : i32
      %dma_wait3A_1154 = tpu.memref_slice %arg7[%add3A_71, %dma_wait3A_1153] : memref<10752x128xf32, #tpu.memory_space<vmem_shared>> -> memref<96x128xf32, #tpu.memory_space<vmem_shared>>
      %dma_wait3A_1155 = arith.constant 0 : i32
      %dma_wait3A_1156 = tpu.memref_slice %arg7[%add3A_71, %dma_wait3A_1155] : memref<10752x128xf32, #tpu.memory_space<vmem_shared>> -> memref<96x128xf32, #tpu.memory_space<vmem_shared>>
      %dma_wait3A_1157 = arith.constant 0 : i32
      %dma_wait3A_1158 = arith.constant 0 : i32
      %dma_wait3A_1159 = tpu.memref_slice %arg6[%run_scoped3A_73, %dma_wait3A_1157, %dma_wait3A_1158] : memref<3x96x128xf32, #tpu.memory_space<vmem>> -> memref<1x96x128xf32, #tpu.memory_space<vmem>>
      %dma_wait3A_1160 = tpu.memref_squeeze %dma_wait3A_1159 : memref<1x96x128xf32, #tpu.memory_space<vmem>> -> memref<96x128xf32, #tpu.memory_space<vmem>>
      tpu.wait_dma2 semaphore(%run_scoped3A_1136 : memref<!tpu.dma_semaphore, #tpu.memory_space<semaphore_mem>>) src(%dma_wait3A_1160 : memref<96x128xf32, #tpu.memory_space<vmem>>) dst(%dma_wait3A_1156 : memref<96x128xf32, #tpu.memory_space<vmem_shared>>)
      tpu.yield
    }) : () -> ()
    %add3A_74 = arith.constant 384 : i32
    %add3A_75 = arith.addi %mul3A_4, %add3A_74 : i32
    %run_scoped3A_76 = arith.constant 1 : i32
    "tpu.region"() ({
      %run_scoped3A_1136 = tpu.sem_alloc : memref<!tpu.dma_semaphore, #tpu.memory_space<semaphore_mem>>
      %dma_start3A_1137 = arith.constant 0 : i32
      %dma_start3A_1138 = arith.constant 0 : i32
      %dma_start3A_1139 = tpu.memref_slice %arg6[%run_scoped3A_76, %dma_start3A_1137, %dma_start3A_1138] : memref<3x96x128xf32, #tpu.memory_space<vmem>> -> memref<1x96x128xf32, #tpu.memory_space<vmem>>
      %dma_start3A_1140 = tpu.memref_squeeze %dma_start3A_1139 : memref<1x96x128xf32, #tpu.memory_space<vmem>> -> memref<96x128xf32, #tpu.memory_space<vmem>>
      %dma_start3A_1141 = arith.constant 0 : i32
      %dma_start3A_1142 = tpu.memref_slice %arg2[%add3A_75, %dma_start3A_1141] : memref<10752x128xf32, #tpu.memory_space<hbm>> -> memref<96x128xf32, #tpu.memory_space<hbm>>
      %dma_start3A_1143 = arith.constant 0 : i32
      %dma_start3A_1144 = arith.constant 0 : i32
      %dma_start3A_1145 = tpu.memref_slice %arg6[%run_scoped3A_76, %dma_start3A_1143, %dma_start3A_1144] : memref<3x96x128xf32, #tpu.memory_space<vmem>> -> memref<1x96x128xf32, #tpu.memory_space<vmem>>
      %dma_start3A_1146 = tpu.memref_squeeze %dma_start3A_1145 : memref<1x96x128xf32, #tpu.memory_space<vmem>> -> memref<96x128xf32, #tpu.memory_space<vmem>>
      %dma_start3A_1147 = arith.constant 0 : i32
      %dma_start3A_1148 = tpu.memref_slice %arg2[%add3A_75, %dma_start3A_1147] : memref<10752x128xf32, #tpu.memory_space<hbm>> -> memref<96x128xf32, #tpu.memory_space<hbm>>
      tpu.enqueue_dma source(%dma_start3A_1148 : memref<96x128xf32, #tpu.memory_space<hbm>>) target(%dma_start3A_1146 : memref<96x128xf32, #tpu.memory_space<vmem>>) target_semaphore(%run_scoped3A_1136 : memref<!tpu.dma_semaphore, #tpu.memory_space<semaphore_mem>>)
      %dma_wait3A_1149 = arith.constant 0 : i32
      %dma_wait3A_1150 = arith.constant 0 : i32
      %dma_wait3A_1151 = tpu.memref_slice %arg6[%run_scoped3A_76, %dma_wait3A_1149, %dma_wait3A_1150] : memref<3x96x128xf32, #tpu.memory_space<vmem>> -> memref<1x96x128xf32, #tpu.memory_space<vmem>>
      %dma_wait3A_1152 = tpu.memref_squeeze %dma_wait3A_1151 : memref<1x96x128xf32, #tpu.memory_space<vmem>> -> memref<96x128xf32, #tpu.memory_space<vmem>>
      %dma_wait3A_1153 = arith.constant 0 : i32
      %dma_wait3A_1154 = tpu.memref_slice %arg2[%add3A_75, %dma_wait3A_1153] : memref<10752x128xf32, #tpu.memory_space<hbm>> -> memref<96x128xf32, #tpu.memory_space<hbm>>
      %dma_wait3A_1155 = arith.constant 0 : i32
      %dma_wait3A_1156 = arith.constant 0 : i32
      %dma_wait3A_1157 = tpu.memref_slice %arg6[%run_scoped3A_76, %dma_wait3A_1155, %dma_wait3A_1156] : memref<3x96x128xf32, #tpu.memory_space<vmem>> -> memref<1x96x128xf32, #tpu.memory_space<vmem>>
      %dma_wait3A_1158 = tpu.memref_squeeze %dma_wait3A_1157 : memref<1x96x128xf32, #tpu.memory_space<vmem>> -> memref<96x128xf32, #tpu.memory_space<vmem>>
      %dma_wait3A_1159 = arith.constant 0 : i32
      %dma_wait3A_1160 = tpu.memref_slice %arg2[%add3A_75, %dma_wait3A_1159] : memref<10752x128xf32, #tpu.memory_space<hbm>> -> memref<96x128xf32, #tpu.memory_space<hbm>>
      tpu.wait_dma2 semaphore(%run_scoped3A_1136 : memref<!tpu.dma_semaphore, #tpu.memory_space<semaphore_mem>>) src(%dma_wait3A_1160 : memref<96x128xf32, #tpu.memory_space<hbm>>) dst(%dma_wait3A_1158 : memref<96x128xf32, #tpu.memory_space<vmem>>)
      tpu.yield
    }) : () -> ()
    %run_scoped3A_77 = arith.constant 1 : i32
    "tpu.region"() ({
      %run_scoped3A_1136 = tpu.sem_alloc : memref<!tpu.dma_semaphore, #tpu.memory_space<semaphore_mem>>
      %dma_start3A_1137 = arith.constant 0 : i32
      %dma_start3A_1138 = arith.constant 0 : i32
      %dma_start3A_1139 = tpu.memref_slice %arg6[%run_scoped3A_77, %dma_start3A_1137, %dma_start3A_1138] : memref<3x96x128xf32, #tpu.memory_space<vmem>> -> memref<1x96x128xf32, #tpu.memory_space<vmem>>
      %dma_start3A_1140 = tpu.memref_squeeze %dma_start3A_1139 : memref<1x96x128xf32, #tpu.memory_space<vmem>> -> memref<96x128xf32, #tpu.memory_space<vmem>>
      %dma_start3A_1141 = arith.constant 0 : i32
      %dma_start3A_1142 = tpu.memref_slice %arg7[%add3A_75, %dma_start3A_1141] : memref<10752x128xf32, #tpu.memory_space<vmem_shared>> -> memref<96x128xf32, #tpu.memory_space<vmem_shared>>
      %dma_start3A_1143 = arith.constant 0 : i32
      %dma_start3A_1144 = tpu.memref_slice %arg7[%add3A_75, %dma_start3A_1143] : memref<10752x128xf32, #tpu.memory_space<vmem_shared>> -> memref<96x128xf32, #tpu.memory_space<vmem_shared>>
      %dma_start3A_1145 = arith.constant 0 : i32
      %dma_start3A_1146 = arith.constant 0 : i32
      %dma_start3A_1147 = tpu.memref_slice %arg6[%run_scoped3A_77, %dma_start3A_1145, %dma_start3A_1146] : memref<3x96x128xf32, #tpu.memory_space<vmem>> -> memref<1x96x128xf32, #tpu.memory_space<vmem>>
      %dma_start3A_1148 = tpu.memref_squeeze %dma_start3A_1147 : memref<1x96x128xf32, #tpu.memory_space<vmem>> -> memref<96x128xf32, #tpu.memory_space<vmem>>
      tpu.enqueue_dma source(%dma_start3A_1148 : memref<96x128xf32, #tpu.memory_space<vmem>>) target(%dma_start3A_1144 : memref<96x128xf32, #tpu.memory_space<vmem_shared>>) target_semaphore(%run_scoped3A_1136 : memref<!tpu.dma_semaphore, #tpu.memory_space<semaphore_mem>>)
      %dma_wait3A_1149 = arith.constant 0 : i32
      %dma_wait3A_1150 = arith.constant 0 : i32
      %dma_wait3A_1151 = tpu.memref_slice %arg6[%run_scoped3A_77, %dma_wait3A_1149, %dma_wait3A_1150] : memref<3x96x128xf32, #tpu.memory_space<vmem>> -> memref<1x96x128xf32, #tpu.memory_space<vmem>>
      %dma_wait3A_1152 = tpu.memref_squeeze %dma_wait3A_1151 : memref<1x96x128xf32, #tpu.memory_space<vmem>> -> memref<96x128xf32, #tpu.memory_space<vmem>>
      %dma_wait3A_1153 = arith.constant 0 : i32
      %dma_wait3A_1154 = tpu.memref_slice %arg7[%add3A_75, %dma_wait3A_1153] : memref<10752x128xf32, #tpu.memory_space<vmem_shared>> -> memref<96x128xf32, #tpu.memory_space<vmem_shared>>
      %dma_wait3A_1155 = arith.constant 0 : i32
      %dma_wait3A_1156 = tpu.memref_slice %arg7[%add3A_75, %dma_wait3A_1155] : memref<10752x128xf32, #tpu.memory_space<vmem_shared>> -> memref<96x128xf32, #tpu.memory_space<vmem_shared>>
      %dma_wait3A_1157 = arith.constant 0 : i32
      %dma_wait3A_1158 = arith.constant 0 : i32
      %dma_wait3A_1159 = tpu.memref_slice %arg6[%run_scoped3A_77, %dma_wait3A_1157, %dma_wait3A_1158] : memref<3x96x128xf32, #tpu.memory_space<vmem>> -> memref<1x96x128xf32, #tpu.memory_space<vmem>>
      %dma_wait3A_1160 = tpu.memref_squeeze %dma_wait3A_1159 : memref<1x96x128xf32, #tpu.memory_space<vmem>> -> memref<96x128xf32, #tpu.memory_space<vmem>>
      tpu.wait_dma2 semaphore(%run_scoped3A_1136 : memref<!tpu.dma_semaphore, #tpu.memory_space<semaphore_mem>>) src(%dma_wait3A_1160 : memref<96x128xf32, #tpu.memory_space<vmem>>) dst(%dma_wait3A_1156 : memref<96x128xf32, #tpu.memory_space<vmem_shared>>)
      tpu.yield
    }) : () -> ()
    %add3A_78 = arith.constant 480 : i32
    %add3A_79 = arith.addi %mul3A_4, %add3A_78 : i32
    %run_scoped3A_80 = arith.constant 2 : i32
    "tpu.region"() ({
      %run_scoped3A_1136 = tpu.sem_alloc : memref<!tpu.dma_semaphore, #tpu.memory_space<semaphore_mem>>
      %dma_start3A_1137 = arith.constant 0 : i32
      %dma_start3A_1138 = arith.constant 0 : i32
      %dma_start3A_1139 = tpu.memref_slice %arg6[%run_scoped3A_80, %dma_start3A_1137, %dma_start3A_1138] : memref<3x96x128xf32, #tpu.memory_space<vmem>> -> memref<1x96x128xf32, #tpu.memory_space<vmem>>
      %dma_start3A_1140 = tpu.memref_squeeze %dma_start3A_1139 : memref<1x96x128xf32, #tpu.memory_space<vmem>> -> memref<96x128xf32, #tpu.memory_space<vmem>>
      %dma_start3A_1141 = arith.constant 0 : i32
      %dma_start3A_1142 = tpu.memref_slice %arg2[%add3A_79, %dma_start3A_1141] : memref<10752x128xf32, #tpu.memory_space<hbm>> -> memref<96x128xf32, #tpu.memory_space<hbm>>
      %dma_start3A_1143 = arith.constant 0 : i32
      %dma_start3A_1144 = arith.constant 0 : i32
      %dma_start3A_1145 = tpu.memref_slice %arg6[%run_scoped3A_80, %dma_start3A_1143, %dma_start3A_1144] : memref<3x96x128xf32, #tpu.memory_space<vmem>> -> memref<1x96x128xf32, #tpu.memory_space<vmem>>
      %dma_start3A_1146 = tpu.memref_squeeze %dma_start3A_1145 : memref<1x96x128xf32, #tpu.memory_space<vmem>> -> memref<96x128xf32, #tpu.memory_space<vmem>>
      %dma_start3A_1147 = arith.constant 0 : i32
      %dma_start3A_1148 = tpu.memref_slice %arg2[%add3A_79, %dma_start3A_1147] : memref<10752x128xf32, #tpu.memory_space<hbm>> -> memref<96x128xf32, #tpu.memory_space<hbm>>
      tpu.enqueue_dma source(%dma_start3A_1148 : memref<96x128xf32, #tpu.memory_space<hbm>>) target(%dma_start3A_1146 : memref<96x128xf32, #tpu.memory_space<vmem>>) target_semaphore(%run_scoped3A_1136 : memref<!tpu.dma_semaphore, #tpu.memory_space<semaphore_mem>>)
      %dma_wait3A_1149 = arith.constant 0 : i32
      %dma_wait3A_1150 = arith.constant 0 : i32
      %dma_wait3A_1151 = tpu.memref_slice %arg6[%run_scoped3A_80, %dma_wait3A_1149, %dma_wait3A_1150] : memref<3x96x128xf32, #tpu.memory_space<vmem>> -> memref<1x96x128xf32, #tpu.memory_space<vmem>>
      %dma_wait3A_1152 = tpu.memref_squeeze %dma_wait3A_1151 : memref<1x96x128xf32, #tpu.memory_space<vmem>> -> memref<96x128xf32, #tpu.memory_space<vmem>>
      %dma_wait3A_1153 = arith.constant 0 : i32
      %dma_wait3A_1154 = tpu.memref_slice %arg2[%add3A_79, %dma_wait3A_1153] : memref<10752x128xf32, #tpu.memory_space<hbm>> -> memref<96x128xf32, #tpu.memory_space<hbm>>
      %dma_wait3A_1155 = arith.constant 0 : i32
      %dma_wait3A_1156 = arith.constant 0 : i32
      %dma_wait3A_1157 = tpu.memref_slice %arg6[%run_scoped3A_80, %dma_wait3A_1155, %dma_wait3A_1156] : memref<3x96x128xf32, #tpu.memory_space<vmem>> -> memref<1x96x128xf32, #tpu.memory_space<vmem>>
      %dma_wait3A_1158 = tpu.memref_squeeze %dma_wait3A_1157 : memref<1x96x128xf32, #tpu.memory_space<vmem>> -> memref<96x128xf32, #tpu.memory_space<vmem>>
      %dma_wait3A_1159 = arith.constant 0 : i32
      %dma_wait3A_1160 = tpu.memref_slice %arg2[%add3A_79, %dma_wait3A_1159] : memref<10752x128xf32, #tpu.memory_space<hbm>> -> memref<96x128xf32, #tpu.memory_space<hbm>>
      tpu.wait_dma2 semaphore(%run_scoped3A_1136 : memref<!tpu.dma_semaphore, #tpu.memory_space<semaphore_mem>>) src(%dma_wait3A_1160 : memref<96x128xf32, #tpu.memory_space<hbm>>) dst(%dma_wait3A_1158 : memref<96x128xf32, #tpu.memory_space<vmem>>)
      tpu.yield
    }) : () -> ()
    %run_scoped3A_81 = arith.constant 2 : i32
    "tpu.region"() ({
      %run_scoped3A_1136 = tpu.sem_alloc : memref<!tpu.dma_semaphore, #tpu.memory_space<semaphore_mem>>
      %dma_start3A_1137 = arith.constant 0 : i32
      %dma_start3A_1138 = arith.constant 0 : i32
      %dma_start3A_1139 = tpu.memref_slice %arg6[%run_scoped3A_81, %dma_start3A_1137, %dma_start3A_1138] : memref<3x96x128xf32, #tpu.memory_space<vmem>> -> memref<1x96x128xf32, #tpu.memory_space<vmem>>
      %dma_start3A_1140 = tpu.memref_squeeze %dma_start3A_1139 : memref<1x96x128xf32, #tpu.memory_space<vmem>> -> memref<96x128xf32, #tpu.memory_space<vmem>>
      %dma_start3A_1141 = arith.constant 0 : i32
      %dma_start3A_1142 = tpu.memref_slice %arg7[%add3A_79, %dma_start3A_1141] : memref<10752x128xf32, #tpu.memory_space<vmem_shared>> -> memref<96x128xf32, #tpu.memory_space<vmem_shared>>
      %dma_start3A_1143 = arith.constant 0 : i32
      %dma_start3A_1144 = tpu.memref_slice %arg7[%add3A_79, %dma_start3A_1143] : memref<10752x128xf32, #tpu.memory_space<vmem_shared>> -> memref<96x128xf32, #tpu.memory_space<vmem_shared>>
      %dma_start3A_1145 = arith.constant 0 : i32
      %dma_start3A_1146 = arith.constant 0 : i32
      %dma_start3A_1147 = tpu.memref_slice %arg6[%run_scoped3A_81, %dma_start3A_1145, %dma_start3A_1146] : memref<3x96x128xf32, #tpu.memory_space<vmem>> -> memref<1x96x128xf32, #tpu.memory_space<vmem>>
      %dma_start3A_1148 = tpu.memref_squeeze %dma_start3A_1147 : memref<1x96x128xf32, #tpu.memory_space<vmem>> -> memref<96x128xf32, #tpu.memory_space<vmem>>
      tpu.enqueue_dma source(%dma_start3A_1148 : memref<96x128xf32, #tpu.memory_space<vmem>>) target(%dma_start3A_1144 : memref<96x128xf32, #tpu.memory_space<vmem_shared>>) target_semaphore(%run_scoped3A_1136 : memref<!tpu.dma_semaphore, #tpu.memory_space<semaphore_mem>>)
      %dma_wait3A_1149 = arith.constant 0 : i32
      %dma_wait3A_1150 = arith.constant 0 : i32
      %dma_wait3A_1151 = tpu.memref_slice %arg6[%run_scoped3A_81, %dma_wait3A_1149, %dma_wait3A_1150] : memref<3x96x128xf32, #tpu.memory_space<vmem>> -> memref<1x96x128xf32, #tpu.memory_space<vmem>>
      %dma_wait3A_1152 = tpu.memref_squeeze %dma_wait3A_1151 : memref<1x96x128xf32, #tpu.memory_space<vmem>> -> memref<96x128xf32, #tpu.memory_space<vmem>>
      %dma_wait3A_1153 = arith.constant 0 : i32
      %dma_wait3A_1154 = tpu.memref_slice %arg7[%add3A_79, %dma_wait3A_1153] : memref<10752x128xf32, #tpu.memory_space<vmem_shared>> -> memref<96x128xf32, #tpu.memory_space<vmem_shared>>
      %dma_wait3A_1155 = arith.constant 0 : i32
      %dma_wait3A_1156 = tpu.memref_slice %arg7[%add3A_79, %dma_wait3A_1155] : memref<10752x128xf32, #tpu.memory_space<vmem_shared>> -> memref<96x128xf32, #tpu.memory_space<vmem_shared>>
      %dma_wait3A_1157 = arith.constant 0 : i32
      %dma_wait3A_1158 = arith.constant 0 : i32
      %dma_wait3A_1159 = tpu.memref_slice %arg6[%run_scoped3A_81, %dma_wait3A_1157, %dma_wait3A_1158] : memref<3x96x128xf32, #tpu.memory_space<vmem>> -> memref<1x96x128xf32, #tpu.memory_space<vmem>>
      %dma_wait3A_1160 = tpu.memref_squeeze %dma_wait3A_1159 : memref<1x96x128xf32, #tpu.memory_space<vmem>> -> memref<96x128xf32, #tpu.memory_space<vmem>>
      tpu.wait_dma2 semaphore(%run_scoped3A_1136 : memref<!tpu.dma_semaphore, #tpu.memory_space<semaphore_mem>>) src(%dma_wait3A_1160 : memref<96x128xf32, #tpu.memory_space<vmem>>) dst(%dma_wait3A_1156 : memref<96x128xf32, #tpu.memory_space<vmem_shared>>)
      tpu.yield
    }) : () -> ()
    %add3A_82 = arith.constant 576 : i32
    %add3A_83 = arith.addi %mul3A_4, %add3A_82 : i32
    %run_scoped3A_84 = arith.constant 0 : i32
    "tpu.region"() ({
      %run_scoped3A_1136 = tpu.sem_alloc : memref<!tpu.dma_semaphore, #tpu.memory_space<semaphore_mem>>
      %dma_start3A_1137 = arith.constant 0 : i32
      %dma_start3A_1138 = arith.constant 0 : i32
      %dma_start3A_1139 = tpu.memref_slice %arg6[%run_scoped3A_84, %dma_start3A_1137, %dma_start3A_1138] : memref<3x96x128xf32, #tpu.memory_space<vmem>> -> memref<1x96x128xf32, #tpu.memory_space<vmem>>
      %dma_start3A_1140 = tpu.memref_squeeze %dma_start3A_1139 : memref<1x96x128xf32, #tpu.memory_space<vmem>> -> memref<96x128xf32, #tpu.memory_space<vmem>>
      %dma_start3A_1141 = arith.constant 0 : i32
      %dma_start3A_1142 = tpu.memref_slice %arg2[%add3A_83, %dma_start3A_1141] : memref<10752x128xf32, #tpu.memory_space<hbm>> -> memref<96x128xf32, #tpu.memory_space<hbm>>
      %dma_start3A_1143 = arith.constant 0 : i32
      %dma_start3A_1144 = arith.constant 0 : i32
      %dma_start3A_1145 = tpu.memref_slice %arg6[%run_scoped3A_84, %dma_start3A_1143, %dma_start3A_1144] : memref<3x96x128xf32, #tpu.memory_space<vmem>> -> memref<1x96x128xf32, #tpu.memory_space<vmem>>
      %dma_start3A_1146 = tpu.memref_squeeze %dma_start3A_1145 : memref<1x96x128xf32, #tpu.memory_space<vmem>> -> memref<96x128xf32, #tpu.memory_space<vmem>>
      %dma_start3A_1147 = arith.constant 0 : i32
      %dma_start3A_1148 = tpu.memref_slice %arg2[%add3A_83, %dma_start3A_1147] : memref<10752x128xf32, #tpu.memory_space<hbm>> -> memref<96x128xf32, #tpu.memory_space<hbm>>
      tpu.enqueue_dma source(%dma_start3A_1148 : memref<96x128xf32, #tpu.memory_space<hbm>>) target(%dma_start3A_1146 : memref<96x128xf32, #tpu.memory_space<vmem>>) target_semaphore(%run_scoped3A_1136 : memref<!tpu.dma_semaphore, #tpu.memory_space<semaphore_mem>>)
      %dma_wait3A_1149 = arith.constant 0 : i32
      %dma_wait3A_1150 = arith.constant 0 : i32
      %dma_wait3A_1151 = tpu.memref_slice %arg6[%run_scoped3A_84, %dma_wait3A_1149, %dma_wait3A_1150] : memref<3x96x128xf32, #tpu.memory_space<vmem>> -> memref<1x96x128xf32, #tpu.memory_space<vmem>>
      %dma_wait3A_1152 = tpu.memref_squeeze %dma_wait3A_1151 : memref<1x96x128xf32, #tpu.memory_space<vmem>> -> memref<96x128xf32, #tpu.memory_space<vmem>>
      %dma_wait3A_1153 = arith.constant 0 : i32
      %dma_wait3A_1154 = tpu.memref_slice %arg2[%add3A_83, %dma_wait3A_1153] : memref<10752x128xf32, #tpu.memory_space<hbm>> -> memref<96x128xf32, #tpu.memory_space<hbm>>
      %dma_wait3A_1155 = arith.constant 0 : i32
      %dma_wait3A_1156 = arith.constant 0 : i32
      %dma_wait3A_1157 = tpu.memref_slice %arg6[%run_scoped3A_84, %dma_wait3A_1155, %dma_wait3A_1156] : memref<3x96x128xf32, #tpu.memory_space<vmem>> -> memref<1x96x128xf32, #tpu.memory_space<vmem>>
      %dma_wait3A_1158 = tpu.memref_squeeze %dma_wait3A_1157 : memref<1x96x128xf32, #tpu.memory_space<vmem>> -> memref<96x128xf32, #tpu.memory_space<vmem>>
      %dma_wait3A_1159 = arith.constant 0 : i32
      %dma_wait3A_1160 = tpu.memref_slice %arg2[%add3A_83, %dma_wait3A_1159] : memref<10752x128xf32, #tpu.memory_space<hbm>> -> memref<96x128xf32, #tpu.memory_space<hbm>>
      tpu.wait_dma2 semaphore(%run_scoped3A_1136 : memref<!tpu.dma_semaphore, #tpu.memory_space<semaphore_mem>>) src(%dma_wait3A_1160 : memref<96x128xf32, #tpu.memory_space<hbm>>) dst(%dma_wait3A_1158 : memref<96x128xf32, #tpu.memory_space<vmem>>)
      tpu.yield
    }) : () -> ()
    %run_scoped3A_85 = arith.constant 0 : i32
    "tpu.region"() ({
      %run_scoped3A_1136 = tpu.sem_alloc : memref<!tpu.dma_semaphore, #tpu.memory_space<semaphore_mem>>
      %dma_start3A_1137 = arith.constant 0 : i32
      %dma_start3A_1138 = arith.constant 0 : i32
      %dma_start3A_1139 = tpu.memref_slice %arg6[%run_scoped3A_85, %dma_start3A_1137, %dma_start3A_1138] : memref<3x96x128xf32, #tpu.memory_space<vmem>> -> memref<1x96x128xf32, #tpu.memory_space<vmem>>
      %dma_start3A_1140 = tpu.memref_squeeze %dma_start3A_1139 : memref<1x96x128xf32, #tpu.memory_space<vmem>> -> memref<96x128xf32, #tpu.memory_space<vmem>>
      %dma_start3A_1141 = arith.constant 0 : i32
      %dma_start3A_1142 = tpu.memref_slice %arg7[%add3A_83, %dma_start3A_1141] : memref<10752x128xf32, #tpu.memory_space<vmem_shared>> -> memref<96x128xf32, #tpu.memory_space<vmem_shared>>
      %dma_start3A_1143 = arith.constant 0 : i32
      %dma_start3A_1144 = tpu.memref_slice %arg7[%add3A_83, %dma_start3A_1143] : memref<10752x128xf32, #tpu.memory_space<vmem_shared>> -> memref<96x128xf32, #tpu.memory_space<vmem_shared>>
      %dma_start3A_1145 = arith.constant 0 : i32
      %dma_start3A_1146 = arith.constant 0 : i32
      %dma_start3A_1147 = tpu.memref_slice %arg6[%run_scoped3A_85, %dma_start3A_1145, %dma_start3A_1146] : memref<3x96x128xf32, #tpu.memory_space<vmem>> -> memref<1x96x128xf32, #tpu.memory_space<vmem>>
      %dma_start3A_1148 = tpu.memref_squeeze %dma_start3A_1147 : memref<1x96x128xf32, #tpu.memory_space<vmem>> -> memref<96x128xf32, #tpu.memory_space<vmem>>
      tpu.enqueue_dma source(%dma_start3A_1148 : memref<96x128xf32, #tpu.memory_space<vmem>>) target(%dma_start3A_1144 : memref<96x128xf32, #tpu.memory_space<vmem_shared>>) target_semaphore(%run_scoped3A_1136 : memref<!tpu.dma_semaphore, #tpu.memory_space<semaphore_mem>>)
      %dma_wait3A_1149 = arith.constant 0 : i32
      %dma_wait3A_1150 = arith.constant 0 : i32
      %dma_wait3A_1151 = tpu.memref_slice %arg6[%run_scoped3A_85, %dma_wait3A_1149, %dma_wait3A_1150] : memref<3x96x128xf32, #tpu.memory_space<vmem>> -> memref<1x96x128xf32, #tpu.memory_space<vmem>>
      %dma_wait3A_1152 = tpu.memref_squeeze %dma_wait3A_1151 : memref<1x96x128xf32, #tpu.memory_space<vmem>> -> memref<96x128xf32, #tpu.memory_space<vmem>>
      %dma_wait3A_1153 = arith.constant 0 : i32
      %dma_wait3A_1154 = tpu.memref_slice %arg7[%add3A_83, %dma_wait3A_1153] : memref<10752x128xf32, #tpu.memory_space<vmem_shared>> -> memref<96x128xf32, #tpu.memory_space<vmem_shared>>
      %dma_wait3A_1155 = arith.constant 0 : i32
      %dma_wait3A_1156 = tpu.memref_slice %arg7[%add3A_83, %dma_wait3A_1155] : memref<10752x128xf32, #tpu.memory_space<vmem_shared>> -> memref<96x128xf32, #tpu.memory_space<vmem_shared>>
      %dma_wait3A_1157 = arith.constant 0 : i32
      %dma_wait3A_1158 = arith.constant 0 : i32
      %dma_wait3A_1159 = tpu.memref_slice %arg6[%run_scoped3A_85, %dma_wait3A_1157, %dma_wait3A_1158] : memref<3x96x128xf32, #tpu.memory_space<vmem>> -> memref<1x96x128xf32, #tpu.memory_space<vmem>>
      %dma_wait3A_1160 = tpu.memref_squeeze %dma_wait3A_1159 : memref<1x96x128xf32, #tpu.memory_space<vmem>> -> memref<96x128xf32, #tpu.memory_space<vmem>>
      tpu.wait_dma2 semaphore(%run_scoped3A_1136 : memref<!tpu.dma_semaphore, #tpu.memory_space<semaphore_mem>>) src(%dma_wait3A_1160 : memref<96x128xf32, #tpu.memory_space<vmem>>) dst(%dma_wait3A_1156 : memref<96x128xf32, #tpu.memory_space<vmem_shared>>)
      tpu.yield
    }) : () -> ()
    %barrier3A = arith.constant 0 : index
    tpu.barrier barrier_id(%barrier3A)
    %dma_wait3A = arith.constant 0 : i32
    %dma_wait3A_86 = arith.constant 0 : i32
    %dma_wait3A_87 = arith.constant 0 : i32
    %dma_wait3A_88 = tpu.memref_slice %arg5[%dma_wait3A, %dma_wait3A_86, %dma_wait3A_87] : memref<6x2x96xi32, #tpu.memory_space<vmem>> -> memref<1x2x96xi32, #tpu.memory_space<vmem>>
    %dma_wait3A_89 = tpu.memref_squeeze %dma_wait3A_88 : memref<1x2x96xi32, #tpu.memory_space<vmem>> -> memref<2x96xi32, #tpu.memory_space<vmem>>
    %dma_wait3A_90 = arith.constant 0 : i32
    %dma_wait3A_91 = arith.constant 0 : i32
    %dma_wait3A_92 = tpu.memref_slice %arg3[%mul3A_2, %dma_wait3A_90, %dma_wait3A_91] : memref<3456x2x96xi32, #tpu.memory_space<hbm>> -> memref<1x2x96xi32, #tpu.memory_space<hbm>>
    %dma_wait3A_93 = tpu.memref_squeeze %dma_wait3A_92 : memref<1x2x96xi32, #tpu.memory_space<hbm>> -> memref<2x96xi32, #tpu.memory_space<hbm>>
    %dma_wait3A_94 = arith.constant 0 : i32
    %dma_wait3A_95 = arith.constant 0 : i32
    %dma_wait3A_96 = tpu.memref_slice %arg5[%dma_wait3A, %dma_wait3A_94, %dma_wait3A_95] : memref<6x2x96xi32, #tpu.memory_space<vmem>> -> memref<1x2x96xi32, #tpu.memory_space<vmem>>
    %dma_wait3A_97 = tpu.memref_squeeze %dma_wait3A_96 : memref<1x2x96xi32, #tpu.memory_space<vmem>> -> memref<2x96xi32, #tpu.memory_space<vmem>>
    %dma_wait3A_98 = arith.constant 0 : i32
    %dma_wait3A_99 = arith.constant 0 : i32
    %dma_wait3A_100 = tpu.memref_slice %arg3[%mul3A_2, %dma_wait3A_98, %dma_wait3A_99] : memref<3456x2x96xi32, #tpu.memory_space<hbm>> -> memref<1x2x96xi32, #tpu.memory_space<hbm>>
    %dma_wait3A_101 = tpu.memref_squeeze %dma_wait3A_100 : memref<1x2x96xi32, #tpu.memory_space<hbm>> -> memref<2x96xi32, #tpu.memory_space<hbm>>
    tpu.wait_dma2 semaphore(%arg8 : memref<!tpu.dma_semaphore, #tpu.memory_space<semaphore_mem>>) src(%dma_wait3A_101 : memref<2x96xi32, #tpu.memory_space<hbm>>) dst(%dma_wait3A_97 : memref<2x96xi32, #tpu.memory_space<vmem>>)
    %dma_start3A_102 = arith.constant 0 : i32
    %dma_start3A_103 = arith.constant 0 : i32
    %dma_start3A_104 = arith.constant 0 : i32
    %dma_start3A_105 = arith.constant 0 : i32
    %dma_start3A_106 = arith.constant 0 : i32
    %dma_start3A_107 = tpu.memref_slice %arg6[%dma_start3A_104, %dma_start3A_105, %dma_start3A_106] : memref<3x96x128xf32, #tpu.memory_space<vmem>> -> memref<1x96x128xf32, #tpu.memory_space<vmem>>
    %dma_start3A_108 = tpu.memref_squeeze %dma_start3A_107 : memref<1x96x128xf32, #tpu.memory_space<vmem>> -> memref<96x128xf32, #tpu.memory_space<vmem>>
    %dma_start3A_109 = arith.constant 0 : i32
    %dma_start3A_110 = tpu.memref_slice %arg5[%dma_start3A_102, %dma_start3A_103, %dma_start3A_109] : memref<6x2x96xi32, #tpu.memory_space<vmem>> -> memref<1x1x96xi32, #tpu.memory_space<vmem>>
    %dma_start3A_111 = tpu.memref_squeeze %dma_start3A_110 : memref<1x1x96xi32, #tpu.memory_space<vmem>> -> memref<96xi32, #tpu.memory_space<vmem>>
    %dma_start3A_112 = arith.constant 0 : i32
    %dma_start3A_113 = arith.constant 0 : i32
    %dma_start3A_114 = tpu.memref_slice %arg2[%dma_start3A_112, %dma_start3A_113] : memref<10752x128xf32, #tpu.memory_space<hbm>> -> memref<10752x128xf32, #tpu.memory_space<hbm>>
    tpu.enqueue_indirect_dma source(%dma_start3A_114 : memref<10752x128xf32, #tpu.memory_space<hbm>>) target(%dma_start3A_108 : memref<96x128xf32, #tpu.memory_space<vmem>>) offsets(%dma_start3A_111 : memref<96xi32, #tpu.memory_space<vmem>>) semaphore(%arg14 : memref<!tpu.dma_semaphore, #tpu.memory_space<semaphore_mem>>)
    %dma_wait3A_115 = arith.constant 1 : i32
    %dma_wait3A_116 = arith.constant 0 : i32
    %dma_wait3A_117 = arith.constant 0 : i32
    %dma_wait3A_118 = tpu.memref_slice %arg5[%dma_wait3A_115, %dma_wait3A_116, %dma_wait3A_117] : memref<6x2x96xi32, #tpu.memory_space<vmem>> -> memref<1x2x96xi32, #tpu.memory_space<vmem>>
    %dma_wait3A_119 = tpu.memref_squeeze %dma_wait3A_118 : memref<1x2x96xi32, #tpu.memory_space<vmem>> -> memref<2x96xi32, #tpu.memory_space<vmem>>
    %dma_wait3A_120 = arith.constant 0 : i32
    %dma_wait3A_121 = arith.constant 0 : i32
    %dma_wait3A_122 = tpu.memref_slice %arg3[%mul3A_2, %dma_wait3A_120, %dma_wait3A_121] : memref<3456x2x96xi32, #tpu.memory_space<hbm>> -> memref<1x2x96xi32, #tpu.memory_space<hbm>>
    %dma_wait3A_123 = tpu.memref_squeeze %dma_wait3A_122 : memref<1x2x96xi32, #tpu.memory_space<hbm>> -> memref<2x96xi32, #tpu.memory_space<hbm>>
    %dma_wait3A_124 = arith.constant 0 : i32
    %dma_wait3A_125 = arith.constant 0 : i32
    %dma_wait3A_126 = tpu.memref_slice %arg5[%dma_wait3A_115, %dma_wait3A_124, %dma_wait3A_125] : memref<6x2x96xi32, #tpu.memory_space<vmem>> -> memref<1x2x96xi32, #tpu.memory_space<vmem>>
    %dma_wait3A_127 = tpu.memref_squeeze %dma_wait3A_126 : memref<1x2x96xi32, #tpu.memory_space<vmem>> -> memref<2x96xi32, #tpu.memory_space<vmem>>
    %dma_wait3A_128 = arith.constant 0 : i32
    %dma_wait3A_129 = arith.constant 0 : i32
    %dma_wait3A_130 = tpu.memref_slice %arg3[%mul3A_2, %dma_wait3A_128, %dma_wait3A_129] : memref<3456x2x96xi32, #tpu.memory_space<hbm>> -> memref<1x2x96xi32, #tpu.memory_space<hbm>>
    %dma_wait3A_131 = tpu.memref_squeeze %dma_wait3A_130 : memref<1x2x96xi32, #tpu.memory_space<hbm>> -> memref<2x96xi32, #tpu.memory_space<hbm>>
    tpu.wait_dma2 semaphore(%arg9 : memref<!tpu.dma_semaphore, #tpu.memory_space<semaphore_mem>>) src(%dma_wait3A_131 : memref<2x96xi32, #tpu.memory_space<hbm>>) dst(%dma_wait3A_127 : memref<2x96xi32, #tpu.memory_space<vmem>>)
    %dma_start3A_132 = arith.constant 1 : i32
    %dma_start3A_133 = arith.constant 0 : i32
    %dma_start3A_134 = arith.constant 1 : i32
    %dma_start3A_135 = arith.constant 0 : i32
    %dma_start3A_136 = arith.constant 0 : i32
    %dma_start3A_137 = tpu.memref_slice %arg6[%dma_start3A_134, %dma_start3A_135, %dma_start3A_136] : memref<3x96x128xf32, #tpu.memory_space<vmem>> -> memref<1x96x128xf32, #tpu.memory_space<vmem>>
    %dma_start3A_138 = tpu.memref_squeeze %dma_start3A_137 : memref<1x96x128xf32, #tpu.memory_space<vmem>> -> memref<96x128xf32, #tpu.memory_space<vmem>>
    %dma_start3A_139 = arith.constant 0 : i32
    %dma_start3A_140 = tpu.memref_slice %arg5[%dma_start3A_132, %dma_start3A_133, %dma_start3A_139] : memref<6x2x96xi32, #tpu.memory_space<vmem>> -> memref<1x1x96xi32, #tpu.memory_space<vmem>>
    %dma_start3A_141 = tpu.memref_squeeze %dma_start3A_140 : memref<1x1x96xi32, #tpu.memory_space<vmem>> -> memref<96xi32, #tpu.memory_space<vmem>>
    %dma_start3A_142 = arith.constant 0 : i32
    %dma_start3A_143 = arith.constant 0 : i32
    %dma_start3A_144 = tpu.memref_slice %arg2[%dma_start3A_142, %dma_start3A_143] : memref<10752x128xf32, #tpu.memory_space<hbm>> -> memref<10752x128xf32, #tpu.memory_space<hbm>>
    tpu.enqueue_indirect_dma source(%dma_start3A_144 : memref<10752x128xf32, #tpu.memory_space<hbm>>) target(%dma_start3A_138 : memref<96x128xf32, #tpu.memory_space<vmem>>) offsets(%dma_start3A_141 : memref<96xi32, #tpu.memory_space<vmem>>) semaphore(%arg15 : memref<!tpu.dma_semaphore, #tpu.memory_space<semaphore_mem>>)
    %dma_wait3A_145 = arith.constant 0 : i32
    %dma_wait3A_146 = arith.constant 0 : i32
    %dma_wait3A_147 = arith.constant 0 : i32
    %dma_wait3A_148 = arith.constant 0 : i32
    %dma_wait3A_149 = arith.constant 0 : i32
    %dma_wait3A_150 = tpu.memref_slice %arg6[%dma_wait3A_147, %dma_wait3A_148, %dma_wait3A_149] : memref<3x96x128xf32, #tpu.memory_space<vmem>> -> memref<1x96x128xf32, #tpu.memory_space<vmem>>
    %dma_wait3A_151 = tpu.memref_squeeze %dma_wait3A_150 : memref<1x96x128xf32, #tpu.memory_space<vmem>> -> memref<96x128xf32, #tpu.memory_space<vmem>>
    %dma_wait3A_152 = arith.constant 0 : i32
    %dma_wait3A_153 = tpu.memref_slice %arg5[%dma_wait3A_145, %dma_wait3A_146, %dma_wait3A_152] : memref<6x2x96xi32, #tpu.memory_space<vmem>> -> memref<1x1x96xi32, #tpu.memory_space<vmem>>
    %dma_wait3A_154 = tpu.memref_squeeze %dma_wait3A_153 : memref<1x1x96xi32, #tpu.memory_space<vmem>> -> memref<96xi32, #tpu.memory_space<vmem>>
    %dma_wait3A_155 = arith.constant 0 : i32
    %dma_wait3A_156 = arith.constant 0 : i32
    %dma_wait3A_157 = tpu.memref_slice %arg2[%dma_wait3A_155, %dma_wait3A_156] : memref<10752x128xf32, #tpu.memory_space<hbm>> -> memref<10752x128xf32, #tpu.memory_space<hbm>>
    tpu.wait_indirect_dma semaphore(%arg14 : memref<!tpu.dma_semaphore, #tpu.memory_space<semaphore_mem>>) src(%dma_wait3A_157 : memref<10752x128xf32, #tpu.memory_space<hbm>>) dst(%dma_wait3A_151 : memref<96x128xf32, #tpu.memory_space<vmem>>)
    %dma_wait3A_158 = arith.constant 2 : i32
    %dma_wait3A_159 = arith.constant 0 : i32
    %dma_wait3A_160 = arith.constant 0 : i32
    %dma_wait3A_161 = tpu.memref_slice %arg5[%dma_wait3A_158, %dma_wait3A_159, %dma_wait3A_160] : memref<6x2x96xi32, #tpu.memory_space<vmem>> -> memref<1x2x96xi32, #tpu.memory_space<vmem>>
    %dma_wait3A_162 = tpu.memref_squeeze %dma_wait3A_161 : memref<1x2x96xi32, #tpu.memory_space<vmem>> -> memref<2x96xi32, #tpu.memory_space<vmem>>
    %dma_wait3A_163 = arith.constant 0 : i32
    %dma_wait3A_164 = arith.constant 0 : i32
    %dma_wait3A_165 = tpu.memref_slice %arg3[%mul3A_2, %dma_wait3A_163, %dma_wait3A_164] : memref<3456x2x96xi32, #tpu.memory_space<hbm>> -> memref<1x2x96xi32, #tpu.memory_space<hbm>>
    %dma_wait3A_166 = tpu.memref_squeeze %dma_wait3A_165 : memref<1x2x96xi32, #tpu.memory_space<hbm>> -> memref<2x96xi32, #tpu.memory_space<hbm>>
    %dma_wait3A_167 = arith.constant 0 : i32
    %dma_wait3A_168 = arith.constant 0 : i32
    %dma_wait3A_169 = tpu.memref_slice %arg5[%dma_wait3A_158, %dma_wait3A_167, %dma_wait3A_168] : memref<6x2x96xi32, #tpu.memory_space<vmem>> -> memref<1x2x96xi32, #tpu.memory_space<vmem>>
    %dma_wait3A_170 = tpu.memref_squeeze %dma_wait3A_169 : memref<1x2x96xi32, #tpu.memory_space<vmem>> -> memref<2x96xi32, #tpu.memory_space<vmem>>
    %dma_wait3A_171 = arith.constant 0 : i32
    %dma_wait3A_172 = arith.constant 0 : i32
    %dma_wait3A_173 = tpu.memref_slice %arg3[%mul3A_2, %dma_wait3A_171, %dma_wait3A_172] : memref<3456x2x96xi32, #tpu.memory_space<hbm>> -> memref<1x2x96xi32, #tpu.memory_space<hbm>>
    %dma_wait3A_174 = tpu.memref_squeeze %dma_wait3A_173 : memref<1x2x96xi32, #tpu.memory_space<hbm>> -> memref<2x96xi32, #tpu.memory_space<hbm>>
    tpu.wait_dma2 semaphore(%arg10 : memref<!tpu.dma_semaphore, #tpu.memory_space<semaphore_mem>>) src(%dma_wait3A_174 : memref<2x96xi32, #tpu.memory_space<hbm>>) dst(%dma_wait3A_170 : memref<2x96xi32, #tpu.memory_space<vmem>>)
    %dma_start3A_175 = arith.constant 2 : i32
    %dma_start3A_176 = arith.constant 0 : i32
    %dma_start3A_177 = arith.constant 2 : i32
    %dma_start3A_178 = arith.constant 0 : i32
    %dma_start3A_179 = arith.constant 0 : i32
    %dma_start3A_180 = tpu.memref_slice %arg6[%dma_start3A_177, %dma_start3A_178, %dma_start3A_179] : memref<3x96x128xf32, #tpu.memory_space<vmem>> -> memref<1x96x128xf32, #tpu.memory_space<vmem>>
    %dma_start3A_181 = tpu.memref_squeeze %dma_start3A_180 : memref<1x96x128xf32, #tpu.memory_space<vmem>> -> memref<96x128xf32, #tpu.memory_space<vmem>>
    %dma_start3A_182 = arith.constant 0 : i32
    %dma_start3A_183 = tpu.memref_slice %arg5[%dma_start3A_175, %dma_start3A_176, %dma_start3A_182] : memref<6x2x96xi32, #tpu.memory_space<vmem>> -> memref<1x1x96xi32, #tpu.memory_space<vmem>>
    %dma_start3A_184 = tpu.memref_squeeze %dma_start3A_183 : memref<1x1x96xi32, #tpu.memory_space<vmem>> -> memref<96xi32, #tpu.memory_space<vmem>>
    %dma_start3A_185 = arith.constant 0 : i32
    %dma_start3A_186 = arith.constant 0 : i32
    %dma_start3A_187 = tpu.memref_slice %arg2[%dma_start3A_185, %dma_start3A_186] : memref<10752x128xf32, #tpu.memory_space<hbm>> -> memref<10752x128xf32, #tpu.memory_space<hbm>>
    tpu.enqueue_indirect_dma source(%dma_start3A_187 : memref<10752x128xf32, #tpu.memory_space<hbm>>) target(%dma_start3A_181 : memref<96x128xf32, #tpu.memory_space<vmem>>) offsets(%dma_start3A_184 : memref<96xi32, #tpu.memory_space<vmem>>) semaphore(%arg16 : memref<!tpu.dma_semaphore, #tpu.memory_space<semaphore_mem>>)
    %dma_start3A_188 = arith.constant 0 : i32
    %dma_start3A_189 = arith.constant 0 : i32
    %dma_start3A_190 = arith.constant 1 : i32
    %dma_start3A_191 = arith.constant 0 : i32
    %dma_start3A_192 = arith.constant 0 : i32
    %dma_start3A_193 = tpu.memref_slice %arg6[%dma_start3A_188, %dma_start3A_191, %dma_start3A_192] : memref<3x96x128xf32, #tpu.memory_space<vmem>> -> memref<1x96x128xf32, #tpu.memory_space<vmem>>
    %dma_start3A_194 = tpu.memref_squeeze %dma_start3A_193 : memref<1x96x128xf32, #tpu.memory_space<vmem>> -> memref<96x128xf32, #tpu.memory_space<vmem>>
    %dma_start3A_195 = arith.constant 0 : i32
    %dma_start3A_196 = tpu.memref_slice %arg5[%dma_start3A_189, %dma_start3A_190, %dma_start3A_195] : memref<6x2x96xi32, #tpu.memory_space<vmem>> -> memref<1x1x96xi32, #tpu.memory_space<vmem>>
    %dma_start3A_197 = tpu.memref_squeeze %dma_start3A_196 : memref<1x1x96xi32, #tpu.memory_space<vmem>> -> memref<96xi32, #tpu.memory_space<vmem>>
    %dma_start3A_198 = arith.constant 0 : i32
    %dma_start3A_199 = arith.constant 0 : i32
    %dma_start3A_200 = tpu.memref_slice %arg7[%dma_start3A_198, %dma_start3A_199] : memref<10752x128xf32, #tpu.memory_space<vmem_shared>> -> memref<10752x128xf32, #tpu.memory_space<vmem_shared>>
    tpu.enqueue_indirect_dma source(%dma_start3A_194 : memref<96x128xf32, #tpu.memory_space<vmem>>) target(%dma_start3A_200 : memref<10752x128xf32, #tpu.memory_space<vmem_shared>>) offsets(%dma_start3A_197 : memref<96xi32, #tpu.memory_space<vmem>>) semaphore(%arg17 : memref<!tpu.dma_semaphore, #tpu.memory_space<semaphore_mem>>) {add = true}
    %add3A_201 = arith.constant 0 : i32
    %add3A_202 = arith.addi %mul3A_2, %add3A_201 : i32
    %add3A_203 = arith.constant 3 : i32
    %add3A_204 = arith.addi %add3A_202, %add3A_203 : i32
    %dma_start3A_205 = arith.constant 3 : i32
    %dma_start3A_206 = arith.constant 0 : i32
    %dma_start3A_207 = arith.constant 0 : i32
    %dma_start3A_208 = tpu.memref_slice %arg5[%dma_start3A_205, %dma_start3A_206, %dma_start3A_207] : memref<6x2x96xi32, #tpu.memory_space<vmem>> -> memref<1x2x96xi32, #tpu.memory_space<vmem>>
    %dma_start3A_209 = tpu.memref_squeeze %dma_start3A_208 : memref<1x2x96xi32, #tpu.memory_space<vmem>> -> memref<2x96xi32, #tpu.memory_space<vmem>>
    %dma_start3A_210 = arith.constant 0 : i32
    %dma_start3A_211 = arith.constant 0 : i32
    %dma_start3A_212 = tpu.memref_slice %arg3[%add3A_204, %dma_start3A_210, %dma_start3A_211] : memref<3456x2x96xi32, #tpu.memory_space<hbm>> -> memref<1x2x96xi32, #tpu.memory_space<hbm>>
    %dma_start3A_213 = tpu.memref_squeeze %dma_start3A_212 : memref<1x2x96xi32, #tpu.memory_space<hbm>> -> memref<2x96xi32, #tpu.memory_space<hbm>>
    %dma_start3A_214 = arith.constant 0 : i32
    %dma_start3A_215 = arith.constant 0 : i32
    %dma_start3A_216 = tpu.memref_slice %arg5[%dma_start3A_205, %dma_start3A_214, %dma_start3A_215] : memref<6x2x96xi32, #tpu.memory_space<vmem>> -> memref<1x2x96xi32, #tpu.memory_space<vmem>>
    %dma_start3A_217 = tpu.memref_squeeze %dma_start3A_216 : memref<1x2x96xi32, #tpu.memory_space<vmem>> -> memref<2x96xi32, #tpu.memory_space<vmem>>
    %dma_start3A_218 = arith.constant 0 : i32
    %dma_start3A_219 = arith.constant 0 : i32
    %dma_start3A_220 = tpu.memref_slice %arg3[%add3A_204, %dma_start3A_218, %dma_start3A_219] : memref<3456x2x96xi32, #tpu.memory_space<hbm>> -> memref<1x2x96xi32, #tpu.memory_space<hbm>>
    %dma_start3A_221 = tpu.memref_squeeze %dma_start3A_220 : memref<1x2x96xi32, #tpu.memory_space<hbm>> -> memref<2x96xi32, #tpu.memory_space<hbm>>
    tpu.enqueue_dma source(%dma_start3A_221 : memref<2x96xi32, #tpu.memory_space<hbm>>) target(%dma_start3A_217 : memref<2x96xi32, #tpu.memory_space<vmem>>) target_semaphore(%arg11 : memref<!tpu.dma_semaphore, #tpu.memory_space<semaphore_mem>>)
    %dma_wait3A_222 = arith.constant 1 : i32
    %dma_wait3A_223 = arith.constant 0 : i32
    %dma_wait3A_224 = arith.constant 1 : i32
    %dma_wait3A_225 = arith.constant 0 : i32
    %dma_wait3A_226 = arith.constant 0 : i32
    %dma_wait3A_227 = tpu.memref_slice %arg6[%dma_wait3A_224, %dma_wait3A_225, %dma_wait3A_226] : memref<3x96x128xf32, #tpu.memory_space<vmem>> -> memref<1x96x128xf32, #tpu.memory_space<vmem>>
    %dma_wait3A_228 = tpu.memref_squeeze %dma_wait3A_227 : memref<1x96x128xf32, #tpu.memory_space<vmem>> -> memref<96x128xf32, #tpu.memory_space<vmem>>
    %dma_wait3A_229 = arith.constant 0 : i32
    %dma_wait3A_230 = tpu.memref_slice %arg5[%dma_wait3A_222, %dma_wait3A_223, %dma_wait3A_229] : memref<6x2x96xi32, #tpu.memory_space<vmem>> -> memref<1x1x96xi32, #tpu.memory_space<vmem>>
    %dma_wait3A_231 = tpu.memref_squeeze %dma_wait3A_230 : memref<1x1x96xi32, #tpu.memory_space<vmem>> -> memref<96xi32, #tpu.memory_space<vmem>>
    %dma_wait3A_232 = arith.constant 0 : i32
    %dma_wait3A_233 = arith.constant 0 : i32
    %dma_wait3A_234 = tpu.memref_slice %arg2[%dma_wait3A_232, %dma_wait3A_233] : memref<10752x128xf32, #tpu.memory_space<hbm>> -> memref<10752x128xf32, #tpu.memory_space<hbm>>
    tpu.wait_indirect_dma semaphore(%arg15 : memref<!tpu.dma_semaphore, #tpu.memory_space<semaphore_mem>>) src(%dma_wait3A_234 : memref<10752x128xf32, #tpu.memory_space<hbm>>) dst(%dma_wait3A_228 : memref<96x128xf32, #tpu.memory_space<vmem>>)
    %dma_wait3A_235 = arith.constant 1 : i32
    %dma_wait3A_236 = arith.constant 1 : i32
    %dma_wait3A_237 = arith.constant 1 : i32
    %dma_wait3A_238 = arith.constant 0 : i32
    %dma_wait3A_239 = arith.constant 0 : i32
    %dma_wait3A_240 = tpu.memref_slice %arg6[%dma_wait3A_235, %dma_wait3A_238, %dma_wait3A_239] : memref<3x96x128xf32, #tpu.memory_space<vmem>> -> memref<1x96x128xf32, #tpu.memory_space<vmem>>
    %dma_wait3A_241 = tpu.memref_squeeze %dma_wait3A_240 : memref<1x96x128xf32, #tpu.memory_space<vmem>> -> memref<96x128xf32, #tpu.memory_space<vmem>>
    %dma_wait3A_242 = arith.constant 0 : i32
    %dma_wait3A_243 = tpu.memref_slice %arg5[%dma_wait3A_236, %dma_wait3A_237, %dma_wait3A_242] : memref<6x2x96xi32, #tpu.memory_space<vmem>> -> memref<1x1x96xi32, #tpu.memory_space<vmem>>
    %dma_wait3A_244 = tpu.memref_squeeze %dma_wait3A_243 : memref<1x1x96xi32, #tpu.memory_space<vmem>> -> memref<96xi32, #tpu.memory_space<vmem>>
    %dma_wait3A_245 = arith.constant 0 : i32
    %dma_wait3A_246 = arith.constant 0 : i32
    %dma_wait3A_247 = tpu.memref_slice %arg7[%dma_wait3A_245, %dma_wait3A_246] : memref<10752x128xf32, #tpu.memory_space<vmem_shared>> -> memref<10752x128xf32, #tpu.memory_space<vmem_shared>>
    tpu.wait_indirect_dma semaphore(%arg17 : memref<!tpu.dma_semaphore, #tpu.memory_space<semaphore_mem>>) src(%dma_wait3A_241 : memref<96x128xf32, #tpu.memory_space<vmem>>) dst(%dma_wait3A_247 : memref<10752x128xf32, #tpu.memory_space<vmem_shared>>)
    %dma_wait3A_248 = arith.constant 3 : i32
    %dma_wait3A_249 = arith.constant 0 : i32
    %dma_wait3A_250 = arith.constant 0 : i32
    %dma_wait3A_251 = tpu.memref_slice %arg5[%dma_wait3A_248, %dma_wait3A_249, %dma_wait3A_250] : memref<6x2x96xi32, #tpu.memory_space<vmem>> -> memref<1x2x96xi32, #tpu.memory_space<vmem>>
    %dma_wait3A_252 = tpu.memref_squeeze %dma_wait3A_251 : memref<1x2x96xi32, #tpu.memory_space<vmem>> -> memref<2x96xi32, #tpu.memory_space<vmem>>
    %dma_wait3A_253 = arith.constant 0 : i32
    %dma_wait3A_254 = arith.constant 0 : i32
    %dma_wait3A_255 = tpu.memref_slice %arg3[%mul3A_2, %dma_wait3A_253, %dma_wait3A_254] : memref<3456x2x96xi32, #tpu.memory_space<hbm>> -> memref<1x2x96xi32, #tpu.memory_space<hbm>>
    %dma_wait3A_256 = tpu.memref_squeeze %dma_wait3A_255 : memref<1x2x96xi32, #tpu.memory_space<hbm>> -> memref<2x96xi32, #tpu.memory_space<hbm>>
    %dma_wait3A_257 = arith.constant 0 : i32
    %dma_wait3A_258 = arith.constant 0 : i32
    %dma_wait3A_259 = tpu.memref_slice %arg5[%dma_wait3A_248, %dma_wait3A_257, %dma_wait3A_258] : memref<6x2x96xi32, #tpu.memory_space<vmem>> -> memref<1x2x96xi32, #tpu.memory_space<vmem>>
    %dma_wait3A_260 = tpu.memref_squeeze %dma_wait3A_259 : memref<1x2x96xi32, #tpu.memory_space<vmem>> -> memref<2x96xi32, #tpu.memory_space<vmem>>
    %dma_wait3A_261 = arith.constant 0 : i32
    %dma_wait3A_262 = arith.constant 0 : i32
    %dma_wait3A_263 = tpu.memref_slice %arg3[%mul3A_2, %dma_wait3A_261, %dma_wait3A_262] : memref<3456x2x96xi32, #tpu.memory_space<hbm>> -> memref<1x2x96xi32, #tpu.memory_space<hbm>>
    %dma_wait3A_264 = tpu.memref_squeeze %dma_wait3A_263 : memref<1x2x96xi32, #tpu.memory_space<hbm>> -> memref<2x96xi32, #tpu.memory_space<hbm>>
    tpu.wait_dma2 semaphore(%arg11 : memref<!tpu.dma_semaphore, #tpu.memory_space<semaphore_mem>>) src(%dma_wait3A_264 : memref<2x96xi32, #tpu.memory_space<hbm>>) dst(%dma_wait3A_260 : memref<2x96xi32, #tpu.memory_space<vmem>>)
    %dma_start3A_265 = arith.constant 3 : i32
    %dma_start3A_266 = arith.constant 0 : i32
    %dma_start3A_267 = arith.constant 0 : i32
    %dma_start3A_268 = arith.constant 0 : i32
    %dma_start3A_269 = arith.constant 0 : i32
    %dma_start3A_270 = tpu.memref_slice %arg6[%dma_start3A_267, %dma_start3A_268, %dma_start3A_269] : memref<3x96x128xf32, #tpu.memory_space<vmem>> -> memref<1x96x128xf32, #tpu.memory_space<vmem>>
    %dma_start3A_271 = tpu.memref_squeeze %dma_start3A_270 : memref<1x96x128xf32, #tpu.memory_space<vmem>> -> memref<96x128xf32, #tpu.memory_space<vmem>>
    %dma_start3A_272 = arith.constant 0 : i32
    %dma_start3A_273 = tpu.memref_slice %arg5[%dma_start3A_265, %dma_start3A_266, %dma_start3A_272] : memref<6x2x96xi32, #tpu.memory_space<vmem>> -> memref<1x1x96xi32, #tpu.memory_space<vmem>>
    %dma_start3A_274 = tpu.memref_squeeze %dma_start3A_273 : memref<1x1x96xi32, #tpu.memory_space<vmem>> -> memref<96xi32, #tpu.memory_space<vmem>>
    %dma_start3A_275 = arith.constant 0 : i32
    %dma_start3A_276 = arith.constant 0 : i32
    %dma_start3A_277 = tpu.memref_slice %arg2[%dma_start3A_275, %dma_start3A_276] : memref<10752x128xf32, #tpu.memory_space<hbm>> -> memref<10752x128xf32, #tpu.memory_space<hbm>>
    tpu.enqueue_indirect_dma source(%dma_start3A_277 : memref<10752x128xf32, #tpu.memory_space<hbm>>) target(%dma_start3A_271 : memref<96x128xf32, #tpu.memory_space<vmem>>) offsets(%dma_start3A_274 : memref<96xi32, #tpu.memory_space<vmem>>) semaphore(%arg14 : memref<!tpu.dma_semaphore, #tpu.memory_space<semaphore_mem>>)
    %dma_start3A_278 = arith.constant 1 : i32
    %dma_start3A_279 = arith.constant 1 : i32
    %dma_start3A_280 = arith.constant 1 : i32
    %dma_start3A_281 = arith.constant 0 : i32
    %dma_start3A_282 = arith.constant 0 : i32
    %dma_start3A_283 = tpu.memref_slice %arg6[%dma_start3A_278, %dma_start3A_281, %dma_start3A_282] : memref<3x96x128xf32, #tpu.memory_space<vmem>> -> memref<1x96x128xf32, #tpu.memory_space<vmem>>
    %dma_start3A_284 = tpu.memref_squeeze %dma_start3A_283 : memref<1x96x128xf32, #tpu.memory_space<vmem>> -> memref<96x128xf32, #tpu.memory_space<vmem>>
    %dma_start3A_285 = arith.constant 0 : i32
    %dma_start3A_286 = tpu.memref_slice %arg5[%dma_start3A_279, %dma_start3A_280, %dma_start3A_285] : memref<6x2x96xi32, #tpu.memory_space<vmem>> -> memref<1x1x96xi32, #tpu.memory_space<vmem>>
    %dma_start3A_287 = tpu.memref_squeeze %dma_start3A_286 : memref<1x1x96xi32, #tpu.memory_space<vmem>> -> memref<96xi32, #tpu.memory_space<vmem>>
    %dma_start3A_288 = arith.constant 0 : i32
    %dma_start3A_289 = arith.constant 0 : i32
    %dma_start3A_290 = tpu.memref_slice %arg7[%dma_start3A_288, %dma_start3A_289] : memref<10752x128xf32, #tpu.memory_space<vmem_shared>> -> memref<10752x128xf32, #tpu.memory_space<vmem_shared>>
    tpu.enqueue_indirect_dma source(%dma_start3A_284 : memref<96x128xf32, #tpu.memory_space<vmem>>) target(%dma_start3A_290 : memref<10752x128xf32, #tpu.memory_space<vmem_shared>>) offsets(%dma_start3A_287 : memref<96xi32, #tpu.memory_space<vmem>>) semaphore(%arg18 : memref<!tpu.dma_semaphore, #tpu.memory_space<semaphore_mem>>) {add = true}
    %add3A_291 = arith.constant 1 : i32
    %add3A_292 = arith.addi %mul3A_2, %add3A_291 : i32
    %add3A_293 = arith.constant 3 : i32
    %add3A_294 = arith.addi %add3A_292, %add3A_293 : i32
    %dma_start3A_295 = arith.constant 4 : i32
    %dma_start3A_296 = arith.constant 0 : i32
    %dma_start3A_297 = arith.constant 0 : i32
    %dma_start3A_298 = tpu.memref_slice %arg5[%dma_start3A_295, %dma_start3A_296, %dma_start3A_297] : memref<6x2x96xi32, #tpu.memory_space<vmem>> -> memref<1x2x96xi32, #tpu.memory_space<vmem>>
    %dma_start3A_299 = tpu.memref_squeeze %dma_start3A_298 : memref<1x2x96xi32, #tpu.memory_space<vmem>> -> memref<2x96xi32, #tpu.memory_space<vmem>>
    %dma_start3A_300 = arith.constant 0 : i32
    %dma_start3A_301 = arith.constant 0 : i32
    %dma_start3A_302 = tpu.memref_slice %arg3[%add3A_294, %dma_start3A_300, %dma_start3A_301] : memref<3456x2x96xi32, #tpu.memory_space<hbm>> -> memref<1x2x96xi32, #tpu.memory_space<hbm>>
    %dma_start3A_303 = tpu.memref_squeeze %dma_start3A_302 : memref<1x2x96xi32, #tpu.memory_space<hbm>> -> memref<2x96xi32, #tpu.memory_space<hbm>>
    %dma_start3A_304 = arith.constant 0 : i32
    %dma_start3A_305 = arith.constant 0 : i32
    %dma_start3A_306 = tpu.memref_slice %arg5[%dma_start3A_295, %dma_start3A_304, %dma_start3A_305] : memref<6x2x96xi32, #tpu.memory_space<vmem>> -> memref<1x2x96xi32, #tpu.memory_space<vmem>>
    %dma_start3A_307 = tpu.memref_squeeze %dma_start3A_306 : memref<1x2x96xi32, #tpu.memory_space<vmem>> -> memref<2x96xi32, #tpu.memory_space<vmem>>
    %dma_start3A_308 = arith.constant 0 : i32
    %dma_start3A_309 = arith.constant 0 : i32
    %dma_start3A_310 = tpu.memref_slice %arg3[%add3A_294, %dma_start3A_308, %dma_start3A_309] : memref<3456x2x96xi32, #tpu.memory_space<hbm>> -> memref<1x2x96xi32, #tpu.memory_space<hbm>>
    %dma_start3A_311 = tpu.memref_squeeze %dma_start3A_310 : memref<1x2x96xi32, #tpu.memory_space<hbm>> -> memref<2x96xi32, #tpu.memory_space<hbm>>
    tpu.enqueue_dma source(%dma_start3A_311 : memref<2x96xi32, #tpu.memory_space<hbm>>) target(%dma_start3A_307 : memref<2x96xi32, #tpu.memory_space<vmem>>) target_semaphore(%arg12 : memref<!tpu.dma_semaphore, #tpu.memory_space<semaphore_mem>>)
    %dma_wait3A_312 = arith.constant 2 : i32
    %dma_wait3A_313 = arith.constant 0 : i32
    %dma_wait3A_314 = arith.constant 2 : i32
    %dma_wait3A_315 = arith.constant 0 : i32
    %dma_wait3A_316 = arith.constant 0 : i32
    %dma_wait3A_317 = tpu.memref_slice %arg6[%dma_wait3A_314, %dma_wait3A_315, %dma_wait3A_316] : memref<3x96x128xf32, #tpu.memory_space<vmem>> -> memref<1x96x128xf32, #tpu.memory_space<vmem>>
    %dma_wait3A_318 = tpu.memref_squeeze %dma_wait3A_317 : memref<1x96x128xf32, #tpu.memory_space<vmem>> -> memref<96x128xf32, #tpu.memory_space<vmem>>
    %dma_wait3A_319 = arith.constant 0 : i32
    %dma_wait3A_320 = tpu.memref_slice %arg5[%dma_wait3A_312, %dma_wait3A_313, %dma_wait3A_319] : memref<6x2x96xi32, #tpu.memory_space<vmem>> -> memref<1x1x96xi32, #tpu.memory_space<vmem>>
    %dma_wait3A_321 = tpu.memref_squeeze %dma_wait3A_320 : memref<1x1x96xi32, #tpu.memory_space<vmem>> -> memref<96xi32, #tpu.memory_space<vmem>>
    %dma_wait3A_322 = arith.constant 0 : i32
    %dma_wait3A_323 = arith.constant 0 : i32
    %dma_wait3A_324 = tpu.memref_slice %arg2[%dma_wait3A_322, %dma_wait3A_323] : memref<10752x128xf32, #tpu.memory_space<hbm>> -> memref<10752x128xf32, #tpu.memory_space<hbm>>
    tpu.wait_indirect_dma semaphore(%arg16 : memref<!tpu.dma_semaphore, #tpu.memory_space<semaphore_mem>>) src(%dma_wait3A_324 : memref<10752x128xf32, #tpu.memory_space<hbm>>) dst(%dma_wait3A_318 : memref<96x128xf32, #tpu.memory_space<vmem>>)
    %dma_wait3A_325 = arith.constant 2 : i32
    %dma_wait3A_326 = arith.constant 2 : i32
    %dma_wait3A_327 = arith.constant 1 : i32
    %dma_wait3A_328 = arith.constant 0 : i32
    %dma_wait3A_329 = arith.constant 0 : i32
    %dma_wait3A_330 = tpu.memref_slice %arg6[%dma_wait3A_325, %dma_wait3A_328, %dma_wait3A_329] : memref<3x96x128xf32, #tpu.memory_space<vmem>> -> memref<1x96x128xf32, #tpu.memory_space<vmem>>
    %dma_wait3A_331 = tpu.memref_squeeze %dma_wait3A_330 : memref<1x96x128xf32, #tpu.memory_space<vmem>> -> memref<96x128xf32, #tpu.memory_space<vmem>>
    %dma_wait3A_332 = arith.constant 0 : i32
    %dma_wait3A_333 = tpu.memref_slice %arg5[%dma_wait3A_326, %dma_wait3A_327, %dma_wait3A_332] : memref<6x2x96xi32, #tpu.memory_space<vmem>> -> memref<1x1x96xi32, #tpu.memory_space<vmem>>
    %dma_wait3A_334 = tpu.memref_squeeze %dma_wait3A_333 : memref<1x1x96xi32, #tpu.memory_space<vmem>> -> memref<96xi32, #tpu.memory_space<vmem>>
    %dma_wait3A_335 = arith.constant 0 : i32
    %dma_wait3A_336 = arith.constant 0 : i32
    %dma_wait3A_337 = tpu.memref_slice %arg7[%dma_wait3A_335, %dma_wait3A_336] : memref<10752x128xf32, #tpu.memory_space<vmem_shared>> -> memref<10752x128xf32, #tpu.memory_space<vmem_shared>>
    tpu.wait_indirect_dma semaphore(%arg18 : memref<!tpu.dma_semaphore, #tpu.memory_space<semaphore_mem>>) src(%dma_wait3A_331 : memref<96x128xf32, #tpu.memory_space<vmem>>) dst(%dma_wait3A_337 : memref<10752x128xf32, #tpu.memory_space<vmem_shared>>)
    %dma_wait3A_338 = arith.constant 4 : i32
    %dma_wait3A_339 = arith.constant 0 : i32
    %dma_wait3A_340 = arith.constant 0 : i32
    %dma_wait3A_341 = tpu.memref_slice %arg5[%dma_wait3A_338, %dma_wait3A_339, %dma_wait3A_340] : memref<6x2x96xi32, #tpu.memory_space<vmem>> -> memref<1x2x96xi32, #tpu.memory_space<vmem>>
    %dma_wait3A_342 = tpu.memref_squeeze %dma_wait3A_341 : memref<1x2x96xi32, #tpu.memory_space<vmem>> -> memref<2x96xi32, #tpu.memory_space<vmem>>
    %dma_wait3A_343 = arith.constant 0 : i32
    %dma_wait3A_344 = arith.constant 0 : i32
    %dma_wait3A_345 = tpu.memref_slice %arg3[%mul3A_2, %dma_wait3A_343, %dma_wait3A_344] : memref<3456x2x96xi32, #tpu.memory_space<hbm>> -> memref<1x2x96xi32, #tpu.memory_space<hbm>>
    %dma_wait3A_346 = tpu.memref_squeeze %dma_wait3A_345 : memref<1x2x96xi32, #tpu.memory_space<hbm>> -> memref<2x96xi32, #tpu.memory_space<hbm>>
    %dma_wait3A_347 = arith.constant 0 : i32
    %dma_wait3A_348 = arith.constant 0 : i32
    %dma_wait3A_349 = tpu.memref_slice %arg5[%dma_wait3A_338, %dma_wait3A_347, %dma_wait3A_348] : memref<6x2x96xi32, #tpu.memory_space<vmem>> -> memref<1x2x96xi32, #tpu.memory_space<vmem>>
    %dma_wait3A_350 = tpu.memref_squeeze %dma_wait3A_349 : memref<1x2x96xi32, #tpu.memory_space<vmem>> -> memref<2x96xi32, #tpu.memory_space<vmem>>
    %dma_wait3A_351 = arith.constant 0 : i32
    %dma_wait3A_352 = arith.constant 0 : i32
    %dma_wait3A_353 = tpu.memref_slice %arg3[%mul3A_2, %dma_wait3A_351, %dma_wait3A_352] : memref<3456x2x96xi32, #tpu.memory_space<hbm>> -> memref<1x2x96xi32, #tpu.memory_space<hbm>>
    %dma_wait3A_354 = tpu.memref_squeeze %dma_wait3A_353 : memref<1x2x96xi32, #tpu.memory_space<hbm>> -> memref<2x96xi32, #tpu.memory_space<hbm>>
    tpu.wait_dma2 semaphore(%arg12 : memref<!tpu.dma_semaphore, #tpu.memory_space<semaphore_mem>>) src(%dma_wait3A_354 : memref<2x96xi32, #tpu.memory_space<hbm>>) dst(%dma_wait3A_350 : memref<2x96xi32, #tpu.memory_space<vmem>>)
    %dma_start3A_355 = arith.constant 4 : i32
    %dma_start3A_356 = arith.constant 0 : i32
    %dma_start3A_357 = arith.constant 1 : i32
    %dma_start3A_358 = arith.constant 0 : i32
    %dma_start3A_359 = arith.constant 0 : i32
    %dma_start3A_360 = tpu.memref_slice %arg6[%dma_start3A_357, %dma_start3A_358, %dma_start3A_359] : memref<3x96x128xf32, #tpu.memory_space<vmem>> -> memref<1x96x128xf32, #tpu.memory_space<vmem>>
    %dma_start3A_361 = tpu.memref_squeeze %dma_start3A_360 : memref<1x96x128xf32, #tpu.memory_space<vmem>> -> memref<96x128xf32, #tpu.memory_space<vmem>>
    %dma_start3A_362 = arith.constant 0 : i32
    %dma_start3A_363 = tpu.memref_slice %arg5[%dma_start3A_355, %dma_start3A_356, %dma_start3A_362] : memref<6x2x96xi32, #tpu.memory_space<vmem>> -> memref<1x1x96xi32, #tpu.memory_space<vmem>>
    %dma_start3A_364 = tpu.memref_squeeze %dma_start3A_363 : memref<1x1x96xi32, #tpu.memory_space<vmem>> -> memref<96xi32, #tpu.memory_space<vmem>>
    %dma_start3A_365 = arith.constant 0 : i32
    %dma_start3A_366 = arith.constant 0 : i32
    %dma_start3A_367 = tpu.memref_slice %arg2[%dma_start3A_365, %dma_start3A_366] : memref<10752x128xf32, #tpu.memory_space<hbm>> -> memref<10752x128xf32, #tpu.memory_space<hbm>>
    tpu.enqueue_indirect_dma source(%dma_start3A_367 : memref<10752x128xf32, #tpu.memory_space<hbm>>) target(%dma_start3A_361 : memref<96x128xf32, #tpu.memory_space<vmem>>) offsets(%dma_start3A_364 : memref<96xi32, #tpu.memory_space<vmem>>) semaphore(%arg15 : memref<!tpu.dma_semaphore, #tpu.memory_space<semaphore_mem>>)
    %dma_start3A_368 = arith.constant 2 : i32
    %dma_start3A_369 = arith.constant 2 : i32
    %dma_start3A_370 = arith.constant 1 : i32
    %dma_start3A_371 = arith.constant 0 : i32
    %dma_start3A_372 = arith.constant 0 : i32
    %dma_start3A_373 = tpu.memref_slice %arg6[%dma_start3A_368, %dma_start3A_371, %dma_start3A_372] : memref<3x96x128xf32, #tpu.memory_space<vmem>> -> memref<1x96x128xf32, #tpu.memory_space<vmem>>
    %dma_start3A_374 = tpu.memref_squeeze %dma_start3A_373 : memref<1x96x128xf32, #tpu.memory_space<vmem>> -> memref<96x128xf32, #tpu.memory_space<vmem>>
    %dma_start3A_375 = arith.constant 0 : i32
    %dma_start3A_376 = tpu.memref_slice %arg5[%dma_start3A_369, %dma_start3A_370, %dma_start3A_375] : memref<6x2x96xi32, #tpu.memory_space<vmem>> -> memref<1x1x96xi32, #tpu.memory_space<vmem>>
    %dma_start3A_377 = tpu.memref_squeeze %dma_start3A_376 : memref<1x1x96xi32, #tpu.memory_space<vmem>> -> memref<96xi32, #tpu.memory_space<vmem>>
    %dma_start3A_378 = arith.constant 0 : i32
    %dma_start3A_379 = arith.constant 0 : i32
    %dma_start3A_380 = tpu.memref_slice %arg7[%dma_start3A_378, %dma_start3A_379] : memref<10752x128xf32, #tpu.memory_space<vmem_shared>> -> memref<10752x128xf32, #tpu.memory_space<vmem_shared>>
    tpu.enqueue_indirect_dma source(%dma_start3A_374 : memref<96x128xf32, #tpu.memory_space<vmem>>) target(%dma_start3A_380 : memref<10752x128xf32, #tpu.memory_space<vmem_shared>>) offsets(%dma_start3A_377 : memref<96xi32, #tpu.memory_space<vmem>>) semaphore(%arg17 : memref<!tpu.dma_semaphore, #tpu.memory_space<semaphore_mem>>) {add = true}
    %add3A_381 = arith.constant 2 : i32
    %add3A_382 = arith.addi %mul3A_2, %add3A_381 : i32
    %add3A_383 = arith.constant 3 : i32
    %add3A_384 = arith.addi %add3A_382, %add3A_383 : i32
    %dma_start3A_385 = arith.constant 5 : i32
    %dma_start3A_386 = arith.constant 0 : i32
    %dma_start3A_387 = arith.constant 0 : i32
    %dma_start3A_388 = tpu.memref_slice %arg5[%dma_start3A_385, %dma_start3A_386, %dma_start3A_387] : memref<6x2x96xi32, #tpu.memory_space<vmem>> -> memref<1x2x96xi32, #tpu.memory_space<vmem>>
    %dma_start3A_389 = tpu.memref_squeeze %dma_start3A_388 : memref<1x2x96xi32, #tpu.memory_space<vmem>> -> memref<2x96xi32, #tpu.memory_space<vmem>>
    %dma_start3A_390 = arith.constant 0 : i32
    %dma_start3A_391 = arith.constant 0 : i32
    %dma_start3A_392 = tpu.memref_slice %arg3[%add3A_384, %dma_start3A_390, %dma_start3A_391] : memref<3456x2x96xi32, #tpu.memory_space<hbm>> -> memref<1x2x96xi32, #tpu.memory_space<hbm>>
    %dma_start3A_393 = tpu.memref_squeeze %dma_start3A_392 : memref<1x2x96xi32, #tpu.memory_space<hbm>> -> memref<2x96xi32, #tpu.memory_space<hbm>>
    %dma_start3A_394 = arith.constant 0 : i32
    %dma_start3A_395 = arith.constant 0 : i32
    %dma_start3A_396 = tpu.memref_slice %arg5[%dma_start3A_385, %dma_start3A_394, %dma_start3A_395] : memref<6x2x96xi32, #tpu.memory_space<vmem>> -> memref<1x2x96xi32, #tpu.memory_space<vmem>>
    %dma_start3A_397 = tpu.memref_squeeze %dma_start3A_396 : memref<1x2x96xi32, #tpu.memory_space<vmem>> -> memref<2x96xi32, #tpu.memory_space<vmem>>
    %dma_start3A_398 = arith.constant 0 : i32
    %dma_start3A_399 = arith.constant 0 : i32
    %dma_start3A_400 = tpu.memref_slice %arg3[%add3A_384, %dma_start3A_398, %dma_start3A_399] : memref<3456x2x96xi32, #tpu.memory_space<hbm>> -> memref<1x2x96xi32, #tpu.memory_space<hbm>>
    %dma_start3A_401 = tpu.memref_squeeze %dma_start3A_400 : memref<1x2x96xi32, #tpu.memory_space<hbm>> -> memref<2x96xi32, #tpu.memory_space<hbm>>
    tpu.enqueue_dma source(%dma_start3A_401 : memref<2x96xi32, #tpu.memory_space<hbm>>) target(%dma_start3A_397 : memref<2x96xi32, #tpu.memory_space<vmem>>) target_semaphore(%arg13 : memref<!tpu.dma_semaphore, #tpu.memory_space<semaphore_mem>>)
    %dma_wait3A_402 = arith.constant 3 : i32
    %dma_wait3A_403 = arith.constant 0 : i32
    %dma_wait3A_404 = arith.constant 0 : i32
    %dma_wait3A_405 = arith.constant 0 : i32
    %dma_wait3A_406 = arith.constant 0 : i32
    %dma_wait3A_407 = tpu.memref_slice %arg6[%dma_wait3A_404, %dma_wait3A_405, %dma_wait3A_406] : memref<3x96x128xf32, #tpu.memory_space<vmem>> -> memref<1x96x128xf32, #tpu.memory_space<vmem>>
    %dma_wait3A_408 = tpu.memref_squeeze %dma_wait3A_407 : memref<1x96x128xf32, #tpu.memory_space<vmem>> -> memref<96x128xf32, #tpu.memory_space<vmem>>
    %dma_wait3A_409 = arith.constant 0 : i32
    %dma_wait3A_410 = tpu.memref_slice %arg5[%dma_wait3A_402, %dma_wait3A_403, %dma_wait3A_409] : memref<6x2x96xi32, #tpu.memory_space<vmem>> -> memref<1x1x96xi32, #tpu.memory_space<vmem>>
    %dma_wait3A_411 = tpu.memref_squeeze %dma_wait3A_410 : memref<1x1x96xi32, #tpu.memory_space<vmem>> -> memref<96xi32, #tpu.memory_space<vmem>>
    %dma_wait3A_412 = arith.constant 0 : i32
    %dma_wait3A_413 = arith.constant 0 : i32
    %dma_wait3A_414 = tpu.memref_slice %arg2[%dma_wait3A_412, %dma_wait3A_413] : memref<10752x128xf32, #tpu.memory_space<hbm>> -> memref<10752x128xf32, #tpu.memory_space<hbm>>
    tpu.wait_indirect_dma semaphore(%arg14 : memref<!tpu.dma_semaphore, #tpu.memory_space<semaphore_mem>>) src(%dma_wait3A_414 : memref<10752x128xf32, #tpu.memory_space<hbm>>) dst(%dma_wait3A_408 : memref<96x128xf32, #tpu.memory_space<vmem>>)
    %dma_wait3A_415 = arith.constant 0 : i32
    %dma_wait3A_416 = arith.constant 3 : i32
    %dma_wait3A_417 = arith.constant 1 : i32
    %dma_wait3A_418 = arith.constant 0 : i32
    %dma_wait3A_419 = arith.constant 0 : i32
    %dma_wait3A_420 = tpu.memref_slice %arg6[%dma_wait3A_415, %dma_wait3A_418, %dma_wait3A_419] : memref<3x96x128xf32, #tpu.memory_space<vmem>> -> memref<1x96x128xf32, #tpu.memory_space<vmem>>
    %dma_wait3A_421 = tpu.memref_squeeze %dma_wait3A_420 : memref<1x96x128xf32, #tpu.memory_space<vmem>> -> memref<96x128xf32, #tpu.memory_space<vmem>>
    %dma_wait3A_422 = arith.constant 0 : i32
    %dma_wait3A_423 = tpu.memref_slice %arg5[%dma_wait3A_416, %dma_wait3A_417, %dma_wait3A_422] : memref<6x2x96xi32, #tpu.memory_space<vmem>> -> memref<1x1x96xi32, #tpu.memory_space<vmem>>
    %dma_wait3A_424 = tpu.memref_squeeze %dma_wait3A_423 : memref<1x1x96xi32, #tpu.memory_space<vmem>> -> memref<96xi32, #tpu.memory_space<vmem>>
    %dma_wait3A_425 = arith.constant 0 : i32
    %dma_wait3A_426 = arith.constant 0 : i32
    %dma_wait3A_427 = tpu.memref_slice %arg7[%dma_wait3A_425, %dma_wait3A_426] : memref<10752x128xf32, #tpu.memory_space<vmem_shared>> -> memref<10752x128xf32, #tpu.memory_space<vmem_shared>>
    tpu.wait_indirect_dma semaphore(%arg17 : memref<!tpu.dma_semaphore, #tpu.memory_space<semaphore_mem>>) src(%dma_wait3A_421 : memref<96x128xf32, #tpu.memory_space<vmem>>) dst(%dma_wait3A_427 : memref<10752x128xf32, #tpu.memory_space<vmem_shared>>)
    %dma_wait3A_428 = arith.constant 5 : i32
    %dma_wait3A_429 = arith.constant 0 : i32
    %dma_wait3A_430 = arith.constant 0 : i32
    %dma_wait3A_431 = tpu.memref_slice %arg5[%dma_wait3A_428, %dma_wait3A_429, %dma_wait3A_430] : memref<6x2x96xi32, #tpu.memory_space<vmem>> -> memref<1x2x96xi32, #tpu.memory_space<vmem>>
    %dma_wait3A_432 = tpu.memref_squeeze %dma_wait3A_431 : memref<1x2x96xi32, #tpu.memory_space<vmem>> -> memref<2x96xi32, #tpu.memory_space<vmem>>
    %dma_wait3A_433 = arith.constant 0 : i32
    %dma_wait3A_434 = arith.constant 0 : i32
    %dma_wait3A_435 = tpu.memref_slice %arg3[%mul3A_2, %dma_wait3A_433, %dma_wait3A_434] : memref<3456x2x96xi32, #tpu.memory_space<hbm>> -> memref<1x2x96xi32, #tpu.memory_space<hbm>>
    %dma_wait3A_436 = tpu.memref_squeeze %dma_wait3A_435 : memref<1x2x96xi32, #tpu.memory_space<hbm>> -> memref<2x96xi32, #tpu.memory_space<hbm>>
    %dma_wait3A_437 = arith.constant 0 : i32
    %dma_wait3A_438 = arith.constant 0 : i32
    %dma_wait3A_439 = tpu.memref_slice %arg5[%dma_wait3A_428, %dma_wait3A_437, %dma_wait3A_438] : memref<6x2x96xi32, #tpu.memory_space<vmem>> -> memref<1x2x96xi32, #tpu.memory_space<vmem>>
    %dma_wait3A_440 = tpu.memref_squeeze %dma_wait3A_439 : memref<1x2x96xi32, #tpu.memory_space<vmem>> -> memref<2x96xi32, #tpu.memory_space<vmem>>
    %dma_wait3A_441 = arith.constant 0 : i32
    %dma_wait3A_442 = arith.constant 0 : i32
    %dma_wait3A_443 = tpu.memref_slice %arg3[%mul3A_2, %dma_wait3A_441, %dma_wait3A_442] : memref<3456x2x96xi32, #tpu.memory_space<hbm>> -> memref<1x2x96xi32, #tpu.memory_space<hbm>>
    %dma_wait3A_444 = tpu.memref_squeeze %dma_wait3A_443 : memref<1x2x96xi32, #tpu.memory_space<hbm>> -> memref<2x96xi32, #tpu.memory_space<hbm>>
    tpu.wait_dma2 semaphore(%arg13 : memref<!tpu.dma_semaphore, #tpu.memory_space<semaphore_mem>>) src(%dma_wait3A_444 : memref<2x96xi32, #tpu.memory_space<hbm>>) dst(%dma_wait3A_440 : memref<2x96xi32, #tpu.memory_space<vmem>>)
    %dma_start3A_445 = arith.constant 5 : i32
    %dma_start3A_446 = arith.constant 0 : i32
    %dma_start3A_447 = arith.constant 2 : i32
    %dma_start3A_448 = arith.constant 0 : i32
    %dma_start3A_449 = arith.constant 0 : i32
    %dma_start3A_450 = tpu.memref_slice %arg6[%dma_start3A_447, %dma_start3A_448, %dma_start3A_449] : memref<3x96x128xf32, #tpu.memory_space<vmem>> -> memref<1x96x128xf32, #tpu.memory_space<vmem>>
    %dma_start3A_451 = tpu.memref_squeeze %dma_start3A_450 : memref<1x96x128xf32, #tpu.memory_space<vmem>> -> memref<96x128xf32, #tpu.memory_space<vmem>>
    %dma_start3A_452 = arith.constant 0 : i32
    %dma_start3A_453 = tpu.memref_slice %arg5[%dma_start3A_445, %dma_start3A_446, %dma_start3A_452] : memref<6x2x96xi32, #tpu.memory_space<vmem>> -> memref<1x1x96xi32, #tpu.memory_space<vmem>>
    %dma_start3A_454 = tpu.memref_squeeze %dma_start3A_453 : memref<1x1x96xi32, #tpu.memory_space<vmem>> -> memref<96xi32, #tpu.memory_space<vmem>>
    %dma_start3A_455 = arith.constant 0 : i32
    %dma_start3A_456 = arith.constant 0 : i32
    %dma_start3A_457 = tpu.memref_slice %arg2[%dma_start3A_455, %dma_start3A_456] : memref<10752x128xf32, #tpu.memory_space<hbm>> -> memref<10752x128xf32, #tpu.memory_space<hbm>>
    tpu.enqueue_indirect_dma source(%dma_start3A_457 : memref<10752x128xf32, #tpu.memory_space<hbm>>) target(%dma_start3A_451 : memref<96x128xf32, #tpu.memory_space<vmem>>) offsets(%dma_start3A_454 : memref<96xi32, #tpu.memory_space<vmem>>) semaphore(%arg16 : memref<!tpu.dma_semaphore, #tpu.memory_space<semaphore_mem>>)
    %dma_start3A_458 = arith.constant 0 : i32
    %dma_start3A_459 = arith.constant 3 : i32
    %dma_start3A_460 = arith.constant 1 : i32
    %dma_start3A_461 = arith.constant 0 : i32
    %dma_start3A_462 = arith.constant 0 : i32
    %dma_start3A_463 = tpu.memref_slice %arg6[%dma_start3A_458, %dma_start3A_461, %dma_start3A_462] : memref<3x96x128xf32, #tpu.memory_space<vmem>> -> memref<1x96x128xf32, #tpu.memory_space<vmem>>
    %dma_start3A_464 = tpu.memref_squeeze %dma_start3A_463 : memref<1x96x128xf32, #tpu.memory_space<vmem>> -> memref<96x128xf32, #tpu.memory_space<vmem>>
    %dma_start3A_465 = arith.constant 0 : i32
    %dma_start3A_466 = tpu.memref_slice %arg5[%dma_start3A_459, %dma_start3A_460, %dma_start3A_465] : memref<6x2x96xi32, #tpu.memory_space<vmem>> -> memref<1x1x96xi32, #tpu.memory_space<vmem>>
    %dma_start3A_467 = tpu.memref_squeeze %dma_start3A_466 : memref<1x1x96xi32, #tpu.memory_space<vmem>> -> memref<96xi32, #tpu.memory_space<vmem>>
    %dma_start3A_468 = arith.constant 0 : i32
    %dma_start3A_469 = arith.constant 0 : i32
    %dma_start3A_470 = tpu.memref_slice %arg7[%dma_start3A_468, %dma_start3A_469] : memref<10752x128xf32, #tpu.memory_space<vmem_shared>> -> memref<10752x128xf32, #tpu.memory_space<vmem_shared>>
    tpu.enqueue_indirect_dma source(%dma_start3A_464 : memref<96x128xf32, #tpu.memory_space<vmem>>) target(%dma_start3A_470 : memref<10752x128xf32, #tpu.memory_space<vmem_shared>>) offsets(%dma_start3A_467 : memref<96xi32, #tpu.memory_space<vmem>>) semaphore(%arg18 : memref<!tpu.dma_semaphore, #tpu.memory_space<semaphore_mem>>) {add = true}
    %add3A_471 = arith.constant 3 : i32
    %add3A_472 = arith.addi %mul3A_2, %add3A_471 : i32
    %add3A_473 = arith.constant 3 : i32
    %add3A_474 = arith.addi %add3A_472, %add3A_473 : i32
    %dma_start3A_475 = arith.constant 0 : i32
    %dma_start3A_476 = arith.constant 0 : i32
    %dma_start3A_477 = arith.constant 0 : i32
    %dma_start3A_478 = tpu.memref_slice %arg5[%dma_start3A_475, %dma_start3A_476, %dma_start3A_477] : memref<6x2x96xi32, #tpu.memory_space<vmem>> -> memref<1x2x96xi32, #tpu.memory_space<vmem>>
    %dma_start3A_479 = tpu.memref_squeeze %dma_start3A_478 : memref<1x2x96xi32, #tpu.memory_space<vmem>> -> memref<2x96xi32, #tpu.memory_space<vmem>>
    %dma_start3A_480 = arith.constant 0 : i32
    %dma_start3A_481 = arith.constant 0 : i32
    %dma_start3A_482 = tpu.memref_slice %arg3[%add3A_474, %dma_start3A_480, %dma_start3A_481] : memref<3456x2x96xi32, #tpu.memory_space<hbm>> -> memref<1x2x96xi32, #tpu.memory_space<hbm>>
    %dma_start3A_483 = tpu.memref_squeeze %dma_start3A_482 : memref<1x2x96xi32, #tpu.memory_space<hbm>> -> memref<2x96xi32, #tpu.memory_space<hbm>>
    %dma_start3A_484 = arith.constant 0 : i32
    %dma_start3A_485 = arith.constant 0 : i32
    %dma_start3A_486 = tpu.memref_slice %arg5[%dma_start3A_475, %dma_start3A_484, %dma_start3A_485] : memref<6x2x96xi32, #tpu.memory_space<vmem>> -> memref<1x2x96xi32, #tpu.memory_space<vmem>>
    %dma_start3A_487 = tpu.memref_squeeze %dma_start3A_486 : memref<1x2x96xi32, #tpu.memory_space<vmem>> -> memref<2x96xi32, #tpu.memory_space<vmem>>
    %dma_start3A_488 = arith.constant 0 : i32
    %dma_start3A_489 = arith.constant 0 : i32
    %dma_start3A_490 = tpu.memref_slice %arg3[%add3A_474, %dma_start3A_488, %dma_start3A_489] : memref<3456x2x96xi32, #tpu.memory_space<hbm>> -> memref<1x2x96xi32, #tpu.memory_space<hbm>>
    %dma_start3A_491 = tpu.memref_squeeze %dma_start3A_490 : memref<1x2x96xi32, #tpu.memory_space<hbm>> -> memref<2x96xi32, #tpu.memory_space<hbm>>
    tpu.enqueue_dma source(%dma_start3A_491 : memref<2x96xi32, #tpu.memory_space<hbm>>) target(%dma_start3A_487 : memref<2x96xi32, #tpu.memory_space<vmem>>) target_semaphore(%arg8 : memref<!tpu.dma_semaphore, #tpu.memory_space<semaphore_mem>>)
    %dma_wait3A_492 = arith.constant 4 : i32
    %dma_wait3A_493 = arith.constant 0 : i32
    %dma_wait3A_494 = arith.constant 1 : i32
    %dma_wait3A_495 = arith.constant 0 : i32
    %dma_wait3A_496 = arith.constant 0 : i32
    %dma_wait3A_497 = tpu.memref_slice %arg6[%dma_wait3A_494, %dma_wait3A_495, %dma_wait3A_496] : memref<3x96x128xf32, #tpu.memory_space<vmem>> -> memref<1x96x128xf32, #tpu.memory_space<vmem>>
    %dma_wait3A_498 = tpu.memref_squeeze %dma_wait3A_497 : memref<1x96x128xf32, #tpu.memory_space<vmem>> -> memref<96x128xf32, #tpu.memory_space<vmem>>
    %dma_wait3A_499 = arith.constant 0 : i32
    %dma_wait3A_500 = tpu.memref_slice %arg5[%dma_wait3A_492, %dma_wait3A_493, %dma_wait3A_499] : memref<6x2x96xi32, #tpu.memory_space<vmem>> -> memref<1x1x96xi32, #tpu.memory_space<vmem>>
    %dma_wait3A_501 = tpu.memref_squeeze %dma_wait3A_500 : memref<1x1x96xi32, #tpu.memory_space<vmem>> -> memref<96xi32, #tpu.memory_space<vmem>>
    %dma_wait3A_502 = arith.constant 0 : i32
    %dma_wait3A_503 = arith.constant 0 : i32
    %dma_wait3A_504 = tpu.memref_slice %arg2[%dma_wait3A_502, %dma_wait3A_503] : memref<10752x128xf32, #tpu.memory_space<hbm>> -> memref<10752x128xf32, #tpu.memory_space<hbm>>
    tpu.wait_indirect_dma semaphore(%arg15 : memref<!tpu.dma_semaphore, #tpu.memory_space<semaphore_mem>>) src(%dma_wait3A_504 : memref<10752x128xf32, #tpu.memory_space<hbm>>) dst(%dma_wait3A_498 : memref<96x128xf32, #tpu.memory_space<vmem>>)
    %dma_wait3A_505 = arith.constant 1 : i32
    %dma_wait3A_506 = arith.constant 4 : i32
    %dma_wait3A_507 = arith.constant 1 : i32
    %dma_wait3A_508 = arith.constant 0 : i32
    %dma_wait3A_509 = arith.constant 0 : i32
    %dma_wait3A_510 = tpu.memref_slice %arg6[%dma_wait3A_505, %dma_wait3A_508, %dma_wait3A_509] : memref<3x96x128xf32, #tpu.memory_space<vmem>> -> memref<1x96x128xf32, #tpu.memory_space<vmem>>
    %dma_wait3A_511 = tpu.memref_squeeze %dma_wait3A_510 : memref<1x96x128xf32, #tpu.memory_space<vmem>> -> memref<96x128xf32, #tpu.memory_space<vmem>>
    %dma_wait3A_512 = arith.constant 0 : i32
    %dma_wait3A_513 = tpu.memref_slice %arg5[%dma_wait3A_506, %dma_wait3A_507, %dma_wait3A_512] : memref<6x2x96xi32, #tpu.memory_space<vmem>> -> memref<1x1x96xi32, #tpu.memory_space<vmem>>
    %dma_wait3A_514 = tpu.memref_squeeze %dma_wait3A_513 : memref<1x1x96xi32, #tpu.memory_space<vmem>> -> memref<96xi32, #tpu.memory_space<vmem>>
    %dma_wait3A_515 = arith.constant 0 : i32
    %dma_wait3A_516 = arith.constant 0 : i32
    %dma_wait3A_517 = tpu.memref_slice %arg7[%dma_wait3A_515, %dma_wait3A_516] : memref<10752x128xf32, #tpu.memory_space<vmem_shared>> -> memref<10752x128xf32, #tpu.memory_space<vmem_shared>>
    tpu.wait_indirect_dma semaphore(%arg18 : memref<!tpu.dma_semaphore, #tpu.memory_space<semaphore_mem>>) src(%dma_wait3A_511 : memref<96x128xf32, #tpu.memory_space<vmem>>) dst(%dma_wait3A_517 : memref<10752x128xf32, #tpu.memory_space<vmem_shared>>)
    %dma_wait3A_518 = arith.constant 0 : i32
    %dma_wait3A_519 = arith.constant 0 : i32
    %dma_wait3A_520 = arith.constant 0 : i32
    %dma_wait3A_521 = tpu.memref_slice %arg5[%dma_wait3A_518, %dma_wait3A_519, %dma_wait3A_520] : memref<6x2x96xi32, #tpu.memory_space<vmem>> -> memref<1x2x96xi32, #tpu.memory_space<vmem>>
    %dma_wait3A_522 = tpu.memref_squeeze %dma_wait3A_521 : memref<1x2x96xi32, #tpu.memory_space<vmem>> -> memref<2x96xi32, #tpu.memory_space<vmem>>
    %dma_wait3A_523 = arith.constant 0 : i32
    %dma_wait3A_524 = arith.constant 0 : i32
    %dma_wait3A_525 = tpu.memref_slice %arg3[%mul3A_2, %dma_wait3A_523, %dma_wait3A_524] : memref<3456x2x96xi32, #tpu.memory_space<hbm>> -> memref<1x2x96xi32, #tpu.memory_space<hbm>>
    %dma_wait3A_526 = tpu.memref_squeeze %dma_wait3A_525 : memref<1x2x96xi32, #tpu.memory_space<hbm>> -> memref<2x96xi32, #tpu.memory_space<hbm>>
    %dma_wait3A_527 = arith.constant 0 : i32
    %dma_wait3A_528 = arith.constant 0 : i32
    %dma_wait3A_529 = tpu.memref_slice %arg5[%dma_wait3A_518, %dma_wait3A_527, %dma_wait3A_528] : memref<6x2x96xi32, #tpu.memory_space<vmem>> -> memref<1x2x96xi32, #tpu.memory_space<vmem>>
    %dma_wait3A_530 = tpu.memref_squeeze %dma_wait3A_529 : memref<1x2x96xi32, #tpu.memory_space<vmem>> -> memref<2x96xi32, #tpu.memory_space<vmem>>
    %dma_wait3A_531 = arith.constant 0 : i32
    %dma_wait3A_532 = arith.constant 0 : i32
    %dma_wait3A_533 = tpu.memref_slice %arg3[%mul3A_2, %dma_wait3A_531, %dma_wait3A_532] : memref<3456x2x96xi32, #tpu.memory_space<hbm>> -> memref<1x2x96xi32, #tpu.memory_space<hbm>>
    %dma_wait3A_534 = tpu.memref_squeeze %dma_wait3A_533 : memref<1x2x96xi32, #tpu.memory_space<hbm>> -> memref<2x96xi32, #tpu.memory_space<hbm>>
    tpu.wait_dma2 semaphore(%arg8 : memref<!tpu.dma_semaphore, #tpu.memory_space<semaphore_mem>>) src(%dma_wait3A_534 : memref<2x96xi32, #tpu.memory_space<hbm>>) dst(%dma_wait3A_530 : memref<2x96xi32, #tpu.memory_space<vmem>>)
    %dma_start3A_535 = arith.constant 0 : i32
    %dma_start3A_536 = arith.constant 0 : i32
    %dma_start3A_537 = arith.constant 0 : i32
    %dma_start3A_538 = arith.constant 0 : i32
    %dma_start3A_539 = arith.constant 0 : i32
    %dma_start3A_540 = tpu.memref_slice %arg6[%dma_start3A_537, %dma_start3A_538, %dma_start3A_539] : memref<3x96x128xf32, #tpu.memory_space<vmem>> -> memref<1x96x128xf32, #tpu.memory_space<vmem>>
    %dma_start3A_541 = tpu.memref_squeeze %dma_start3A_540 : memref<1x96x128xf32, #tpu.memory_space<vmem>> -> memref<96x128xf32, #tpu.memory_space<vmem>>
    %dma_start3A_542 = arith.constant 0 : i32
    %dma_start3A_543 = tpu.memref_slice %arg5[%dma_start3A_535, %dma_start3A_536, %dma_start3A_542] : memref<6x2x96xi32, #tpu.memory_space<vmem>> -> memref<1x1x96xi32, #tpu.memory_space<vmem>>
    %dma_start3A_544 = tpu.memref_squeeze %dma_start3A_543 : memref<1x1x96xi32, #tpu.memory_space<vmem>> -> memref<96xi32, #tpu.memory_space<vmem>>
    %dma_start3A_545 = arith.constant 0 : i32
    %dma_start3A_546 = arith.constant 0 : i32
    %dma_start3A_547 = tpu.memref_slice %arg2[%dma_start3A_545, %dma_start3A_546] : memref<10752x128xf32, #tpu.memory_space<hbm>> -> memref<10752x128xf32, #tpu.memory_space<hbm>>
    tpu.enqueue_indirect_dma source(%dma_start3A_547 : memref<10752x128xf32, #tpu.memory_space<hbm>>) target(%dma_start3A_541 : memref<96x128xf32, #tpu.memory_space<vmem>>) offsets(%dma_start3A_544 : memref<96xi32, #tpu.memory_space<vmem>>) semaphore(%arg14 : memref<!tpu.dma_semaphore, #tpu.memory_space<semaphore_mem>>)
    %dma_start3A_548 = arith.constant 1 : i32
    %dma_start3A_549 = arith.constant 4 : i32
    %dma_start3A_550 = arith.constant 1 : i32
    %dma_start3A_551 = arith.constant 0 : i32
    %dma_start3A_552 = arith.constant 0 : i32
    %dma_start3A_553 = tpu.memref_slice %arg6[%dma_start3A_548, %dma_start3A_551, %dma_start3A_552] : memref<3x96x128xf32, #tpu.memory_space<vmem>> -> memref<1x96x128xf32, #tpu.memory_space<vmem>>
    %dma_start3A_554 = tpu.memref_squeeze %dma_start3A_553 : memref<1x96x128xf32, #tpu.memory_space<vmem>> -> memref<96x128xf32, #tpu.memory_space<vmem>>
    %dma_start3A_555 = arith.constant 0 : i32
    %dma_start3A_556 = tpu.memref_slice %arg5[%dma_start3A_549, %dma_start3A_550, %dma_start3A_555] : memref<6x2x96xi32, #tpu.memory_space<vmem>> -> memref<1x1x96xi32, #tpu.memory_space<vmem>>
    %dma_start3A_557 = tpu.memref_squeeze %dma_start3A_556 : memref<1x1x96xi32, #tpu.memory_space<vmem>> -> memref<96xi32, #tpu.memory_space<vmem>>
    %dma_start3A_558 = arith.constant 0 : i32
    %dma_start3A_559 = arith.constant 0 : i32
    %dma_start3A_560 = tpu.memref_slice %arg7[%dma_start3A_558, %dma_start3A_559] : memref<10752x128xf32, #tpu.memory_space<vmem_shared>> -> memref<10752x128xf32, #tpu.memory_space<vmem_shared>>
    tpu.enqueue_indirect_dma source(%dma_start3A_554 : memref<96x128xf32, #tpu.memory_space<vmem>>) target(%dma_start3A_560 : memref<10752x128xf32, #tpu.memory_space<vmem_shared>>) offsets(%dma_start3A_557 : memref<96xi32, #tpu.memory_space<vmem>>) semaphore(%arg17 : memref<!tpu.dma_semaphore, #tpu.memory_space<semaphore_mem>>) {add = true}
    %add3A_561 = arith.constant 4 : i32
    %add3A_562 = arith.addi %mul3A_2, %add3A_561 : i32
    %add3A_563 = arith.constant 3 : i32
    %add3A_564 = arith.addi %add3A_562, %add3A_563 : i32
    %dma_start3A_565 = arith.constant 1 : i32
    %dma_start3A_566 = arith.constant 0 : i32
    %dma_start3A_567 = arith.constant 0 : i32
    %dma_start3A_568 = tpu.memref_slice %arg5[%dma_start3A_565, %dma_start3A_566, %dma_start3A_567] : memref<6x2x96xi32, #tpu.memory_space<vmem>> -> memref<1x2x96xi32, #tpu.memory_space<vmem>>
    %dma_start3A_569 = tpu.memref_squeeze %dma_start3A_568 : memref<1x2x96xi32, #tpu.memory_space<vmem>> -> memref<2x96xi32, #tpu.memory_space<vmem>>
    %dma_start3A_570 = arith.constant 0 : i32
    %dma_start3A_571 = arith.constant 0 : i32
    %dma_start3A_572 = tpu.memref_slice %arg3[%add3A_564, %dma_start3A_570, %dma_start3A_571] : memref<3456x2x96xi32, #tpu.memory_space<hbm>> -> memref<1x2x96xi32, #tpu.memory_space<hbm>>
    %dma_start3A_573 = tpu.memref_squeeze %dma_start3A_572 : memref<1x2x96xi32, #tpu.memory_space<hbm>> -> memref<2x96xi32, #tpu.memory_space<hbm>>
    %dma_start3A_574 = arith.constant 0 : i32
    %dma_start3A_575 = arith.constant 0 : i32
    %dma_start3A_576 = tpu.memref_slice %arg5[%dma_start3A_565, %dma_start3A_574, %dma_start3A_575] : memref<6x2x96xi32, #tpu.memory_space<vmem>> -> memref<1x2x96xi32, #tpu.memory_space<vmem>>
    %dma_start3A_577 = tpu.memref_squeeze %dma_start3A_576 : memref<1x2x96xi32, #tpu.memory_space<vmem>> -> memref<2x96xi32, #tpu.memory_space<vmem>>
    %dma_start3A_578 = arith.constant 0 : i32
    %dma_start3A_579 = arith.constant 0 : i32
    %dma_start3A_580 = tpu.memref_slice %arg3[%add3A_564, %dma_start3A_578, %dma_start3A_579] : memref<3456x2x96xi32, #tpu.memory_space<hbm>> -> memref<1x2x96xi32, #tpu.memory_space<hbm>>
    %dma_start3A_581 = tpu.memref_squeeze %dma_start3A_580 : memref<1x2x96xi32, #tpu.memory_space<hbm>> -> memref<2x96xi32, #tpu.memory_space<hbm>>
    tpu.enqueue_dma source(%dma_start3A_581 : memref<2x96xi32, #tpu.memory_space<hbm>>) target(%dma_start3A_577 : memref<2x96xi32, #tpu.memory_space<vmem>>) target_semaphore(%arg9 : memref<!tpu.dma_semaphore, #tpu.memory_space<semaphore_mem>>)
    %dma_wait3A_582 = arith.constant 5 : i32
    %dma_wait3A_583 = arith.constant 0 : i32
    %dma_wait3A_584 = arith.constant 2 : i32
    %dma_wait3A_585 = arith.constant 0 : i32
    %dma_wait3A_586 = arith.constant 0 : i32
    %dma_wait3A_587 = tpu.memref_slice %arg6[%dma_wait3A_584, %dma_wait3A_585, %dma_wait3A_586] : memref<3x96x128xf32, #tpu.memory_space<vmem>> -> memref<1x96x128xf32, #tpu.memory_space<vmem>>
    %dma_wait3A_588 = tpu.memref_squeeze %dma_wait3A_587 : memref<1x96x128xf32, #tpu.memory_space<vmem>> -> memref<96x128xf32, #tpu.memory_space<vmem>>
    %dma_wait3A_589 = arith.constant 0 : i32
    %dma_wait3A_590 = tpu.memref_slice %arg5[%dma_wait3A_582, %dma_wait3A_583, %dma_wait3A_589] : memref<6x2x96xi32, #tpu.memory_space<vmem>> -> memref<1x1x96xi32, #tpu.memory_space<vmem>>
    %dma_wait3A_591 = tpu.memref_squeeze %dma_wait3A_590 : memref<1x1x96xi32, #tpu.memory_space<vmem>> -> memref<96xi32, #tpu.memory_space<vmem>>
    %dma_wait3A_592 = arith.constant 0 : i32
    %dma_wait3A_593 = arith.constant 0 : i32
    %dma_wait3A_594 = tpu.memref_slice %arg2[%dma_wait3A_592, %dma_wait3A_593] : memref<10752x128xf32, #tpu.memory_space<hbm>> -> memref<10752x128xf32, #tpu.memory_space<hbm>>
    tpu.wait_indirect_dma semaphore(%arg16 : memref<!tpu.dma_semaphore, #tpu.memory_space<semaphore_mem>>) src(%dma_wait3A_594 : memref<10752x128xf32, #tpu.memory_space<hbm>>) dst(%dma_wait3A_588 : memref<96x128xf32, #tpu.memory_space<vmem>>)
    %dma_wait3A_595 = arith.constant 2 : i32
    %dma_wait3A_596 = arith.constant 5 : i32
    %dma_wait3A_597 = arith.constant 1 : i32
    %dma_wait3A_598 = arith.constant 0 : i32
    %dma_wait3A_599 = arith.constant 0 : i32
    %dma_wait3A_600 = tpu.memref_slice %arg6[%dma_wait3A_595, %dma_wait3A_598, %dma_wait3A_599] : memref<3x96x128xf32, #tpu.memory_space<vmem>> -> memref<1x96x128xf32, #tpu.memory_space<vmem>>
    %dma_wait3A_601 = tpu.memref_squeeze %dma_wait3A_600 : memref<1x96x128xf32, #tpu.memory_space<vmem>> -> memref<96x128xf32, #tpu.memory_space<vmem>>
    %dma_wait3A_602 = arith.constant 0 : i32
    %dma_wait3A_603 = tpu.memref_slice %arg5[%dma_wait3A_596, %dma_wait3A_597, %dma_wait3A_602] : memref<6x2x96xi32, #tpu.memory_space<vmem>> -> memref<1x1x96xi32, #tpu.memory_space<vmem>>
    %dma_wait3A_604 = tpu.memref_squeeze %dma_wait3A_603 : memref<1x1x96xi32, #tpu.memory_space<vmem>> -> memref<96xi32, #tpu.memory_space<vmem>>
    %dma_wait3A_605 = arith.constant 0 : i32
    %dma_wait3A_606 = arith.constant 0 : i32
    %dma_wait3A_607 = tpu.memref_slice %arg7[%dma_wait3A_605, %dma_wait3A_606] : memref<10752x128xf32, #tpu.memory_space<vmem_shared>> -> memref<10752x128xf32, #tpu.memory_space<vmem_shared>>
    tpu.wait_indirect_dma semaphore(%arg17 : memref<!tpu.dma_semaphore, #tpu.memory_space<semaphore_mem>>) src(%dma_wait3A_601 : memref<96x128xf32, #tpu.memory_space<vmem>>) dst(%dma_wait3A_607 : memref<10752x128xf32, #tpu.memory_space<vmem_shared>>)
    %dma_wait3A_608 = arith.constant 1 : i32
    %dma_wait3A_609 = arith.constant 0 : i32
    %dma_wait3A_610 = arith.constant 0 : i32
    %dma_wait3A_611 = tpu.memref_slice %arg5[%dma_wait3A_608, %dma_wait3A_609, %dma_wait3A_610] : memref<6x2x96xi32, #tpu.memory_space<vmem>> -> memref<1x2x96xi32, #tpu.memory_space<vmem>>
    %dma_wait3A_612 = tpu.memref_squeeze %dma_wait3A_611 : memref<1x2x96xi32, #tpu.memory_space<vmem>> -> memref<2x96xi32, #tpu.memory_space<vmem>>
    %dma_wait3A_613 = arith.constant 0 : i32
    %dma_wait3A_614 = arith.constant 0 : i32
    %dma_wait3A_615 = tpu.memref_slice %arg3[%mul3A_2, %dma_wait3A_613, %dma_wait3A_614] : memref<3456x2x96xi32, #tpu.memory_space<hbm>> -> memref<1x2x96xi32, #tpu.memory_space<hbm>>
    %dma_wait3A_616 = tpu.memref_squeeze %dma_wait3A_615 : memref<1x2x96xi32, #tpu.memory_space<hbm>> -> memref<2x96xi32, #tpu.memory_space<hbm>>
    %dma_wait3A_617 = arith.constant 0 : i32
    %dma_wait3A_618 = arith.constant 0 : i32
    %dma_wait3A_619 = tpu.memref_slice %arg5[%dma_wait3A_608, %dma_wait3A_617, %dma_wait3A_618] : memref<6x2x96xi32, #tpu.memory_space<vmem>> -> memref<1x2x96xi32, #tpu.memory_space<vmem>>
    %dma_wait3A_620 = tpu.memref_squeeze %dma_wait3A_619 : memref<1x2x96xi32, #tpu.memory_space<vmem>> -> memref<2x96xi32, #tpu.memory_space<vmem>>
    %dma_wait3A_621 = arith.constant 0 : i32
    %dma_wait3A_622 = arith.constant 0 : i32
    %dma_wait3A_623 = tpu.memref_slice %arg3[%mul3A_2, %dma_wait3A_621, %dma_wait3A_622] : memref<3456x2x96xi32, #tpu.memory_space<hbm>> -> memref<1x2x96xi32, #tpu.memory_space<hbm>>
    %dma_wait3A_624 = tpu.memref_squeeze %dma_wait3A_623 : memref<1x2x96xi32, #tpu.memory_space<hbm>> -> memref<2x96xi32, #tpu.memory_space<hbm>>
    tpu.wait_dma2 semaphore(%arg9 : memref<!tpu.dma_semaphore, #tpu.memory_space<semaphore_mem>>) src(%dma_wait3A_624 : memref<2x96xi32, #tpu.memory_space<hbm>>) dst(%dma_wait3A_620 : memref<2x96xi32, #tpu.memory_space<vmem>>)
    %dma_start3A_625 = arith.constant 1 : i32
    %dma_start3A_626 = arith.constant 0 : i32
    %dma_start3A_627 = arith.constant 1 : i32
    %dma_start3A_628 = arith.constant 0 : i32
    %dma_start3A_629 = arith.constant 0 : i32
    %dma_start3A_630 = tpu.memref_slice %arg6[%dma_start3A_627, %dma_start3A_628, %dma_start3A_629] : memref<3x96x128xf32, #tpu.memory_space<vmem>> -> memref<1x96x128xf32, #tpu.memory_space<vmem>>
    %dma_start3A_631 = tpu.memref_squeeze %dma_start3A_630 : memref<1x96x128xf32, #tpu.memory_space<vmem>> -> memref<96x128xf32, #tpu.memory_space<vmem>>
    %dma_start3A_632 = arith.constant 0 : i32
    %dma_start3A_633 = tpu.memref_slice %arg5[%dma_start3A_625, %dma_start3A_626, %dma_start3A_632] : memref<6x2x96xi32, #tpu.memory_space<vmem>> -> memref<1x1x96xi32, #tpu.memory_space<vmem>>
    %dma_start3A_634 = tpu.memref_squeeze %dma_start3A_633 : memref<1x1x96xi32, #tpu.memory_space<vmem>> -> memref<96xi32, #tpu.memory_space<vmem>>
    %dma_start3A_635 = arith.constant 0 : i32
    %dma_start3A_636 = arith.constant 0 : i32
    %dma_start3A_637 = tpu.memref_slice %arg2[%dma_start3A_635, %dma_start3A_636] : memref<10752x128xf32, #tpu.memory_space<hbm>> -> memref<10752x128xf32, #tpu.memory_space<hbm>>
    tpu.enqueue_indirect_dma source(%dma_start3A_637 : memref<10752x128xf32, #tpu.memory_space<hbm>>) target(%dma_start3A_631 : memref<96x128xf32, #tpu.memory_space<vmem>>) offsets(%dma_start3A_634 : memref<96xi32, #tpu.memory_space<vmem>>) semaphore(%arg15 : memref<!tpu.dma_semaphore, #tpu.memory_space<semaphore_mem>>)
    %dma_start3A_638 = arith.constant 2 : i32
    %dma_start3A_639 = arith.constant 5 : i32
    %dma_start3A_640 = arith.constant 1 : i32
    %dma_start3A_641 = arith.constant 0 : i32
    %dma_start3A_642 = arith.constant 0 : i32
    %dma_start3A_643 = tpu.memref_slice %arg6[%dma_start3A_638, %dma_start3A_641, %dma_start3A_642] : memref<3x96x128xf32, #tpu.memory_space<vmem>> -> memref<1x96x128xf32, #tpu.memory_space<vmem>>
    %dma_start3A_644 = tpu.memref_squeeze %dma_start3A_643 : memref<1x96x128xf32, #tpu.memory_space<vmem>> -> memref<96x128xf32, #tpu.memory_space<vmem>>
    %dma_start3A_645 = arith.constant 0 : i32
    %dma_start3A_646 = tpu.memref_slice %arg5[%dma_start3A_639, %dma_start3A_640, %dma_start3A_645] : memref<6x2x96xi32, #tpu.memory_space<vmem>> -> memref<1x1x96xi32, #tpu.memory_space<vmem>>
    %dma_start3A_647 = tpu.memref_squeeze %dma_start3A_646 : memref<1x1x96xi32, #tpu.memory_space<vmem>> -> memref<96xi32, #tpu.memory_space<vmem>>
    %dma_start3A_648 = arith.constant 0 : i32
    %dma_start3A_649 = arith.constant 0 : i32
    %dma_start3A_650 = tpu.memref_slice %arg7[%dma_start3A_648, %dma_start3A_649] : memref<10752x128xf32, #tpu.memory_space<vmem_shared>> -> memref<10752x128xf32, #tpu.memory_space<vmem_shared>>
    tpu.enqueue_indirect_dma source(%dma_start3A_644 : memref<96x128xf32, #tpu.memory_space<vmem>>) target(%dma_start3A_650 : memref<10752x128xf32, #tpu.memory_space<vmem_shared>>) offsets(%dma_start3A_647 : memref<96xi32, #tpu.memory_space<vmem>>) semaphore(%arg18 : memref<!tpu.dma_semaphore, #tpu.memory_space<semaphore_mem>>) {add = true}
    %add3A_651 = arith.constant 5 : i32
    %add3A_652 = arith.addi %mul3A_2, %add3A_651 : i32
    %add3A_653 = arith.constant 3 : i32
    %add3A_654 = arith.addi %add3A_652, %add3A_653 : i32
    %dma_start3A_655 = arith.constant 2 : i32
    %dma_start3A_656 = arith.constant 0 : i32
    %dma_start3A_657 = arith.constant 0 : i32
    %dma_start3A_658 = tpu.memref_slice %arg5[%dma_start3A_655, %dma_start3A_656, %dma_start3A_657] : memref<6x2x96xi32, #tpu.memory_space<vmem>> -> memref<1x2x96xi32, #tpu.memory_space<vmem>>
    %dma_start3A_659 = tpu.memref_squeeze %dma_start3A_658 : memref<1x2x96xi32, #tpu.memory_space<vmem>> -> memref<2x96xi32, #tpu.memory_space<vmem>>
    %dma_start3A_660 = arith.constant 0 : i32
    %dma_start3A_661 = arith.constant 0 : i32
    %dma_start3A_662 = tpu.memref_slice %arg3[%add3A_654, %dma_start3A_660, %dma_start3A_661] : memref<3456x2x96xi32, #tpu.memory_space<hbm>> -> memref<1x2x96xi32, #tpu.memory_space<hbm>>
    %dma_start3A_663 = tpu.memref_squeeze %dma_start3A_662 : memref<1x2x96xi32, #tpu.memory_space<hbm>> -> memref<2x96xi32, #tpu.memory_space<hbm>>
    %dma_start3A_664 = arith.constant 0 : i32
    %dma_start3A_665 = arith.constant 0 : i32
    %dma_start3A_666 = tpu.memref_slice %arg5[%dma_start3A_655, %dma_start3A_664, %dma_start3A_665] : memref<6x2x96xi32, #tpu.memory_space<vmem>> -> memref<1x2x96xi32, #tpu.memory_space<vmem>>
    %dma_start3A_667 = tpu.memref_squeeze %dma_start3A_666 : memref<1x2x96xi32, #tpu.memory_space<vmem>> -> memref<2x96xi32, #tpu.memory_space<vmem>>
    %dma_start3A_668 = arith.constant 0 : i32
    %dma_start3A_669 = arith.constant 0 : i32
    %dma_start3A_670 = tpu.memref_slice %arg3[%add3A_654, %dma_start3A_668, %dma_start3A_669] : memref<3456x2x96xi32, #tpu.memory_space<hbm>> -> memref<1x2x96xi32, #tpu.memory_space<hbm>>
    %dma_start3A_671 = tpu.memref_squeeze %dma_start3A_670 : memref<1x2x96xi32, #tpu.memory_space<hbm>> -> memref<2x96xi32, #tpu.memory_space<hbm>>
    tpu.enqueue_dma source(%dma_start3A_671 : memref<2x96xi32, #tpu.memory_space<hbm>>) target(%dma_start3A_667 : memref<2x96xi32, #tpu.memory_space<vmem>>) target_semaphore(%arg10 : memref<!tpu.dma_semaphore, #tpu.memory_space<semaphore_mem>>)
    %scan3A = arith.constant 0 : i32
    %scan3A_672 = arith.constant 1 : i32
    %scan3A_673 = arith.constant 16 : i32
    %scan3A_674 = arith.addi %scan3A_672, %scan3A_673 : i32
    %scan3A_675 = arith.constant 1 : i32
    scf.for %scan3A_1136 = %scan3A_672 to %scan3A_674 step %scan3A_675  : i32 {
      %mul3A_1137 = arith.constant 6 : i32
      %mul3A_1138 = arith.muli %scan3A_1136, %mul3A_1137 : i32
      %add3A_1139 = arith.constant 0 : i32
      %add3A_1140 = arith.addi %mul3A_1138, %add3A_1139 : i32
      %dma_wait3A_1141 = arith.constant 0 : i32
      %dma_wait3A_1142 = arith.constant 0 : i32
      %dma_wait3A_1143 = arith.constant 0 : i32
      %dma_wait3A_1144 = arith.constant 0 : i32
      %dma_wait3A_1145 = arith.constant 0 : i32
      %dma_wait3A_1146 = tpu.memref_slice %arg6[%dma_wait3A_1143, %dma_wait3A_1144, %dma_wait3A_1145] : memref<3x96x128xf32, #tpu.memory_space<vmem>> -> memref<1x96x128xf32, #tpu.memory_space<vmem>>
      %dma_wait3A_1147 = tpu.memref_squeeze %dma_wait3A_1146 : memref<1x96x128xf32, #tpu.memory_space<vmem>> -> memref<96x128xf32, #tpu.memory_space<vmem>>
      %dma_wait3A_1148 = arith.constant 0 : i32
      %dma_wait3A_1149 = tpu.memref_slice %arg5[%dma_wait3A_1141, %dma_wait3A_1142, %dma_wait3A_1148] : memref<6x2x96xi32, #tpu.memory_space<vmem>> -> memref<1x1x96xi32, #tpu.memory_space<vmem>>
      %dma_wait3A_1150 = tpu.memref_squeeze %dma_wait3A_1149 : memref<1x1x96xi32, #tpu.memory_space<vmem>> -> memref<96xi32, #tpu.memory_space<vmem>>
      %dma_wait3A_1151 = arith.constant 0 : i32
      %dma_wait3A_1152 = arith.constant 0 : i32
      %dma_wait3A_1153 = tpu.memref_slice %arg2[%dma_wait3A_1151, %dma_wait3A_1152] : memref<10752x128xf32, #tpu.memory_space<hbm>> -> memref<10752x128xf32, #tpu.memory_space<hbm>>
      tpu.wait_indirect_dma semaphore(%arg14 : memref<!tpu.dma_semaphore, #tpu.memory_space<semaphore_mem>>) src(%dma_wait3A_1153 : memref<10752x128xf32, #tpu.memory_space<hbm>>) dst(%dma_wait3A_1147 : memref<96x128xf32, #tpu.memory_space<vmem>>)
      %dma_wait3A_1154 = arith.constant 0 : i32
      %dma_wait3A_1155 = arith.constant 0 : i32
      %dma_wait3A_1156 = arith.constant 1 : i32
      %dma_wait3A_1157 = arith.constant 0 : i32
      %dma_wait3A_1158 = arith.constant 0 : i32
      %dma_wait3A_1159 = tpu.memref_slice %arg6[%dma_wait3A_1154, %dma_wait3A_1157, %dma_wait3A_1158] : memref<3x96x128xf32, #tpu.memory_space<vmem>> -> memref<1x96x128xf32, #tpu.memory_space<vmem>>
      %dma_wait3A_1160 = tpu.memref_squeeze %dma_wait3A_1159 : memref<1x96x128xf32, #tpu.memory_space<vmem>> -> memref<96x128xf32, #tpu.memory_space<vmem>>
      %dma_wait3A_1161 = arith.constant 0 : i32
      %dma_wait3A_1162 = tpu.memref_slice %arg5[%dma_wait3A_1155, %dma_wait3A_1156, %dma_wait3A_1161] : memref<6x2x96xi32, #tpu.memory_space<vmem>> -> memref<1x1x96xi32, #tpu.memory_space<vmem>>
      %dma_wait3A_1163 = tpu.memref_squeeze %dma_wait3A_1162 : memref<1x1x96xi32, #tpu.memory_space<vmem>> -> memref<96xi32, #tpu.memory_space<vmem>>
      %dma_wait3A_1164 = arith.constant 0 : i32
      %dma_wait3A_1165 = arith.constant 0 : i32
      %dma_wait3A_1166 = tpu.memref_slice %arg7[%dma_wait3A_1164, %dma_wait3A_1165] : memref<10752x128xf32, #tpu.memory_space<vmem_shared>> -> memref<10752x128xf32, #tpu.memory_space<vmem_shared>>
      tpu.wait_indirect_dma semaphore(%arg18 : memref<!tpu.dma_semaphore, #tpu.memory_space<semaphore_mem>>) src(%dma_wait3A_1160 : memref<96x128xf32, #tpu.memory_space<vmem>>) dst(%dma_wait3A_1166 : memref<10752x128xf32, #tpu.memory_space<vmem_shared>>)
      %dma_wait3A_1167 = arith.constant 2 : i32
      %dma_wait3A_1168 = arith.constant 0 : i32
      %dma_wait3A_1169 = arith.constant 0 : i32
      %dma_wait3A_1170 = tpu.memref_slice %arg5[%dma_wait3A_1167, %dma_wait3A_1168, %dma_wait3A_1169] : memref<6x2x96xi32, #tpu.memory_space<vmem>> -> memref<1x2x96xi32, #tpu.memory_space<vmem>>
      %dma_wait3A_1171 = tpu.memref_squeeze %dma_wait3A_1170 : memref<1x2x96xi32, #tpu.memory_space<vmem>> -> memref<2x96xi32, #tpu.memory_space<vmem>>
      %dma_wait3A_1172 = arith.constant 0 : i32
      %dma_wait3A_1173 = arith.constant 0 : i32
      %dma_wait3A_1174 = tpu.memref_slice %arg3[%mul3A_2, %dma_wait3A_1172, %dma_wait3A_1173] : memref<3456x2x96xi32, #tpu.memory_space<hbm>> -> memref<1x2x96xi32, #tpu.memory_space<hbm>>
      %dma_wait3A_1175 = tpu.memref_squeeze %dma_wait3A_1174 : memref<1x2x96xi32, #tpu.memory_space<hbm>> -> memref<2x96xi32, #tpu.memory_space<hbm>>
      %dma_wait3A_1176 = arith.constant 0 : i32
      %dma_wait3A_1177 = arith.constant 0 : i32
      %dma_wait3A_1178 = tpu.memref_slice %arg5[%dma_wait3A_1167, %dma_wait3A_1176, %dma_wait3A_1177] : memref<6x2x96xi32, #tpu.memory_space<vmem>> -> memref<1x2x96xi32, #tpu.memory_space<vmem>>
      %dma_wait3A_1179 = tpu.memref_squeeze %dma_wait3A_1178 : memref<1x2x96xi32, #tpu.memory_space<vmem>> -> memref<2x96xi32, #tpu.memory_space<vmem>>
      %dma_wait3A_1180 = arith.constant 0 : i32
      %dma_wait3A_1181 = arith.constant 0 : i32
      %dma_wait3A_1182 = tpu.memref_slice %arg3[%mul3A_2, %dma_wait3A_1180, %dma_wait3A_1181] : memref<3456x2x96xi32, #tpu.memory_space<hbm>> -> memref<1x2x96xi32, #tpu.memory_space<hbm>>
      %dma_wait3A_1183 = tpu.memref_squeeze %dma_wait3A_1182 : memref<1x2x96xi32, #tpu.memory_space<hbm>> -> memref<2x96xi32, #tpu.memory_space<hbm>>
      tpu.wait_dma2 semaphore(%arg10 : memref<!tpu.dma_semaphore, #tpu.memory_space<semaphore_mem>>) src(%dma_wait3A_1183 : memref<2x96xi32, #tpu.memory_space<hbm>>) dst(%dma_wait3A_1179 : memref<2x96xi32, #tpu.memory_space<vmem>>)
      %dma_start3A_1184 = arith.constant 2 : i32
      %dma_start3A_1185 = arith.constant 0 : i32
      %dma_start3A_1186 = arith.constant 2 : i32
      %dma_start3A_1187 = arith.constant 0 : i32
      %dma_start3A_1188 = arith.constant 0 : i32
      %dma_start3A_1189 = tpu.memref_slice %arg6[%dma_start3A_1186, %dma_start3A_1187, %dma_start3A_1188] : memref<3x96x128xf32, #tpu.memory_space<vmem>> -> memref<1x96x128xf32, #tpu.memory_space<vmem>>
      %dma_start3A_1190 = tpu.memref_squeeze %dma_start3A_1189 : memref<1x96x128xf32, #tpu.memory_space<vmem>> -> memref<96x128xf32, #tpu.memory_space<vmem>>
      %dma_start3A_1191 = arith.constant 0 : i32
      %dma_start3A_1192 = tpu.memref_slice %arg5[%dma_start3A_1184, %dma_start3A_1185, %dma_start3A_1191] : memref<6x2x96xi32, #tpu.memory_space<vmem>> -> memref<1x1x96xi32, #tpu.memory_space<vmem>>
      %dma_start3A_1193 = tpu.memref_squeeze %dma_start3A_1192 : memref<1x1x96xi32, #tpu.memory_space<vmem>> -> memref<96xi32, #tpu.memory_space<vmem>>
      %dma_start3A_1194 = arith.constant 0 : i32
      %dma_start3A_1195 = arith.constant 0 : i32
      %dma_start3A_1196 = tpu.memref_slice %arg2[%dma_start3A_1194, %dma_start3A_1195] : memref<10752x128xf32, #tpu.memory_space<hbm>> -> memref<10752x128xf32, #tpu.memory_space<hbm>>
      tpu.enqueue_indirect_dma source(%dma_start3A_1196 : memref<10752x128xf32, #tpu.memory_space<hbm>>) target(%dma_start3A_1190 : memref<96x128xf32, #tpu.memory_space<vmem>>) offsets(%dma_start3A_1193 : memref<96xi32, #tpu.memory_space<vmem>>) semaphore(%arg16 : memref<!tpu.dma_semaphore, #tpu.memory_space<semaphore_mem>>)
      %dma_start3A_1197 = arith.constant 0 : i32
      %dma_start3A_1198 = arith.constant 0 : i32
      %dma_start3A_1199 = arith.constant 1 : i32
      %dma_start3A_1200 = arith.constant 0 : i32
      %dma_start3A_1201 = arith.constant 0 : i32
      %dma_start3A_1202 = tpu.memref_slice %arg6[%dma_start3A_1197, %dma_start3A_1200, %dma_start3A_1201] : memref<3x96x128xf32, #tpu.memory_space<vmem>> -> memref<1x96x128xf32, #tpu.memory_space<vmem>>
      %dma_start3A_1203 = tpu.memref_squeeze %dma_start3A_1202 : memref<1x96x128xf32, #tpu.memory_space<vmem>> -> memref<96x128xf32, #tpu.memory_space<vmem>>
      %dma_start3A_1204 = arith.constant 0 : i32
      %dma_start3A_1205 = tpu.memref_slice %arg5[%dma_start3A_1198, %dma_start3A_1199, %dma_start3A_1204] : memref<6x2x96xi32, #tpu.memory_space<vmem>> -> memref<1x1x96xi32, #tpu.memory_space<vmem>>
      %dma_start3A_1206 = tpu.memref_squeeze %dma_start3A_1205 : memref<1x1x96xi32, #tpu.memory_space<vmem>> -> memref<96xi32, #tpu.memory_space<vmem>>
      %dma_start3A_1207 = arith.constant 0 : i32
      %dma_start3A_1208 = arith.constant 0 : i32
      %dma_start3A_1209 = tpu.memref_slice %arg7[%dma_start3A_1207, %dma_start3A_1208] : memref<10752x128xf32, #tpu.memory_space<vmem_shared>> -> memref<10752x128xf32, #tpu.memory_space<vmem_shared>>
      tpu.enqueue_indirect_dma source(%dma_start3A_1203 : memref<96x128xf32, #tpu.memory_space<vmem>>) target(%dma_start3A_1209 : memref<10752x128xf32, #tpu.memory_space<vmem_shared>>) offsets(%dma_start3A_1206 : memref<96xi32, #tpu.memory_space<vmem>>) semaphore(%arg17 : memref<!tpu.dma_semaphore, #tpu.memory_space<semaphore_mem>>) {add = true}
      %add3A_1210 = arith.addi %mul3A_2, %add3A_1140 : i32
      %add3A_1211 = arith.constant 3 : i32
      %add3A_1212 = arith.addi %add3A_1210, %add3A_1211 : i32
      %dma_start3A_1213 = arith.constant 3 : i32
      %dma_start3A_1214 = arith.constant 0 : i32
      %dma_start3A_1215 = arith.constant 0 : i32
      %dma_start3A_1216 = tpu.memref_slice %arg5[%dma_start3A_1213, %dma_start3A_1214, %dma_start3A_1215] : memref<6x2x96xi32, #tpu.memory_space<vmem>> -> memref<1x2x96xi32, #tpu.memory_space<vmem>>
      %dma_start3A_1217 = tpu.memref_squeeze %dma_start3A_1216 : memref<1x2x96xi32, #tpu.memory_space<vmem>> -> memref<2x96xi32, #tpu.memory_space<vmem>>
      %dma_start3A_1218 = arith.constant 0 : i32
      %dma_start3A_1219 = arith.constant 0 : i32
      %dma_start3A_1220 = tpu.memref_slice %arg3[%add3A_1212, %dma_start3A_1218, %dma_start3A_1219] : memref<3456x2x96xi32, #tpu.memory_space<hbm>> -> memref<1x2x96xi32, #tpu.memory_space<hbm>>
      %dma_start3A_1221 = tpu.memref_squeeze %dma_start3A_1220 : memref<1x2x96xi32, #tpu.memory_space<hbm>> -> memref<2x96xi32, #tpu.memory_space<hbm>>
      %dma_start3A_1222 = arith.constant 0 : i32
      %dma_start3A_1223 = arith.constant 0 : i32
      %dma_start3A_1224 = tpu.memref_slice %arg5[%dma_start3A_1213, %dma_start3A_1222, %dma_start3A_1223] : memref<6x2x96xi32, #tpu.memory_space<vmem>> -> memref<1x2x96xi32, #tpu.memory_space<vmem>>
      %dma_start3A_1225 = tpu.memref_squeeze %dma_start3A_1224 : memref<1x2x96xi32, #tpu.memory_space<vmem>> -> memref<2x96xi32, #tpu.memory_space<vmem>>
      %dma_start3A_1226 = arith.constant 0 : i32
      %dma_start3A_1227 = arith.constant 0 : i32
      %dma_start3A_1228 = tpu.memref_slice %arg3[%add3A_1212, %dma_start3A_1226, %dma_start3A_1227] : memref<3456x2x96xi32, #tpu.memory_space<hbm>> -> memref<1x2x96xi32, #tpu.memory_space<hbm>>
      %dma_start3A_1229 = tpu.memref_squeeze %dma_start3A_1228 : memref<1x2x96xi32, #tpu.memory_space<hbm>> -> memref<2x96xi32, #tpu.memory_space<hbm>>
      tpu.enqueue_dma source(%dma_start3A_1229 : memref<2x96xi32, #tpu.memory_space<hbm>>) target(%dma_start3A_1225 : memref<2x96xi32, #tpu.memory_space<vmem>>) target_semaphore(%arg11 : memref<!tpu.dma_semaphore, #tpu.memory_space<semaphore_mem>>)
      %mul3A_1230 = arith.constant 6 : i32
      %mul3A_1231 = arith.muli %scan3A_1136, %mul3A_1230 : i32
      %add3A_1232 = arith.constant 1 : i32
      %add3A_1233 = arith.addi %mul3A_1231, %add3A_1232 : i32
      %dma_wait3A_1234 = arith.constant 1 : i32
      %dma_wait3A_1235 = arith.constant 0 : i32
      %dma_wait3A_1236 = arith.constant 1 : i32
      %dma_wait3A_1237 = arith.constant 0 : i32
      %dma_wait3A_1238 = arith.constant 0 : i32
      %dma_wait3A_1239 = tpu.memref_slice %arg6[%dma_wait3A_1236, %dma_wait3A_1237, %dma_wait3A_1238] : memref<3x96x128xf32, #tpu.memory_space<vmem>> -> memref<1x96x128xf32, #tpu.memory_space<vmem>>
      %dma_wait3A_1240 = tpu.memref_squeeze %dma_wait3A_1239 : memref<1x96x128xf32, #tpu.memory_space<vmem>> -> memref<96x128xf32, #tpu.memory_space<vmem>>
      %dma_wait3A_1241 = arith.constant 0 : i32
      %dma_wait3A_1242 = tpu.memref_slice %arg5[%dma_wait3A_1234, %dma_wait3A_1235, %dma_wait3A_1241] : memref<6x2x96xi32, #tpu.memory_space<vmem>> -> memref<1x1x96xi32, #tpu.memory_space<vmem>>
      %dma_wait3A_1243 = tpu.memref_squeeze %dma_wait3A_1242 : memref<1x1x96xi32, #tpu.memory_space<vmem>> -> memref<96xi32, #tpu.memory_space<vmem>>
      %dma_wait3A_1244 = arith.constant 0 : i32
      %dma_wait3A_1245 = arith.constant 0 : i32
      %dma_wait3A_1246 = tpu.memref_slice %arg2[%dma_wait3A_1244, %dma_wait3A_1245] : memref<10752x128xf32, #tpu.memory_space<hbm>> -> memref<10752x128xf32, #tpu.memory_space<hbm>>
      tpu.wait_indirect_dma semaphore(%arg15 : memref<!tpu.dma_semaphore, #tpu.memory_space<semaphore_mem>>) src(%dma_wait3A_1246 : memref<10752x128xf32, #tpu.memory_space<hbm>>) dst(%dma_wait3A_1240 : memref<96x128xf32, #tpu.memory_space<vmem>>)
      %dma_wait3A_1247 = arith.constant 1 : i32
      %dma_wait3A_1248 = arith.constant 1 : i32
      %dma_wait3A_1249 = arith.constant 1 : i32
      %dma_wait3A_1250 = arith.constant 0 : i32
      %dma_wait3A_1251 = arith.constant 0 : i32
      %dma_wait3A_1252 = tpu.memref_slice %arg6[%dma_wait3A_1247, %dma_wait3A_1250, %dma_wait3A_1251] : memref<3x96x128xf32, #tpu.memory_space<vmem>> -> memref<1x96x128xf32, #tpu.memory_space<vmem>>
      %dma_wait3A_1253 = tpu.memref_squeeze %dma_wait3A_1252 : memref<1x96x128xf32, #tpu.memory_space<vmem>> -> memref<96x128xf32, #tpu.memory_space<vmem>>
      %dma_wait3A_1254 = arith.constant 0 : i32
      %dma_wait3A_1255 = tpu.memref_slice %arg5[%dma_wait3A_1248, %dma_wait3A_1249, %dma_wait3A_1254] : memref<6x2x96xi32, #tpu.memory_space<vmem>> -> memref<1x1x96xi32, #tpu.memory_space<vmem>>
      %dma_wait3A_1256 = tpu.memref_squeeze %dma_wait3A_1255 : memref<1x1x96xi32, #tpu.memory_space<vmem>> -> memref<96xi32, #tpu.memory_space<vmem>>
      %dma_wait3A_1257 = arith.constant 0 : i32
      %dma_wait3A_1258 = arith.constant 0 : i32
      %dma_wait3A_1259 = tpu.memref_slice %arg7[%dma_wait3A_1257, %dma_wait3A_1258] : memref<10752x128xf32, #tpu.memory_space<vmem_shared>> -> memref<10752x128xf32, #tpu.memory_space<vmem_shared>>
      tpu.wait_indirect_dma semaphore(%arg17 : memref<!tpu.dma_semaphore, #tpu.memory_space<semaphore_mem>>) src(%dma_wait3A_1253 : memref<96x128xf32, #tpu.memory_space<vmem>>) dst(%dma_wait3A_1259 : memref<10752x128xf32, #tpu.memory_space<vmem_shared>>)
      %dma_wait3A_1260 = arith.constant 3 : i32
      %dma_wait3A_1261 = arith.constant 0 : i32
      %dma_wait3A_1262 = arith.constant 0 : i32
      %dma_wait3A_1263 = tpu.memref_slice %arg5[%dma_wait3A_1260, %dma_wait3A_1261, %dma_wait3A_1262] : memref<6x2x96xi32, #tpu.memory_space<vmem>> -> memref<1x2x96xi32, #tpu.memory_space<vmem>>
      %dma_wait3A_1264 = tpu.memref_squeeze %dma_wait3A_1263 : memref<1x2x96xi32, #tpu.memory_space<vmem>> -> memref<2x96xi32, #tpu.memory_space<vmem>>
      %dma_wait3A_1265 = arith.constant 0 : i32
      %dma_wait3A_1266 = arith.constant 0 : i32
      %dma_wait3A_1267 = tpu.memref_slice %arg3[%mul3A_2, %dma_wait3A_1265, %dma_wait3A_1266] : memref<3456x2x96xi32, #tpu.memory_space<hbm>> -> memref<1x2x96xi32, #tpu.memory_space<hbm>>
      %dma_wait3A_1268 = tpu.memref_squeeze %dma_wait3A_1267 : memref<1x2x96xi32, #tpu.memory_space<hbm>> -> memref<2x96xi32, #tpu.memory_space<hbm>>
      %dma_wait3A_1269 = arith.constant 0 : i32
      %dma_wait3A_1270 = arith.constant 0 : i32
      %dma_wait3A_1271 = tpu.memref_slice %arg5[%dma_wait3A_1260, %dma_wait3A_1269, %dma_wait3A_1270] : memref<6x2x96xi32, #tpu.memory_space<vmem>> -> memref<1x2x96xi32, #tpu.memory_space<vmem>>
      %dma_wait3A_1272 = tpu.memref_squeeze %dma_wait3A_1271 : memref<1x2x96xi32, #tpu.memory_space<vmem>> -> memref<2x96xi32, #tpu.memory_space<vmem>>
      %dma_wait3A_1273 = arith.constant 0 : i32
      %dma_wait3A_1274 = arith.constant 0 : i32
      %dma_wait3A_1275 = tpu.memref_slice %arg3[%mul3A_2, %dma_wait3A_1273, %dma_wait3A_1274] : memref<3456x2x96xi32, #tpu.memory_space<hbm>> -> memref<1x2x96xi32, #tpu.memory_space<hbm>>
      %dma_wait3A_1276 = tpu.memref_squeeze %dma_wait3A_1275 : memref<1x2x96xi32, #tpu.memory_space<hbm>> -> memref<2x96xi32, #tpu.memory_space<hbm>>
      tpu.wait_dma2 semaphore(%arg11 : memref<!tpu.dma_semaphore, #tpu.memory_space<semaphore_mem>>) src(%dma_wait3A_1276 : memref<2x96xi32, #tpu.memory_space<hbm>>) dst(%dma_wait3A_1272 : memref<2x96xi32, #tpu.memory_space<vmem>>)
      %dma_start3A_1277 = arith.constant 3 : i32
      %dma_start3A_1278 = arith.constant 0 : i32
      %dma_start3A_1279 = arith.constant 0 : i32
      %dma_start3A_1280 = arith.constant 0 : i32
      %dma_start3A_1281 = arith.constant 0 : i32
      %dma_start3A_1282 = tpu.memref_slice %arg6[%dma_start3A_1279, %dma_start3A_1280, %dma_start3A_1281] : memref<3x96x128xf32, #tpu.memory_space<vmem>> -> memref<1x96x128xf32, #tpu.memory_space<vmem>>
      %dma_start3A_1283 = tpu.memref_squeeze %dma_start3A_1282 : memref<1x96x128xf32, #tpu.memory_space<vmem>> -> memref<96x128xf32, #tpu.memory_space<vmem>>
      %dma_start3A_1284 = arith.constant 0 : i32
      %dma_start3A_1285 = tpu.memref_slice %arg5[%dma_start3A_1277, %dma_start3A_1278, %dma_start3A_1284] : memref<6x2x96xi32, #tpu.memory_space<vmem>> -> memref<1x1x96xi32, #tpu.memory_space<vmem>>
      %dma_start3A_1286 = tpu.memref_squeeze %dma_start3A_1285 : memref<1x1x96xi32, #tpu.memory_space<vmem>> -> memref<96xi32, #tpu.memory_space<vmem>>
      %dma_start3A_1287 = arith.constant 0 : i32
      %dma_start3A_1288 = arith.constant 0 : i32
      %dma_start3A_1289 = tpu.memref_slice %arg2[%dma_start3A_1287, %dma_start3A_1288] : memref<10752x128xf32, #tpu.memory_space<hbm>> -> memref<10752x128xf32, #tpu.memory_space<hbm>>
      tpu.enqueue_indirect_dma source(%dma_start3A_1289 : memref<10752x128xf32, #tpu.memory_space<hbm>>) target(%dma_start3A_1283 : memref<96x128xf32, #tpu.memory_space<vmem>>) offsets(%dma_start3A_1286 : memref<96xi32, #tpu.memory_space<vmem>>) semaphore(%arg14 : memref<!tpu.dma_semaphore, #tpu.memory_space<semaphore_mem>>)
      %dma_start3A_1290 = arith.constant 1 : i32
      %dma_start3A_1291 = arith.constant 1 : i32
      %dma_start3A_1292 = arith.constant 1 : i32
      %dma_start3A_1293 = arith.constant 0 : i32
      %dma_start3A_1294 = arith.constant 0 : i32
      %dma_start3A_1295 = tpu.memref_slice %arg6[%dma_start3A_1290, %dma_start3A_1293, %dma_start3A_1294] : memref<3x96x128xf32, #tpu.memory_space<vmem>> -> memref<1x96x128xf32, #tpu.memory_space<vmem>>
      %dma_start3A_1296 = tpu.memref_squeeze %dma_start3A_1295 : memref<1x96x128xf32, #tpu.memory_space<vmem>> -> memref<96x128xf32, #tpu.memory_space<vmem>>
      %dma_start3A_1297 = arith.constant 0 : i32
      %dma_start3A_1298 = tpu.memref_slice %arg5[%dma_start3A_1291, %dma_start3A_1292, %dma_start3A_1297] : memref<6x2x96xi32, #tpu.memory_space<vmem>> -> memref<1x1x96xi32, #tpu.memory_space<vmem>>
      %dma_start3A_1299 = tpu.memref_squeeze %dma_start3A_1298 : memref<1x1x96xi32, #tpu.memory_space<vmem>> -> memref<96xi32, #tpu.memory_space<vmem>>
      %dma_start3A_1300 = arith.constant 0 : i32
      %dma_start3A_1301 = arith.constant 0 : i32
      %dma_start3A_1302 = tpu.memref_slice %arg7[%dma_start3A_1300, %dma_start3A_1301] : memref<10752x128xf32, #tpu.memory_space<vmem_shared>> -> memref<10752x128xf32, #tpu.memory_space<vmem_shared>>
      tpu.enqueue_indirect_dma source(%dma_start3A_1296 : memref<96x128xf32, #tpu.memory_space<vmem>>) target(%dma_start3A_1302 : memref<10752x128xf32, #tpu.memory_space<vmem_shared>>) offsets(%dma_start3A_1299 : memref<96xi32, #tpu.memory_space<vmem>>) semaphore(%arg18 : memref<!tpu.dma_semaphore, #tpu.memory_space<semaphore_mem>>) {add = true}
      %add3A_1303 = arith.addi %mul3A_2, %add3A_1233 : i32
      %add3A_1304 = arith.constant 3 : i32
      %add3A_1305 = arith.addi %add3A_1303, %add3A_1304 : i32
      %dma_start3A_1306 = arith.constant 4 : i32
      %dma_start3A_1307 = arith.constant 0 : i32
      %dma_start3A_1308 = arith.constant 0 : i32
      %dma_start3A_1309 = tpu.memref_slice %arg5[%dma_start3A_1306, %dma_start3A_1307, %dma_start3A_1308] : memref<6x2x96xi32, #tpu.memory_space<vmem>> -> memref<1x2x96xi32, #tpu.memory_space<vmem>>
      %dma_start3A_1310 = tpu.memref_squeeze %dma_start3A_1309 : memref<1x2x96xi32, #tpu.memory_space<vmem>> -> memref<2x96xi32, #tpu.memory_space<vmem>>
      %dma_start3A_1311 = arith.constant 0 : i32
      %dma_start3A_1312 = arith.constant 0 : i32
      %dma_start3A_1313 = tpu.memref_slice %arg3[%add3A_1305, %dma_start3A_1311, %dma_start3A_1312] : memref<3456x2x96xi32, #tpu.memory_space<hbm>> -> memref<1x2x96xi32, #tpu.memory_space<hbm>>
      %dma_start3A_1314 = tpu.memref_squeeze %dma_start3A_1313 : memref<1x2x96xi32, #tpu.memory_space<hbm>> -> memref<2x96xi32, #tpu.memory_space<hbm>>
      %dma_start3A_1315 = arith.constant 0 : i32
      %dma_start3A_1316 = arith.constant 0 : i32
      %dma_start3A_1317 = tpu.memref_slice %arg5[%dma_start3A_1306, %dma_start3A_1315, %dma_start3A_1316] : memref<6x2x96xi32, #tpu.memory_space<vmem>> -> memref<1x2x96xi32, #tpu.memory_space<vmem>>
      %dma_start3A_1318 = tpu.memref_squeeze %dma_start3A_1317 : memref<1x2x96xi32, #tpu.memory_space<vmem>> -> memref<2x96xi32, #tpu.memory_space<vmem>>
      %dma_start3A_1319 = arith.constant 0 : i32
      %dma_start3A_1320 = arith.constant 0 : i32
      %dma_start3A_1321 = tpu.memref_slice %arg3[%add3A_1305, %dma_start3A_1319, %dma_start3A_1320] : memref<3456x2x96xi32, #tpu.memory_space<hbm>> -> memref<1x2x96xi32, #tpu.memory_space<hbm>>
      %dma_start3A_1322 = tpu.memref_squeeze %dma_start3A_1321 : memref<1x2x96xi32, #tpu.memory_space<hbm>> -> memref<2x96xi32, #tpu.memory_space<hbm>>
      tpu.enqueue_dma source(%dma_start3A_1322 : memref<2x96xi32, #tpu.memory_space<hbm>>) target(%dma_start3A_1318 : memref<2x96xi32, #tpu.memory_space<vmem>>) target_semaphore(%arg12 : memref<!tpu.dma_semaphore, #tpu.memory_space<semaphore_mem>>)
      %mul3A_1323 = arith.constant 6 : i32
      %mul3A_1324 = arith.muli %scan3A_1136, %mul3A_1323 : i32
      %add3A_1325 = arith.constant 2 : i32
      %add3A_1326 = arith.addi %mul3A_1324, %add3A_1325 : i32
      %dma_wait3A_1327 = arith.constant 2 : i32
      %dma_wait3A_1328 = arith.constant 0 : i32
      %dma_wait3A_1329 = arith.constant 2 : i32
      %dma_wait3A_1330 = arith.constant 0 : i32
      %dma_wait3A_1331 = arith.constant 0 : i32
      %dma_wait3A_1332 = tpu.memref_slice %arg6[%dma_wait3A_1329, %dma_wait3A_1330, %dma_wait3A_1331] : memref<3x96x128xf32, #tpu.memory_space<vmem>> -> memref<1x96x128xf32, #tpu.memory_space<vmem>>
      %dma_wait3A_1333 = tpu.memref_squeeze %dma_wait3A_1332 : memref<1x96x128xf32, #tpu.memory_space<vmem>> -> memref<96x128xf32, #tpu.memory_space<vmem>>
      %dma_wait3A_1334 = arith.constant 0 : i32
      %dma_wait3A_1335 = tpu.memref_slice %arg5[%dma_wait3A_1327, %dma_wait3A_1328, %dma_wait3A_1334] : memref<6x2x96xi32, #tpu.memory_space<vmem>> -> memref<1x1x96xi32, #tpu.memory_space<vmem>>
      %dma_wait3A_1336 = tpu.memref_squeeze %dma_wait3A_1335 : memref<1x1x96xi32, #tpu.memory_space<vmem>> -> memref<96xi32, #tpu.memory_space<vmem>>
      %dma_wait3A_1337 = arith.constant 0 : i32
      %dma_wait3A_1338 = arith.constant 0 : i32
      %dma_wait3A_1339 = tpu.memref_slice %arg2[%dma_wait3A_1337, %dma_wait3A_1338] : memref<10752x128xf32, #tpu.memory_space<hbm>> -> memref<10752x128xf32, #tpu.memory_space<hbm>>
      tpu.wait_indirect_dma semaphore(%arg16 : memref<!tpu.dma_semaphore, #tpu.memory_space<semaphore_mem>>) src(%dma_wait3A_1339 : memref<10752x128xf32, #tpu.memory_space<hbm>>) dst(%dma_wait3A_1333 : memref<96x128xf32, #tpu.memory_space<vmem>>)
      %dma_wait3A_1340 = arith.constant 2 : i32
      %dma_wait3A_1341 = arith.constant 2 : i32
      %dma_wait3A_1342 = arith.constant 1 : i32
      %dma_wait3A_1343 = arith.constant 0 : i32
      %dma_wait3A_1344 = arith.constant 0 : i32
      %dma_wait3A_1345 = tpu.memref_slice %arg6[%dma_wait3A_1340, %dma_wait3A_1343, %dma_wait3A_1344] : memref<3x96x128xf32, #tpu.memory_space<vmem>> -> memref<1x96x128xf32, #tpu.memory_space<vmem>>
      %dma_wait3A_1346 = tpu.memref_squeeze %dma_wait3A_1345 : memref<1x96x128xf32, #tpu.memory_space<vmem>> -> memref<96x128xf32, #tpu.memory_space<vmem>>
      %dma_wait3A_1347 = arith.constant 0 : i32
      %dma_wait3A_1348 = tpu.memref_slice %arg5[%dma_wait3A_1341, %dma_wait3A_1342, %dma_wait3A_1347] : memref<6x2x96xi32, #tpu.memory_space<vmem>> -> memref<1x1x96xi32, #tpu.memory_space<vmem>>
      %dma_wait3A_1349 = tpu.memref_squeeze %dma_wait3A_1348 : memref<1x1x96xi32, #tpu.memory_space<vmem>> -> memref<96xi32, #tpu.memory_space<vmem>>
      %dma_wait3A_1350 = arith.constant 0 : i32
      %dma_wait3A_1351 = arith.constant 0 : i32
      %dma_wait3A_1352 = tpu.memref_slice %arg7[%dma_wait3A_1350, %dma_wait3A_1351] : memref<10752x128xf32, #tpu.memory_space<vmem_shared>> -> memref<10752x128xf32, #tpu.memory_space<vmem_shared>>
      tpu.wait_indirect_dma semaphore(%arg18 : memref<!tpu.dma_semaphore, #tpu.memory_space<semaphore_mem>>) src(%dma_wait3A_1346 : memref<96x128xf32, #tpu.memory_space<vmem>>) dst(%dma_wait3A_1352 : memref<10752x128xf32, #tpu.memory_space<vmem_shared>>)
      %dma_wait3A_1353 = arith.constant 4 : i32
      %dma_wait3A_1354 = arith.constant 0 : i32
      %dma_wait3A_1355 = arith.constant 0 : i32
      %dma_wait3A_1356 = tpu.memref_slice %arg5[%dma_wait3A_1353, %dma_wait3A_1354, %dma_wait3A_1355] : memref<6x2x96xi32, #tpu.memory_space<vmem>> -> memref<1x2x96xi32, #tpu.memory_space<vmem>>
      %dma_wait3A_1357 = tpu.memref_squeeze %dma_wait3A_1356 : memref<1x2x96xi32, #tpu.memory_space<vmem>> -> memref<2x96xi32, #tpu.memory_space<vmem>>
      %dma_wait3A_1358 = arith.constant 0 : i32
      %dma_wait3A_1359 = arith.constant 0 : i32
      %dma_wait3A_1360 = tpu.memref_slice %arg3[%mul3A_2, %dma_wait3A_1358, %dma_wait3A_1359] : memref<3456x2x96xi32, #tpu.memory_space<hbm>> -> memref<1x2x96xi32, #tpu.memory_space<hbm>>
      %dma_wait3A_1361 = tpu.memref_squeeze %dma_wait3A_1360 : memref<1x2x96xi32, #tpu.memory_space<hbm>> -> memref<2x96xi32, #tpu.memory_space<hbm>>
      %dma_wait3A_1362 = arith.constant 0 : i32
      %dma_wait3A_1363 = arith.constant 0 : i32
      %dma_wait3A_1364 = tpu.memref_slice %arg5[%dma_wait3A_1353, %dma_wait3A_1362, %dma_wait3A_1363] : memref<6x2x96xi32, #tpu.memory_space<vmem>> -> memref<1x2x96xi32, #tpu.memory_space<vmem>>
      %dma_wait3A_1365 = tpu.memref_squeeze %dma_wait3A_1364 : memref<1x2x96xi32, #tpu.memory_space<vmem>> -> memref<2x96xi32, #tpu.memory_space<vmem>>
      %dma_wait3A_1366 = arith.constant 0 : i32
      %dma_wait3A_1367 = arith.constant 0 : i32
      %dma_wait3A_1368 = tpu.memref_slice %arg3[%mul3A_2, %dma_wait3A_1366, %dma_wait3A_1367] : memref<3456x2x96xi32, #tpu.memory_space<hbm>> -> memref<1x2x96xi32, #tpu.memory_space<hbm>>
      %dma_wait3A_1369 = tpu.memref_squeeze %dma_wait3A_1368 : memref<1x2x96xi32, #tpu.memory_space<hbm>> -> memref<2x96xi32, #tpu.memory_space<hbm>>
      tpu.wait_dma2 semaphore(%arg12 : memref<!tpu.dma_semaphore, #tpu.memory_space<semaphore_mem>>) src(%dma_wait3A_1369 : memref<2x96xi32, #tpu.memory_space<hbm>>) dst(%dma_wait3A_1365 : memref<2x96xi32, #tpu.memory_space<vmem>>)
      %dma_start3A_1370 = arith.constant 4 : i32
      %dma_start3A_1371 = arith.constant 0 : i32
      %dma_start3A_1372 = arith.constant 1 : i32
      %dma_start3A_1373 = arith.constant 0 : i32
      %dma_start3A_1374 = arith.constant 0 : i32
      %dma_start3A_1375 = tpu.memref_slice %arg6[%dma_start3A_1372, %dma_start3A_1373, %dma_start3A_1374] : memref<3x96x128xf32, #tpu.memory_space<vmem>> -> memref<1x96x128xf32, #tpu.memory_space<vmem>>
      %dma_start3A_1376 = tpu.memref_squeeze %dma_start3A_1375 : memref<1x96x128xf32, #tpu.memory_space<vmem>> -> memref<96x128xf32, #tpu.memory_space<vmem>>
      %dma_start3A_1377 = arith.constant 0 : i32
      %dma_start3A_1378 = tpu.memref_slice %arg5[%dma_start3A_1370, %dma_start3A_1371, %dma_start3A_1377] : memref<6x2x96xi32, #tpu.memory_space<vmem>> -> memref<1x1x96xi32, #tpu.memory_space<vmem>>
      %dma_start3A_1379 = tpu.memref_squeeze %dma_start3A_1378 : memref<1x1x96xi32, #tpu.memory_space<vmem>> -> memref<96xi32, #tpu.memory_space<vmem>>
      %dma_start3A_1380 = arith.constant 0 : i32
      %dma_start3A_1381 = arith.constant 0 : i32
      %dma_start3A_1382 = tpu.memref_slice %arg2[%dma_start3A_1380, %dma_start3A_1381] : memref<10752x128xf32, #tpu.memory_space<hbm>> -> memref<10752x128xf32, #tpu.memory_space<hbm>>
      tpu.enqueue_indirect_dma source(%dma_start3A_1382 : memref<10752x128xf32, #tpu.memory_space<hbm>>) target(%dma_start3A_1376 : memref<96x128xf32, #tpu.memory_space<vmem>>) offsets(%dma_start3A_1379 : memref<96xi32, #tpu.memory_space<vmem>>) semaphore(%arg15 : memref<!tpu.dma_semaphore, #tpu.memory_space<semaphore_mem>>)
      %dma_start3A_1383 = arith.constant 2 : i32
      %dma_start3A_1384 = arith.constant 2 : i32
      %dma_start3A_1385 = arith.constant 1 : i32
      %dma_start3A_1386 = arith.constant 0 : i32
      %dma_start3A_1387 = arith.constant 0 : i32
      %dma_start3A_1388 = tpu.memref_slice %arg6[%dma_start3A_1383, %dma_start3A_1386, %dma_start3A_1387] : memref<3x96x128xf32, #tpu.memory_space<vmem>> -> memref<1x96x128xf32, #tpu.memory_space<vmem>>
      %dma_start3A_1389 = tpu.memref_squeeze %dma_start3A_1388 : memref<1x96x128xf32, #tpu.memory_space<vmem>> -> memref<96x128xf32, #tpu.memory_space<vmem>>
      %dma_start3A_1390 = arith.constant 0 : i32
      %dma_start3A_1391 = tpu.memref_slice %arg5[%dma_start3A_1384, %dma_start3A_1385, %dma_start3A_1390] : memref<6x2x96xi32, #tpu.memory_space<vmem>> -> memref<1x1x96xi32, #tpu.memory_space<vmem>>
      %dma_start3A_1392 = tpu.memref_squeeze %dma_start3A_1391 : memref<1x1x96xi32, #tpu.memory_space<vmem>> -> memref<96xi32, #tpu.memory_space<vmem>>
      %dma_start3A_1393 = arith.constant 0 : i32
      %dma_start3A_1394 = arith.constant 0 : i32
      %dma_start3A_1395 = tpu.memref_slice %arg7[%dma_start3A_1393, %dma_start3A_1394] : memref<10752x128xf32, #tpu.memory_space<vmem_shared>> -> memref<10752x128xf32, #tpu.memory_space<vmem_shared>>
      tpu.enqueue_indirect_dma source(%dma_start3A_1389 : memref<96x128xf32, #tpu.memory_space<vmem>>) target(%dma_start3A_1395 : memref<10752x128xf32, #tpu.memory_space<vmem_shared>>) offsets(%dma_start3A_1392 : memref<96xi32, #tpu.memory_space<vmem>>) semaphore(%arg17 : memref<!tpu.dma_semaphore, #tpu.memory_space<semaphore_mem>>) {add = true}
      %add3A_1396 = arith.addi %mul3A_2, %add3A_1326 : i32
      %add3A_1397 = arith.constant 3 : i32
      %add3A_1398 = arith.addi %add3A_1396, %add3A_1397 : i32
      %dma_start3A_1399 = arith.constant 5 : i32
      %dma_start3A_1400 = arith.constant 0 : i32
      %dma_start3A_1401 = arith.constant 0 : i32
      %dma_start3A_1402 = tpu.memref_slice %arg5[%dma_start3A_1399, %dma_start3A_1400, %dma_start3A_1401] : memref<6x2x96xi32, #tpu.memory_space<vmem>> -> memref<1x2x96xi32, #tpu.memory_space<vmem>>
      %dma_start3A_1403 = tpu.memref_squeeze %dma_start3A_1402 : memref<1x2x96xi32, #tpu.memory_space<vmem>> -> memref<2x96xi32, #tpu.memory_space<vmem>>
      %dma_start3A_1404 = arith.constant 0 : i32
      %dma_start3A_1405 = arith.constant 0 : i32
      %dma_start3A_1406 = tpu.memref_slice %arg3[%add3A_1398, %dma_start3A_1404, %dma_start3A_1405] : memref<3456x2x96xi32, #tpu.memory_space<hbm>> -> memref<1x2x96xi32, #tpu.memory_space<hbm>>
      %dma_start3A_1407 = tpu.memref_squeeze %dma_start3A_1406 : memref<1x2x96xi32, #tpu.memory_space<hbm>> -> memref<2x96xi32, #tpu.memory_space<hbm>>
      %dma_start3A_1408 = arith.constant 0 : i32
      %dma_start3A_1409 = arith.constant 0 : i32
      %dma_start3A_1410 = tpu.memref_slice %arg5[%dma_start3A_1399, %dma_start3A_1408, %dma_start3A_1409] : memref<6x2x96xi32, #tpu.memory_space<vmem>> -> memref<1x2x96xi32, #tpu.memory_space<vmem>>
      %dma_start3A_1411 = tpu.memref_squeeze %dma_start3A_1410 : memref<1x2x96xi32, #tpu.memory_space<vmem>> -> memref<2x96xi32, #tpu.memory_space<vmem>>
      %dma_start3A_1412 = arith.constant 0 : i32
      %dma_start3A_1413 = arith.constant 0 : i32
      %dma_start3A_1414 = tpu.memref_slice %arg3[%add3A_1398, %dma_start3A_1412, %dma_start3A_1413] : memref<3456x2x96xi32, #tpu.memory_space<hbm>> -> memref<1x2x96xi32, #tpu.memory_space<hbm>>
      %dma_start3A_1415 = tpu.memref_squeeze %dma_start3A_1414 : memref<1x2x96xi32, #tpu.memory_space<hbm>> -> memref<2x96xi32, #tpu.memory_space<hbm>>
      tpu.enqueue_dma source(%dma_start3A_1415 : memref<2x96xi32, #tpu.memory_space<hbm>>) target(%dma_start3A_1411 : memref<2x96xi32, #tpu.memory_space<vmem>>) target_semaphore(%arg13 : memref<!tpu.dma_semaphore, #tpu.memory_space<semaphore_mem>>)
      %mul3A_1416 = arith.constant 6 : i32
      %mul3A_1417 = arith.muli %scan3A_1136, %mul3A_1416 : i32
      %add3A_1418 = arith.constant 3 : i32
      %add3A_1419 = arith.addi %mul3A_1417, %add3A_1418 : i32
      %dma_wait3A_1420 = arith.constant 3 : i32
      %dma_wait3A_1421 = arith.constant 0 : i32
      %dma_wait3A_1422 = arith.constant 0 : i32
      %dma_wait3A_1423 = arith.constant 0 : i32
      %dma_wait3A_1424 = arith.constant 0 : i32
      %dma_wait3A_1425 = tpu.memref_slice %arg6[%dma_wait3A_1422, %dma_wait3A_1423, %dma_wait3A_1424] : memref<3x96x128xf32, #tpu.memory_space<vmem>> -> memref<1x96x128xf32, #tpu.memory_space<vmem>>
      %dma_wait3A_1426 = tpu.memref_squeeze %dma_wait3A_1425 : memref<1x96x128xf32, #tpu.memory_space<vmem>> -> memref<96x128xf32, #tpu.memory_space<vmem>>
      %dma_wait3A_1427 = arith.constant 0 : i32
      %dma_wait3A_1428 = tpu.memref_slice %arg5[%dma_wait3A_1420, %dma_wait3A_1421, %dma_wait3A_1427] : memref<6x2x96xi32, #tpu.memory_space<vmem>> -> memref<1x1x96xi32, #tpu.memory_space<vmem>>
      %dma_wait3A_1429 = tpu.memref_squeeze %dma_wait3A_1428 : memref<1x1x96xi32, #tpu.memory_space<vmem>> -> memref<96xi32, #tpu.memory_space<vmem>>
      %dma_wait3A_1430 = arith.constant 0 : i32
      %dma_wait3A_1431 = arith.constant 0 : i32
      %dma_wait3A_1432 = tpu.memref_slice %arg2[%dma_wait3A_1430, %dma_wait3A_1431] : memref<10752x128xf32, #tpu.memory_space<hbm>> -> memref<10752x128xf32, #tpu.memory_space<hbm>>
      tpu.wait_indirect_dma semaphore(%arg14 : memref<!tpu.dma_semaphore, #tpu.memory_space<semaphore_mem>>) src(%dma_wait3A_1432 : memref<10752x128xf32, #tpu.memory_space<hbm>>) dst(%dma_wait3A_1426 : memref<96x128xf32, #tpu.memory_space<vmem>>)
      %dma_wait3A_1433 = arith.constant 0 : i32
      %dma_wait3A_1434 = arith.constant 3 : i32
      %dma_wait3A_1435 = arith.constant 1 : i32
      %dma_wait3A_1436 = arith.constant 0 : i32
      %dma_wait3A_1437 = arith.constant 0 : i32
      %dma_wait3A_1438 = tpu.memref_slice %arg6[%dma_wait3A_1433, %dma_wait3A_1436, %dma_wait3A_1437] : memref<3x96x128xf32, #tpu.memory_space<vmem>> -> memref<1x96x128xf32, #tpu.memory_space<vmem>>
      %dma_wait3A_1439 = tpu.memref_squeeze %dma_wait3A_1438 : memref<1x96x128xf32, #tpu.memory_space<vmem>> -> memref<96x128xf32, #tpu.memory_space<vmem>>
      %dma_wait3A_1440 = arith.constant 0 : i32
      %dma_wait3A_1441 = tpu.memref_slice %arg5[%dma_wait3A_1434, %dma_wait3A_1435, %dma_wait3A_1440] : memref<6x2x96xi32, #tpu.memory_space<vmem>> -> memref<1x1x96xi32, #tpu.memory_space<vmem>>
      %dma_wait3A_1442 = tpu.memref_squeeze %dma_wait3A_1441 : memref<1x1x96xi32, #tpu.memory_space<vmem>> -> memref<96xi32, #tpu.memory_space<vmem>>
      %dma_wait3A_1443 = arith.constant 0 : i32
      %dma_wait3A_1444 = arith.constant 0 : i32
      %dma_wait3A_1445 = tpu.memref_slice %arg7[%dma_wait3A_1443, %dma_wait3A_1444] : memref<10752x128xf32, #tpu.memory_space<vmem_shared>> -> memref<10752x128xf32, #tpu.memory_space<vmem_shared>>
      tpu.wait_indirect_dma semaphore(%arg17 : memref<!tpu.dma_semaphore, #tpu.memory_space<semaphore_mem>>) src(%dma_wait3A_1439 : memref<96x128xf32, #tpu.memory_space<vmem>>) dst(%dma_wait3A_1445 : memref<10752x128xf32, #tpu.memory_space<vmem_shared>>)
      %dma_wait3A_1446 = arith.constant 5 : i32
      %dma_wait3A_1447 = arith.constant 0 : i32
      %dma_wait3A_1448 = arith.constant 0 : i32
      %dma_wait3A_1449 = tpu.memref_slice %arg5[%dma_wait3A_1446, %dma_wait3A_1447, %dma_wait3A_1448] : memref<6x2x96xi32, #tpu.memory_space<vmem>> -> memref<1x2x96xi32, #tpu.memory_space<vmem>>
      %dma_wait3A_1450 = tpu.memref_squeeze %dma_wait3A_1449 : memref<1x2x96xi32, #tpu.memory_space<vmem>> -> memref<2x96xi32, #tpu.memory_space<vmem>>
      %dma_wait3A_1451 = arith.constant 0 : i32
      %dma_wait3A_1452 = arith.constant 0 : i32
      %dma_wait3A_1453 = tpu.memref_slice %arg3[%mul3A_2, %dma_wait3A_1451, %dma_wait3A_1452] : memref<3456x2x96xi32, #tpu.memory_space<hbm>> -> memref<1x2x96xi32, #tpu.memory_space<hbm>>
      %dma_wait3A_1454 = tpu.memref_squeeze %dma_wait3A_1453 : memref<1x2x96xi32, #tpu.memory_space<hbm>> -> memref<2x96xi32, #tpu.memory_space<hbm>>
      %dma_wait3A_1455 = arith.constant 0 : i32
      %dma_wait3A_1456 = arith.constant 0 : i32
      %dma_wait3A_1457 = tpu.memref_slice %arg5[%dma_wait3A_1446, %dma_wait3A_1455, %dma_wait3A_1456] : memref<6x2x96xi32, #tpu.memory_space<vmem>> -> memref<1x2x96xi32, #tpu.memory_space<vmem>>
      %dma_wait3A_1458 = tpu.memref_squeeze %dma_wait3A_1457 : memref<1x2x96xi32, #tpu.memory_space<vmem>> -> memref<2x96xi32, #tpu.memory_space<vmem>>
      %dma_wait3A_1459 = arith.constant 0 : i32
      %dma_wait3A_1460 = arith.constant 0 : i32
      %dma_wait3A_1461 = tpu.memref_slice %arg3[%mul3A_2, %dma_wait3A_1459, %dma_wait3A_1460] : memref<3456x2x96xi32, #tpu.memory_space<hbm>> -> memref<1x2x96xi32, #tpu.memory_space<hbm>>
      %dma_wait3A_1462 = tpu.memref_squeeze %dma_wait3A_1461 : memref<1x2x96xi32, #tpu.memory_space<hbm>> -> memref<2x96xi32, #tpu.memory_space<hbm>>
      tpu.wait_dma2 semaphore(%arg13 : memref<!tpu.dma_semaphore, #tpu.memory_space<semaphore_mem>>) src(%dma_wait3A_1462 : memref<2x96xi32, #tpu.memory_space<hbm>>) dst(%dma_wait3A_1458 : memref<2x96xi32, #tpu.memory_space<vmem>>)
      %dma_start3A_1463 = arith.constant 5 : i32
      %dma_start3A_1464 = arith.constant 0 : i32
      %dma_start3A_1465 = arith.constant 2 : i32
      %dma_start3A_1466 = arith.constant 0 : i32
      %dma_start3A_1467 = arith.constant 0 : i32
      %dma_start3A_1468 = tpu.memref_slice %arg6[%dma_start3A_1465, %dma_start3A_1466, %dma_start3A_1467] : memref<3x96x128xf32, #tpu.memory_space<vmem>> -> memref<1x96x128xf32, #tpu.memory_space<vmem>>
      %dma_start3A_1469 = tpu.memref_squeeze %dma_start3A_1468 : memref<1x96x128xf32, #tpu.memory_space<vmem>> -> memref<96x128xf32, #tpu.memory_space<vmem>>
      %dma_start3A_1470 = arith.constant 0 : i32
      %dma_start3A_1471 = tpu.memref_slice %arg5[%dma_start3A_1463, %dma_start3A_1464, %dma_start3A_1470] : memref<6x2x96xi32, #tpu.memory_space<vmem>> -> memref<1x1x96xi32, #tpu.memory_space<vmem>>
      %dma_start3A_1472 = tpu.memref_squeeze %dma_start3A_1471 : memref<1x1x96xi32, #tpu.memory_space<vmem>> -> memref<96xi32, #tpu.memory_space<vmem>>
      %dma_start3A_1473 = arith.constant 0 : i32
      %dma_start3A_1474 = arith.constant 0 : i32
      %dma_start3A_1475 = tpu.memref_slice %arg2[%dma_start3A_1473, %dma_start3A_1474] : memref<10752x128xf32, #tpu.memory_space<hbm>> -> memref<10752x128xf32, #tpu.memory_space<hbm>>
      tpu.enqueue_indirect_dma source(%dma_start3A_1475 : memref<10752x128xf32, #tpu.memory_space<hbm>>) target(%dma_start3A_1469 : memref<96x128xf32, #tpu.memory_space<vmem>>) offsets(%dma_start3A_1472 : memref<96xi32, #tpu.memory_space<vmem>>) semaphore(%arg16 : memref<!tpu.dma_semaphore, #tpu.memory_space<semaphore_mem>>)
      %dma_start3A_1476 = arith.constant 0 : i32
      %dma_start3A_1477 = arith.constant 3 : i32
      %dma_start3A_1478 = arith.constant 1 : i32
      %dma_start3A_1479 = arith.constant 0 : i32
      %dma_start3A_1480 = arith.constant 0 : i32
      %dma_start3A_1481 = tpu.memref_slice %arg6[%dma_start3A_1476, %dma_start3A_1479, %dma_start3A_1480] : memref<3x96x128xf32, #tpu.memory_space<vmem>> -> memref<1x96x128xf32, #tpu.memory_space<vmem>>
      %dma_start3A_1482 = tpu.memref_squeeze %dma_start3A_1481 : memref<1x96x128xf32, #tpu.memory_space<vmem>> -> memref<96x128xf32, #tpu.memory_space<vmem>>
      %dma_start3A_1483 = arith.constant 0 : i32
      %dma_start3A_1484 = tpu.memref_slice %arg5[%dma_start3A_1477, %dma_start3A_1478, %dma_start3A_1483] : memref<6x2x96xi32, #tpu.memory_space<vmem>> -> memref<1x1x96xi32, #tpu.memory_space<vmem>>
      %dma_start3A_1485 = tpu.memref_squeeze %dma_start3A_1484 : memref<1x1x96xi32, #tpu.memory_space<vmem>> -> memref<96xi32, #tpu.memory_space<vmem>>
      %dma_start3A_1486 = arith.constant 0 : i32
      %dma_start3A_1487 = arith.constant 0 : i32
      %dma_start3A_1488 = tpu.memref_slice %arg7[%dma_start3A_1486, %dma_start3A_1487] : memref<10752x128xf32, #tpu.memory_space<vmem_shared>> -> memref<10752x128xf32, #tpu.memory_space<vmem_shared>>
      tpu.enqueue_indirect_dma source(%dma_start3A_1482 : memref<96x128xf32, #tpu.memory_space<vmem>>) target(%dma_start3A_1488 : memref<10752x128xf32, #tpu.memory_space<vmem_shared>>) offsets(%dma_start3A_1485 : memref<96xi32, #tpu.memory_space<vmem>>) semaphore(%arg18 : memref<!tpu.dma_semaphore, #tpu.memory_space<semaphore_mem>>) {add = true}
      %add3A_1489 = arith.addi %mul3A_2, %add3A_1419 : i32
      %add3A_1490 = arith.constant 3 : i32
      %add3A_1491 = arith.addi %add3A_1489, %add3A_1490 : i32
      %dma_start3A_1492 = arith.constant 0 : i32
      %dma_start3A_1493 = arith.constant 0 : i32
      %dma_start3A_1494 = arith.constant 0 : i32
      %dma_start3A_1495 = tpu.memref_slice %arg5[%dma_start3A_1492, %dma_start3A_1493, %dma_start3A_1494] : memref<6x2x96xi32, #tpu.memory_space<vmem>> -> memref<1x2x96xi32, #tpu.memory_space<vmem>>
      %dma_start3A_1496 = tpu.memref_squeeze %dma_start3A_1495 : memref<1x2x96xi32, #tpu.memory_space<vmem>> -> memref<2x96xi32, #tpu.memory_space<vmem>>
      %dma_start3A_1497 = arith.constant 0 : i32
      %dma_start3A_1498 = arith.constant 0 : i32
      %dma_start3A_1499 = tpu.memref_slice %arg3[%add3A_1491, %dma_start3A_1497, %dma_start3A_1498] : memref<3456x2x96xi32, #tpu.memory_space<hbm>> -> memref<1x2x96xi32, #tpu.memory_space<hbm>>
      %dma_start3A_1500 = tpu.memref_squeeze %dma_start3A_1499 : memref<1x2x96xi32, #tpu.memory_space<hbm>> -> memref<2x96xi32, #tpu.memory_space<hbm>>
      %dma_start3A_1501 = arith.constant 0 : i32
      %dma_start3A_1502 = arith.constant 0 : i32
      %dma_start3A_1503 = tpu.memref_slice %arg5[%dma_start3A_1492, %dma_start3A_1501, %dma_start3A_1502] : memref<6x2x96xi32, #tpu.memory_space<vmem>> -> memref<1x2x96xi32, #tpu.memory_space<vmem>>
      %dma_start3A_1504 = tpu.memref_squeeze %dma_start3A_1503 : memref<1x2x96xi32, #tpu.memory_space<vmem>> -> memref<2x96xi32, #tpu.memory_space<vmem>>
      %dma_start3A_1505 = arith.constant 0 : i32
      %dma_start3A_1506 = arith.constant 0 : i32
      %dma_start3A_1507 = tpu.memref_slice %arg3[%add3A_1491, %dma_start3A_1505, %dma_start3A_1506] : memref<3456x2x96xi32, #tpu.memory_space<hbm>> -> memref<1x2x96xi32, #tpu.memory_space<hbm>>
      %dma_start3A_1508 = tpu.memref_squeeze %dma_start3A_1507 : memref<1x2x96xi32, #tpu.memory_space<hbm>> -> memref<2x96xi32, #tpu.memory_space<hbm>>
      tpu.enqueue_dma source(%dma_start3A_1508 : memref<2x96xi32, #tpu.memory_space<hbm>>) target(%dma_start3A_1504 : memref<2x96xi32, #tpu.memory_space<vmem>>) target_semaphore(%arg8 : memref<!tpu.dma_semaphore, #tpu.memory_space<semaphore_mem>>)
      %mul3A_1509 = arith.constant 6 : i32
      %mul3A_1510 = arith.muli %scan3A_1136, %mul3A_1509 : i32
      %add3A_1511 = arith.constant 4 : i32
      %add3A_1512 = arith.addi %mul3A_1510, %add3A_1511 : i32
      %dma_wait3A_1513 = arith.constant 4 : i32
      %dma_wait3A_1514 = arith.constant 0 : i32
      %dma_wait3A_1515 = arith.constant 1 : i32
      %dma_wait3A_1516 = arith.constant 0 : i32
      %dma_wait3A_1517 = arith.constant 0 : i32
      %dma_wait3A_1518 = tpu.memref_slice %arg6[%dma_wait3A_1515, %dma_wait3A_1516, %dma_wait3A_1517] : memref<3x96x128xf32, #tpu.memory_space<vmem>> -> memref<1x96x128xf32, #tpu.memory_space<vmem>>
      %dma_wait3A_1519 = tpu.memref_squeeze %dma_wait3A_1518 : memref<1x96x128xf32, #tpu.memory_space<vmem>> -> memref<96x128xf32, #tpu.memory_space<vmem>>
      %dma_wait3A_1520 = arith.constant 0 : i32
      %dma_wait3A_1521 = tpu.memref_slice %arg5[%dma_wait3A_1513, %dma_wait3A_1514, %dma_wait3A_1520] : memref<6x2x96xi32, #tpu.memory_space<vmem>> -> memref<1x1x96xi32, #tpu.memory_space<vmem>>
      %dma_wait3A_1522 = tpu.memref_squeeze %dma_wait3A_1521 : memref<1x1x96xi32, #tpu.memory_space<vmem>> -> memref<96xi32, #tpu.memory_space<vmem>>
      %dma_wait3A_1523 = arith.constant 0 : i32
      %dma_wait3A_1524 = arith.constant 0 : i32
      %dma_wait3A_1525 = tpu.memref_slice %arg2[%dma_wait3A_1523, %dma_wait3A_1524] : memref<10752x128xf32, #tpu.memory_space<hbm>> -> memref<10752x128xf32, #tpu.memory_space<hbm>>
      tpu.wait_indirect_dma semaphore(%arg15 : memref<!tpu.dma_semaphore, #tpu.memory_space<semaphore_mem>>) src(%dma_wait3A_1525 : memref<10752x128xf32, #tpu.memory_space<hbm>>) dst(%dma_wait3A_1519 : memref<96x128xf32, #tpu.memory_space<vmem>>)
      %dma_wait3A_1526 = arith.constant 1 : i32
      %dma_wait3A_1527 = arith.constant 4 : i32
      %dma_wait3A_1528 = arith.constant 1 : i32
      %dma_wait3A_1529 = arith.constant 0 : i32
      %dma_wait3A_1530 = arith.constant 0 : i32
      %dma_wait3A_1531 = tpu.memref_slice %arg6[%dma_wait3A_1526, %dma_wait3A_1529, %dma_wait3A_1530] : memref<3x96x128xf32, #tpu.memory_space<vmem>> -> memref<1x96x128xf32, #tpu.memory_space<vmem>>
      %dma_wait3A_1532 = tpu.memref_squeeze %dma_wait3A_1531 : memref<1x96x128xf32, #tpu.memory_space<vmem>> -> memref<96x128xf32, #tpu.memory_space<vmem>>
      %dma_wait3A_1533 = arith.constant 0 : i32
      %dma_wait3A_1534 = tpu.memref_slice %arg5[%dma_wait3A_1527, %dma_wait3A_1528, %dma_wait3A_1533] : memref<6x2x96xi32, #tpu.memory_space<vmem>> -> memref<1x1x96xi32, #tpu.memory_space<vmem>>
      %dma_wait3A_1535 = tpu.memref_squeeze %dma_wait3A_1534 : memref<1x1x96xi32, #tpu.memory_space<vmem>> -> memref<96xi32, #tpu.memory_space<vmem>>
      %dma_wait3A_1536 = arith.constant 0 : i32
      %dma_wait3A_1537 = arith.constant 0 : i32
      %dma_wait3A_1538 = tpu.memref_slice %arg7[%dma_wait3A_1536, %dma_wait3A_1537] : memref<10752x128xf32, #tpu.memory_space<vmem_shared>> -> memref<10752x128xf32, #tpu.memory_space<vmem_shared>>
      tpu.wait_indirect_dma semaphore(%arg18 : memref<!tpu.dma_semaphore, #tpu.memory_space<semaphore_mem>>) src(%dma_wait3A_1532 : memref<96x128xf32, #tpu.memory_space<vmem>>) dst(%dma_wait3A_1538 : memref<10752x128xf32, #tpu.memory_space<vmem_shared>>)
      %dma_wait3A_1539 = arith.constant 0 : i32
      %dma_wait3A_1540 = arith.constant 0 : i32
      %dma_wait3A_1541 = arith.constant 0 : i32
      %dma_wait3A_1542 = tpu.memref_slice %arg5[%dma_wait3A_1539, %dma_wait3A_1540, %dma_wait3A_1541] : memref<6x2x96xi32, #tpu.memory_space<vmem>> -> memref<1x2x96xi32, #tpu.memory_space<vmem>>
      %dma_wait3A_1543 = tpu.memref_squeeze %dma_wait3A_1542 : memref<1x2x96xi32, #tpu.memory_space<vmem>> -> memref<2x96xi32, #tpu.memory_space<vmem>>
      %dma_wait3A_1544 = arith.constant 0 : i32
      %dma_wait3A_1545 = arith.constant 0 : i32
      %dma_wait3A_1546 = tpu.memref_slice %arg3[%mul3A_2, %dma_wait3A_1544, %dma_wait3A_1545] : memref<3456x2x96xi32, #tpu.memory_space<hbm>> -> memref<1x2x96xi32, #tpu.memory_space<hbm>>
      %dma_wait3A_1547 = tpu.memref_squeeze %dma_wait3A_1546 : memref<1x2x96xi32, #tpu.memory_space<hbm>> -> memref<2x96xi32, #tpu.memory_space<hbm>>
      %dma_wait3A_1548 = arith.constant 0 : i32
      %dma_wait3A_1549 = arith.constant 0 : i32
      %dma_wait3A_1550 = tpu.memref_slice %arg5[%dma_wait3A_1539, %dma_wait3A_1548, %dma_wait3A_1549] : memref<6x2x96xi32, #tpu.memory_space<vmem>> -> memref<1x2x96xi32, #tpu.memory_space<vmem>>
      %dma_wait3A_1551 = tpu.memref_squeeze %dma_wait3A_1550 : memref<1x2x96xi32, #tpu.memory_space<vmem>> -> memref<2x96xi32, #tpu.memory_space<vmem>>
      %dma_wait3A_1552 = arith.constant 0 : i32
      %dma_wait3A_1553 = arith.constant 0 : i32
      %dma_wait3A_1554 = tpu.memref_slice %arg3[%mul3A_2, %dma_wait3A_1552, %dma_wait3A_1553] : memref<3456x2x96xi32, #tpu.memory_space<hbm>> -> memref<1x2x96xi32, #tpu.memory_space<hbm>>
      %dma_wait3A_1555 = tpu.memref_squeeze %dma_wait3A_1554 : memref<1x2x96xi32, #tpu.memory_space<hbm>> -> memref<2x96xi32, #tpu.memory_space<hbm>>
      tpu.wait_dma2 semaphore(%arg8 : memref<!tpu.dma_semaphore, #tpu.memory_space<semaphore_mem>>) src(%dma_wait3A_1555 : memref<2x96xi32, #tpu.memory_space<hbm>>) dst(%dma_wait3A_1551 : memref<2x96xi32, #tpu.memory_space<vmem>>)
      %dma_start3A_1556 = arith.constant 0 : i32
      %dma_start3A_1557 = arith.constant 0 : i32
      %dma_start3A_1558 = arith.constant 0 : i32
      %dma_start3A_1559 = arith.constant 0 : i32
      %dma_start3A_1560 = arith.constant 0 : i32
      %dma_start3A_1561 = tpu.memref_slice %arg6[%dma_start3A_1558, %dma_start3A_1559, %dma_start3A_1560] : memref<3x96x128xf32, #tpu.memory_space<vmem>> -> memref<1x96x128xf32, #tpu.memory_space<vmem>>
      %dma_start3A_1562 = tpu.memref_squeeze %dma_start3A_1561 : memref<1x96x128xf32, #tpu.memory_space<vmem>> -> memref<96x128xf32, #tpu.memory_space<vmem>>
      %dma_start3A_1563 = arith.constant 0 : i32
      %dma_start3A_1564 = tpu.memref_slice %arg5[%dma_start3A_1556, %dma_start3A_1557, %dma_start3A_1563] : memref<6x2x96xi32, #tpu.memory_space<vmem>> -> memref<1x1x96xi32, #tpu.memory_space<vmem>>
      %dma_start3A_1565 = tpu.memref_squeeze %dma_start3A_1564 : memref<1x1x96xi32, #tpu.memory_space<vmem>> -> memref<96xi32, #tpu.memory_space<vmem>>
      %dma_start3A_1566 = arith.constant 0 : i32
      %dma_start3A_1567 = arith.constant 0 : i32
      %dma_start3A_1568 = tpu.memref_slice %arg2[%dma_start3A_1566, %dma_start3A_1567] : memref<10752x128xf32, #tpu.memory_space<hbm>> -> memref<10752x128xf32, #tpu.memory_space<hbm>>
      tpu.enqueue_indirect_dma source(%dma_start3A_1568 : memref<10752x128xf32, #tpu.memory_space<hbm>>) target(%dma_start3A_1562 : memref<96x128xf32, #tpu.memory_space<vmem>>) offsets(%dma_start3A_1565 : memref<96xi32, #tpu.memory_space<vmem>>) semaphore(%arg14 : memref<!tpu.dma_semaphore, #tpu.memory_space<semaphore_mem>>)
      %dma_start3A_1569 = arith.constant 1 : i32
      %dma_start3A_1570 = arith.constant 4 : i32
      %dma_start3A_1571 = arith.constant 1 : i32
      %dma_start3A_1572 = arith.constant 0 : i32
      %dma_start3A_1573 = arith.constant 0 : i32
      %dma_start3A_1574 = tpu.memref_slice %arg6[%dma_start3A_1569, %dma_start3A_1572, %dma_start3A_1573] : memref<3x96x128xf32, #tpu.memory_space<vmem>> -> memref<1x96x128xf32, #tpu.memory_space<vmem>>
      %dma_start3A_1575 = tpu.memref_squeeze %dma_start3A_1574 : memref<1x96x128xf32, #tpu.memory_space<vmem>> -> memref<96x128xf32, #tpu.memory_space<vmem>>
      %dma_start3A_1576 = arith.constant 0 : i32
      %dma_start3A_1577 = tpu.memref_slice %arg5[%dma_start3A_1570, %dma_start3A_1571, %dma_start3A_1576] : memref<6x2x96xi32, #tpu.memory_space<vmem>> -> memref<1x1x96xi32, #tpu.memory_space<vmem>>
      %dma_start3A_1578 = tpu.memref_squeeze %dma_start3A_1577 : memref<1x1x96xi32, #tpu.memory_space<vmem>> -> memref<96xi32, #tpu.memory_space<vmem>>
      %dma_start3A_1579 = arith.constant 0 : i32
      %dma_start3A_1580 = arith.constant 0 : i32
      %dma_start3A_1581 = tpu.memref_slice %arg7[%dma_start3A_1579, %dma_start3A_1580] : memref<10752x128xf32, #tpu.memory_space<vmem_shared>> -> memref<10752x128xf32, #tpu.memory_space<vmem_shared>>
      tpu.enqueue_indirect_dma source(%dma_start3A_1575 : memref<96x128xf32, #tpu.memory_space<vmem>>) target(%dma_start3A_1581 : memref<10752x128xf32, #tpu.memory_space<vmem_shared>>) offsets(%dma_start3A_1578 : memref<96xi32, #tpu.memory_space<vmem>>) semaphore(%arg17 : memref<!tpu.dma_semaphore, #tpu.memory_space<semaphore_mem>>) {add = true}
      %add3A_1582 = arith.addi %mul3A_2, %add3A_1512 : i32
      %add3A_1583 = arith.constant 3 : i32
      %add3A_1584 = arith.addi %add3A_1582, %add3A_1583 : i32
      %dma_start3A_1585 = arith.constant 1 : i32
      %dma_start3A_1586 = arith.constant 0 : i32
      %dma_start3A_1587 = arith.constant 0 : i32
      %dma_start3A_1588 = tpu.memref_slice %arg5[%dma_start3A_1585, %dma_start3A_1586, %dma_start3A_1587] : memref<6x2x96xi32, #tpu.memory_space<vmem>> -> memref<1x2x96xi32, #tpu.memory_space<vmem>>
      %dma_start3A_1589 = tpu.memref_squeeze %dma_start3A_1588 : memref<1x2x96xi32, #tpu.memory_space<vmem>> -> memref<2x96xi32, #tpu.memory_space<vmem>>
      %dma_start3A_1590 = arith.constant 0 : i32
      %dma_start3A_1591 = arith.constant 0 : i32
      %dma_start3A_1592 = tpu.memref_slice %arg3[%add3A_1584, %dma_start3A_1590, %dma_start3A_1591] : memref<3456x2x96xi32, #tpu.memory_space<hbm>> -> memref<1x2x96xi32, #tpu.memory_space<hbm>>
      %dma_start3A_1593 = tpu.memref_squeeze %dma_start3A_1592 : memref<1x2x96xi32, #tpu.memory_space<hbm>> -> memref<2x96xi32, #tpu.memory_space<hbm>>
      %dma_start3A_1594 = arith.constant 0 : i32
      %dma_start3A_1595 = arith.constant 0 : i32
      %dma_start3A_1596 = tpu.memref_slice %arg5[%dma_start3A_1585, %dma_start3A_1594, %dma_start3A_1595] : memref<6x2x96xi32, #tpu.memory_space<vmem>> -> memref<1x2x96xi32, #tpu.memory_space<vmem>>
      %dma_start3A_1597 = tpu.memref_squeeze %dma_start3A_1596 : memref<1x2x96xi32, #tpu.memory_space<vmem>> -> memref<2x96xi32, #tpu.memory_space<vmem>>
      %dma_start3A_1598 = arith.constant 0 : i32
      %dma_start3A_1599 = arith.constant 0 : i32
      %dma_start3A_1600 = tpu.memref_slice %arg3[%add3A_1584, %dma_start3A_1598, %dma_start3A_1599] : memref<3456x2x96xi32, #tpu.memory_space<hbm>> -> memref<1x2x96xi32, #tpu.memory_space<hbm>>
      %dma_start3A_1601 = tpu.memref_squeeze %dma_start3A_1600 : memref<1x2x96xi32, #tpu.memory_space<hbm>> -> memref<2x96xi32, #tpu.memory_space<hbm>>
      tpu.enqueue_dma source(%dma_start3A_1601 : memref<2x96xi32, #tpu.memory_space<hbm>>) target(%dma_start3A_1597 : memref<2x96xi32, #tpu.memory_space<vmem>>) target_semaphore(%arg9 : memref<!tpu.dma_semaphore, #tpu.memory_space<semaphore_mem>>)
      %mul3A_1602 = arith.constant 6 : i32
      %mul3A_1603 = arith.muli %scan3A_1136, %mul3A_1602 : i32
      %add3A_1604 = arith.constant 5 : i32
      %add3A_1605 = arith.addi %mul3A_1603, %add3A_1604 : i32
      %dma_wait3A_1606 = arith.constant 5 : i32
      %dma_wait3A_1607 = arith.constant 0 : i32
      %dma_wait3A_1608 = arith.constant 2 : i32
      %dma_wait3A_1609 = arith.constant 0 : i32
      %dma_wait3A_1610 = arith.constant 0 : i32
      %dma_wait3A_1611 = tpu.memref_slice %arg6[%dma_wait3A_1608, %dma_wait3A_1609, %dma_wait3A_1610] : memref<3x96x128xf32, #tpu.memory_space<vmem>> -> memref<1x96x128xf32, #tpu.memory_space<vmem>>
      %dma_wait3A_1612 = tpu.memref_squeeze %dma_wait3A_1611 : memref<1x96x128xf32, #tpu.memory_space<vmem>> -> memref<96x128xf32, #tpu.memory_space<vmem>>
      %dma_wait3A_1613 = arith.constant 0 : i32
      %dma_wait3A_1614 = tpu.memref_slice %arg5[%dma_wait3A_1606, %dma_wait3A_1607, %dma_wait3A_1613] : memref<6x2x96xi32, #tpu.memory_space<vmem>> -> memref<1x1x96xi32, #tpu.memory_space<vmem>>
      %dma_wait3A_1615 = tpu.memref_squeeze %dma_wait3A_1614 : memref<1x1x96xi32, #tpu.memory_space<vmem>> -> memref<96xi32, #tpu.memory_space<vmem>>
      %dma_wait3A_1616 = arith.constant 0 : i32
      %dma_wait3A_1617 = arith.constant 0 : i32
      %dma_wait3A_1618 = tpu.memref_slice %arg2[%dma_wait3A_1616, %dma_wait3A_1617] : memref<10752x128xf32, #tpu.memory_space<hbm>> -> memref<10752x128xf32, #tpu.memory_space<hbm>>
      tpu.wait_indirect_dma semaphore(%arg16 : memref<!tpu.dma_semaphore, #tpu.memory_space<semaphore_mem>>) src(%dma_wait3A_1618 : memref<10752x128xf32, #tpu.memory_space<hbm>>) dst(%dma_wait3A_1612 : memref<96x128xf32, #tpu.memory_space<vmem>>)
      %dma_wait3A_1619 = arith.constant 2 : i32
      %dma_wait3A_1620 = arith.constant 5 : i32
      %dma_wait3A_1621 = arith.constant 1 : i32
      %dma_wait3A_1622 = arith.constant 0 : i32
      %dma_wait3A_1623 = arith.constant 0 : i32
      %dma_wait3A_1624 = tpu.memref_slice %arg6[%dma_wait3A_1619, %dma_wait3A_1622, %dma_wait3A_1623] : memref<3x96x128xf32, #tpu.memory_space<vmem>> -> memref<1x96x128xf32, #tpu.memory_space<vmem>>
      %dma_wait3A_1625 = tpu.memref_squeeze %dma_wait3A_1624 : memref<1x96x128xf32, #tpu.memory_space<vmem>> -> memref<96x128xf32, #tpu.memory_space<vmem>>
      %dma_wait3A_1626 = arith.constant 0 : i32
      %dma_wait3A_1627 = tpu.memref_slice %arg5[%dma_wait3A_1620, %dma_wait3A_1621, %dma_wait3A_1626] : memref<6x2x96xi32, #tpu.memory_space<vmem>> -> memref<1x1x96xi32, #tpu.memory_space<vmem>>
      %dma_wait3A_1628 = tpu.memref_squeeze %dma_wait3A_1627 : memref<1x1x96xi32, #tpu.memory_space<vmem>> -> memref<96xi32, #tpu.memory_space<vmem>>
      %dma_wait3A_1629 = arith.constant 0 : i32
      %dma_wait3A_1630 = arith.constant 0 : i32
      %dma_wait3A_1631 = tpu.memref_slice %arg7[%dma_wait3A_1629, %dma_wait3A_1630] : memref<10752x128xf32, #tpu.memory_space<vmem_shared>> -> memref<10752x128xf32, #tpu.memory_space<vmem_shared>>
      tpu.wait_indirect_dma semaphore(%arg17 : memref<!tpu.dma_semaphore, #tpu.memory_space<semaphore_mem>>) src(%dma_wait3A_1625 : memref<96x128xf32, #tpu.memory_space<vmem>>) dst(%dma_wait3A_1631 : memref<10752x128xf32, #tpu.memory_space<vmem_shared>>)
      %dma_wait3A_1632 = arith.constant 1 : i32
      %dma_wait3A_1633 = arith.constant 0 : i32
      %dma_wait3A_1634 = arith.constant 0 : i32
      %dma_wait3A_1635 = tpu.memref_slice %arg5[%dma_wait3A_1632, %dma_wait3A_1633, %dma_wait3A_1634] : memref<6x2x96xi32, #tpu.memory_space<vmem>> -> memref<1x2x96xi32, #tpu.memory_space<vmem>>
      %dma_wait3A_1636 = tpu.memref_squeeze %dma_wait3A_1635 : memref<1x2x96xi32, #tpu.memory_space<vmem>> -> memref<2x96xi32, #tpu.memory_space<vmem>>
      %dma_wait3A_1637 = arith.constant 0 : i32
      %dma_wait3A_1638 = arith.constant 0 : i32
      %dma_wait3A_1639 = tpu.memref_slice %arg3[%mul3A_2, %dma_wait3A_1637, %dma_wait3A_1638] : memref<3456x2x96xi32, #tpu.memory_space<hbm>> -> memref<1x2x96xi32, #tpu.memory_space<hbm>>
      %dma_wait3A_1640 = tpu.memref_squeeze %dma_wait3A_1639 : memref<1x2x96xi32, #tpu.memory_space<hbm>> -> memref<2x96xi32, #tpu.memory_space<hbm>>
      %dma_wait3A_1641 = arith.constant 0 : i32
      %dma_wait3A_1642 = arith.constant 0 : i32
      %dma_wait3A_1643 = tpu.memref_slice %arg5[%dma_wait3A_1632, %dma_wait3A_1641, %dma_wait3A_1642] : memref<6x2x96xi32, #tpu.memory_space<vmem>> -> memref<1x2x96xi32, #tpu.memory_space<vmem>>
      %dma_wait3A_1644 = tpu.memref_squeeze %dma_wait3A_1643 : memref<1x2x96xi32, #tpu.memory_space<vmem>> -> memref<2x96xi32, #tpu.memory_space<vmem>>
      %dma_wait3A_1645 = arith.constant 0 : i32
      %dma_wait3A_1646 = arith.constant 0 : i32
      %dma_wait3A_1647 = tpu.memref_slice %arg3[%mul3A_2, %dma_wait3A_1645, %dma_wait3A_1646] : memref<3456x2x96xi32, #tpu.memory_space<hbm>> -> memref<1x2x96xi32, #tpu.memory_space<hbm>>
      %dma_wait3A_1648 = tpu.memref_squeeze %dma_wait3A_1647 : memref<1x2x96xi32, #tpu.memory_space<hbm>> -> memref<2x96xi32, #tpu.memory_space<hbm>>
      tpu.wait_dma2 semaphore(%arg9 : memref<!tpu.dma_semaphore, #tpu.memory_space<semaphore_mem>>) src(%dma_wait3A_1648 : memref<2x96xi32, #tpu.memory_space<hbm>>) dst(%dma_wait3A_1644 : memref<2x96xi32, #tpu.memory_space<vmem>>)
      %dma_start3A_1649 = arith.constant 1 : i32
      %dma_start3A_1650 = arith.constant 0 : i32
      %dma_start3A_1651 = arith.constant 1 : i32
      %dma_start3A_1652 = arith.constant 0 : i32
      %dma_start3A_1653 = arith.constant 0 : i32
      %dma_start3A_1654 = tpu.memref_slice %arg6[%dma_start3A_1651, %dma_start3A_1652, %dma_start3A_1653] : memref<3x96x128xf32, #tpu.memory_space<vmem>> -> memref<1x96x128xf32, #tpu.memory_space<vmem>>
      %dma_start3A_1655 = tpu.memref_squeeze %dma_start3A_1654 : memref<1x96x128xf32, #tpu.memory_space<vmem>> -> memref<96x128xf32, #tpu.memory_space<vmem>>
      %dma_start3A_1656 = arith.constant 0 : i32
      %dma_start3A_1657 = tpu.memref_slice %arg5[%dma_start3A_1649, %dma_start3A_1650, %dma_start3A_1656] : memref<6x2x96xi32, #tpu.memory_space<vmem>> -> memref<1x1x96xi32, #tpu.memory_space<vmem>>
      %dma_start3A_1658 = tpu.memref_squeeze %dma_start3A_1657 : memref<1x1x96xi32, #tpu.memory_space<vmem>> -> memref<96xi32, #tpu.memory_space<vmem>>
      %dma_start3A_1659 = arith.constant 0 : i32
      %dma_start3A_1660 = arith.constant 0 : i32
      %dma_start3A_1661 = tpu.memref_slice %arg2[%dma_start3A_1659, %dma_start3A_1660] : memref<10752x128xf32, #tpu.memory_space<hbm>> -> memref<10752x128xf32, #tpu.memory_space<hbm>>
      tpu.enqueue_indirect_dma source(%dma_start3A_1661 : memref<10752x128xf32, #tpu.memory_space<hbm>>) target(%dma_start3A_1655 : memref<96x128xf32, #tpu.memory_space<vmem>>) offsets(%dma_start3A_1658 : memref<96xi32, #tpu.memory_space<vmem>>) semaphore(%arg15 : memref<!tpu.dma_semaphore, #tpu.memory_space<semaphore_mem>>)
      %dma_start3A_1662 = arith.constant 2 : i32
      %dma_start3A_1663 = arith.constant 5 : i32
      %dma_start3A_1664 = arith.constant 1 : i32
      %dma_start3A_1665 = arith.constant 0 : i32
      %dma_start3A_1666 = arith.constant 0 : i32
      %dma_start3A_1667 = tpu.memref_slice %arg6[%dma_start3A_1662, %dma_start3A_1665, %dma_start3A_1666] : memref<3x96x128xf32, #tpu.memory_space<vmem>> -> memref<1x96x128xf32, #tpu.memory_space<vmem>>
      %dma_start3A_1668 = tpu.memref_squeeze %dma_start3A_1667 : memref<1x96x128xf32, #tpu.memory_space<vmem>> -> memref<96x128xf32, #tpu.memory_space<vmem>>
      %dma_start3A_1669 = arith.constant 0 : i32
      %dma_start3A_1670 = tpu.memref_slice %arg5[%dma_start3A_1663, %dma_start3A_1664, %dma_start3A_1669] : memref<6x2x96xi32, #tpu.memory_space<vmem>> -> memref<1x1x96xi32, #tpu.memory_space<vmem>>
      %dma_start3A_1671 = tpu.memref_squeeze %dma_start3A_1670 : memref<1x1x96xi32, #tpu.memory_space<vmem>> -> memref<96xi32, #tpu.memory_space<vmem>>
      %dma_start3A_1672 = arith.constant 0 : i32
      %dma_start3A_1673 = arith.constant 0 : i32
      %dma_start3A_1674 = tpu.memref_slice %arg7[%dma_start3A_1672, %dma_start3A_1673] : memref<10752x128xf32, #tpu.memory_space<vmem_shared>> -> memref<10752x128xf32, #tpu.memory_space<vmem_shared>>
      tpu.enqueue_indirect_dma source(%dma_start3A_1668 : memref<96x128xf32, #tpu.memory_space<vmem>>) target(%dma_start3A_1674 : memref<10752x128xf32, #tpu.memory_space<vmem_shared>>) offsets(%dma_start3A_1671 : memref<96xi32, #tpu.memory_space<vmem>>) semaphore(%arg18 : memref<!tpu.dma_semaphore, #tpu.memory_space<semaphore_mem>>) {add = true}
      %add3A_1675 = arith.addi %mul3A_2, %add3A_1605 : i32
      %add3A_1676 = arith.constant 3 : i32
      %add3A_1677 = arith.addi %add3A_1675, %add3A_1676 : i32
      %dma_start3A_1678 = arith.constant 2 : i32
      %dma_start3A_1679 = arith.constant 0 : i32
      %dma_start3A_1680 = arith.constant 0 : i32
      %dma_start3A_1681 = tpu.memref_slice %arg5[%dma_start3A_1678, %dma_start3A_1679, %dma_start3A_1680] : memref<6x2x96xi32, #tpu.memory_space<vmem>> -> memref<1x2x96xi32, #tpu.memory_space<vmem>>
      %dma_start3A_1682 = tpu.memref_squeeze %dma_start3A_1681 : memref<1x2x96xi32, #tpu.memory_space<vmem>> -> memref<2x96xi32, #tpu.memory_space<vmem>>
      %dma_start3A_1683 = arith.constant 0 : i32
      %dma_start3A_1684 = arith.constant 0 : i32
      %dma_start3A_1685 = tpu.memref_slice %arg3[%add3A_1677, %dma_start3A_1683, %dma_start3A_1684] : memref<3456x2x96xi32, #tpu.memory_space<hbm>> -> memref<1x2x96xi32, #tpu.memory_space<hbm>>
      %dma_start3A_1686 = tpu.memref_squeeze %dma_start3A_1685 : memref<1x2x96xi32, #tpu.memory_space<hbm>> -> memref<2x96xi32, #tpu.memory_space<hbm>>
      %dma_start3A_1687 = arith.constant 0 : i32
      %dma_start3A_1688 = arith.constant 0 : i32
      %dma_start3A_1689 = tpu.memref_slice %arg5[%dma_start3A_1678, %dma_start3A_1687, %dma_start3A_1688] : memref<6x2x96xi32, #tpu.memory_space<vmem>> -> memref<1x2x96xi32, #tpu.memory_space<vmem>>
      %dma_start3A_1690 = tpu.memref_squeeze %dma_start3A_1689 : memref<1x2x96xi32, #tpu.memory_space<vmem>> -> memref<2x96xi32, #tpu.memory_space<vmem>>
      %dma_start3A_1691 = arith.constant 0 : i32
      %dma_start3A_1692 = arith.constant 0 : i32
      %dma_start3A_1693 = tpu.memref_slice %arg3[%add3A_1677, %dma_start3A_1691, %dma_start3A_1692] : memref<3456x2x96xi32, #tpu.memory_space<hbm>> -> memref<1x2x96xi32, #tpu.memory_space<hbm>>
      %dma_start3A_1694 = tpu.memref_squeeze %dma_start3A_1693 : memref<1x2x96xi32, #tpu.memory_space<hbm>> -> memref<2x96xi32, #tpu.memory_space<hbm>>
      tpu.enqueue_dma source(%dma_start3A_1694 : memref<2x96xi32, #tpu.memory_space<hbm>>) target(%dma_start3A_1690 : memref<2x96xi32, #tpu.memory_space<vmem>>) target_semaphore(%arg10 : memref<!tpu.dma_semaphore, #tpu.memory_space<semaphore_mem>>)
    }
    %scan3A_676 = arith.constant 16 : i32
    %dma_wait3A_677 = arith.constant 0 : i32
    %dma_wait3A_678 = arith.constant 0 : i32
    %dma_wait3A_679 = arith.constant 0 : i32
    %dma_wait3A_680 = arith.constant 0 : i32
    %dma_wait3A_681 = arith.constant 0 : i32
    %dma_wait3A_682 = tpu.memref_slice %arg6[%dma_wait3A_679, %dma_wait3A_680, %dma_wait3A_681] : memref<3x96x128xf32, #tpu.memory_space<vmem>> -> memref<1x96x128xf32, #tpu.memory_space<vmem>>
    %dma_wait3A_683 = tpu.memref_squeeze %dma_wait3A_682 : memref<1x96x128xf32, #tpu.memory_space<vmem>> -> memref<96x128xf32, #tpu.memory_space<vmem>>
    %dma_wait3A_684 = arith.constant 0 : i32
    %dma_wait3A_685 = tpu.memref_slice %arg5[%dma_wait3A_677, %dma_wait3A_678, %dma_wait3A_684] : memref<6x2x96xi32, #tpu.memory_space<vmem>> -> memref<1x1x96xi32, #tpu.memory_space<vmem>>
    %dma_wait3A_686 = tpu.memref_squeeze %dma_wait3A_685 : memref<1x1x96xi32, #tpu.memory_space<vmem>> -> memref<96xi32, #tpu.memory_space<vmem>>
    %dma_wait3A_687 = arith.constant 0 : i32
    %dma_wait3A_688 = arith.constant 0 : i32
    %dma_wait3A_689 = tpu.memref_slice %arg2[%dma_wait3A_687, %dma_wait3A_688] : memref<10752x128xf32, #tpu.memory_space<hbm>> -> memref<10752x128xf32, #tpu.memory_space<hbm>>
    tpu.wait_indirect_dma semaphore(%arg14 : memref<!tpu.dma_semaphore, #tpu.memory_space<semaphore_mem>>) src(%dma_wait3A_689 : memref<10752x128xf32, #tpu.memory_space<hbm>>) dst(%dma_wait3A_683 : memref<96x128xf32, #tpu.memory_space<vmem>>)
    %dma_wait3A_690 = arith.constant 0 : i32
    %dma_wait3A_691 = arith.constant 0 : i32
    %dma_wait3A_692 = arith.constant 1 : i32
    %dma_wait3A_693 = arith.constant 0 : i32
    %dma_wait3A_694 = arith.constant 0 : i32
    %dma_wait3A_695 = tpu.memref_slice %arg6[%dma_wait3A_690, %dma_wait3A_693, %dma_wait3A_694] : memref<3x96x128xf32, #tpu.memory_space<vmem>> -> memref<1x96x128xf32, #tpu.memory_space<vmem>>
    %dma_wait3A_696 = tpu.memref_squeeze %dma_wait3A_695 : memref<1x96x128xf32, #tpu.memory_space<vmem>> -> memref<96x128xf32, #tpu.memory_space<vmem>>
    %dma_wait3A_697 = arith.constant 0 : i32
    %dma_wait3A_698 = tpu.memref_slice %arg5[%dma_wait3A_691, %dma_wait3A_692, %dma_wait3A_697] : memref<6x2x96xi32, #tpu.memory_space<vmem>> -> memref<1x1x96xi32, #tpu.memory_space<vmem>>
    %dma_wait3A_699 = tpu.memref_squeeze %dma_wait3A_698 : memref<1x1x96xi32, #tpu.memory_space<vmem>> -> memref<96xi32, #tpu.memory_space<vmem>>
    %dma_wait3A_700 = arith.constant 0 : i32
    %dma_wait3A_701 = arith.constant 0 : i32
    %dma_wait3A_702 = tpu.memref_slice %arg7[%dma_wait3A_700, %dma_wait3A_701] : memref<10752x128xf32, #tpu.memory_space<vmem_shared>> -> memref<10752x128xf32, #tpu.memory_space<vmem_shared>>
    tpu.wait_indirect_dma semaphore(%arg18 : memref<!tpu.dma_semaphore, #tpu.memory_space<semaphore_mem>>) src(%dma_wait3A_696 : memref<96x128xf32, #tpu.memory_space<vmem>>) dst(%dma_wait3A_702 : memref<10752x128xf32, #tpu.memory_space<vmem_shared>>)
    %dma_wait3A_703 = arith.constant 2 : i32
    %dma_wait3A_704 = arith.constant 0 : i32
    %dma_wait3A_705 = arith.constant 0 : i32
    %dma_wait3A_706 = tpu.memref_slice %arg5[%dma_wait3A_703, %dma_wait3A_704, %dma_wait3A_705] : memref<6x2x96xi32, #tpu.memory_space<vmem>> -> memref<1x2x96xi32, #tpu.memory_space<vmem>>
    %dma_wait3A_707 = tpu.memref_squeeze %dma_wait3A_706 : memref<1x2x96xi32, #tpu.memory_space<vmem>> -> memref<2x96xi32, #tpu.memory_space<vmem>>
    %dma_wait3A_708 = arith.constant 0 : i32
    %dma_wait3A_709 = arith.constant 0 : i32
    %dma_wait3A_710 = tpu.memref_slice %arg3[%mul3A_2, %dma_wait3A_708, %dma_wait3A_709] : memref<3456x2x96xi32, #tpu.memory_space<hbm>> -> memref<1x2x96xi32, #tpu.memory_space<hbm>>
    %dma_wait3A_711 = tpu.memref_squeeze %dma_wait3A_710 : memref<1x2x96xi32, #tpu.memory_space<hbm>> -> memref<2x96xi32, #tpu.memory_space<hbm>>
    %dma_wait3A_712 = arith.constant 0 : i32
    %dma_wait3A_713 = arith.constant 0 : i32
    %dma_wait3A_714 = tpu.memref_slice %arg5[%dma_wait3A_703, %dma_wait3A_712, %dma_wait3A_713] : memref<6x2x96xi32, #tpu.memory_space<vmem>> -> memref<1x2x96xi32, #tpu.memory_space<vmem>>
    %dma_wait3A_715 = tpu.memref_squeeze %dma_wait3A_714 : memref<1x2x96xi32, #tpu.memory_space<vmem>> -> memref<2x96xi32, #tpu.memory_space<vmem>>
    %dma_wait3A_716 = arith.constant 0 : i32
    %dma_wait3A_717 = arith.constant 0 : i32
    %dma_wait3A_718 = tpu.memref_slice %arg3[%mul3A_2, %dma_wait3A_716, %dma_wait3A_717] : memref<3456x2x96xi32, #tpu.memory_space<hbm>> -> memref<1x2x96xi32, #tpu.memory_space<hbm>>
    %dma_wait3A_719 = tpu.memref_squeeze %dma_wait3A_718 : memref<1x2x96xi32, #tpu.memory_space<hbm>> -> memref<2x96xi32, #tpu.memory_space<hbm>>
    tpu.wait_dma2 semaphore(%arg10 : memref<!tpu.dma_semaphore, #tpu.memory_space<semaphore_mem>>) src(%dma_wait3A_719 : memref<2x96xi32, #tpu.memory_space<hbm>>) dst(%dma_wait3A_715 : memref<2x96xi32, #tpu.memory_space<vmem>>)
    %dma_start3A_720 = arith.constant 2 : i32
    %dma_start3A_721 = arith.constant 0 : i32
    %dma_start3A_722 = arith.constant 2 : i32
    %dma_start3A_723 = arith.constant 0 : i32
    %dma_start3A_724 = arith.constant 0 : i32
    %dma_start3A_725 = tpu.memref_slice %arg6[%dma_start3A_722, %dma_start3A_723, %dma_start3A_724] : memref<3x96x128xf32, #tpu.memory_space<vmem>> -> memref<1x96x128xf32, #tpu.memory_space<vmem>>
    %dma_start3A_726 = tpu.memref_squeeze %dma_start3A_725 : memref<1x96x128xf32, #tpu.memory_space<vmem>> -> memref<96x128xf32, #tpu.memory_space<vmem>>
    %dma_start3A_727 = arith.constant 0 : i32
    %dma_start3A_728 = tpu.memref_slice %arg5[%dma_start3A_720, %dma_start3A_721, %dma_start3A_727] : memref<6x2x96xi32, #tpu.memory_space<vmem>> -> memref<1x1x96xi32, #tpu.memory_space<vmem>>
    %dma_start3A_729 = tpu.memref_squeeze %dma_start3A_728 : memref<1x1x96xi32, #tpu.memory_space<vmem>> -> memref<96xi32, #tpu.memory_space<vmem>>
    %dma_start3A_730 = arith.constant 0 : i32
    %dma_start3A_731 = arith.constant 0 : i32
    %dma_start3A_732 = tpu.memref_slice %arg2[%dma_start3A_730, %dma_start3A_731] : memref<10752x128xf32, #tpu.memory_space<hbm>> -> memref<10752x128xf32, #tpu.memory_space<hbm>>
    tpu.enqueue_indirect_dma source(%dma_start3A_732 : memref<10752x128xf32, #tpu.memory_space<hbm>>) target(%dma_start3A_726 : memref<96x128xf32, #tpu.memory_space<vmem>>) offsets(%dma_start3A_729 : memref<96xi32, #tpu.memory_space<vmem>>) semaphore(%arg16 : memref<!tpu.dma_semaphore, #tpu.memory_space<semaphore_mem>>)
    %dma_start3A_733 = arith.constant 0 : i32
    %dma_start3A_734 = arith.constant 0 : i32
    %dma_start3A_735 = arith.constant 1 : i32
    %dma_start3A_736 = arith.constant 0 : i32
    %dma_start3A_737 = arith.constant 0 : i32
    %dma_start3A_738 = tpu.memref_slice %arg6[%dma_start3A_733, %dma_start3A_736, %dma_start3A_737] : memref<3x96x128xf32, #tpu.memory_space<vmem>> -> memref<1x96x128xf32, #tpu.memory_space<vmem>>
    %dma_start3A_739 = tpu.memref_squeeze %dma_start3A_738 : memref<1x96x128xf32, #tpu.memory_space<vmem>> -> memref<96x128xf32, #tpu.memory_space<vmem>>
    %dma_start3A_740 = arith.constant 0 : i32
    %dma_start3A_741 = tpu.memref_slice %arg5[%dma_start3A_734, %dma_start3A_735, %dma_start3A_740] : memref<6x2x96xi32, #tpu.memory_space<vmem>> -> memref<1x1x96xi32, #tpu.memory_space<vmem>>
    %dma_start3A_742 = tpu.memref_squeeze %dma_start3A_741 : memref<1x1x96xi32, #tpu.memory_space<vmem>> -> memref<96xi32, #tpu.memory_space<vmem>>
    %dma_start3A_743 = arith.constant 0 : i32
    %dma_start3A_744 = arith.constant 0 : i32
    %dma_start3A_745 = tpu.memref_slice %arg7[%dma_start3A_743, %dma_start3A_744] : memref<10752x128xf32, #tpu.memory_space<vmem_shared>> -> memref<10752x128xf32, #tpu.memory_space<vmem_shared>>
    tpu.enqueue_indirect_dma source(%dma_start3A_739 : memref<96x128xf32, #tpu.memory_space<vmem>>) target(%dma_start3A_745 : memref<10752x128xf32, #tpu.memory_space<vmem_shared>>) offsets(%dma_start3A_742 : memref<96xi32, #tpu.memory_space<vmem>>) semaphore(%arg17 : memref<!tpu.dma_semaphore, #tpu.memory_space<semaphore_mem>>) {add = true}
    %add3A_746 = arith.constant 102 : i32
    %add3A_747 = arith.addi %mul3A_2, %add3A_746 : i32
    %add3A_748 = arith.constant 3 : i32
    %add3A_749 = arith.addi %add3A_747, %add3A_748 : i32
    %dma_start3A_750 = arith.constant 3 : i32
    %dma_start3A_751 = arith.constant 0 : i32
    %dma_start3A_752 = arith.constant 0 : i32
    %dma_start3A_753 = tpu.memref_slice %arg5[%dma_start3A_750, %dma_start3A_751, %dma_start3A_752] : memref<6x2x96xi32, #tpu.memory_space<vmem>> -> memref<1x2x96xi32, #tpu.memory_space<vmem>>
    %dma_start3A_754 = tpu.memref_squeeze %dma_start3A_753 : memref<1x2x96xi32, #tpu.memory_space<vmem>> -> memref<2x96xi32, #tpu.memory_space<vmem>>
    %dma_start3A_755 = arith.constant 0 : i32
    %dma_start3A_756 = arith.constant 0 : i32
    %dma_start3A_757 = tpu.memref_slice %arg3[%add3A_749, %dma_start3A_755, %dma_start3A_756] : memref<3456x2x96xi32, #tpu.memory_space<hbm>> -> memref<1x2x96xi32, #tpu.memory_space<hbm>>
    %dma_start3A_758 = tpu.memref_squeeze %dma_start3A_757 : memref<1x2x96xi32, #tpu.memory_space<hbm>> -> memref<2x96xi32, #tpu.memory_space<hbm>>
    %dma_start3A_759 = arith.constant 0 : i32
    %dma_start3A_760 = arith.constant 0 : i32
    %dma_start3A_761 = tpu.memref_slice %arg5[%dma_start3A_750, %dma_start3A_759, %dma_start3A_760] : memref<6x2x96xi32, #tpu.memory_space<vmem>> -> memref<1x2x96xi32, #tpu.memory_space<vmem>>
    %dma_start3A_762 = tpu.memref_squeeze %dma_start3A_761 : memref<1x2x96xi32, #tpu.memory_space<vmem>> -> memref<2x96xi32, #tpu.memory_space<vmem>>
    %dma_start3A_763 = arith.constant 0 : i32
    %dma_start3A_764 = arith.constant 0 : i32
    %dma_start3A_765 = tpu.memref_slice %arg3[%add3A_749, %dma_start3A_763, %dma_start3A_764] : memref<3456x2x96xi32, #tpu.memory_space<hbm>> -> memref<1x2x96xi32, #tpu.memory_space<hbm>>
    %dma_start3A_766 = tpu.memref_squeeze %dma_start3A_765 : memref<1x2x96xi32, #tpu.memory_space<hbm>> -> memref<2x96xi32, #tpu.memory_space<hbm>>
    tpu.enqueue_dma source(%dma_start3A_766 : memref<2x96xi32, #tpu.memory_space<hbm>>) target(%dma_start3A_762 : memref<2x96xi32, #tpu.memory_space<vmem>>) target_semaphore(%arg11 : memref<!tpu.dma_semaphore, #tpu.memory_space<semaphore_mem>>)
    %dma_wait3A_767 = arith.constant 1 : i32
    %dma_wait3A_768 = arith.constant 0 : i32
    %dma_wait3A_769 = arith.constant 1 : i32
    %dma_wait3A_770 = arith.constant 0 : i32
    %dma_wait3A_771 = arith.constant 0 : i32
    %dma_wait3A_772 = tpu.memref_slice %arg6[%dma_wait3A_769, %dma_wait3A_770, %dma_wait3A_771] : memref<3x96x128xf32, #tpu.memory_space<vmem>> -> memref<1x96x128xf32, #tpu.memory_space<vmem>>
    %dma_wait3A_773 = tpu.memref_squeeze %dma_wait3A_772 : memref<1x96x128xf32, #tpu.memory_space<vmem>> -> memref<96x128xf32, #tpu.memory_space<vmem>>
    %dma_wait3A_774 = arith.constant 0 : i32
    %dma_wait3A_775 = tpu.memref_slice %arg5[%dma_wait3A_767, %dma_wait3A_768, %dma_wait3A_774] : memref<6x2x96xi32, #tpu.memory_space<vmem>> -> memref<1x1x96xi32, #tpu.memory_space<vmem>>
    %dma_wait3A_776 = tpu.memref_squeeze %dma_wait3A_775 : memref<1x1x96xi32, #tpu.memory_space<vmem>> -> memref<96xi32, #tpu.memory_space<vmem>>
    %dma_wait3A_777 = arith.constant 0 : i32
    %dma_wait3A_778 = arith.constant 0 : i32
    %dma_wait3A_779 = tpu.memref_slice %arg2[%dma_wait3A_777, %dma_wait3A_778] : memref<10752x128xf32, #tpu.memory_space<hbm>> -> memref<10752x128xf32, #tpu.memory_space<hbm>>
    tpu.wait_indirect_dma semaphore(%arg15 : memref<!tpu.dma_semaphore, #tpu.memory_space<semaphore_mem>>) src(%dma_wait3A_779 : memref<10752x128xf32, #tpu.memory_space<hbm>>) dst(%dma_wait3A_773 : memref<96x128xf32, #tpu.memory_space<vmem>>)
    %dma_wait3A_780 = arith.constant 1 : i32
    %dma_wait3A_781 = arith.constant 1 : i32
    %dma_wait3A_782 = arith.constant 1 : i32
    %dma_wait3A_783 = arith.constant 0 : i32
    %dma_wait3A_784 = arith.constant 0 : i32
    %dma_wait3A_785 = tpu.memref_slice %arg6[%dma_wait3A_780, %dma_wait3A_783, %dma_wait3A_784] : memref<3x96x128xf32, #tpu.memory_space<vmem>> -> memref<1x96x128xf32, #tpu.memory_space<vmem>>
    %dma_wait3A_786 = tpu.memref_squeeze %dma_wait3A_785 : memref<1x96x128xf32, #tpu.memory_space<vmem>> -> memref<96x128xf32, #tpu.memory_space<vmem>>
    %dma_wait3A_787 = arith.constant 0 : i32
    %dma_wait3A_788 = tpu.memref_slice %arg5[%dma_wait3A_781, %dma_wait3A_782, %dma_wait3A_787] : memref<6x2x96xi32, #tpu.memory_space<vmem>> -> memref<1x1x96xi32, #tpu.memory_space<vmem>>
    %dma_wait3A_789 = tpu.memref_squeeze %dma_wait3A_788 : memref<1x1x96xi32, #tpu.memory_space<vmem>> -> memref<96xi32, #tpu.memory_space<vmem>>
    %dma_wait3A_790 = arith.constant 0 : i32
    %dma_wait3A_791 = arith.constant 0 : i32
    %dma_wait3A_792 = tpu.memref_slice %arg7[%dma_wait3A_790, %dma_wait3A_791] : memref<10752x128xf32, #tpu.memory_space<vmem_shared>> -> memref<10752x128xf32, #tpu.memory_space<vmem_shared>>
    tpu.wait_indirect_dma semaphore(%arg17 : memref<!tpu.dma_semaphore, #tpu.memory_space<semaphore_mem>>) src(%dma_wait3A_786 : memref<96x128xf32, #tpu.memory_space<vmem>>) dst(%dma_wait3A_792 : memref<10752x128xf32, #tpu.memory_space<vmem_shared>>)
    %dma_wait3A_793 = arith.constant 3 : i32
    %dma_wait3A_794 = arith.constant 0 : i32
    %dma_wait3A_795 = arith.constant 0 : i32
    %dma_wait3A_796 = tpu.memref_slice %arg5[%dma_wait3A_793, %dma_wait3A_794, %dma_wait3A_795] : memref<6x2x96xi32, #tpu.memory_space<vmem>> -> memref<1x2x96xi32, #tpu.memory_space<vmem>>
    %dma_wait3A_797 = tpu.memref_squeeze %dma_wait3A_796 : memref<1x2x96xi32, #tpu.memory_space<vmem>> -> memref<2x96xi32, #tpu.memory_space<vmem>>
    %dma_wait3A_798 = arith.constant 0 : i32
    %dma_wait3A_799 = arith.constant 0 : i32
    %dma_wait3A_800 = tpu.memref_slice %arg3[%mul3A_2, %dma_wait3A_798, %dma_wait3A_799] : memref<3456x2x96xi32, #tpu.memory_space<hbm>> -> memref<1x2x96xi32, #tpu.memory_space<hbm>>
    %dma_wait3A_801 = tpu.memref_squeeze %dma_wait3A_800 : memref<1x2x96xi32, #tpu.memory_space<hbm>> -> memref<2x96xi32, #tpu.memory_space<hbm>>
    %dma_wait3A_802 = arith.constant 0 : i32
    %dma_wait3A_803 = arith.constant 0 : i32
    %dma_wait3A_804 = tpu.memref_slice %arg5[%dma_wait3A_793, %dma_wait3A_802, %dma_wait3A_803] : memref<6x2x96xi32, #tpu.memory_space<vmem>> -> memref<1x2x96xi32, #tpu.memory_space<vmem>>
    %dma_wait3A_805 = tpu.memref_squeeze %dma_wait3A_804 : memref<1x2x96xi32, #tpu.memory_space<vmem>> -> memref<2x96xi32, #tpu.memory_space<vmem>>
    %dma_wait3A_806 = arith.constant 0 : i32
    %dma_wait3A_807 = arith.constant 0 : i32
    %dma_wait3A_808 = tpu.memref_slice %arg3[%mul3A_2, %dma_wait3A_806, %dma_wait3A_807] : memref<3456x2x96xi32, #tpu.memory_space<hbm>> -> memref<1x2x96xi32, #tpu.memory_space<hbm>>
    %dma_wait3A_809 = tpu.memref_squeeze %dma_wait3A_808 : memref<1x2x96xi32, #tpu.memory_space<hbm>> -> memref<2x96xi32, #tpu.memory_space<hbm>>
    tpu.wait_dma2 semaphore(%arg11 : memref<!tpu.dma_semaphore, #tpu.memory_space<semaphore_mem>>) src(%dma_wait3A_809 : memref<2x96xi32, #tpu.memory_space<hbm>>) dst(%dma_wait3A_805 : memref<2x96xi32, #tpu.memory_space<vmem>>)
    %dma_start3A_810 = arith.constant 3 : i32
    %dma_start3A_811 = arith.constant 0 : i32
    %dma_start3A_812 = arith.constant 0 : i32
    %dma_start3A_813 = arith.constant 0 : i32
    %dma_start3A_814 = arith.constant 0 : i32
    %dma_start3A_815 = tpu.memref_slice %arg6[%dma_start3A_812, %dma_start3A_813, %dma_start3A_814] : memref<3x96x128xf32, #tpu.memory_space<vmem>> -> memref<1x96x128xf32, #tpu.memory_space<vmem>>
    %dma_start3A_816 = tpu.memref_squeeze %dma_start3A_815 : memref<1x96x128xf32, #tpu.memory_space<vmem>> -> memref<96x128xf32, #tpu.memory_space<vmem>>
    %dma_start3A_817 = arith.constant 0 : i32
    %dma_start3A_818 = tpu.memref_slice %arg5[%dma_start3A_810, %dma_start3A_811, %dma_start3A_817] : memref<6x2x96xi32, #tpu.memory_space<vmem>> -> memref<1x1x96xi32, #tpu.memory_space<vmem>>
    %dma_start3A_819 = tpu.memref_squeeze %dma_start3A_818 : memref<1x1x96xi32, #tpu.memory_space<vmem>> -> memref<96xi32, #tpu.memory_space<vmem>>
    %dma_start3A_820 = arith.constant 0 : i32
    %dma_start3A_821 = arith.constant 0 : i32
    %dma_start3A_822 = tpu.memref_slice %arg2[%dma_start3A_820, %dma_start3A_821] : memref<10752x128xf32, #tpu.memory_space<hbm>> -> memref<10752x128xf32, #tpu.memory_space<hbm>>
    tpu.enqueue_indirect_dma source(%dma_start3A_822 : memref<10752x128xf32, #tpu.memory_space<hbm>>) target(%dma_start3A_816 : memref<96x128xf32, #tpu.memory_space<vmem>>) offsets(%dma_start3A_819 : memref<96xi32, #tpu.memory_space<vmem>>) semaphore(%arg14 : memref<!tpu.dma_semaphore, #tpu.memory_space<semaphore_mem>>)
    %dma_start3A_823 = arith.constant 1 : i32
    %dma_start3A_824 = arith.constant 1 : i32
    %dma_start3A_825 = arith.constant 1 : i32
    %dma_start3A_826 = arith.constant 0 : i32
    %dma_start3A_827 = arith.constant 0 : i32
    %dma_start3A_828 = tpu.memref_slice %arg6[%dma_start3A_823, %dma_start3A_826, %dma_start3A_827] : memref<3x96x128xf32, #tpu.memory_space<vmem>> -> memref<1x96x128xf32, #tpu.memory_space<vmem>>
    %dma_start3A_829 = tpu.memref_squeeze %dma_start3A_828 : memref<1x96x128xf32, #tpu.memory_space<vmem>> -> memref<96x128xf32, #tpu.memory_space<vmem>>
    %dma_start3A_830 = arith.constant 0 : i32
    %dma_start3A_831 = tpu.memref_slice %arg5[%dma_start3A_824, %dma_start3A_825, %dma_start3A_830] : memref<6x2x96xi32, #tpu.memory_space<vmem>> -> memref<1x1x96xi32, #tpu.memory_space<vmem>>
    %dma_start3A_832 = tpu.memref_squeeze %dma_start3A_831 : memref<1x1x96xi32, #tpu.memory_space<vmem>> -> memref<96xi32, #tpu.memory_space<vmem>>
    %dma_start3A_833 = arith.constant 0 : i32
    %dma_start3A_834 = arith.constant 0 : i32
    %dma_start3A_835 = tpu.memref_slice %arg7[%dma_start3A_833, %dma_start3A_834] : memref<10752x128xf32, #tpu.memory_space<vmem_shared>> -> memref<10752x128xf32, #tpu.memory_space<vmem_shared>>
    tpu.enqueue_indirect_dma source(%dma_start3A_829 : memref<96x128xf32, #tpu.memory_space<vmem>>) target(%dma_start3A_835 : memref<10752x128xf32, #tpu.memory_space<vmem_shared>>) offsets(%dma_start3A_832 : memref<96xi32, #tpu.memory_space<vmem>>) semaphore(%arg18 : memref<!tpu.dma_semaphore, #tpu.memory_space<semaphore_mem>>) {add = true}
    %add3A_836 = arith.constant 103 : i32
    %add3A_837 = arith.addi %mul3A_2, %add3A_836 : i32
    %add3A_838 = arith.constant 3 : i32
    %add3A_839 = arith.addi %add3A_837, %add3A_838 : i32
    %dma_start3A_840 = arith.constant 4 : i32
    %dma_start3A_841 = arith.constant 0 : i32
    %dma_start3A_842 = arith.constant 0 : i32
    %dma_start3A_843 = tpu.memref_slice %arg5[%dma_start3A_840, %dma_start3A_841, %dma_start3A_842] : memref<6x2x96xi32, #tpu.memory_space<vmem>> -> memref<1x2x96xi32, #tpu.memory_space<vmem>>
    %dma_start3A_844 = tpu.memref_squeeze %dma_start3A_843 : memref<1x2x96xi32, #tpu.memory_space<vmem>> -> memref<2x96xi32, #tpu.memory_space<vmem>>
    %dma_start3A_845 = arith.constant 0 : i32
    %dma_start3A_846 = arith.constant 0 : i32
    %dma_start3A_847 = tpu.memref_slice %arg3[%add3A_839, %dma_start3A_845, %dma_start3A_846] : memref<3456x2x96xi32, #tpu.memory_space<hbm>> -> memref<1x2x96xi32, #tpu.memory_space<hbm>>
    %dma_start3A_848 = tpu.memref_squeeze %dma_start3A_847 : memref<1x2x96xi32, #tpu.memory_space<hbm>> -> memref<2x96xi32, #tpu.memory_space<hbm>>
    %dma_start3A_849 = arith.constant 0 : i32
    %dma_start3A_850 = arith.constant 0 : i32
    %dma_start3A_851 = tpu.memref_slice %arg5[%dma_start3A_840, %dma_start3A_849, %dma_start3A_850] : memref<6x2x96xi32, #tpu.memory_space<vmem>> -> memref<1x2x96xi32, #tpu.memory_space<vmem>>
    %dma_start3A_852 = tpu.memref_squeeze %dma_start3A_851 : memref<1x2x96xi32, #tpu.memory_space<vmem>> -> memref<2x96xi32, #tpu.memory_space<vmem>>
    %dma_start3A_853 = arith.constant 0 : i32
    %dma_start3A_854 = arith.constant 0 : i32
    %dma_start3A_855 = tpu.memref_slice %arg3[%add3A_839, %dma_start3A_853, %dma_start3A_854] : memref<3456x2x96xi32, #tpu.memory_space<hbm>> -> memref<1x2x96xi32, #tpu.memory_space<hbm>>
    %dma_start3A_856 = tpu.memref_squeeze %dma_start3A_855 : memref<1x2x96xi32, #tpu.memory_space<hbm>> -> memref<2x96xi32, #tpu.memory_space<hbm>>
    tpu.enqueue_dma source(%dma_start3A_856 : memref<2x96xi32, #tpu.memory_space<hbm>>) target(%dma_start3A_852 : memref<2x96xi32, #tpu.memory_space<vmem>>) target_semaphore(%arg12 : memref<!tpu.dma_semaphore, #tpu.memory_space<semaphore_mem>>)
    %dma_wait3A_857 = arith.constant 2 : i32
    %dma_wait3A_858 = arith.constant 0 : i32
    %dma_wait3A_859 = arith.constant 2 : i32
    %dma_wait3A_860 = arith.constant 0 : i32
    %dma_wait3A_861 = arith.constant 0 : i32
    %dma_wait3A_862 = tpu.memref_slice %arg6[%dma_wait3A_859, %dma_wait3A_860, %dma_wait3A_861] : memref<3x96x128xf32, #tpu.memory_space<vmem>> -> memref<1x96x128xf32, #tpu.memory_space<vmem>>
    %dma_wait3A_863 = tpu.memref_squeeze %dma_wait3A_862 : memref<1x96x128xf32, #tpu.memory_space<vmem>> -> memref<96x128xf32, #tpu.memory_space<vmem>>
    %dma_wait3A_864 = arith.constant 0 : i32
    %dma_wait3A_865 = tpu.memref_slice %arg5[%dma_wait3A_857, %dma_wait3A_858, %dma_wait3A_864] : memref<6x2x96xi32, #tpu.memory_space<vmem>> -> memref<1x1x96xi32, #tpu.memory_space<vmem>>
    %dma_wait3A_866 = tpu.memref_squeeze %dma_wait3A_865 : memref<1x1x96xi32, #tpu.memory_space<vmem>> -> memref<96xi32, #tpu.memory_space<vmem>>
    %dma_wait3A_867 = arith.constant 0 : i32
    %dma_wait3A_868 = arith.constant 0 : i32
    %dma_wait3A_869 = tpu.memref_slice %arg2[%dma_wait3A_867, %dma_wait3A_868] : memref<10752x128xf32, #tpu.memory_space<hbm>> -> memref<10752x128xf32, #tpu.memory_space<hbm>>
    tpu.wait_indirect_dma semaphore(%arg16 : memref<!tpu.dma_semaphore, #tpu.memory_space<semaphore_mem>>) src(%dma_wait3A_869 : memref<10752x128xf32, #tpu.memory_space<hbm>>) dst(%dma_wait3A_863 : memref<96x128xf32, #tpu.memory_space<vmem>>)
    %dma_wait3A_870 = arith.constant 2 : i32
    %dma_wait3A_871 = arith.constant 2 : i32
    %dma_wait3A_872 = arith.constant 1 : i32
    %dma_wait3A_873 = arith.constant 0 : i32
    %dma_wait3A_874 = arith.constant 0 : i32
    %dma_wait3A_875 = tpu.memref_slice %arg6[%dma_wait3A_870, %dma_wait3A_873, %dma_wait3A_874] : memref<3x96x128xf32, #tpu.memory_space<vmem>> -> memref<1x96x128xf32, #tpu.memory_space<vmem>>
    %dma_wait3A_876 = tpu.memref_squeeze %dma_wait3A_875 : memref<1x96x128xf32, #tpu.memory_space<vmem>> -> memref<96x128xf32, #tpu.memory_space<vmem>>
    %dma_wait3A_877 = arith.constant 0 : i32
    %dma_wait3A_878 = tpu.memref_slice %arg5[%dma_wait3A_871, %dma_wait3A_872, %dma_wait3A_877] : memref<6x2x96xi32, #tpu.memory_space<vmem>> -> memref<1x1x96xi32, #tpu.memory_space<vmem>>
    %dma_wait3A_879 = tpu.memref_squeeze %dma_wait3A_878 : memref<1x1x96xi32, #tpu.memory_space<vmem>> -> memref<96xi32, #tpu.memory_space<vmem>>
    %dma_wait3A_880 = arith.constant 0 : i32
    %dma_wait3A_881 = arith.constant 0 : i32
    %dma_wait3A_882 = tpu.memref_slice %arg7[%dma_wait3A_880, %dma_wait3A_881] : memref<10752x128xf32, #tpu.memory_space<vmem_shared>> -> memref<10752x128xf32, #tpu.memory_space<vmem_shared>>
    tpu.wait_indirect_dma semaphore(%arg18 : memref<!tpu.dma_semaphore, #tpu.memory_space<semaphore_mem>>) src(%dma_wait3A_876 : memref<96x128xf32, #tpu.memory_space<vmem>>) dst(%dma_wait3A_882 : memref<10752x128xf32, #tpu.memory_space<vmem_shared>>)
    %dma_wait3A_883 = arith.constant 4 : i32
    %dma_wait3A_884 = arith.constant 0 : i32
    %dma_wait3A_885 = arith.constant 0 : i32
    %dma_wait3A_886 = tpu.memref_slice %arg5[%dma_wait3A_883, %dma_wait3A_884, %dma_wait3A_885] : memref<6x2x96xi32, #tpu.memory_space<vmem>> -> memref<1x2x96xi32, #tpu.memory_space<vmem>>
    %dma_wait3A_887 = tpu.memref_squeeze %dma_wait3A_886 : memref<1x2x96xi32, #tpu.memory_space<vmem>> -> memref<2x96xi32, #tpu.memory_space<vmem>>
    %dma_wait3A_888 = arith.constant 0 : i32
    %dma_wait3A_889 = arith.constant 0 : i32
    %dma_wait3A_890 = tpu.memref_slice %arg3[%mul3A_2, %dma_wait3A_888, %dma_wait3A_889] : memref<3456x2x96xi32, #tpu.memory_space<hbm>> -> memref<1x2x96xi32, #tpu.memory_space<hbm>>
    %dma_wait3A_891 = tpu.memref_squeeze %dma_wait3A_890 : memref<1x2x96xi32, #tpu.memory_space<hbm>> -> memref<2x96xi32, #tpu.memory_space<hbm>>
    %dma_wait3A_892 = arith.constant 0 : i32
    %dma_wait3A_893 = arith.constant 0 : i32
    %dma_wait3A_894 = tpu.memref_slice %arg5[%dma_wait3A_883, %dma_wait3A_892, %dma_wait3A_893] : memref<6x2x96xi32, #tpu.memory_space<vmem>> -> memref<1x2x96xi32, #tpu.memory_space<vmem>>
    %dma_wait3A_895 = tpu.memref_squeeze %dma_wait3A_894 : memref<1x2x96xi32, #tpu.memory_space<vmem>> -> memref<2x96xi32, #tpu.memory_space<vmem>>
    %dma_wait3A_896 = arith.constant 0 : i32
    %dma_wait3A_897 = arith.constant 0 : i32
    %dma_wait3A_898 = tpu.memref_slice %arg3[%mul3A_2, %dma_wait3A_896, %dma_wait3A_897] : memref<3456x2x96xi32, #tpu.memory_space<hbm>> -> memref<1x2x96xi32, #tpu.memory_space<hbm>>
    %dma_wait3A_899 = tpu.memref_squeeze %dma_wait3A_898 : memref<1x2x96xi32, #tpu.memory_space<hbm>> -> memref<2x96xi32, #tpu.memory_space<hbm>>
    tpu.wait_dma2 semaphore(%arg12 : memref<!tpu.dma_semaphore, #tpu.memory_space<semaphore_mem>>) src(%dma_wait3A_899 : memref<2x96xi32, #tpu.memory_space<hbm>>) dst(%dma_wait3A_895 : memref<2x96xi32, #tpu.memory_space<vmem>>)
    %dma_start3A_900 = arith.constant 4 : i32
    %dma_start3A_901 = arith.constant 0 : i32
    %dma_start3A_902 = arith.constant 1 : i32
    %dma_start3A_903 = arith.constant 0 : i32
    %dma_start3A_904 = arith.constant 0 : i32
    %dma_start3A_905 = tpu.memref_slice %arg6[%dma_start3A_902, %dma_start3A_903, %dma_start3A_904] : memref<3x96x128xf32, #tpu.memory_space<vmem>> -> memref<1x96x128xf32, #tpu.memory_space<vmem>>
    %dma_start3A_906 = tpu.memref_squeeze %dma_start3A_905 : memref<1x96x128xf32, #tpu.memory_space<vmem>> -> memref<96x128xf32, #tpu.memory_space<vmem>>
    %dma_start3A_907 = arith.constant 0 : i32
    %dma_start3A_908 = tpu.memref_slice %arg5[%dma_start3A_900, %dma_start3A_901, %dma_start3A_907] : memref<6x2x96xi32, #tpu.memory_space<vmem>> -> memref<1x1x96xi32, #tpu.memory_space<vmem>>
    %dma_start3A_909 = tpu.memref_squeeze %dma_start3A_908 : memref<1x1x96xi32, #tpu.memory_space<vmem>> -> memref<96xi32, #tpu.memory_space<vmem>>
    %dma_start3A_910 = arith.constant 0 : i32
    %dma_start3A_911 = arith.constant 0 : i32
    %dma_start3A_912 = tpu.memref_slice %arg2[%dma_start3A_910, %dma_start3A_911] : memref<10752x128xf32, #tpu.memory_space<hbm>> -> memref<10752x128xf32, #tpu.memory_space<hbm>>
    tpu.enqueue_indirect_dma source(%dma_start3A_912 : memref<10752x128xf32, #tpu.memory_space<hbm>>) target(%dma_start3A_906 : memref<96x128xf32, #tpu.memory_space<vmem>>) offsets(%dma_start3A_909 : memref<96xi32, #tpu.memory_space<vmem>>) semaphore(%arg15 : memref<!tpu.dma_semaphore, #tpu.memory_space<semaphore_mem>>)
    %dma_start3A_913 = arith.constant 2 : i32
    %dma_start3A_914 = arith.constant 2 : i32
    %dma_start3A_915 = arith.constant 1 : i32
    %dma_start3A_916 = arith.constant 0 : i32
    %dma_start3A_917 = arith.constant 0 : i32
    %dma_start3A_918 = tpu.memref_slice %arg6[%dma_start3A_913, %dma_start3A_916, %dma_start3A_917] : memref<3x96x128xf32, #tpu.memory_space<vmem>> -> memref<1x96x128xf32, #tpu.memory_space<vmem>>
    %dma_start3A_919 = tpu.memref_squeeze %dma_start3A_918 : memref<1x96x128xf32, #tpu.memory_space<vmem>> -> memref<96x128xf32, #tpu.memory_space<vmem>>
    %dma_start3A_920 = arith.constant 0 : i32
    %dma_start3A_921 = tpu.memref_slice %arg5[%dma_start3A_914, %dma_start3A_915, %dma_start3A_920] : memref<6x2x96xi32, #tpu.memory_space<vmem>> -> memref<1x1x96xi32, #tpu.memory_space<vmem>>
    %dma_start3A_922 = tpu.memref_squeeze %dma_start3A_921 : memref<1x1x96xi32, #tpu.memory_space<vmem>> -> memref<96xi32, #tpu.memory_space<vmem>>
    %dma_start3A_923 = arith.constant 0 : i32
    %dma_start3A_924 = arith.constant 0 : i32
    %dma_start3A_925 = tpu.memref_slice %arg7[%dma_start3A_923, %dma_start3A_924] : memref<10752x128xf32, #tpu.memory_space<vmem_shared>> -> memref<10752x128xf32, #tpu.memory_space<vmem_shared>>
    tpu.enqueue_indirect_dma source(%dma_start3A_919 : memref<96x128xf32, #tpu.memory_space<vmem>>) target(%dma_start3A_925 : memref<10752x128xf32, #tpu.memory_space<vmem_shared>>) offsets(%dma_start3A_922 : memref<96xi32, #tpu.memory_space<vmem>>) semaphore(%arg17 : memref<!tpu.dma_semaphore, #tpu.memory_space<semaphore_mem>>) {add = true}
    %add3A_926 = arith.constant 104 : i32
    %add3A_927 = arith.addi %mul3A_2, %add3A_926 : i32
    %add3A_928 = arith.constant 3 : i32
    %add3A_929 = arith.addi %add3A_927, %add3A_928 : i32
    %dma_start3A_930 = arith.constant 5 : i32
    %dma_start3A_931 = arith.constant 0 : i32
    %dma_start3A_932 = arith.constant 0 : i32
    %dma_start3A_933 = tpu.memref_slice %arg5[%dma_start3A_930, %dma_start3A_931, %dma_start3A_932] : memref<6x2x96xi32, #tpu.memory_space<vmem>> -> memref<1x2x96xi32, #tpu.memory_space<vmem>>
    %dma_start3A_934 = tpu.memref_squeeze %dma_start3A_933 : memref<1x2x96xi32, #tpu.memory_space<vmem>> -> memref<2x96xi32, #tpu.memory_space<vmem>>
    %dma_start3A_935 = arith.constant 0 : i32
    %dma_start3A_936 = arith.constant 0 : i32
    %dma_start3A_937 = tpu.memref_slice %arg3[%add3A_929, %dma_start3A_935, %dma_start3A_936] : memref<3456x2x96xi32, #tpu.memory_space<hbm>> -> memref<1x2x96xi32, #tpu.memory_space<hbm>>
    %dma_start3A_938 = tpu.memref_squeeze %dma_start3A_937 : memref<1x2x96xi32, #tpu.memory_space<hbm>> -> memref<2x96xi32, #tpu.memory_space<hbm>>
    %dma_start3A_939 = arith.constant 0 : i32
    %dma_start3A_940 = arith.constant 0 : i32
    %dma_start3A_941 = tpu.memref_slice %arg5[%dma_start3A_930, %dma_start3A_939, %dma_start3A_940] : memref<6x2x96xi32, #tpu.memory_space<vmem>> -> memref<1x2x96xi32, #tpu.memory_space<vmem>>
    %dma_start3A_942 = tpu.memref_squeeze %dma_start3A_941 : memref<1x2x96xi32, #tpu.memory_space<vmem>> -> memref<2x96xi32, #tpu.memory_space<vmem>>
    %dma_start3A_943 = arith.constant 0 : i32
    %dma_start3A_944 = arith.constant 0 : i32
    %dma_start3A_945 = tpu.memref_slice %arg3[%add3A_929, %dma_start3A_943, %dma_start3A_944] : memref<3456x2x96xi32, #tpu.memory_space<hbm>> -> memref<1x2x96xi32, #tpu.memory_space<hbm>>
    %dma_start3A_946 = tpu.memref_squeeze %dma_start3A_945 : memref<1x2x96xi32, #tpu.memory_space<hbm>> -> memref<2x96xi32, #tpu.memory_space<hbm>>
    tpu.enqueue_dma source(%dma_start3A_946 : memref<2x96xi32, #tpu.memory_space<hbm>>) target(%dma_start3A_942 : memref<2x96xi32, #tpu.memory_space<vmem>>) target_semaphore(%arg13 : memref<!tpu.dma_semaphore, #tpu.memory_space<semaphore_mem>>)
    %dma_wait3A_947 = arith.constant 3 : i32
    %dma_wait3A_948 = arith.constant 0 : i32
    %dma_wait3A_949 = arith.constant 0 : i32
    %dma_wait3A_950 = arith.constant 0 : i32
    %dma_wait3A_951 = arith.constant 0 : i32
    %dma_wait3A_952 = tpu.memref_slice %arg6[%dma_wait3A_949, %dma_wait3A_950, %dma_wait3A_951] : memref<3x96x128xf32, #tpu.memory_space<vmem>> -> memref<1x96x128xf32, #tpu.memory_space<vmem>>
    %dma_wait3A_953 = tpu.memref_squeeze %dma_wait3A_952 : memref<1x96x128xf32, #tpu.memory_space<vmem>> -> memref<96x128xf32, #tpu.memory_space<vmem>>
    %dma_wait3A_954 = arith.constant 0 : i32
    %dma_wait3A_955 = tpu.memref_slice %arg5[%dma_wait3A_947, %dma_wait3A_948, %dma_wait3A_954] : memref<6x2x96xi32, #tpu.memory_space<vmem>> -> memref<1x1x96xi32, #tpu.memory_space<vmem>>
    %dma_wait3A_956 = tpu.memref_squeeze %dma_wait3A_955 : memref<1x1x96xi32, #tpu.memory_space<vmem>> -> memref<96xi32, #tpu.memory_space<vmem>>
    %dma_wait3A_957 = arith.constant 0 : i32
    %dma_wait3A_958 = arith.constant 0 : i32
    %dma_wait3A_959 = tpu.memref_slice %arg2[%dma_wait3A_957, %dma_wait3A_958] : memref<10752x128xf32, #tpu.memory_space<hbm>> -> memref<10752x128xf32, #tpu.memory_space<hbm>>
    tpu.wait_indirect_dma semaphore(%arg14 : memref<!tpu.dma_semaphore, #tpu.memory_space<semaphore_mem>>) src(%dma_wait3A_959 : memref<10752x128xf32, #tpu.memory_space<hbm>>) dst(%dma_wait3A_953 : memref<96x128xf32, #tpu.memory_space<vmem>>)
    %dma_wait3A_960 = arith.constant 0 : i32
    %dma_wait3A_961 = arith.constant 3 : i32
    %dma_wait3A_962 = arith.constant 1 : i32
    %dma_wait3A_963 = arith.constant 0 : i32
    %dma_wait3A_964 = arith.constant 0 : i32
    %dma_wait3A_965 = tpu.memref_slice %arg6[%dma_wait3A_960, %dma_wait3A_963, %dma_wait3A_964] : memref<3x96x128xf32, #tpu.memory_space<vmem>> -> memref<1x96x128xf32, #tpu.memory_space<vmem>>
    %dma_wait3A_966 = tpu.memref_squeeze %dma_wait3A_965 : memref<1x96x128xf32, #tpu.memory_space<vmem>> -> memref<96x128xf32, #tpu.memory_space<vmem>>
    %dma_wait3A_967 = arith.constant 0 : i32
    %dma_wait3A_968 = tpu.memref_slice %arg5[%dma_wait3A_961, %dma_wait3A_962, %dma_wait3A_967] : memref<6x2x96xi32, #tpu.memory_space<vmem>> -> memref<1x1x96xi32, #tpu.memory_space<vmem>>
    %dma_wait3A_969 = tpu.memref_squeeze %dma_wait3A_968 : memref<1x1x96xi32, #tpu.memory_space<vmem>> -> memref<96xi32, #tpu.memory_space<vmem>>
    %dma_wait3A_970 = arith.constant 0 : i32
    %dma_wait3A_971 = arith.constant 0 : i32
    %dma_wait3A_972 = tpu.memref_slice %arg7[%dma_wait3A_970, %dma_wait3A_971] : memref<10752x128xf32, #tpu.memory_space<vmem_shared>> -> memref<10752x128xf32, #tpu.memory_space<vmem_shared>>
    tpu.wait_indirect_dma semaphore(%arg17 : memref<!tpu.dma_semaphore, #tpu.memory_space<semaphore_mem>>) src(%dma_wait3A_966 : memref<96x128xf32, #tpu.memory_space<vmem>>) dst(%dma_wait3A_972 : memref<10752x128xf32, #tpu.memory_space<vmem_shared>>)
    %dma_wait3A_973 = arith.constant 5 : i32
    %dma_wait3A_974 = arith.constant 0 : i32
    %dma_wait3A_975 = arith.constant 0 : i32
    %dma_wait3A_976 = tpu.memref_slice %arg5[%dma_wait3A_973, %dma_wait3A_974, %dma_wait3A_975] : memref<6x2x96xi32, #tpu.memory_space<vmem>> -> memref<1x2x96xi32, #tpu.memory_space<vmem>>
    %dma_wait3A_977 = tpu.memref_squeeze %dma_wait3A_976 : memref<1x2x96xi32, #tpu.memory_space<vmem>> -> memref<2x96xi32, #tpu.memory_space<vmem>>
    %dma_wait3A_978 = arith.constant 0 : i32
    %dma_wait3A_979 = arith.constant 0 : i32
    %dma_wait3A_980 = tpu.memref_slice %arg3[%mul3A_2, %dma_wait3A_978, %dma_wait3A_979] : memref<3456x2x96xi32, #tpu.memory_space<hbm>> -> memref<1x2x96xi32, #tpu.memory_space<hbm>>
    %dma_wait3A_981 = tpu.memref_squeeze %dma_wait3A_980 : memref<1x2x96xi32, #tpu.memory_space<hbm>> -> memref<2x96xi32, #tpu.memory_space<hbm>>
    %dma_wait3A_982 = arith.constant 0 : i32
    %dma_wait3A_983 = arith.constant 0 : i32
    %dma_wait3A_984 = tpu.memref_slice %arg5[%dma_wait3A_973, %dma_wait3A_982, %dma_wait3A_983] : memref<6x2x96xi32, #tpu.memory_space<vmem>> -> memref<1x2x96xi32, #tpu.memory_space<vmem>>
    %dma_wait3A_985 = tpu.memref_squeeze %dma_wait3A_984 : memref<1x2x96xi32, #tpu.memory_space<vmem>> -> memref<2x96xi32, #tpu.memory_space<vmem>>
    %dma_wait3A_986 = arith.constant 0 : i32
    %dma_wait3A_987 = arith.constant 0 : i32
    %dma_wait3A_988 = tpu.memref_slice %arg3[%mul3A_2, %dma_wait3A_986, %dma_wait3A_987] : memref<3456x2x96xi32, #tpu.memory_space<hbm>> -> memref<1x2x96xi32, #tpu.memory_space<hbm>>
    %dma_wait3A_989 = tpu.memref_squeeze %dma_wait3A_988 : memref<1x2x96xi32, #tpu.memory_space<hbm>> -> memref<2x96xi32, #tpu.memory_space<hbm>>
    tpu.wait_dma2 semaphore(%arg13 : memref<!tpu.dma_semaphore, #tpu.memory_space<semaphore_mem>>) src(%dma_wait3A_989 : memref<2x96xi32, #tpu.memory_space<hbm>>) dst(%dma_wait3A_985 : memref<2x96xi32, #tpu.memory_space<vmem>>)
    %dma_start3A_990 = arith.constant 5 : i32
    %dma_start3A_991 = arith.constant 0 : i32
    %dma_start3A_992 = arith.constant 2 : i32
    %dma_start3A_993 = arith.constant 0 : i32
    %dma_start3A_994 = arith.constant 0 : i32
    %dma_start3A_995 = tpu.memref_slice %arg6[%dma_start3A_992, %dma_start3A_993, %dma_start3A_994] : memref<3x96x128xf32, #tpu.memory_space<vmem>> -> memref<1x96x128xf32, #tpu.memory_space<vmem>>
    %dma_start3A_996 = tpu.memref_squeeze %dma_start3A_995 : memref<1x96x128xf32, #tpu.memory_space<vmem>> -> memref<96x128xf32, #tpu.memory_space<vmem>>
    %dma_start3A_997 = arith.constant 0 : i32
    %dma_start3A_998 = tpu.memref_slice %arg5[%dma_start3A_990, %dma_start3A_991, %dma_start3A_997] : memref<6x2x96xi32, #tpu.memory_space<vmem>> -> memref<1x1x96xi32, #tpu.memory_space<vmem>>
    %dma_start3A_999 = tpu.memref_squeeze %dma_start3A_998 : memref<1x1x96xi32, #tpu.memory_space<vmem>> -> memref<96xi32, #tpu.memory_space<vmem>>
    %dma_start3A_1000 = arith.constant 0 : i32
    %dma_start3A_1001 = arith.constant 0 : i32
    %dma_start3A_1002 = tpu.memref_slice %arg2[%dma_start3A_1000, %dma_start3A_1001] : memref<10752x128xf32, #tpu.memory_space<hbm>> -> memref<10752x128xf32, #tpu.memory_space<hbm>>
    tpu.enqueue_indirect_dma source(%dma_start3A_1002 : memref<10752x128xf32, #tpu.memory_space<hbm>>) target(%dma_start3A_996 : memref<96x128xf32, #tpu.memory_space<vmem>>) offsets(%dma_start3A_999 : memref<96xi32, #tpu.memory_space<vmem>>) semaphore(%arg16 : memref<!tpu.dma_semaphore, #tpu.memory_space<semaphore_mem>>)
    %dma_start3A_1003 = arith.constant 0 : i32
    %dma_start3A_1004 = arith.constant 3 : i32
    %dma_start3A_1005 = arith.constant 1 : i32
    %dma_start3A_1006 = arith.constant 0 : i32
    %dma_start3A_1007 = arith.constant 0 : i32
    %dma_start3A_1008 = tpu.memref_slice %arg6[%dma_start3A_1003, %dma_start3A_1006, %dma_start3A_1007] : memref<3x96x128xf32, #tpu.memory_space<vmem>> -> memref<1x96x128xf32, #tpu.memory_space<vmem>>
    %dma_start3A_1009 = tpu.memref_squeeze %dma_start3A_1008 : memref<1x96x128xf32, #tpu.memory_space<vmem>> -> memref<96x128xf32, #tpu.memory_space<vmem>>
    %dma_start3A_1010 = arith.constant 0 : i32
    %dma_start3A_1011 = tpu.memref_slice %arg5[%dma_start3A_1004, %dma_start3A_1005, %dma_start3A_1010] : memref<6x2x96xi32, #tpu.memory_space<vmem>> -> memref<1x1x96xi32, #tpu.memory_space<vmem>>
    %dma_start3A_1012 = tpu.memref_squeeze %dma_start3A_1011 : memref<1x1x96xi32, #tpu.memory_space<vmem>> -> memref<96xi32, #tpu.memory_space<vmem>>
    %dma_start3A_1013 = arith.constant 0 : i32
    %dma_start3A_1014 = arith.constant 0 : i32
    %dma_start3A_1015 = tpu.memref_slice %arg7[%dma_start3A_1013, %dma_start3A_1014] : memref<10752x128xf32, #tpu.memory_space<vmem_shared>> -> memref<10752x128xf32, #tpu.memory_space<vmem_shared>>
    tpu.enqueue_indirect_dma source(%dma_start3A_1009 : memref<96x128xf32, #tpu.memory_space<vmem>>) target(%dma_start3A_1015 : memref<10752x128xf32, #tpu.memory_space<vmem_shared>>) offsets(%dma_start3A_1012 : memref<96xi32, #tpu.memory_space<vmem>>) semaphore(%arg18 : memref<!tpu.dma_semaphore, #tpu.memory_space<semaphore_mem>>) {add = true}
    %dma_wait3A_1016 = arith.constant 4 : i32
    %dma_wait3A_1017 = arith.constant 0 : i32
    %dma_wait3A_1018 = arith.constant 1 : i32
    %dma_wait3A_1019 = arith.constant 0 : i32
    %dma_wait3A_1020 = arith.constant 0 : i32
    %dma_wait3A_1021 = tpu.memref_slice %arg6[%dma_wait3A_1018, %dma_wait3A_1019, %dma_wait3A_1020] : memref<3x96x128xf32, #tpu.memory_space<vmem>> -> memref<1x96x128xf32, #tpu.memory_space<vmem>>
    %dma_wait3A_1022 = tpu.memref_squeeze %dma_wait3A_1021 : memref<1x96x128xf32, #tpu.memory_space<vmem>> -> memref<96x128xf32, #tpu.memory_space<vmem>>
    %dma_wait3A_1023 = arith.constant 0 : i32
    %dma_wait3A_1024 = tpu.memref_slice %arg5[%dma_wait3A_1016, %dma_wait3A_1017, %dma_wait3A_1023] : memref<6x2x96xi32, #tpu.memory_space<vmem>> -> memref<1x1x96xi32, #tpu.memory_space<vmem>>
    %dma_wait3A_1025 = tpu.memref_squeeze %dma_wait3A_1024 : memref<1x1x96xi32, #tpu.memory_space<vmem>> -> memref<96xi32, #tpu.memory_space<vmem>>
    %dma_wait3A_1026 = arith.constant 0 : i32
    %dma_wait3A_1027 = arith.constant 0 : i32
    %dma_wait3A_1028 = tpu.memref_slice %arg2[%dma_wait3A_1026, %dma_wait3A_1027] : memref<10752x128xf32, #tpu.memory_space<hbm>> -> memref<10752x128xf32, #tpu.memory_space<hbm>>
    tpu.wait_indirect_dma semaphore(%arg15 : memref<!tpu.dma_semaphore, #tpu.memory_space<semaphore_mem>>) src(%dma_wait3A_1028 : memref<10752x128xf32, #tpu.memory_space<hbm>>) dst(%dma_wait3A_1022 : memref<96x128xf32, #tpu.memory_space<vmem>>)
    %dma_wait3A_1029 = arith.constant 1 : i32
    %dma_wait3A_1030 = arith.constant 4 : i32
    %dma_wait3A_1031 = arith.constant 1 : i32
    %dma_wait3A_1032 = arith.constant 0 : i32
    %dma_wait3A_1033 = arith.constant 0 : i32
    %dma_wait3A_1034 = tpu.memref_slice %arg6[%dma_wait3A_1029, %dma_wait3A_1032, %dma_wait3A_1033] : memref<3x96x128xf32, #tpu.memory_space<vmem>> -> memref<1x96x128xf32, #tpu.memory_space<vmem>>
    %dma_wait3A_1035 = tpu.memref_squeeze %dma_wait3A_1034 : memref<1x96x128xf32, #tpu.memory_space<vmem>> -> memref<96x128xf32, #tpu.memory_space<vmem>>
    %dma_wait3A_1036 = arith.constant 0 : i32
    %dma_wait3A_1037 = tpu.memref_slice %arg5[%dma_wait3A_1030, %dma_wait3A_1031, %dma_wait3A_1036] : memref<6x2x96xi32, #tpu.memory_space<vmem>> -> memref<1x1x96xi32, #tpu.memory_space<vmem>>
    %dma_wait3A_1038 = tpu.memref_squeeze %dma_wait3A_1037 : memref<1x1x96xi32, #tpu.memory_space<vmem>> -> memref<96xi32, #tpu.memory_space<vmem>>
    %dma_wait3A_1039 = arith.constant 0 : i32
    %dma_wait3A_1040 = arith.constant 0 : i32
    %dma_wait3A_1041 = tpu.memref_slice %arg7[%dma_wait3A_1039, %dma_wait3A_1040] : memref<10752x128xf32, #tpu.memory_space<vmem_shared>> -> memref<10752x128xf32, #tpu.memory_space<vmem_shared>>
    tpu.wait_indirect_dma semaphore(%arg18 : memref<!tpu.dma_semaphore, #tpu.memory_space<semaphore_mem>>) src(%dma_wait3A_1035 : memref<96x128xf32, #tpu.memory_space<vmem>>) dst(%dma_wait3A_1041 : memref<10752x128xf32, #tpu.memory_space<vmem_shared>>)
    %dma_start3A_1042 = arith.constant 1 : i32
    %dma_start3A_1043 = arith.constant 4 : i32
    %dma_start3A_1044 = arith.constant 1 : i32
    %dma_start3A_1045 = arith.constant 0 : i32
    %dma_start3A_1046 = arith.constant 0 : i32
    %dma_start3A_1047 = tpu.memref_slice %arg6[%dma_start3A_1042, %dma_start3A_1045, %dma_start3A_1046] : memref<3x96x128xf32, #tpu.memory_space<vmem>> -> memref<1x96x128xf32, #tpu.memory_space<vmem>>
    %dma_start3A_1048 = tpu.memref_squeeze %dma_start3A_1047 : memref<1x96x128xf32, #tpu.memory_space<vmem>> -> memref<96x128xf32, #tpu.memory_space<vmem>>
    %dma_start3A_1049 = arith.constant 0 : i32
    %dma_start3A_1050 = tpu.memref_slice %arg5[%dma_start3A_1043, %dma_start3A_1044, %dma_start3A_1049] : memref<6x2x96xi32, #tpu.memory_space<vmem>> -> memref<1x1x96xi32, #tpu.memory_space<vmem>>
    %dma_start3A_1051 = tpu.memref_squeeze %dma_start3A_1050 : memref<1x1x96xi32, #tpu.memory_space<vmem>> -> memref<96xi32, #tpu.memory_space<vmem>>
    %dma_start3A_1052 = arith.constant 0 : i32
    %dma_start3A_1053 = arith.constant 0 : i32
    %dma_start3A_1054 = tpu.memref_slice %arg7[%dma_start3A_1052, %dma_start3A_1053] : memref<10752x128xf32, #tpu.memory_space<vmem_shared>> -> memref<10752x128xf32, #tpu.memory_space<vmem_shared>>
    tpu.enqueue_indirect_dma source(%dma_start3A_1048 : memref<96x128xf32, #tpu.memory_space<vmem>>) target(%dma_start3A_1054 : memref<10752x128xf32, #tpu.memory_space<vmem_shared>>) offsets(%dma_start3A_1051 : memref<96xi32, #tpu.memory_space<vmem>>) semaphore(%arg17 : memref<!tpu.dma_semaphore, #tpu.memory_space<semaphore_mem>>) {add = true}
    %dma_wait3A_1055 = arith.constant 5 : i32
    %dma_wait3A_1056 = arith.constant 0 : i32
    %dma_wait3A_1057 = arith.constant 2 : i32
    %dma_wait3A_1058 = arith.constant 0 : i32
    %dma_wait3A_1059 = arith.constant 0 : i32
    %dma_wait3A_1060 = tpu.memref_slice %arg6[%dma_wait3A_1057, %dma_wait3A_1058, %dma_wait3A_1059] : memref<3x96x128xf32, #tpu.memory_space<vmem>> -> memref<1x96x128xf32, #tpu.memory_space<vmem>>
    %dma_wait3A_1061 = tpu.memref_squeeze %dma_wait3A_1060 : memref<1x96x128xf32, #tpu.memory_space<vmem>> -> memref<96x128xf32, #tpu.memory_space<vmem>>
    %dma_wait3A_1062 = arith.constant 0 : i32
    %dma_wait3A_1063 = tpu.memref_slice %arg5[%dma_wait3A_1055, %dma_wait3A_1056, %dma_wait3A_1062] : memref<6x2x96xi32, #tpu.memory_space<vmem>> -> memref<1x1x96xi32, #tpu.memory_space<vmem>>
    %dma_wait3A_1064 = tpu.memref_squeeze %dma_wait3A_1063 : memref<1x1x96xi32, #tpu.memory_space<vmem>> -> memref<96xi32, #tpu.memory_space<vmem>>
    %dma_wait3A_1065 = arith.constant 0 : i32
    %dma_wait3A_1066 = arith.constant 0 : i32
    %dma_wait3A_1067 = tpu.memref_slice %arg2[%dma_wait3A_1065, %dma_wait3A_1066] : memref<10752x128xf32, #tpu.memory_space<hbm>> -> memref<10752x128xf32, #tpu.memory_space<hbm>>
    tpu.wait_indirect_dma semaphore(%arg16 : memref<!tpu.dma_semaphore, #tpu.memory_space<semaphore_mem>>) src(%dma_wait3A_1067 : memref<10752x128xf32, #tpu.memory_space<hbm>>) dst(%dma_wait3A_1061 : memref<96x128xf32, #tpu.memory_space<vmem>>)
    %dma_wait3A_1068 = arith.constant 2 : i32
    %dma_wait3A_1069 = arith.constant 5 : i32
    %dma_wait3A_1070 = arith.constant 1 : i32
    %dma_wait3A_1071 = arith.constant 0 : i32
    %dma_wait3A_1072 = arith.constant 0 : i32
    %dma_wait3A_1073 = tpu.memref_slice %arg6[%dma_wait3A_1068, %dma_wait3A_1071, %dma_wait3A_1072] : memref<3x96x128xf32, #tpu.memory_space<vmem>> -> memref<1x96x128xf32, #tpu.memory_space<vmem>>
    %dma_wait3A_1074 = tpu.memref_squeeze %dma_wait3A_1073 : memref<1x96x128xf32, #tpu.memory_space<vmem>> -> memref<96x128xf32, #tpu.memory_space<vmem>>
    %dma_wait3A_1075 = arith.constant 0 : i32
    %dma_wait3A_1076 = tpu.memref_slice %arg5[%dma_wait3A_1069, %dma_wait3A_1070, %dma_wait3A_1075] : memref<6x2x96xi32, #tpu.memory_space<vmem>> -> memref<1x1x96xi32, #tpu.memory_space<vmem>>
    %dma_wait3A_1077 = tpu.memref_squeeze %dma_wait3A_1076 : memref<1x1x96xi32, #tpu.memory_space<vmem>> -> memref<96xi32, #tpu.memory_space<vmem>>
    %dma_wait3A_1078 = arith.constant 0 : i32
    %dma_wait3A_1079 = arith.constant 0 : i32
    %dma_wait3A_1080 = tpu.memref_slice %arg7[%dma_wait3A_1078, %dma_wait3A_1079] : memref<10752x128xf32, #tpu.memory_space<vmem_shared>> -> memref<10752x128xf32, #tpu.memory_space<vmem_shared>>
    tpu.wait_indirect_dma semaphore(%arg17 : memref<!tpu.dma_semaphore, #tpu.memory_space<semaphore_mem>>) src(%dma_wait3A_1074 : memref<96x128xf32, #tpu.memory_space<vmem>>) dst(%dma_wait3A_1080 : memref<10752x128xf32, #tpu.memory_space<vmem_shared>>)
    %dma_start3A_1081 = arith.constant 2 : i32
    %dma_start3A_1082 = arith.constant 5 : i32
    %dma_start3A_1083 = arith.constant 1 : i32
    %dma_start3A_1084 = arith.constant 0 : i32
    %dma_start3A_1085 = arith.constant 0 : i32
    %dma_start3A_1086 = tpu.memref_slice %arg6[%dma_start3A_1081, %dma_start3A_1084, %dma_start3A_1085] : memref<3x96x128xf32, #tpu.memory_space<vmem>> -> memref<1x96x128xf32, #tpu.memory_space<vmem>>
    %dma_start3A_1087 = tpu.memref_squeeze %dma_start3A_1086 : memref<1x96x128xf32, #tpu.memory_space<vmem>> -> memref<96x128xf32, #tpu.memory_space<vmem>>
    %dma_start3A_1088 = arith.constant 0 : i32
    %dma_start3A_1089 = tpu.memref_slice %arg5[%dma_start3A_1082, %dma_start3A_1083, %dma_start3A_1088] : memref<6x2x96xi32, #tpu.memory_space<vmem>> -> memref<1x1x96xi32, #tpu.memory_space<vmem>>
    %dma_start3A_1090 = tpu.memref_squeeze %dma_start3A_1089 : memref<1x1x96xi32, #tpu.memory_space<vmem>> -> memref<96xi32, #tpu.memory_space<vmem>>
    %dma_start3A_1091 = arith.constant 0 : i32
    %dma_start3A_1092 = arith.constant 0 : i32
    %dma_start3A_1093 = tpu.memref_slice %arg7[%dma_start3A_1091, %dma_start3A_1092] : memref<10752x128xf32, #tpu.memory_space<vmem_shared>> -> memref<10752x128xf32, #tpu.memory_space<vmem_shared>>
    tpu.enqueue_indirect_dma source(%dma_start3A_1087 : memref<96x128xf32, #tpu.memory_space<vmem>>) target(%dma_start3A_1093 : memref<10752x128xf32, #tpu.memory_space<vmem_shared>>) offsets(%dma_start3A_1090 : memref<96xi32, #tpu.memory_space<vmem>>) semaphore(%arg18 : memref<!tpu.dma_semaphore, #tpu.memory_space<semaphore_mem>>) {add = true}
    %dma_wait3A_1094 = arith.constant 2 : i32
    %dma_wait3A_1095 = arith.constant 0 : i32
    %dma_wait3A_1096 = arith.constant 1 : i32
    %dma_wait3A_1097 = arith.constant 0 : i32
    %dma_wait3A_1098 = arith.constant 0 : i32
    %dma_wait3A_1099 = tpu.memref_slice %arg6[%dma_wait3A_1094, %dma_wait3A_1097, %dma_wait3A_1098] : memref<3x96x128xf32, #tpu.memory_space<vmem>> -> memref<1x96x128xf32, #tpu.memory_space<vmem>>
    %dma_wait3A_1100 = tpu.memref_squeeze %dma_wait3A_1099 : memref<1x96x128xf32, #tpu.memory_space<vmem>> -> memref<96x128xf32, #tpu.memory_space<vmem>>
    %dma_wait3A_1101 = arith.constant 0 : i32
    %dma_wait3A_1102 = tpu.memref_slice %arg5[%dma_wait3A_1095, %dma_wait3A_1096, %dma_wait3A_1101] : memref<6x2x96xi32, #tpu.memory_space<vmem>> -> memref<1x1x96xi32, #tpu.memory_space<vmem>>
    %dma_wait3A_1103 = tpu.memref_squeeze %dma_wait3A_1102 : memref<1x1x96xi32, #tpu.memory_space<vmem>> -> memref<96xi32, #tpu.memory_space<vmem>>
    %dma_wait3A_1104 = arith.constant 0 : i32
    %dma_wait3A_1105 = arith.constant 0 : i32
    %dma_wait3A_1106 = tpu.memref_slice %arg7[%dma_wait3A_1104, %dma_wait3A_1105] : memref<10752x128xf32, #tpu.memory_space<vmem_shared>> -> memref<10752x128xf32, #tpu.memory_space<vmem_shared>>
    tpu.wait_indirect_dma semaphore(%arg18 : memref<!tpu.dma_semaphore, #tpu.memory_space<semaphore_mem>>) src(%dma_wait3A_1100 : memref<96x128xf32, #tpu.memory_space<vmem>>) dst(%dma_wait3A_1106 : memref<10752x128xf32, #tpu.memory_space<vmem_shared>>)
    %barrier3A_1107 = arith.constant 0 : index
    tpu.barrier barrier_id(%barrier3A_1107)
    %add3A_1108 = arith.constant 0 : i32
    %add3A_1109 = arith.addi %mul3A_4, %add3A_1108 : i32
    %run_scoped3A_1110 = arith.constant 0 : i32
    "tpu.region"() ({
      %run_scoped3A_1136 = tpu.sem_alloc : memref<!tpu.dma_semaphore, #tpu.memory_space<semaphore_mem>>
      %dma_start3A_1137 = arith.constant 0 : i32
      %dma_start3A_1138 = arith.constant 0 : i32
      %dma_start3A_1139 = tpu.memref_slice %arg6[%run_scoped3A_1110, %dma_start3A_1137, %dma_start3A_1138] : memref<3x96x128xf32, #tpu.memory_space<vmem>> -> memref<1x96x128xf32, #tpu.memory_space<vmem>>
      %dma_start3A_1140 = tpu.memref_squeeze %dma_start3A_1139 : memref<1x96x128xf32, #tpu.memory_space<vmem>> -> memref<96x128xf32, #tpu.memory_space<vmem>>
      %dma_start3A_1141 = arith.constant 0 : i32
      %dma_start3A_1142 = tpu.memref_slice %arg7[%add3A_1109, %dma_start3A_1141] : memref<10752x128xf32, #tpu.memory_space<vmem_shared>> -> memref<96x128xf32, #tpu.memory_space<vmem_shared>>
      %dma_start3A_1143 = arith.constant 0 : i32
      %dma_start3A_1144 = arith.constant 0 : i32
      %dma_start3A_1145 = tpu.memref_slice %arg6[%run_scoped3A_1110, %dma_start3A_1143, %dma_start3A_1144] : memref<3x96x128xf32, #tpu.memory_space<vmem>> -> memref<1x96x128xf32, #tpu.memory_space<vmem>>
      %dma_start3A_1146 = tpu.memref_squeeze %dma_start3A_1145 : memref<1x96x128xf32, #tpu.memory_space<vmem>> -> memref<96x128xf32, #tpu.memory_space<vmem>>
      %dma_start3A_1147 = arith.constant 0 : i32
      %dma_start3A_1148 = tpu.memref_slice %arg7[%add3A_1109, %dma_start3A_1147] : memref<10752x128xf32, #tpu.memory_space<vmem_shared>> -> memref<96x128xf32, #tpu.memory_space<vmem_shared>>
      tpu.enqueue_dma source(%dma_start3A_1148 : memref<96x128xf32, #tpu.memory_space<vmem_shared>>) target(%dma_start3A_1146 : memref<96x128xf32, #tpu.memory_space<vmem>>) target_semaphore(%run_scoped3A_1136 : memref<!tpu.dma_semaphore, #tpu.memory_space<semaphore_mem>>)
      %dma_wait3A_1149 = arith.constant 0 : i32
      %dma_wait3A_1150 = arith.constant 0 : i32
      %dma_wait3A_1151 = tpu.memref_slice %arg6[%run_scoped3A_1110, %dma_wait3A_1149, %dma_wait3A_1150] : memref<3x96x128xf32, #tpu.memory_space<vmem>> -> memref<1x96x128xf32, #tpu.memory_space<vmem>>
      %dma_wait3A_1152 = tpu.memref_squeeze %dma_wait3A_1151 : memref<1x96x128xf32, #tpu.memory_space<vmem>> -> memref<96x128xf32, #tpu.memory_space<vmem>>
      %dma_wait3A_1153 = arith.constant 0 : i32
      %dma_wait3A_1154 = tpu.memref_slice %arg7[%add3A_1109, %dma_wait3A_1153] : memref<10752x128xf32, #tpu.memory_space<vmem_shared>> -> memref<96x128xf32, #tpu.memory_space<vmem_shared>>
      %dma_wait3A_1155 = arith.constant 0 : i32
      %dma_wait3A_1156 = arith.constant 0 : i32
      %dma_wait3A_1157 = tpu.memref_slice %arg6[%run_scoped3A_1110, %dma_wait3A_1155, %dma_wait3A_1156] : memref<3x96x128xf32, #tpu.memory_space<vmem>> -> memref<1x96x128xf32, #tpu.memory_space<vmem>>
      %dma_wait3A_1158 = tpu.memref_squeeze %dma_wait3A_1157 : memref<1x96x128xf32, #tpu.memory_space<vmem>> -> memref<96x128xf32, #tpu.memory_space<vmem>>
      %dma_wait3A_1159 = arith.constant 0 : i32
      %dma_wait3A_1160 = tpu.memref_slice %arg7[%add3A_1109, %dma_wait3A_1159] : memref<10752x128xf32, #tpu.memory_space<vmem_shared>> -> memref<96x128xf32, #tpu.memory_space<vmem_shared>>
      tpu.wait_dma2 semaphore(%run_scoped3A_1136 : memref<!tpu.dma_semaphore, #tpu.memory_space<semaphore_mem>>) src(%dma_wait3A_1160 : memref<96x128xf32, #tpu.memory_space<vmem_shared>>) dst(%dma_wait3A_1158 : memref<96x128xf32, #tpu.memory_space<vmem>>)
      tpu.yield
    }) : () -> ()
    %run_scoped3A_1111 = arith.constant 0 : i32
    "tpu.region"() ({
      %run_scoped3A_1136 = tpu.sem_alloc : memref<!tpu.dma_semaphore, #tpu.memory_space<semaphore_mem>>
      %dma_start3A_1137 = arith.constant 0 : i32
      %dma_start3A_1138 = arith.constant 0 : i32
      %dma_start3A_1139 = tpu.memref_slice %arg6[%run_scoped3A_1111, %dma_start3A_1137, %dma_start3A_1138] : memref<3x96x128xf32, #tpu.memory_space<vmem>> -> memref<1x96x128xf32, #tpu.memory_space<vmem>>
      %dma_start3A_1140 = tpu.memref_squeeze %dma_start3A_1139 : memref<1x96x128xf32, #tpu.memory_space<vmem>> -> memref<96x128xf32, #tpu.memory_space<vmem>>
      %dma_start3A_1141 = arith.constant 0 : i32
      %dma_start3A_1142 = tpu.memref_slice %arg4[%arg0, %add3A_1109, %dma_start3A_1141] : memref<2x10752x128xf32, #tpu.memory_space<hbm>> -> memref<1x96x128xf32, #tpu.memory_space<hbm>>
      %dma_start3A_1143 = tpu.memref_squeeze %dma_start3A_1142 : memref<1x96x128xf32, #tpu.memory_space<hbm>> -> memref<96x128xf32, #tpu.memory_space<hbm>>
      %dma_start3A_1144 = arith.constant 0 : i32
      %dma_start3A_1145 = tpu.memref_slice %arg4[%arg0, %add3A_1109, %dma_start3A_1144] : memref<2x10752x128xf32, #tpu.memory_space<hbm>> -> memref<1x96x128xf32, #tpu.memory_space<hbm>>
      %dma_start3A_1146 = tpu.memref_squeeze %dma_start3A_1145 : memref<1x96x128xf32, #tpu.memory_space<hbm>> -> memref<96x128xf32, #tpu.memory_space<hbm>>
      %dma_start3A_1147 = arith.constant 0 : i32
      %dma_start3A_1148 = arith.constant 0 : i32
      %dma_start3A_1149 = tpu.memref_slice %arg6[%run_scoped3A_1111, %dma_start3A_1147, %dma_start3A_1148] : memref<3x96x128xf32, #tpu.memory_space<vmem>> -> memref<1x96x128xf32, #tpu.memory_space<vmem>>
      %dma_start3A_1150 = tpu.memref_squeeze %dma_start3A_1149 : memref<1x96x128xf32, #tpu.memory_space<vmem>> -> memref<96x128xf32, #tpu.memory_space<vmem>>
      tpu.enqueue_dma source(%dma_start3A_1150 : memref<96x128xf32, #tpu.memory_space<vmem>>) target(%dma_start3A_1146 : memref<96x128xf32, #tpu.memory_space<hbm>>) target_semaphore(%run_scoped3A_1136 : memref<!tpu.dma_semaphore, #tpu.memory_space<semaphore_mem>>)
      %dma_wait3A_1151 = arith.constant 0 : i32
      %dma_wait3A_1152 = arith.constant 0 : i32
      %dma_wait3A_1153 = tpu.memref_slice %arg6[%run_scoped3A_1111, %dma_wait3A_1151, %dma_wait3A_1152] : memref<3x96x128xf32, #tpu.memory_space<vmem>> -> memref<1x96x128xf32, #tpu.memory_space<vmem>>
      %dma_wait3A_1154 = tpu.memref_squeeze %dma_wait3A_1153 : memref<1x96x128xf32, #tpu.memory_space<vmem>> -> memref<96x128xf32, #tpu.memory_space<vmem>>
      %dma_wait3A_1155 = arith.constant 0 : i32
      %dma_wait3A_1156 = tpu.memref_slice %arg4[%arg0, %add3A_1109, %dma_wait3A_1155] : memref<2x10752x128xf32, #tpu.memory_space<hbm>> -> memref<1x96x128xf32, #tpu.memory_space<hbm>>
      %dma_wait3A_1157 = tpu.memref_squeeze %dma_wait3A_1156 : memref<1x96x128xf32, #tpu.memory_space<hbm>> -> memref<96x128xf32, #tpu.memory_space<hbm>>
      %dma_wait3A_1158 = arith.constant 0 : i32
      %dma_wait3A_1159 = tpu.memref_slice %arg4[%arg0, %add3A_1109, %dma_wait3A_1158] : memref<2x10752x128xf32, #tpu.memory_space<hbm>> -> memref<1x96x128xf32, #tpu.memory_space<hbm>>
      %dma_wait3A_1160 = tpu.memref_squeeze %dma_wait3A_1159 : memref<1x96x128xf32, #tpu.memory_space<hbm>> -> memref<96x128xf32, #tpu.memory_space<hbm>>
      %dma_wait3A_1161 = arith.constant 0 : i32
      %dma_wait3A_1162 = arith.constant 0 : i32
      %dma_wait3A_1163 = tpu.memref_slice %arg6[%run_scoped3A_1111, %dma_wait3A_1161, %dma_wait3A_1162] : memref<3x96x128xf32, #tpu.memory_space<vmem>> -> memref<1x96x128xf32, #tpu.memory_space<vmem>>
      %dma_wait3A_1164 = tpu.memref_squeeze %dma_wait3A_1163 : memref<1x96x128xf32, #tpu.memory_space<vmem>> -> memref<96x128xf32, #tpu.memory_space<vmem>>
      tpu.wait_dma2 semaphore(%run_scoped3A_1136 : memref<!tpu.dma_semaphore, #tpu.memory_space<semaphore_mem>>) src(%dma_wait3A_1164 : memref<96x128xf32, #tpu.memory_space<vmem>>) dst(%dma_wait3A_1160 : memref<96x128xf32, #tpu.memory_space<hbm>>)
      tpu.yield
    }) : () -> ()
    %add3A_1112 = arith.constant 96 : i32
    %add3A_1113 = arith.addi %mul3A_4, %add3A_1112 : i32
    %run_scoped3A_1114 = arith.constant 1 : i32
    "tpu.region"() ({
      %run_scoped3A_1136 = tpu.sem_alloc : memref<!tpu.dma_semaphore, #tpu.memory_space<semaphore_mem>>
      %dma_start3A_1137 = arith.constant 0 : i32
      %dma_start3A_1138 = arith.constant 0 : i32
      %dma_start3A_1139 = tpu.memref_slice %arg6[%run_scoped3A_1114, %dma_start3A_1137, %dma_start3A_1138] : memref<3x96x128xf32, #tpu.memory_space<vmem>> -> memref<1x96x128xf32, #tpu.memory_space<vmem>>
      %dma_start3A_1140 = tpu.memref_squeeze %dma_start3A_1139 : memref<1x96x128xf32, #tpu.memory_space<vmem>> -> memref<96x128xf32, #tpu.memory_space<vmem>>
      %dma_start3A_1141 = arith.constant 0 : i32
      %dma_start3A_1142 = tpu.memref_slice %arg7[%add3A_1113, %dma_start3A_1141] : memref<10752x128xf32, #tpu.memory_space<vmem_shared>> -> memref<96x128xf32, #tpu.memory_space<vmem_shared>>
      %dma_start3A_1143 = arith.constant 0 : i32
      %dma_start3A_1144 = arith.constant 0 : i32
      %dma_start3A_1145 = tpu.memref_slice %arg6[%run_scoped3A_1114, %dma_start3A_1143, %dma_start3A_1144] : memref<3x96x128xf32, #tpu.memory_space<vmem>> -> memref<1x96x128xf32, #tpu.memory_space<vmem>>
      %dma_start3A_1146 = tpu.memref_squeeze %dma_start3A_1145 : memref<1x96x128xf32, #tpu.memory_space<vmem>> -> memref<96x128xf32, #tpu.memory_space<vmem>>
      %dma_start3A_1147 = arith.constant 0 : i32
      %dma_start3A_1148 = tpu.memref_slice %arg7[%add3A_1113, %dma_start3A_1147] : memref<10752x128xf32, #tpu.memory_space<vmem_shared>> -> memref<96x128xf32, #tpu.memory_space<vmem_shared>>
      tpu.enqueue_dma source(%dma_start3A_1148 : memref<96x128xf32, #tpu.memory_space<vmem_shared>>) target(%dma_start3A_1146 : memref<96x128xf32, #tpu.memory_space<vmem>>) target_semaphore(%run_scoped3A_1136 : memref<!tpu.dma_semaphore, #tpu.memory_space<semaphore_mem>>)
      %dma_wait3A_1149 = arith.constant 0 : i32
      %dma_wait3A_1150 = arith.constant 0 : i32
      %dma_wait3A_1151 = tpu.memref_slice %arg6[%run_scoped3A_1114, %dma_wait3A_1149, %dma_wait3A_1150] : memref<3x96x128xf32, #tpu.memory_space<vmem>> -> memref<1x96x128xf32, #tpu.memory_space<vmem>>
      %dma_wait3A_1152 = tpu.memref_squeeze %dma_wait3A_1151 : memref<1x96x128xf32, #tpu.memory_space<vmem>> -> memref<96x128xf32, #tpu.memory_space<vmem>>
      %dma_wait3A_1153 = arith.constant 0 : i32
      %dma_wait3A_1154 = tpu.memref_slice %arg7[%add3A_1113, %dma_wait3A_1153] : memref<10752x128xf32, #tpu.memory_space<vmem_shared>> -> memref<96x128xf32, #tpu.memory_space<vmem_shared>>
      %dma_wait3A_1155 = arith.constant 0 : i32
      %dma_wait3A_1156 = arith.constant 0 : i32
      %dma_wait3A_1157 = tpu.memref_slice %arg6[%run_scoped3A_1114, %dma_wait3A_1155, %dma_wait3A_1156] : memref<3x96x128xf32, #tpu.memory_space<vmem>> -> memref<1x96x128xf32, #tpu.memory_space<vmem>>
      %dma_wait3A_1158 = tpu.memref_squeeze %dma_wait3A_1157 : memref<1x96x128xf32, #tpu.memory_space<vmem>> -> memref<96x128xf32, #tpu.memory_space<vmem>>
      %dma_wait3A_1159 = arith.constant 0 : i32
      %dma_wait3A_1160 = tpu.memref_slice %arg7[%add3A_1113, %dma_wait3A_1159] : memref<10752x128xf32, #tpu.memory_space<vmem_shared>> -> memref<96x128xf32, #tpu.memory_space<vmem_shared>>
      tpu.wait_dma2 semaphore(%run_scoped3A_1136 : memref<!tpu.dma_semaphore, #tpu.memory_space<semaphore_mem>>) src(%dma_wait3A_1160 : memref<96x128xf32, #tpu.memory_space<vmem_shared>>) dst(%dma_wait3A_1158 : memref<96x128xf32, #tpu.memory_space<vmem>>)
      tpu.yield
    }) : () -> ()
    %run_scoped3A_1115 = arith.constant 1 : i32
    "tpu.region"() ({
      %run_scoped3A_1136 = tpu.sem_alloc : memref<!tpu.dma_semaphore, #tpu.memory_space<semaphore_mem>>
      %dma_start3A_1137 = arith.constant 0 : i32
      %dma_start3A_1138 = arith.constant 0 : i32
      %dma_start3A_1139 = tpu.memref_slice %arg6[%run_scoped3A_1115, %dma_start3A_1137, %dma_start3A_1138] : memref<3x96x128xf32, #tpu.memory_space<vmem>> -> memref<1x96x128xf32, #tpu.memory_space<vmem>>
      %dma_start3A_1140 = tpu.memref_squeeze %dma_start3A_1139 : memref<1x96x128xf32, #tpu.memory_space<vmem>> -> memref<96x128xf32, #tpu.memory_space<vmem>>
      %dma_start3A_1141 = arith.constant 0 : i32
      %dma_start3A_1142 = tpu.memref_slice %arg4[%arg0, %add3A_1113, %dma_start3A_1141] : memref<2x10752x128xf32, #tpu.memory_space<hbm>> -> memref<1x96x128xf32, #tpu.memory_space<hbm>>
      %dma_start3A_1143 = tpu.memref_squeeze %dma_start3A_1142 : memref<1x96x128xf32, #tpu.memory_space<hbm>> -> memref<96x128xf32, #tpu.memory_space<hbm>>
      %dma_start3A_1144 = arith.constant 0 : i32
      %dma_start3A_1145 = tpu.memref_slice %arg4[%arg0, %add3A_1113, %dma_start3A_1144] : memref<2x10752x128xf32, #tpu.memory_space<hbm>> -> memref<1x96x128xf32, #tpu.memory_space<hbm>>
      %dma_start3A_1146 = tpu.memref_squeeze %dma_start3A_1145 : memref<1x96x128xf32, #tpu.memory_space<hbm>> -> memref<96x128xf32, #tpu.memory_space<hbm>>
      %dma_start3A_1147 = arith.constant 0 : i32
      %dma_start3A_1148 = arith.constant 0 : i32
      %dma_start3A_1149 = tpu.memref_slice %arg6[%run_scoped3A_1115, %dma_start3A_1147, %dma_start3A_1148] : memref<3x96x128xf32, #tpu.memory_space<vmem>> -> memref<1x96x128xf32, #tpu.memory_space<vmem>>
      %dma_start3A_1150 = tpu.memref_squeeze %dma_start3A_1149 : memref<1x96x128xf32, #tpu.memory_space<vmem>> -> memref<96x128xf32, #tpu.memory_space<vmem>>
      tpu.enqueue_dma source(%dma_start3A_1150 : memref<96x128xf32, #tpu.memory_space<vmem>>) target(%dma_start3A_1146 : memref<96x128xf32, #tpu.memory_space<hbm>>) target_semaphore(%run_scoped3A_1136 : memref<!tpu.dma_semaphore, #tpu.memory_space<semaphore_mem>>)
      %dma_wait3A_1151 = arith.constant 0 : i32
      %dma_wait3A_1152 = arith.constant 0 : i32
      %dma_wait3A_1153 = tpu.memref_slice %arg6[%run_scoped3A_1115, %dma_wait3A_1151, %dma_wait3A_1152] : memref<3x96x128xf32, #tpu.memory_space<vmem>> -> memref<1x96x128xf32, #tpu.memory_space<vmem>>
      %dma_wait3A_1154 = tpu.memref_squeeze %dma_wait3A_1153 : memref<1x96x128xf32, #tpu.memory_space<vmem>> -> memref<96x128xf32, #tpu.memory_space<vmem>>
      %dma_wait3A_1155 = arith.constant 0 : i32
      %dma_wait3A_1156 = tpu.memref_slice %arg4[%arg0, %add3A_1113, %dma_wait3A_1155] : memref<2x10752x128xf32, #tpu.memory_space<hbm>> -> memref<1x96x128xf32, #tpu.memory_space<hbm>>
      %dma_wait3A_1157 = tpu.memref_squeeze %dma_wait3A_1156 : memref<1x96x128xf32, #tpu.memory_space<hbm>> -> memref<96x128xf32, #tpu.memory_space<hbm>>
      %dma_wait3A_1158 = arith.constant 0 : i32
      %dma_wait3A_1159 = tpu.memref_slice %arg4[%arg0, %add3A_1113, %dma_wait3A_1158] : memref<2x10752x128xf32, #tpu.memory_space<hbm>> -> memref<1x96x128xf32, #tpu.memory_space<hbm>>
      %dma_wait3A_1160 = tpu.memref_squeeze %dma_wait3A_1159 : memref<1x96x128xf32, #tpu.memory_space<hbm>> -> memref<96x128xf32, #tpu.memory_space<hbm>>
      %dma_wait3A_1161 = arith.constant 0 : i32
      %dma_wait3A_1162 = arith.constant 0 : i32
      %dma_wait3A_1163 = tpu.memref_slice %arg6[%run_scoped3A_1115, %dma_wait3A_1161, %dma_wait3A_1162] : memref<3x96x128xf32, #tpu.memory_space<vmem>> -> memref<1x96x128xf32, #tpu.memory_space<vmem>>
      %dma_wait3A_1164 = tpu.memref_squeeze %dma_wait3A_1163 : memref<1x96x128xf32, #tpu.memory_space<vmem>> -> memref<96x128xf32, #tpu.memory_space<vmem>>
      tpu.wait_dma2 semaphore(%run_scoped3A_1136 : memref<!tpu.dma_semaphore, #tpu.memory_space<semaphore_mem>>) src(%dma_wait3A_1164 : memref<96x128xf32, #tpu.memory_space<vmem>>) dst(%dma_wait3A_1160 : memref<96x128xf32, #tpu.memory_space<hbm>>)
      tpu.yield
    }) : () -> ()
    %add3A_1116 = arith.constant 192 : i32
    %add3A_1117 = arith.addi %mul3A_4, %add3A_1116 : i32
    %run_scoped3A_1118 = arith.constant 0 : i32
    "tpu.region"() ({
      %run_scoped3A_1136 = tpu.sem_alloc : memref<!tpu.dma_semaphore, #tpu.memory_space<semaphore_mem>>
      %dma_start3A_1137 = arith.constant 0 : i32
      %dma_start3A_1138 = arith.constant 0 : i32
      %dma_start3A_1139 = tpu.memref_slice %arg6[%run_scoped3A_1118, %dma_start3A_1137, %dma_start3A_1138] : memref<3x96x128xf32, #tpu.memory_space<vmem>> -> memref<1x96x128xf32, #tpu.memory_space<vmem>>
      %dma_start3A_1140 = tpu.memref_squeeze %dma_start3A_1139 : memref<1x96x128xf32, #tpu.memory_space<vmem>> -> memref<96x128xf32, #tpu.memory_space<vmem>>
      %dma_start3A_1141 = arith.constant 0 : i32
      %dma_start3A_1142 = tpu.memref_slice %arg7[%add3A_1117, %dma_start3A_1141] : memref<10752x128xf32, #tpu.memory_space<vmem_shared>> -> memref<96x128xf32, #tpu.memory_space<vmem_shared>>
      %dma_start3A_1143 = arith.constant 0 : i32
      %dma_start3A_1144 = arith.constant 0 : i32
      %dma_start3A_1145 = tpu.memref_slice %arg6[%run_scoped3A_1118, %dma_start3A_1143, %dma_start3A_1144] : memref<3x96x128xf32, #tpu.memory_space<vmem>> -> memref<1x96x128xf32, #tpu.memory_space<vmem>>
      %dma_start3A_1146 = tpu.memref_squeeze %dma_start3A_1145 : memref<1x96x128xf32, #tpu.memory_space<vmem>> -> memref<96x128xf32, #tpu.memory_space<vmem>>
      %dma_start3A_1147 = arith.constant 0 : i32
      %dma_start3A_1148 = tpu.memref_slice %arg7[%add3A_1117, %dma_start3A_1147] : memref<10752x128xf32, #tpu.memory_space<vmem_shared>> -> memref<96x128xf32, #tpu.memory_space<vmem_shared>>
      tpu.enqueue_dma source(%dma_start3A_1148 : memref<96x128xf32, #tpu.memory_space<vmem_shared>>) target(%dma_start3A_1146 : memref<96x128xf32, #tpu.memory_space<vmem>>) target_semaphore(%run_scoped3A_1136 : memref<!tpu.dma_semaphore, #tpu.memory_space<semaphore_mem>>)
      %dma_wait3A_1149 = arith.constant 0 : i32
      %dma_wait3A_1150 = arith.constant 0 : i32
      %dma_wait3A_1151 = tpu.memref_slice %arg6[%run_scoped3A_1118, %dma_wait3A_1149, %dma_wait3A_1150] : memref<3x96x128xf32, #tpu.memory_space<vmem>> -> memref<1x96x128xf32, #tpu.memory_space<vmem>>
      %dma_wait3A_1152 = tpu.memref_squeeze %dma_wait3A_1151 : memref<1x96x128xf32, #tpu.memory_space<vmem>> -> memref<96x128xf32, #tpu.memory_space<vmem>>
      %dma_wait3A_1153 = arith.constant 0 : i32
      %dma_wait3A_1154 = tpu.memref_slice %arg7[%add3A_1117, %dma_wait3A_1153] : memref<10752x128xf32, #tpu.memory_space<vmem_shared>> -> memref<96x128xf32, #tpu.memory_space<vmem_shared>>
      %dma_wait3A_1155 = arith.constant 0 : i32
      %dma_wait3A_1156 = arith.constant 0 : i32
      %dma_wait3A_1157 = tpu.memref_slice %arg6[%run_scoped3A_1118, %dma_wait3A_1155, %dma_wait3A_1156] : memref<3x96x128xf32, #tpu.memory_space<vmem>> -> memref<1x96x128xf32, #tpu.memory_space<vmem>>
      %dma_wait3A_1158 = tpu.memref_squeeze %dma_wait3A_1157 : memref<1x96x128xf32, #tpu.memory_space<vmem>> -> memref<96x128xf32, #tpu.memory_space<vmem>>
      %dma_wait3A_1159 = arith.constant 0 : i32
      %dma_wait3A_1160 = tpu.memref_slice %arg7[%add3A_1117, %dma_wait3A_1159] : memref<10752x128xf32, #tpu.memory_space<vmem_shared>> -> memref<96x128xf32, #tpu.memory_space<vmem_shared>>
      tpu.wait_dma2 semaphore(%run_scoped3A_1136 : memref<!tpu.dma_semaphore, #tpu.memory_space<semaphore_mem>>) src(%dma_wait3A_1160 : memref<96x128xf32, #tpu.memory_space<vmem_shared>>) dst(%dma_wait3A_1158 : memref<96x128xf32, #tpu.memory_space<vmem>>)
      tpu.yield
    }) : () -> ()
    %run_scoped3A_1119 = arith.constant 0 : i32
    "tpu.region"() ({
      %run_scoped3A_1136 = tpu.sem_alloc : memref<!tpu.dma_semaphore, #tpu.memory_space<semaphore_mem>>
      %dma_start3A_1137 = arith.constant 0 : i32
      %dma_start3A_1138 = arith.constant 0 : i32
      %dma_start3A_1139 = tpu.memref_slice %arg6[%run_scoped3A_1119, %dma_start3A_1137, %dma_start3A_1138] : memref<3x96x128xf32, #tpu.memory_space<vmem>> -> memref<1x96x128xf32, #tpu.memory_space<vmem>>
      %dma_start3A_1140 = tpu.memref_squeeze %dma_start3A_1139 : memref<1x96x128xf32, #tpu.memory_space<vmem>> -> memref<96x128xf32, #tpu.memory_space<vmem>>
      %dma_start3A_1141 = arith.constant 0 : i32
      %dma_start3A_1142 = tpu.memref_slice %arg4[%arg0, %add3A_1117, %dma_start3A_1141] : memref<2x10752x128xf32, #tpu.memory_space<hbm>> -> memref<1x96x128xf32, #tpu.memory_space<hbm>>
      %dma_start3A_1143 = tpu.memref_squeeze %dma_start3A_1142 : memref<1x96x128xf32, #tpu.memory_space<hbm>> -> memref<96x128xf32, #tpu.memory_space<hbm>>
      %dma_start3A_1144 = arith.constant 0 : i32
      %dma_start3A_1145 = tpu.memref_slice %arg4[%arg0, %add3A_1117, %dma_start3A_1144] : memref<2x10752x128xf32, #tpu.memory_space<hbm>> -> memref<1x96x128xf32, #tpu.memory_space<hbm>>
      %dma_start3A_1146 = tpu.memref_squeeze %dma_start3A_1145 : memref<1x96x128xf32, #tpu.memory_space<hbm>> -> memref<96x128xf32, #tpu.memory_space<hbm>>
      %dma_start3A_1147 = arith.constant 0 : i32
      %dma_start3A_1148 = arith.constant 0 : i32
      %dma_start3A_1149 = tpu.memref_slice %arg6[%run_scoped3A_1119, %dma_start3A_1147, %dma_start3A_1148] : memref<3x96x128xf32, #tpu.memory_space<vmem>> -> memref<1x96x128xf32, #tpu.memory_space<vmem>>
      %dma_start3A_1150 = tpu.memref_squeeze %dma_start3A_1149 : memref<1x96x128xf32, #tpu.memory_space<vmem>> -> memref<96x128xf32, #tpu.memory_space<vmem>>
      tpu.enqueue_dma source(%dma_start3A_1150 : memref<96x128xf32, #tpu.memory_space<vmem>>) target(%dma_start3A_1146 : memref<96x128xf32, #tpu.memory_space<hbm>>) target_semaphore(%run_scoped3A_1136 : memref<!tpu.dma_semaphore, #tpu.memory_space<semaphore_mem>>)
      %dma_wait3A_1151 = arith.constant 0 : i32
      %dma_wait3A_1152 = arith.constant 0 : i32
      %dma_wait3A_1153 = tpu.memref_slice %arg6[%run_scoped3A_1119, %dma_wait3A_1151, %dma_wait3A_1152] : memref<3x96x128xf32, #tpu.memory_space<vmem>> -> memref<1x96x128xf32, #tpu.memory_space<vmem>>
      %dma_wait3A_1154 = tpu.memref_squeeze %dma_wait3A_1153 : memref<1x96x128xf32, #tpu.memory_space<vmem>> -> memref<96x128xf32, #tpu.memory_space<vmem>>
      %dma_wait3A_1155 = arith.constant 0 : i32
      %dma_wait3A_1156 = tpu.memref_slice %arg4[%arg0, %add3A_1117, %dma_wait3A_1155] : memref<2x10752x128xf32, #tpu.memory_space<hbm>> -> memref<1x96x128xf32, #tpu.memory_space<hbm>>
      %dma_wait3A_1157 = tpu.memref_squeeze %dma_wait3A_1156 : memref<1x96x128xf32, #tpu.memory_space<hbm>> -> memref<96x128xf32, #tpu.memory_space<hbm>>
      %dma_wait3A_1158 = arith.constant 0 : i32
      %dma_wait3A_1159 = tpu.memref_slice %arg4[%arg0, %add3A_1117, %dma_wait3A_1158] : memref<2x10752x128xf32, #tpu.memory_space<hbm>> -> memref<1x96x128xf32, #tpu.memory_space<hbm>>
      %dma_wait3A_1160 = tpu.memref_squeeze %dma_wait3A_1159 : memref<1x96x128xf32, #tpu.memory_space<hbm>> -> memref<96x128xf32, #tpu.memory_space<hbm>>
      %dma_wait3A_1161 = arith.constant 0 : i32
      %dma_wait3A_1162 = arith.constant 0 : i32
      %dma_wait3A_1163 = tpu.memref_slice %arg6[%run_scoped3A_1119, %dma_wait3A_1161, %dma_wait3A_1162] : memref<3x96x128xf32, #tpu.memory_space<vmem>> -> memref<1x96x128xf32, #tpu.memory_space<vmem>>
      %dma_wait3A_1164 = tpu.memref_squeeze %dma_wait3A_1163 : memref<1x96x128xf32, #tpu.memory_space<vmem>> -> memref<96x128xf32, #tpu.memory_space<vmem>>
      tpu.wait_dma2 semaphore(%run_scoped3A_1136 : memref<!tpu.dma_semaphore, #tpu.memory_space<semaphore_mem>>) src(%dma_wait3A_1164 : memref<96x128xf32, #tpu.memory_space<vmem>>) dst(%dma_wait3A_1160 : memref<96x128xf32, #tpu.memory_space<hbm>>)
      tpu.yield
    }) : () -> ()
    %add3A_1120 = arith.constant 288 : i32
    %add3A_1121 = arith.addi %mul3A_4, %add3A_1120 : i32
    %run_scoped3A_1122 = arith.constant 1 : i32
    "tpu.region"() ({
      %run_scoped3A_1136 = tpu.sem_alloc : memref<!tpu.dma_semaphore, #tpu.memory_space<semaphore_mem>>
      %dma_start3A_1137 = arith.constant 0 : i32
      %dma_start3A_1138 = arith.constant 0 : i32
      %dma_start3A_1139 = tpu.memref_slice %arg6[%run_scoped3A_1122, %dma_start3A_1137, %dma_start3A_1138] : memref<3x96x128xf32, #tpu.memory_space<vmem>> -> memref<1x96x128xf32, #tpu.memory_space<vmem>>
      %dma_start3A_1140 = tpu.memref_squeeze %dma_start3A_1139 : memref<1x96x128xf32, #tpu.memory_space<vmem>> -> memref<96x128xf32, #tpu.memory_space<vmem>>
      %dma_start3A_1141 = arith.constant 0 : i32
      %dma_start3A_1142 = tpu.memref_slice %arg7[%add3A_1121, %dma_start3A_1141] : memref<10752x128xf32, #tpu.memory_space<vmem_shared>> -> memref<96x128xf32, #tpu.memory_space<vmem_shared>>
      %dma_start3A_1143 = arith.constant 0 : i32
      %dma_start3A_1144 = arith.constant 0 : i32
      %dma_start3A_1145 = tpu.memref_slice %arg6[%run_scoped3A_1122, %dma_start3A_1143, %dma_start3A_1144] : memref<3x96x128xf32, #tpu.memory_space<vmem>> -> memref<1x96x128xf32, #tpu.memory_space<vmem>>
      %dma_start3A_1146 = tpu.memref_squeeze %dma_start3A_1145 : memref<1x96x128xf32, #tpu.memory_space<vmem>> -> memref<96x128xf32, #tpu.memory_space<vmem>>
      %dma_start3A_1147 = arith.constant 0 : i32
      %dma_start3A_1148 = tpu.memref_slice %arg7[%add3A_1121, %dma_start3A_1147] : memref<10752x128xf32, #tpu.memory_space<vmem_shared>> -> memref<96x128xf32, #tpu.memory_space<vmem_shared>>
      tpu.enqueue_dma source(%dma_start3A_1148 : memref<96x128xf32, #tpu.memory_space<vmem_shared>>) target(%dma_start3A_1146 : memref<96x128xf32, #tpu.memory_space<vmem>>) target_semaphore(%run_scoped3A_1136 : memref<!tpu.dma_semaphore, #tpu.memory_space<semaphore_mem>>)
      %dma_wait3A_1149 = arith.constant 0 : i32
      %dma_wait3A_1150 = arith.constant 0 : i32
      %dma_wait3A_1151 = tpu.memref_slice %arg6[%run_scoped3A_1122, %dma_wait3A_1149, %dma_wait3A_1150] : memref<3x96x128xf32, #tpu.memory_space<vmem>> -> memref<1x96x128xf32, #tpu.memory_space<vmem>>
      %dma_wait3A_1152 = tpu.memref_squeeze %dma_wait3A_1151 : memref<1x96x128xf32, #tpu.memory_space<vmem>> -> memref<96x128xf32, #tpu.memory_space<vmem>>
      %dma_wait3A_1153 = arith.constant 0 : i32
      %dma_wait3A_1154 = tpu.memref_slice %arg7[%add3A_1121, %dma_wait3A_1153] : memref<10752x128xf32, #tpu.memory_space<vmem_shared>> -> memref<96x128xf32, #tpu.memory_space<vmem_shared>>
      %dma_wait3A_1155 = arith.constant 0 : i32
      %dma_wait3A_1156 = arith.constant 0 : i32
      %dma_wait3A_1157 = tpu.memref_slice %arg6[%run_scoped3A_1122, %dma_wait3A_1155, %dma_wait3A_1156] : memref<3x96x128xf32, #tpu.memory_space<vmem>> -> memref<1x96x128xf32, #tpu.memory_space<vmem>>
      %dma_wait3A_1158 = tpu.memref_squeeze %dma_wait3A_1157 : memref<1x96x128xf32, #tpu.memory_space<vmem>> -> memref<96x128xf32, #tpu.memory_space<vmem>>
      %dma_wait3A_1159 = arith.constant 0 : i32
      %dma_wait3A_1160 = tpu.memref_slice %arg7[%add3A_1121, %dma_wait3A_1159] : memref<10752x128xf32, #tpu.memory_space<vmem_shared>> -> memref<96x128xf32, #tpu.memory_space<vmem_shared>>
      tpu.wait_dma2 semaphore(%run_scoped3A_1136 : memref<!tpu.dma_semaphore, #tpu.memory_space<semaphore_mem>>) src(%dma_wait3A_1160 : memref<96x128xf32, #tpu.memory_space<vmem_shared>>) dst(%dma_wait3A_1158 : memref<96x128xf32, #tpu.memory_space<vmem>>)
      tpu.yield
    }) : () -> ()
    %run_scoped3A_1123 = arith.constant 1 : i32
    "tpu.region"() ({
      %run_scoped3A_1136 = tpu.sem_alloc : memref<!tpu.dma_semaphore, #tpu.memory_space<semaphore_mem>>
      %dma_start3A_1137 = arith.constant 0 : i32
      %dma_start3A_1138 = arith.constant 0 : i32
      %dma_start3A_1139 = tpu.memref_slice %arg6[%run_scoped3A_1123, %dma_start3A_1137, %dma_start3A_1138] : memref<3x96x128xf32, #tpu.memory_space<vmem>> -> memref<1x96x128xf32, #tpu.memory_space<vmem>>
      %dma_start3A_1140 = tpu.memref_squeeze %dma_start3A_1139 : memref<1x96x128xf32, #tpu.memory_space<vmem>> -> memref<96x128xf32, #tpu.memory_space<vmem>>
      %dma_start3A_1141 = arith.constant 0 : i32
      %dma_start3A_1142 = tpu.memref_slice %arg4[%arg0, %add3A_1121, %dma_start3A_1141] : memref<2x10752x128xf32, #tpu.memory_space<hbm>> -> memref<1x96x128xf32, #tpu.memory_space<hbm>>
      %dma_start3A_1143 = tpu.memref_squeeze %dma_start3A_1142 : memref<1x96x128xf32, #tpu.memory_space<hbm>> -> memref<96x128xf32, #tpu.memory_space<hbm>>
      %dma_start3A_1144 = arith.constant 0 : i32
      %dma_start3A_1145 = tpu.memref_slice %arg4[%arg0, %add3A_1121, %dma_start3A_1144] : memref<2x10752x128xf32, #tpu.memory_space<hbm>> -> memref<1x96x128xf32, #tpu.memory_space<hbm>>
      %dma_start3A_1146 = tpu.memref_squeeze %dma_start3A_1145 : memref<1x96x128xf32, #tpu.memory_space<hbm>> -> memref<96x128xf32, #tpu.memory_space<hbm>>
      %dma_start3A_1147 = arith.constant 0 : i32
      %dma_start3A_1148 = arith.constant 0 : i32
      %dma_start3A_1149 = tpu.memref_slice %arg6[%run_scoped3A_1123, %dma_start3A_1147, %dma_start3A_1148] : memref<3x96x128xf32, #tpu.memory_space<vmem>> -> memref<1x96x128xf32, #tpu.memory_space<vmem>>
      %dma_start3A_1150 = tpu.memref_squeeze %dma_start3A_1149 : memref<1x96x128xf32, #tpu.memory_space<vmem>> -> memref<96x128xf32, #tpu.memory_space<vmem>>
      tpu.enqueue_dma source(%dma_start3A_1150 : memref<96x128xf32, #tpu.memory_space<vmem>>) target(%dma_start3A_1146 : memref<96x128xf32, #tpu.memory_space<hbm>>) target_semaphore(%run_scoped3A_1136 : memref<!tpu.dma_semaphore, #tpu.memory_space<semaphore_mem>>)
      %dma_wait3A_1151 = arith.constant 0 : i32
      %dma_wait3A_1152 = arith.constant 0 : i32
      %dma_wait3A_1153 = tpu.memref_slice %arg6[%run_scoped3A_1123, %dma_wait3A_1151, %dma_wait3A_1152] : memref<3x96x128xf32, #tpu.memory_space<vmem>> -> memref<1x96x128xf32, #tpu.memory_space<vmem>>
      %dma_wait3A_1154 = tpu.memref_squeeze %dma_wait3A_1153 : memref<1x96x128xf32, #tpu.memory_space<vmem>> -> memref<96x128xf32, #tpu.memory_space<vmem>>
      %dma_wait3A_1155 = arith.constant 0 : i32
      %dma_wait3A_1156 = tpu.memref_slice %arg4[%arg0, %add3A_1121, %dma_wait3A_1155] : memref<2x10752x128xf32, #tpu.memory_space<hbm>> -> memref<1x96x128xf32, #tpu.memory_space<hbm>>
      %dma_wait3A_1157 = tpu.memref_squeeze %dma_wait3A_1156 : memref<1x96x128xf32, #tpu.memory_space<hbm>> -> memref<96x128xf32, #tpu.memory_space<hbm>>
      %dma_wait3A_1158 = arith.constant 0 : i32
      %dma_wait3A_1159 = tpu.memref_slice %arg4[%arg0, %add3A_1121, %dma_wait3A_1158] : memref<2x10752x128xf32, #tpu.memory_space<hbm>> -> memref<1x96x128xf32, #tpu.memory_space<hbm>>
      %dma_wait3A_1160 = tpu.memref_squeeze %dma_wait3A_1159 : memref<1x96x128xf32, #tpu.memory_space<hbm>> -> memref<96x128xf32, #tpu.memory_space<hbm>>
      %dma_wait3A_1161 = arith.constant 0 : i32
      %dma_wait3A_1162 = arith.constant 0 : i32
      %dma_wait3A_1163 = tpu.memref_slice %arg6[%run_scoped3A_1123, %dma_wait3A_1161, %dma_wait3A_1162] : memref<3x96x128xf32, #tpu.memory_space<vmem>> -> memref<1x96x128xf32, #tpu.memory_space<vmem>>
      %dma_wait3A_1164 = tpu.memref_squeeze %dma_wait3A_1163 : memref<1x96x128xf32, #tpu.memory_space<vmem>> -> memref<96x128xf32, #tpu.memory_space<vmem>>
      tpu.wait_dma2 semaphore(%run_scoped3A_1136 : memref<!tpu.dma_semaphore, #tpu.memory_space<semaphore_mem>>) src(%dma_wait3A_1164 : memref<96x128xf32, #tpu.memory_space<vmem>>) dst(%dma_wait3A_1160 : memref<96x128xf32, #tpu.memory_space<hbm>>)
      tpu.yield
    }) : () -> ()
    %add3A_1124 = arith.constant 384 : i32
    %add3A_1125 = arith.addi %mul3A_4, %add3A_1124 : i32
    %run_scoped3A_1126 = arith.constant 0 : i32
    "tpu.region"() ({
      %run_scoped3A_1136 = tpu.sem_alloc : memref<!tpu.dma_semaphore, #tpu.memory_space<semaphore_mem>>
      %dma_start3A_1137 = arith.constant 0 : i32
      %dma_start3A_1138 = arith.constant 0 : i32
      %dma_start3A_1139 = tpu.memref_slice %arg6[%run_scoped3A_1126, %dma_start3A_1137, %dma_start3A_1138] : memref<3x96x128xf32, #tpu.memory_space<vmem>> -> memref<1x96x128xf32, #tpu.memory_space<vmem>>
      %dma_start3A_1140 = tpu.memref_squeeze %dma_start3A_1139 : memref<1x96x128xf32, #tpu.memory_space<vmem>> -> memref<96x128xf32, #tpu.memory_space<vmem>>
      %dma_start3A_1141 = arith.constant 0 : i32
      %dma_start3A_1142 = tpu.memref_slice %arg7[%add3A_1125, %dma_start3A_1141] : memref<10752x128xf32, #tpu.memory_space<vmem_shared>> -> memref<96x128xf32, #tpu.memory_space<vmem_shared>>
      %dma_start3A_1143 = arith.constant 0 : i32
      %dma_start3A_1144 = arith.constant 0 : i32
      %dma_start3A_1145 = tpu.memref_slice %arg6[%run_scoped3A_1126, %dma_start3A_1143, %dma_start3A_1144] : memref<3x96x128xf32, #tpu.memory_space<vmem>> -> memref<1x96x128xf32, #tpu.memory_space<vmem>>
      %dma_start3A_1146 = tpu.memref_squeeze %dma_start3A_1145 : memref<1x96x128xf32, #tpu.memory_space<vmem>> -> memref<96x128xf32, #tpu.memory_space<vmem>>
      %dma_start3A_1147 = arith.constant 0 : i32
      %dma_start3A_1148 = tpu.memref_slice %arg7[%add3A_1125, %dma_start3A_1147] : memref<10752x128xf32, #tpu.memory_space<vmem_shared>> -> memref<96x128xf32, #tpu.memory_space<vmem_shared>>
      tpu.enqueue_dma source(%dma_start3A_1148 : memref<96x128xf32, #tpu.memory_space<vmem_shared>>) target(%dma_start3A_1146 : memref<96x128xf32, #tpu.memory_space<vmem>>) target_semaphore(%run_scoped3A_1136 : memref<!tpu.dma_semaphore, #tpu.memory_space<semaphore_mem>>)
      %dma_wait3A_1149 = arith.constant 0 : i32
      %dma_wait3A_1150 = arith.constant 0 : i32
      %dma_wait3A_1151 = tpu.memref_slice %arg6[%run_scoped3A_1126, %dma_wait3A_1149, %dma_wait3A_1150] : memref<3x96x128xf32, #tpu.memory_space<vmem>> -> memref<1x96x128xf32, #tpu.memory_space<vmem>>
      %dma_wait3A_1152 = tpu.memref_squeeze %dma_wait3A_1151 : memref<1x96x128xf32, #tpu.memory_space<vmem>> -> memref<96x128xf32, #tpu.memory_space<vmem>>
      %dma_wait3A_1153 = arith.constant 0 : i32
      %dma_wait3A_1154 = tpu.memref_slice %arg7[%add3A_1125, %dma_wait3A_1153] : memref<10752x128xf32, #tpu.memory_space<vmem_shared>> -> memref<96x128xf32, #tpu.memory_space<vmem_shared>>
      %dma_wait3A_1155 = arith.constant 0 : i32
      %dma_wait3A_1156 = arith.constant 0 : i32
      %dma_wait3A_1157 = tpu.memref_slice %arg6[%run_scoped3A_1126, %dma_wait3A_1155, %dma_wait3A_1156] : memref<3x96x128xf32, #tpu.memory_space<vmem>> -> memref<1x96x128xf32, #tpu.memory_space<vmem>>
      %dma_wait3A_1158 = tpu.memref_squeeze %dma_wait3A_1157 : memref<1x96x128xf32, #tpu.memory_space<vmem>> -> memref<96x128xf32, #tpu.memory_space<vmem>>
      %dma_wait3A_1159 = arith.constant 0 : i32
      %dma_wait3A_1160 = tpu.memref_slice %arg7[%add3A_1125, %dma_wait3A_1159] : memref<10752x128xf32, #tpu.memory_space<vmem_shared>> -> memref<96x128xf32, #tpu.memory_space<vmem_shared>>
      tpu.wait_dma2 semaphore(%run_scoped3A_1136 : memref<!tpu.dma_semaphore, #tpu.memory_space<semaphore_mem>>) src(%dma_wait3A_1160 : memref<96x128xf32, #tpu.memory_space<vmem_shared>>) dst(%dma_wait3A_1158 : memref<96x128xf32, #tpu.memory_space<vmem>>)
      tpu.yield
    }) : () -> ()
    %run_scoped3A_1127 = arith.constant 0 : i32
    "tpu.region"() ({
      %run_scoped3A_1136 = tpu.sem_alloc : memref<!tpu.dma_semaphore, #tpu.memory_space<semaphore_mem>>
      %dma_start3A_1137 = arith.constant 0 : i32
      %dma_start3A_1138 = arith.constant 0 : i32
      %dma_start3A_1139 = tpu.memref_slice %arg6[%run_scoped3A_1127, %dma_start3A_1137, %dma_start3A_1138] : memref<3x96x128xf32, #tpu.memory_space<vmem>> -> memref<1x96x128xf32, #tpu.memory_space<vmem>>
      %dma_start3A_1140 = tpu.memref_squeeze %dma_start3A_1139 : memref<1x96x128xf32, #tpu.memory_space<vmem>> -> memref<96x128xf32, #tpu.memory_space<vmem>>
      %dma_start3A_1141 = arith.constant 0 : i32
      %dma_start3A_1142 = tpu.memref_slice %arg4[%arg0, %add3A_1125, %dma_start3A_1141] : memref<2x10752x128xf32, #tpu.memory_space<hbm>> -> memref<1x96x128xf32, #tpu.memory_space<hbm>>
      %dma_start3A_1143 = tpu.memref_squeeze %dma_start3A_1142 : memref<1x96x128xf32, #tpu.memory_space<hbm>> -> memref<96x128xf32, #tpu.memory_space<hbm>>
      %dma_start3A_1144 = arith.constant 0 : i32
      %dma_start3A_1145 = tpu.memref_slice %arg4[%arg0, %add3A_1125, %dma_start3A_1144] : memref<2x10752x128xf32, #tpu.memory_space<hbm>> -> memref<1x96x128xf32, #tpu.memory_space<hbm>>
      %dma_start3A_1146 = tpu.memref_squeeze %dma_start3A_1145 : memref<1x96x128xf32, #tpu.memory_space<hbm>> -> memref<96x128xf32, #tpu.memory_space<hbm>>
      %dma_start3A_1147 = arith.constant 0 : i32
      %dma_start3A_1148 = arith.constant 0 : i32
      %dma_start3A_1149 = tpu.memref_slice %arg6[%run_scoped3A_1127, %dma_start3A_1147, %dma_start3A_1148] : memref<3x96x128xf32, #tpu.memory_space<vmem>> -> memref<1x96x128xf32, #tpu.memory_space<vmem>>
      %dma_start3A_1150 = tpu.memref_squeeze %dma_start3A_1149 : memref<1x96x128xf32, #tpu.memory_space<vmem>> -> memref<96x128xf32, #tpu.memory_space<vmem>>
      tpu.enqueue_dma source(%dma_start3A_1150 : memref<96x128xf32, #tpu.memory_space<vmem>>) target(%dma_start3A_1146 : memref<96x128xf32, #tpu.memory_space<hbm>>) target_semaphore(%run_scoped3A_1136 : memref<!tpu.dma_semaphore, #tpu.memory_space<semaphore_mem>>)
      %dma_wait3A_1151 = arith.constant 0 : i32
      %dma_wait3A_1152 = arith.constant 0 : i32
      %dma_wait3A_1153 = tpu.memref_slice %arg6[%run_scoped3A_1127, %dma_wait3A_1151, %dma_wait3A_1152] : memref<3x96x128xf32, #tpu.memory_space<vmem>> -> memref<1x96x128xf32, #tpu.memory_space<vmem>>
      %dma_wait3A_1154 = tpu.memref_squeeze %dma_wait3A_1153 : memref<1x96x128xf32, #tpu.memory_space<vmem>> -> memref<96x128xf32, #tpu.memory_space<vmem>>
      %dma_wait3A_1155 = arith.constant 0 : i32
      %dma_wait3A_1156 = tpu.memref_slice %arg4[%arg0, %add3A_1125, %dma_wait3A_1155] : memref<2x10752x128xf32, #tpu.memory_space<hbm>> -> memref<1x96x128xf32, #tpu.memory_space<hbm>>
      %dma_wait3A_1157 = tpu.memref_squeeze %dma_wait3A_1156 : memref<1x96x128xf32, #tpu.memory_space<hbm>> -> memref<96x128xf32, #tpu.memory_space<hbm>>
      %dma_wait3A_1158 = arith.constant 0 : i32
      %dma_wait3A_1159 = tpu.memref_slice %arg4[%arg0, %add3A_1125, %dma_wait3A_1158] : memref<2x10752x128xf32, #tpu.memory_space<hbm>> -> memref<1x96x128xf32, #tpu.memory_space<hbm>>
      %dma_wait3A_1160 = tpu.memref_squeeze %dma_wait3A_1159 : memref<1x96x128xf32, #tpu.memory_space<hbm>> -> memref<96x128xf32, #tpu.memory_space<hbm>>
      %dma_wait3A_1161 = arith.constant 0 : i32
      %dma_wait3A_1162 = arith.constant 0 : i32
      %dma_wait3A_1163 = tpu.memref_slice %arg6[%run_scoped3A_1127, %dma_wait3A_1161, %dma_wait3A_1162] : memref<3x96x128xf32, #tpu.memory_space<vmem>> -> memref<1x96x128xf32, #tpu.memory_space<vmem>>
      %dma_wait3A_1164 = tpu.memref_squeeze %dma_wait3A_1163 : memref<1x96x128xf32, #tpu.memory_space<vmem>> -> memref<96x128xf32, #tpu.memory_space<vmem>>
      tpu.wait_dma2 semaphore(%run_scoped3A_1136 : memref<!tpu.dma_semaphore, #tpu.memory_space<semaphore_mem>>) src(%dma_wait3A_1164 : memref<96x128xf32, #tpu.memory_space<vmem>>) dst(%dma_wait3A_1160 : memref<96x128xf32, #tpu.memory_space<hbm>>)
      tpu.yield
    }) : () -> ()
    %add3A_1128 = arith.constant 480 : i32
    %add3A_1129 = arith.addi %mul3A_4, %add3A_1128 : i32
    %run_scoped3A_1130 = arith.constant 1 : i32
    "tpu.region"() ({
      %run_scoped3A_1136 = tpu.sem_alloc : memref<!tpu.dma_semaphore, #tpu.memory_space<semaphore_mem>>
      %dma_start3A_1137 = arith.constant 0 : i32
      %dma_start3A_1138 = arith.constant 0 : i32
      %dma_start3A_1139 = tpu.memref_slice %arg6[%run_scoped3A_1130, %dma_start3A_1137, %dma_start3A_1138] : memref<3x96x128xf32, #tpu.memory_space<vmem>> -> memref<1x96x128xf32, #tpu.memory_space<vmem>>
      %dma_start3A_1140 = tpu.memref_squeeze %dma_start3A_1139 : memref<1x96x128xf32, #tpu.memory_space<vmem>> -> memref<96x128xf32, #tpu.memory_space<vmem>>
      %dma_start3A_1141 = arith.constant 0 : i32
      %dma_start3A_1142 = tpu.memref_slice %arg7[%add3A_1129, %dma_start3A_1141] : memref<10752x128xf32, #tpu.memory_space<vmem_shared>> -> memref<96x128xf32, #tpu.memory_space<vmem_shared>>
      %dma_start3A_1143 = arith.constant 0 : i32
      %dma_start3A_1144 = arith.constant 0 : i32
      %dma_start3A_1145 = tpu.memref_slice %arg6[%run_scoped3A_1130, %dma_start3A_1143, %dma_start3A_1144] : memref<3x96x128xf32, #tpu.memory_space<vmem>> -> memref<1x96x128xf32, #tpu.memory_space<vmem>>
      %dma_start3A_1146 = tpu.memref_squeeze %dma_start3A_1145 : memref<1x96x128xf32, #tpu.memory_space<vmem>> -> memref<96x128xf32, #tpu.memory_space<vmem>>
      %dma_start3A_1147 = arith.constant 0 : i32
      %dma_start3A_1148 = tpu.memref_slice %arg7[%add3A_1129, %dma_start3A_1147] : memref<10752x128xf32, #tpu.memory_space<vmem_shared>> -> memref<96x128xf32, #tpu.memory_space<vmem_shared>>
      tpu.enqueue_dma source(%dma_start3A_1148 : memref<96x128xf32, #tpu.memory_space<vmem_shared>>) target(%dma_start3A_1146 : memref<96x128xf32, #tpu.memory_space<vmem>>) target_semaphore(%run_scoped3A_1136 : memref<!tpu.dma_semaphore, #tpu.memory_space<semaphore_mem>>)
      %dma_wait3A_1149 = arith.constant 0 : i32
      %dma_wait3A_1150 = arith.constant 0 : i32
      %dma_wait3A_1151 = tpu.memref_slice %arg6[%run_scoped3A_1130, %dma_wait3A_1149, %dma_wait3A_1150] : memref<3x96x128xf32, #tpu.memory_space<vmem>> -> memref<1x96x128xf32, #tpu.memory_space<vmem>>
      %dma_wait3A_1152 = tpu.memref_squeeze %dma_wait3A_1151 : memref<1x96x128xf32, #tpu.memory_space<vmem>> -> memref<96x128xf32, #tpu.memory_space<vmem>>
      %dma_wait3A_1153 = arith.constant 0 : i32
      %dma_wait3A_1154 = tpu.memref_slice %arg7[%add3A_1129, %dma_wait3A_1153] : memref<10752x128xf32, #tpu.memory_space<vmem_shared>> -> memref<96x128xf32, #tpu.memory_space<vmem_shared>>
      %dma_wait3A_1155 = arith.constant 0 : i32
      %dma_wait3A_1156 = arith.constant 0 : i32
      %dma_wait3A_1157 = tpu.memref_slice %arg6[%run_scoped3A_1130, %dma_wait3A_1155, %dma_wait3A_1156] : memref<3x96x128xf32, #tpu.memory_space<vmem>> -> memref<1x96x128xf32, #tpu.memory_space<vmem>>
      %dma_wait3A_1158 = tpu.memref_squeeze %dma_wait3A_1157 : memref<1x96x128xf32, #tpu.memory_space<vmem>> -> memref<96x128xf32, #tpu.memory_space<vmem>>
      %dma_wait3A_1159 = arith.constant 0 : i32
      %dma_wait3A_1160 = tpu.memref_slice %arg7[%add3A_1129, %dma_wait3A_1159] : memref<10752x128xf32, #tpu.memory_space<vmem_shared>> -> memref<96x128xf32, #tpu.memory_space<vmem_shared>>
      tpu.wait_dma2 semaphore(%run_scoped3A_1136 : memref<!tpu.dma_semaphore, #tpu.memory_space<semaphore_mem>>) src(%dma_wait3A_1160 : memref<96x128xf32, #tpu.memory_space<vmem_shared>>) dst(%dma_wait3A_1158 : memref<96x128xf32, #tpu.memory_space<vmem>>)
      tpu.yield
    }) : () -> ()
    %run_scoped3A_1131 = arith.constant 1 : i32
    "tpu.region"() ({
      %run_scoped3A_1136 = tpu.sem_alloc : memref<!tpu.dma_semaphore, #tpu.memory_space<semaphore_mem>>
      %dma_start3A_1137 = arith.constant 0 : i32
      %dma_start3A_1138 = arith.constant 0 : i32
      %dma_start3A_1139 = tpu.memref_slice %arg6[%run_scoped3A_1131, %dma_start3A_1137, %dma_start3A_1138] : memref<3x96x128xf32, #tpu.memory_space<vmem>> -> memref<1x96x128xf32, #tpu.memory_space<vmem>>
      %dma_start3A_1140 = tpu.memref_squeeze %dma_start3A_1139 : memref<1x96x128xf32, #tpu.memory_space<vmem>> -> memref<96x128xf32, #tpu.memory_space<vmem>>
      %dma_start3A_1141 = arith.constant 0 : i32
      %dma_start3A_1142 = tpu.memref_slice %arg4[%arg0, %add3A_1129, %dma_start3A_1141] : memref<2x10752x128xf32, #tpu.memory_space<hbm>> -> memref<1x96x128xf32, #tpu.memory_space<hbm>>
      %dma_start3A_1143 = tpu.memref_squeeze %dma_start3A_1142 : memref<1x96x128xf32, #tpu.memory_space<hbm>> -> memref<96x128xf32, #tpu.memory_space<hbm>>
      %dma_start3A_1144 = arith.constant 0 : i32
      %dma_start3A_1145 = tpu.memref_slice %arg4[%arg0, %add3A_1129, %dma_start3A_1144] : memref<2x10752x128xf32, #tpu.memory_space<hbm>> -> memref<1x96x128xf32, #tpu.memory_space<hbm>>
      %dma_start3A_1146 = tpu.memref_squeeze %dma_start3A_1145 : memref<1x96x128xf32, #tpu.memory_space<hbm>> -> memref<96x128xf32, #tpu.memory_space<hbm>>
      %dma_start3A_1147 = arith.constant 0 : i32
      %dma_start3A_1148 = arith.constant 0 : i32
      %dma_start3A_1149 = tpu.memref_slice %arg6[%run_scoped3A_1131, %dma_start3A_1147, %dma_start3A_1148] : memref<3x96x128xf32, #tpu.memory_space<vmem>> -> memref<1x96x128xf32, #tpu.memory_space<vmem>>
      %dma_start3A_1150 = tpu.memref_squeeze %dma_start3A_1149 : memref<1x96x128xf32, #tpu.memory_space<vmem>> -> memref<96x128xf32, #tpu.memory_space<vmem>>
      tpu.enqueue_dma source(%dma_start3A_1150 : memref<96x128xf32, #tpu.memory_space<vmem>>) target(%dma_start3A_1146 : memref<96x128xf32, #tpu.memory_space<hbm>>) target_semaphore(%run_scoped3A_1136 : memref<!tpu.dma_semaphore, #tpu.memory_space<semaphore_mem>>)
      %dma_wait3A_1151 = arith.constant 0 : i32
      %dma_wait3A_1152 = arith.constant 0 : i32
      %dma_wait3A_1153 = tpu.memref_slice %arg6[%run_scoped3A_1131, %dma_wait3A_1151, %dma_wait3A_1152] : memref<3x96x128xf32, #tpu.memory_space<vmem>> -> memref<1x96x128xf32, #tpu.memory_space<vmem>>
      %dma_wait3A_1154 = tpu.memref_squeeze %dma_wait3A_1153 : memref<1x96x128xf32, #tpu.memory_space<vmem>> -> memref<96x128xf32, #tpu.memory_space<vmem>>
      %dma_wait3A_1155 = arith.constant 0 : i32
      %dma_wait3A_1156 = tpu.memref_slice %arg4[%arg0, %add3A_1129, %dma_wait3A_1155] : memref<2x10752x128xf32, #tpu.memory_space<hbm>> -> memref<1x96x128xf32, #tpu.memory_space<hbm>>
      %dma_wait3A_1157 = tpu.memref_squeeze %dma_wait3A_1156 : memref<1x96x128xf32, #tpu.memory_space<hbm>> -> memref<96x128xf32, #tpu.memory_space<hbm>>
      %dma_wait3A_1158 = arith.constant 0 : i32
      %dma_wait3A_1159 = tpu.memref_slice %arg4[%arg0, %add3A_1129, %dma_wait3A_1158] : memref<2x10752x128xf32, #tpu.memory_space<hbm>> -> memref<1x96x128xf32, #tpu.memory_space<hbm>>
      %dma_wait3A_1160 = tpu.memref_squeeze %dma_wait3A_1159 : memref<1x96x128xf32, #tpu.memory_space<hbm>> -> memref<96x128xf32, #tpu.memory_space<hbm>>
      %dma_wait3A_1161 = arith.constant 0 : i32
      %dma_wait3A_1162 = arith.constant 0 : i32
      %dma_wait3A_1163 = tpu.memref_slice %arg6[%run_scoped3A_1131, %dma_wait3A_1161, %dma_wait3A_1162] : memref<3x96x128xf32, #tpu.memory_space<vmem>> -> memref<1x96x128xf32, #tpu.memory_space<vmem>>
      %dma_wait3A_1164 = tpu.memref_squeeze %dma_wait3A_1163 : memref<1x96x128xf32, #tpu.memory_space<vmem>> -> memref<96x128xf32, #tpu.memory_space<vmem>>
      tpu.wait_dma2 semaphore(%run_scoped3A_1136 : memref<!tpu.dma_semaphore, #tpu.memory_space<semaphore_mem>>) src(%dma_wait3A_1164 : memref<96x128xf32, #tpu.memory_space<vmem>>) dst(%dma_wait3A_1160 : memref<96x128xf32, #tpu.memory_space<hbm>>)
      tpu.yield
    }) : () -> ()
    %add3A_1132 = arith.constant 576 : i32
    %add3A_1133 = arith.addi %mul3A_4, %add3A_1132 : i32
    %run_scoped3A_1134 = arith.constant 0 : i32
    "tpu.region"() ({
      %run_scoped3A_1136 = tpu.sem_alloc : memref<!tpu.dma_semaphore, #tpu.memory_space<semaphore_mem>>
      %dma_start3A_1137 = arith.constant 0 : i32
      %dma_start3A_1138 = arith.constant 0 : i32
      %dma_start3A_1139 = tpu.memref_slice %arg6[%run_scoped3A_1134, %dma_start3A_1137, %dma_start3A_1138] : memref<3x96x128xf32, #tpu.memory_space<vmem>> -> memref<1x96x128xf32, #tpu.memory_space<vmem>>
      %dma_start3A_1140 = tpu.memref_squeeze %dma_start3A_1139 : memref<1x96x128xf32, #tpu.memory_space<vmem>> -> memref<96x128xf32, #tpu.memory_space<vmem>>
      %dma_start3A_1141 = arith.constant 0 : i32
      %dma_start3A_1142 = tpu.memref_slice %arg7[%add3A_1133, %dma_start3A_1141] : memref<10752x128xf32, #tpu.memory_space<vmem_shared>> -> memref<96x128xf32, #tpu.memory_space<vmem_shared>>
      %dma_start3A_1143 = arith.constant 0 : i32
      %dma_start3A_1144 = arith.constant 0 : i32
      %dma_start3A_1145 = tpu.memref_slice %arg6[%run_scoped3A_1134, %dma_start3A_1143, %dma_start3A_1144] : memref<3x96x128xf32, #tpu.memory_space<vmem>> -> memref<1x96x128xf32, #tpu.memory_space<vmem>>
      %dma_start3A_1146 = tpu.memref_squeeze %dma_start3A_1145 : memref<1x96x128xf32, #tpu.memory_space<vmem>> -> memref<96x128xf32, #tpu.memory_space<vmem>>
      %dma_start3A_1147 = arith.constant 0 : i32
      %dma_start3A_1148 = tpu.memref_slice %arg7[%add3A_1133, %dma_start3A_1147] : memref<10752x128xf32, #tpu.memory_space<vmem_shared>> -> memref<96x128xf32, #tpu.memory_space<vmem_shared>>
      tpu.enqueue_dma source(%dma_start3A_1148 : memref<96x128xf32, #tpu.memory_space<vmem_shared>>) target(%dma_start3A_1146 : memref<96x128xf32, #tpu.memory_space<vmem>>) target_semaphore(%run_scoped3A_1136 : memref<!tpu.dma_semaphore, #tpu.memory_space<semaphore_mem>>)
      %dma_wait3A_1149 = arith.constant 0 : i32
      %dma_wait3A_1150 = arith.constant 0 : i32
      %dma_wait3A_1151 = tpu.memref_slice %arg6[%run_scoped3A_1134, %dma_wait3A_1149, %dma_wait3A_1150] : memref<3x96x128xf32, #tpu.memory_space<vmem>> -> memref<1x96x128xf32, #tpu.memory_space<vmem>>
      %dma_wait3A_1152 = tpu.memref_squeeze %dma_wait3A_1151 : memref<1x96x128xf32, #tpu.memory_space<vmem>> -> memref<96x128xf32, #tpu.memory_space<vmem>>
      %dma_wait3A_1153 = arith.constant 0 : i32
      %dma_wait3A_1154 = tpu.memref_slice %arg7[%add3A_1133, %dma_wait3A_1153] : memref<10752x128xf32, #tpu.memory_space<vmem_shared>> -> memref<96x128xf32, #tpu.memory_space<vmem_shared>>
      %dma_wait3A_1155 = arith.constant 0 : i32
      %dma_wait3A_1156 = arith.constant 0 : i32
      %dma_wait3A_1157 = tpu.memref_slice %arg6[%run_scoped3A_1134, %dma_wait3A_1155, %dma_wait3A_1156] : memref<3x96x128xf32, #tpu.memory_space<vmem>> -> memref<1x96x128xf32, #tpu.memory_space<vmem>>
      %dma_wait3A_1158 = tpu.memref_squeeze %dma_wait3A_1157 : memref<1x96x128xf32, #tpu.memory_space<vmem>> -> memref<96x128xf32, #tpu.memory_space<vmem>>
      %dma_wait3A_1159 = arith.constant 0 : i32
      %dma_wait3A_1160 = tpu.memref_slice %arg7[%add3A_1133, %dma_wait3A_1159] : memref<10752x128xf32, #tpu.memory_space<vmem_shared>> -> memref<96x128xf32, #tpu.memory_space<vmem_shared>>
      tpu.wait_dma2 semaphore(%run_scoped3A_1136 : memref<!tpu.dma_semaphore, #tpu.memory_space<semaphore_mem>>) src(%dma_wait3A_1160 : memref<96x128xf32, #tpu.memory_space<vmem_shared>>) dst(%dma_wait3A_1158 : memref<96x128xf32, #tpu.memory_space<vmem>>)
      tpu.yield
    }) : () -> ()
    %run_scoped3A_1135 = arith.constant 0 : i32
    "tpu.region"() ({
      %run_scoped3A_1136 = tpu.sem_alloc : memref<!tpu.dma_semaphore, #tpu.memory_space<semaphore_mem>>
      %dma_start3A_1137 = arith.constant 0 : i32
      %dma_start3A_1138 = arith.constant 0 : i32
      %dma_start3A_1139 = tpu.memref_slice %arg6[%run_scoped3A_1135, %dma_start3A_1137, %dma_start3A_1138] : memref<3x96x128xf32, #tpu.memory_space<vmem>> -> memref<1x96x128xf32, #tpu.memory_space<vmem>>
      %dma_start3A_1140 = tpu.memref_squeeze %dma_start3A_1139 : memref<1x96x128xf32, #tpu.memory_space<vmem>> -> memref<96x128xf32, #tpu.memory_space<vmem>>
      %dma_start3A_1141 = arith.constant 0 : i32
      %dma_start3A_1142 = tpu.memref_slice %arg4[%arg0, %add3A_1133, %dma_start3A_1141] : memref<2x10752x128xf32, #tpu.memory_space<hbm>> -> memref<1x96x128xf32, #tpu.memory_space<hbm>>
      %dma_start3A_1143 = tpu.memref_squeeze %dma_start3A_1142 : memref<1x96x128xf32, #tpu.memory_space<hbm>> -> memref<96x128xf32, #tpu.memory_space<hbm>>
      %dma_start3A_1144 = arith.constant 0 : i32
      %dma_start3A_1145 = tpu.memref_slice %arg4[%arg0, %add3A_1133, %dma_start3A_1144] : memref<2x10752x128xf32, #tpu.memory_space<hbm>> -> memref<1x96x128xf32, #tpu.memory_space<hbm>>
      %dma_start3A_1146 = tpu.memref_squeeze %dma_start3A_1145 : memref<1x96x128xf32, #tpu.memory_space<hbm>> -> memref<96x128xf32, #tpu.memory_space<hbm>>
      %dma_start3A_1147 = arith.constant 0 : i32
      %dma_start3A_1148 = arith.constant 0 : i32
      %dma_start3A_1149 = tpu.memref_slice %arg6[%run_scoped3A_1135, %dma_start3A_1147, %dma_start3A_1148] : memref<3x96x128xf32, #tpu.memory_space<vmem>> -> memref<1x96x128xf32, #tpu.memory_space<vmem>>
      %dma_start3A_1150 = tpu.memref_squeeze %dma_start3A_1149 : memref<1x96x128xf32, #tpu.memory_space<vmem>> -> memref<96x128xf32, #tpu.memory_space<vmem>>
      tpu.enqueue_dma source(%dma_start3A_1150 : memref<96x128xf32, #tpu.memory_space<vmem>>) target(%dma_start3A_1146 : memref<96x128xf32, #tpu.memory_space<hbm>>) target_semaphore(%run_scoped3A_1136 : memref<!tpu.dma_semaphore, #tpu.memory_space<semaphore_mem>>)
      %dma_wait3A_1151 = arith.constant 0 : i32
      %dma_wait3A_1152 = arith.constant 0 : i32
      %dma_wait3A_1153 = tpu.memref_slice %arg6[%run_scoped3A_1135, %dma_wait3A_1151, %dma_wait3A_1152] : memref<3x96x128xf32, #tpu.memory_space<vmem>> -> memref<1x96x128xf32, #tpu.memory_space<vmem>>
      %dma_wait3A_1154 = tpu.memref_squeeze %dma_wait3A_1153 : memref<1x96x128xf32, #tpu.memory_space<vmem>> -> memref<96x128xf32, #tpu.memory_space<vmem>>
      %dma_wait3A_1155 = arith.constant 0 : i32
      %dma_wait3A_1156 = tpu.memref_slice %arg4[%arg0, %add3A_1133, %dma_wait3A_1155] : memref<2x10752x128xf32, #tpu.memory_space<hbm>> -> memref<1x96x128xf32, #tpu.memory_space<hbm>>
      %dma_wait3A_1157 = tpu.memref_squeeze %dma_wait3A_1156 : memref<1x96x128xf32, #tpu.memory_space<hbm>> -> memref<96x128xf32, #tpu.memory_space<hbm>>
      %dma_wait3A_1158 = arith.constant 0 : i32
      %dma_wait3A_1159 = tpu.memref_slice %arg4[%arg0, %add3A_1133, %dma_wait3A_1158] : memref<2x10752x128xf32, #tpu.memory_space<hbm>> -> memref<1x96x128xf32, #tpu.memory_space<hbm>>
      %dma_wait3A_1160 = tpu.memref_squeeze %dma_wait3A_1159 : memref<1x96x128xf32, #tpu.memory_space<hbm>> -> memref<96x128xf32, #tpu.memory_space<hbm>>
      %dma_wait3A_1161 = arith.constant 0 : i32
      %dma_wait3A_1162 = arith.constant 0 : i32
      %dma_wait3A_1163 = tpu.memref_slice %arg6[%run_scoped3A_1135, %dma_wait3A_1161, %dma_wait3A_1162] : memref<3x96x128xf32, #tpu.memory_space<vmem>> -> memref<1x96x128xf32, #tpu.memory_space<vmem>>
      %dma_wait3A_1164 = tpu.memref_squeeze %dma_wait3A_1163 : memref<1x96x128xf32, #tpu.memory_space<vmem>> -> memref<96x128xf32, #tpu.memory_space<vmem>>
      tpu.wait_dma2 semaphore(%run_scoped3A_1136 : memref<!tpu.dma_semaphore, #tpu.memory_space<semaphore_mem>>) src(%dma_wait3A_1164 : memref<96x128xf32, #tpu.memory_space<vmem>>) dst(%dma_wait3A_1160 : memref<96x128xf32, #tpu.memory_space<hbm>>)
      tpu.yield
    }) : () -> ()
    return
  }
}

#map = affine_map<(d0, d1) -> (0)>
#map1 = affine_map<(d0, d1) -> (0, 0)>
module attributes {stable_mosaic.version = 14 : i64} {
  func.func @_deg_kernel(%arg0: i32, %arg1: i32, %arg2: memref<331776xi32, #tpu.memory_space<hbm>>, %arg3: memref<32x10752xf32, #tpu.memory_space<hbm>>, %arg4: memref<10368xi32, #tpu.memory_space<vmem>>, %arg5: memref<10752xf32, #tpu.memory_space<vmem>>) attributes {dimension_semantics = [#tpu.dimension_semantics<core_parallel>, #tpu.dimension_semantics<subcore_parallel>], iteration_bounds = array<i64: 2, 16>, scalar_prefetch = 0 : i64, scratch_operands = 2 : i64, tpu.core_type = #tpu.core_type<sc_vector_subcore>, window_params = [{transform_indices = #map}, {transform_indices = #map1}]} {
    %mul3A = arith.constant 2 : i32
    %mul3A_0 = arith.muli %arg1, %mul3A : i32
    %add3A = arith.addi %mul3A_0, %arg0 : i32
    %broadcast_in_dim3A = arith.constant 0.000000e+00 : f32
    %broadcast_in_dim3A_1 = vector.broadcast %broadcast_in_dim3A : f32 to vector<16xf32>
    %scan3A = arith.constant 0 : i32
    %scan3A_2 = arith.constant 0 : i32
    %scan3A_3 = arith.constant 672 : i32
    %scan3A_4 = arith.addi %scan3A_2, %scan3A_3 : i32
    %scan3A_5 = arith.constant 1 : i32
    scf.for %scan3A_17 = %scan3A_2 to %scan3A_4 step %scan3A_5  : i32 {
      %mul3A_18 = arith.constant 16 : i32
      %mul3A_19 = arith.muli %scan3A_17, %mul3A_18 : i32
      %swap3A = arith.index_cast %mul3A_19 : i32 to index
      %swap3A_20 = tpu.vector_load %arg5[%swap3A] {strides = array<i32>} : memref<10752xf32, #tpu.memory_space<vmem>>, vector<16xf32>,
      tpu.vector_store %arg5[%swap3A], %broadcast_in_dim3A_1 {strides = array<i32>} : memref<10752xf32, #tpu.memory_space<vmem>>, vector<16xf32>,
    }
    %scan3A_6 = arith.constant 672 : i32
    %mul3A_7 = arith.constant 10368 : i32
    %mul3A_8 = arith.muli %add3A, %mul3A_7 : i32
    "tpu.region"() ({
      %run_scoped3A = tpu.sem_alloc : memref<!tpu.dma_semaphore, #tpu.memory_space<semaphore_mem>>
      %dma_start3A = tpu.memref_slice %arg2[%mul3A_8] : memref<331776xi32, #tpu.memory_space<hbm>> -> memref<10368xi32, #tpu.memory_space<hbm>>
      %dma_start3A_17 = tpu.memref_slice %arg2[%mul3A_8] : memref<331776xi32, #tpu.memory_space<hbm>> -> memref<10368xi32, #tpu.memory_space<hbm>>
      tpu.enqueue_dma source(%dma_start3A_17 : memref<10368xi32, #tpu.memory_space<hbm>>) target(%arg4 : memref<10368xi32, #tpu.memory_space<vmem>>) target_semaphore(%run_scoped3A : memref<!tpu.dma_semaphore, #tpu.memory_space<semaphore_mem>>)
      %dma_wait3A = tpu.memref_slice %arg2[%mul3A_8] : memref<331776xi32, #tpu.memory_space<hbm>> -> memref<10368xi32, #tpu.memory_space<hbm>>
      %dma_wait3A_18 = tpu.memref_slice %arg2[%mul3A_8] : memref<331776xi32, #tpu.memory_space<hbm>> -> memref<10368xi32, #tpu.memory_space<hbm>>
      tpu.wait_dma2 semaphore(%run_scoped3A : memref<!tpu.dma_semaphore, #tpu.memory_space<semaphore_mem>>) src(%dma_wait3A_18 : memref<10368xi32, #tpu.memory_space<hbm>>) dst(%arg4 : memref<10368xi32, #tpu.memory_space<vmem>>)
      tpu.yield
    }) : () -> ()
    %broadcast_in_dim3A_9 = arith.constant 1.000000e+00 : f32
    %broadcast_in_dim3A_10 = vector.broadcast %broadcast_in_dim3A_9 : f32 to vector<16xf32>
    %scan3A_11 = arith.constant 0 : i32
    %scan3A_12 = arith.constant 0 : i32
    %scan3A_13 = arith.constant 648 : i32
    %scan3A_14 = arith.addi %scan3A_12, %scan3A_13 : i32
    %scan3A_15 = arith.constant 1 : i32
    scf.for %scan3A_17 = %scan3A_12 to %scan3A_14 step %scan3A_15  : i32 {
      %mul3A_18 = arith.constant 16 : i32
      %mul3A_19 = arith.muli %scan3A_17, %mul3A_18 : i32
      %get3A = arith.index_cast %mul3A_19 : i32 to index
      %get3A_20 = tpu.vector_load %arg4[%get3A] {strides = array<i32>} : memref<10368xi32, #tpu.memory_space<vmem>>, vector<16xi32>,
      tpu.vector_store_idx %arg5[%get3A_20], %broadcast_in_dim3A_10 {add = true} : memref<10752xf32, #tpu.memory_space<vmem>>[vector<16xi32>], vector<16xf32>,
    }
    %scan3A_16 = arith.constant 648 : i32
    "tpu.region"() ({
      %run_scoped3A = tpu.sem_alloc : memref<!tpu.dma_semaphore, #tpu.memory_space<semaphore_mem>>
      %dma_start3A = arith.constant 0 : i32
      %dma_start3A_17 = tpu.memref_slice %arg3[%add3A, %dma_start3A] : memref<32x10752xf32, #tpu.memory_space<hbm>> -> memref<1x10752xf32, #tpu.memory_space<hbm>>
      %dma_start3A_18 = tpu.memref_squeeze %dma_start3A_17 : memref<1x10752xf32, #tpu.memory_space<hbm>> -> memref<10752xf32, #tpu.memory_space<hbm>>
      %dma_start3A_19 = arith.constant 0 : i32
      %dma_start3A_20 = tpu.memref_slice %arg3[%add3A, %dma_start3A_19] : memref<32x10752xf32, #tpu.memory_space<hbm>> -> memref<1x10752xf32, #tpu.memory_space<hbm>>
      %dma_start3A_21 = tpu.memref_squeeze %dma_start3A_20 : memref<1x10752xf32, #tpu.memory_space<hbm>> -> memref<10752xf32, #tpu.memory_space<hbm>>
      tpu.enqueue_dma source(%arg5 : memref<10752xf32, #tpu.memory_space<vmem>>) target(%dma_start3A_21 : memref<10752xf32, #tpu.memory_space<hbm>>) target_semaphore(%run_scoped3A : memref<!tpu.dma_semaphore, #tpu.memory_space<semaphore_mem>>)
      %dma_wait3A = arith.constant 0 : i32
      %dma_wait3A_22 = tpu.memref_slice %arg3[%add3A, %dma_wait3A] : memref<32x10752xf32, #tpu.memory_space<hbm>> -> memref<1x10752xf32, #tpu.memory_space<hbm>>
      %dma_wait3A_23 = tpu.memref_squeeze %dma_wait3A_22 : memref<1x10752xf32, #tpu.memory_space<hbm>> -> memref<10752xf32, #tpu.memory_space<hbm>>
      %dma_wait3A_24 = arith.constant 0 : i32
      %dma_wait3A_25 = tpu.memref_slice %arg3[%add3A, %dma_wait3A_24] : memref<32x10752xf32, #tpu.memory_space<hbm>> -> memref<1x10752xf32, #tpu.memory_space<hbm>>
      %dma_wait3A_26 = tpu.memref_squeeze %dma_wait3A_25 : memref<1x10752xf32, #tpu.memory_space<hbm>> -> memref<10752xf32, #tpu.memory_space<hbm>>
      tpu.wait_dma2 semaphore(%run_scoped3A : memref<!tpu.dma_semaphore, #tpu.memory_space<semaphore_mem>>) src(%arg5 : memref<10752xf32, #tpu.memory_space<vmem>>) dst(%dma_wait3A_26 : memref<10752xf32, #tpu.memory_space<hbm>>)
      tpu.yield
    }) : () -> ()
    return
  }
}

module attributes {stable_mosaic.version = 14 : i64} {
  func.func @_mm_body(%arg0: i32, %arg1: memref<1344x32xf32, #tpu.memory_space<vmem>>, %arg2: memref<1344x128xf32, #tpu.memory_space<vmem>>, %arg3: memref<128x128xf32, #tpu.memory_space<vmem>>, %arg4: memref<1344x128xf32, #tpu.memory_space<vmem>>, %arg5: memref<1344x1xf32, #tpu.memory_space<vmem>>) attributes {dimension_semantics = [#tpu.dimension_semantics<arbitrary>], iteration_bounds = array<i64: 8>, scalar_prefetch = 0 : i64, scratch_operands = 0 : i64, tpu.core_type = #tpu.core_type<tc>, window_params = [{transform_indices = @transform_0, window_bounds = array<i64: 1344, 32>}, {transform_indices = @transform_1, window_bounds = array<i64: 1344, 128>}, {pipeline_mode = #tpu.pipeline_mode<synchronous>, transform_indices = @transform_2, window_bounds = array<i64: 128, 128>}, {transform_indices = @transform_3, window_bounds = array<i64: 1344, 128>}, {transform_indices = @transform_4, window_bounds = array<i64: 1344, 1>}]} {
    %get3A = arith.constant 0 : index
    %get3A_0 = arith.constant 0 : index
    %get3A_1 = vector.load %arg1[%get3A, %get3A_0] : memref<1344x32xf32, #tpu.memory_space<vmem>>, vector<1344x32xf32>
    %reduce_sum3A = arith.constant dense<0.000000e+00> : vector<1344xf32>
    %reduce_sum3A_2 = vector.multi_reduction <add>, %get3A_1, %reduce_sum3A [1] : vector<1344x32xf32> to vector<1344xf32>
    %add3A = arith.constant 1.000000e+00 : f32
    %add3A_3 = vector.broadcast %add3A : f32 to vector<1344xf32>
    %add3A_4 = arith.addf %reduce_sum3A_2, %add3A_3 : vector<1344xf32>
    %rsqrt3A = math.rsqrt %add3A_4 : vector<1344xf32>
    %get3A_5 = arith.constant 0 : index
    %get3A_6 = arith.constant 0 : index
    %get3A_7 = vector.load %arg2[%get3A_5, %get3A_6] : memref<1344x128xf32, #tpu.memory_space<vmem>>, vector<1344x128xf32>
    %get3A_8 = arith.constant 0 : index
    %get3A_9 = arith.constant 0 : index
    %get3A_10 = vector.load %arg3[%get3A_8, %get3A_9] : memref<128x128xf32, #tpu.memory_space<vmem>>, vector<128x128xf32>
    %dot_general3A = arith.constant dense<0.000000e+00> : vector<1344x128xf32>
    %dot_general3A_11 = tpu.matmul %get3A_7, %get3A_10, %dot_general3A {dimension_numbers = #tpu.dot_dimension_numbers<[1], [0], [0], [1], [0, 0, 1, 1], [], []>, transpose_lhs_hint = false} : vector<1344x128xf32>, vector<128x128xf32>, vector<1344x128xf32> -> vector<1344x128xf32>
    %broadcast_in_dim3A = vector.shape_cast %rsqrt3A : vector<1344xf32> to vector<1344x1xf32>
    %mul3A = vector.broadcast %broadcast_in_dim3A : vector<1344x1xf32> to vector<1344x128xf32>
    %mul3A_12 = arith.mulf %mul3A, %dot_general3A_11 : vector<1344x128xf32>
    %swap3A = arith.constant 0 : index
    %swap3A_13 = arith.constant 0 : index
    %swap3A_14 = vector.load %arg4[%swap3A, %swap3A_13] : memref<1344x128xf32, #tpu.memory_space<vmem>>, vector<1344x128xf32>
    tpu.vector_store %arg4[%swap3A, %swap3A_13], %mul3A_12 {strides = array<i32>} : memref<1344x128xf32, #tpu.memory_space<vmem>>, vector<1344x128xf32>,
    %broadcast_in_dim3A_15 = vector.shape_cast %rsqrt3A : vector<1344xf32> to vector<1344x1xf32>
    %swap3A_16 = arith.constant 0 : index
    %swap3A_17 = arith.constant 0 : index
    %swap3A_18 = vector.load %arg5[%swap3A_16, %swap3A_17] : memref<1344x1xf32, #tpu.memory_space<vmem>>, vector<1344x1xf32>
    tpu.vector_store %arg5[%swap3A_16, %swap3A_17], %broadcast_in_dim3A_15 {strides = array<i32>} : memref<1344x1xf32, #tpu.memory_space<vmem>>, vector<1344x1xf32>,
    return
  }
  func.func @transform_0(%arg0: i32) -> (i32, i32) {
    %c0_i32 = arith.constant 0 : i32
    %c0_i32_0 = arith.constant 0 : i32
    return %arg0, %c0_i32 : i32, i32
  }
  func.func @transform_1(%arg0: i32) -> (i32, i32) {
    %c0_i32 = arith.constant 0 : i32
    %c0_i32_0 = arith.constant 0 : i32
    return %arg0, %c0_i32 : i32, i32
  }
  func.func @transform_2(%arg0: i32) -> (i32, i32) {
    %c0_i32 = arith.constant 0 : i32
    %c0_i32_0 = arith.constant 0 : i32
    %c0_i32_1 = arith.constant 0 : i32
    return %c0_i32, %c0_i32_0 : i32, i32
  }
  func.func @transform_3(%arg0: i32) -> (i32, i32) {
    %c0_i32 = arith.constant 0 : i32
    %c0_i32_0 = arith.constant 0 : i32
    return %arg0, %c0_i32 : i32, i32
  }
  func.func @transform_4(%arg0: i32) -> (i32, i32) {
    %c0_i32 = arith.constant 0 : i32
    %c0_i32_0 = arith.constant 0 : i32
    return %arg0, %c0_i32 : i32, i32
  }
}

module attributes {stable_mosaic.version = 14 : i64} {
  func.func @_ep_body(%arg0: i32, %arg1: memref<2x2000x128xf32, #tpu.memory_space<vmem>>, %arg2: memref<2000x128xf32, #tpu.memory_space<vmem>>, %arg3: memref<2000x1xf32, #tpu.memory_space<vmem>>, %arg4: memref<1x128xf32, #tpu.memory_space<vmem>>, %arg5: memref<2000x128xf32, #tpu.memory_space<vmem>>) attributes {dimension_semantics = [#tpu.dimension_semantics<arbitrary>], iteration_bounds = array<i64: 5>, scalar_prefetch = 0 : i64, scratch_operands = 0 : i64, tpu.core_type = #tpu.core_type<tc>, window_params = [{transform_indices = @transform_0, window_bounds = array<i64: 2, 2000, 128>}, {transform_indices = @transform_1, window_bounds = array<i64: 2000, 128>}, {transform_indices = @transform_2, window_bounds = array<i64: 2000, 1>}, {pipeline_mode = #tpu.pipeline_mode<synchronous>, transform_indices = @transform_3, window_bounds = array<i64: 1, 128>}, {transform_indices = @transform_4, window_bounds = array<i64: 2000, 128>}]} {
    %get3A = arith.constant 0 : index
    %get3A_0 = arith.constant 0 : index
    %get3A_1 = arith.constant 0 : index
    %get3A_2 = vector.load %arg1[%get3A, %get3A_0, %get3A_1] : memref<2x2000x128xf32, #tpu.memory_space<vmem>>, vector<1x2000x128xf32>
    %get3A_3 = vector.shape_cast %get3A_2 : vector<1x2000x128xf32> to vector<2000x128xf32>
    %get3A_4 = arith.constant 1 : index
    %get3A_5 = arith.constant 0 : index
    %get3A_6 = arith.constant 0 : index
    %get3A_7 = vector.load %arg1[%get3A_4, %get3A_5, %get3A_6] : memref<2x2000x128xf32, #tpu.memory_space<vmem>>, vector<1x2000x128xf32>
    %get3A_8 = vector.shape_cast %get3A_7 : vector<1x2000x128xf32> to vector<2000x128xf32>
    %add3A = arith.addf %get3A_3, %get3A_8 : vector<2000x128xf32>
    %get3A_9 = arith.constant 0 : index
    %get3A_10 = arith.constant 0 : index
    %get3A_11 = vector.load %arg2[%get3A_9, %get3A_10] : memref<2000x128xf32, #tpu.memory_space<vmem>>, vector<2000x128xf32>
    %sub3A = arith.subf %add3A, %get3A_11 : vector<2000x128xf32>
    %get3A_12 = arith.constant 0 : index
    %get3A_13 = arith.constant 0 : index
    %get3A_14 = vector.load %arg3[%get3A_12, %get3A_13] : memref<2000x1xf32, #tpu.memory_space<vmem>>, vector<2000x1xf32>
    %mul3A = vector.broadcast %get3A_14 : vector<2000x1xf32> to vector<2000x128xf32>
    %mul3A_15 = arith.mulf %mul3A, %sub3A : vector<2000x128xf32>
    %get3A_16 = arith.constant 0 : index
    %get3A_17 = arith.constant 0 : index
    %get3A_18 = vector.load %arg4[%get3A_16, %get3A_17] : memref<1x128xf32, #tpu.memory_space<vmem>>, vector<1x128xf32>
    %add3A_19 = vector.broadcast %get3A_18 : vector<1x128xf32> to vector<2000x128xf32>
    %add3A_20 = arith.addf %mul3A_15, %add3A_19 : vector<2000x128xf32>
    %ge3A = arith.constant 0.000000e+00 : f32
    %ge3A_21 = vector.broadcast %ge3A : f32 to vector<2000x128xf32>
    %ge3A_22 = arith.cmpf oge, %add3A_20, %ge3A_21 : vector<2000x128xf32>
    %mul3A_23 = arith.constant 0.00999999977 : f32
    %mul3A_24 = vector.broadcast %mul3A_23 : f32 to vector<2000x128xf32>
    %mul3A_25 = arith.mulf %mul3A_24, %add3A_20 : vector<2000x128xf32>
    %select_n3A = arith.select %ge3A_22, %add3A_20, %mul3A_25 : vector<2000x128xi1>, vector<2000x128xf32>
    %swap3A = arith.constant 0 : index
    %swap3A_26 = arith.constant 0 : index
    %swap3A_27 = vector.load %arg5[%swap3A, %swap3A_26] : memref<2000x128xf32, #tpu.memory_space<vmem>>, vector<2000x128xf32>
    tpu.vector_store %arg5[%swap3A, %swap3A_26], %select_n3A {strides = array<i32>} : memref<2000x128xf32, #tpu.memory_space<vmem>>, vector<2000x128xf32>,
    return
  }
  func.func @transform_0(%arg0: i32) -> (i32, i32, i32) {
    %c0_i32 = arith.constant 0 : i32
    %c0_i32_0 = arith.constant 0 : i32
    %c0_i32_1 = arith.constant 0 : i32
    return %c0_i32, %arg0, %c0_i32_0 : i32, i32, i32
  }
  func.func @transform_1(%arg0: i32) -> (i32, i32) {
    %c0_i32 = arith.constant 0 : i32
    %c0_i32_0 = arith.constant 0 : i32
    return %arg0, %c0_i32 : i32, i32
  }
  func.func @transform_2(%arg0: i32) -> (i32, i32) {
    %c0_i32 = arith.constant 0 : i32
    %c0_i32_0 = arith.constant 0 : i32
    return %arg0, %c0_i32 : i32, i32
  }
  func.func @transform_3(%arg0: i32) -> (i32, i32) {
    %c0_i32 = arith.constant 0 : i32
    %c0_i32_0 = arith.constant 0 : i32
    %c0_i32_1 = arith.constant 0 : i32
    return %c0_i32, %c0_i32_0 : i32, i32
  }
  func.func @transform_4(%arg0: i32) -> (i32, i32) {
    %c0_i32 = arith.constant 0 : i32
    %c0_i32_0 = arith.constant 0 : i32
    return %arg0, %c0_i32 : i32, i32
  }
}

</mosaic_0001>

<sc_bundles>
// kernel: kernel.6.cloned.1.call-start
scs
__scs_entry_jumppad:
0x0: {  	(pc) =	sbr.rel $0x88, $3  }
0x1: {  	(tag) =	ssettag $0x0;
	lr =	simm.s32 $0x1  }
0x2: {  	[smem:$0x3F9D] =	sst lr;
	_ =	strace $0xD0000000  }
0x3: {  	_ = 	snop  }
0x4: {  	_ = 	snop  }
0x5: {  	_ = 	snop  }
0x6: {  	_ = 	snop  }
0x7: {  	_ = 	snop  }
__scs_overlays_trampoline_lowered:
0x8: {  	[smem:$0x3FAC] =	sst s0  }
0x9: {  	[smem:$0x3FAD] =	sst s1  }
0xa: {  	[smem:$0x3FAE] =	sst s2  }
0xb: {  	[smem:$0x3FAF] =	sst s3  }
0xc: {  	[smem:$0x3FB0] =	sst s4  }
0xd: {  	[smem:$0x3FB1] =	sst s5  }
0xe: {  	[smem:$0x3FB2] =	sst s6  }
0xf: {  	[smem:$0x3FB3] =	sst s7  }
0x10: {  	[smem:$0x3FB4] =	sst s8  }
0x11: {  	[smem:$0x3FB5] =	sst s9;
	s0 =	simm.s32 @!p0 $0x0  }
0x12: {  	s1 =	sld [smem:$0x3F9B];
	s0 =	simm.s32 @p0 $0x1  }
0x13: {  	[smem:$0x3FB6] =	sst s0;
	s0 =	simm.s32 @!p1 $0x0  }
0x14: {  	s2 =	sld [smem:$0x3F9A];
	s0 =	simm.s32 @p1 $0x1  }
0x15: {  	[smem:$0x3FB7] =	sst s0;
	s0 =	simm.s32 @!p2 $0x0  }
0x16: {  	s3 =	sld [smem:$0x3FDB];
	s0 =	simm.s32 @p2 $0x1  }
0x17: {  	s4 =	simm.s32 $0x1BF5;
	[smem:$0x3FB9] =	sst s0  }
0x18: {  	s0 =	sld [smem:$0x3F9C];
	_ =	swait.ge [sflag:s4], $0x0  }
0x19: {  	s7 =	sld [smem:$0x3F9D]  }
0x1a: {  	s8 =	sadd.s32 $0xFFFFE003, lr  }
0x1b: {  	s9 =	sadd.s32 $0xFFFFFEF7, lr;
	s5 =	simm.s32 $0xFFFFFFFF;
	p2 =	slt.u32 s8, $0xFFFFF086  }
0x1c: {  	p1 =	slt.u32 s9, $0xF7A;
	s5 =	simm.s32 @!p2 $0x0  }
0x1d: {  	s5 =	simm.s32 @p1 $0x1;
	p0 =	seq.s32 s7, s2  }
0x1e: {  	s7 =	smul.u32 @!p0 $0xF7A, s2;
	p2 =	seq.s32 @!p0 s5, $0x0  }
0x1f: {  	s9 =	smul.u32 $0xF7A, s1;
	s8 =	simm.s32 @!p0 $0x1BF5;
	p2 =	por !p2, p0  }
0x20: {  	[sflag:s8] =	ssyncset.s32 @!p0 $0xFFFFF086;
	s6 =	sadd.s32 @!p0 s3, s7;
	s7 =	simm.s32 @!p0 $0x108  }
0x21: {  	s3 =	sadd.s32 s3, s9;
	s6 =	sadd.s32 @!p0 $0x88, s6;
	s7 =	simm.s32 @p2 $0x1082  }
0x22: {  	[simem:s7], [sflag:s8] =	dma.local @!p0 [hbm:s6], $0xF7A  }
0x23: {  	s9 =	sor.u32 $0xD0000000, s2;
	s6 =	simm.s32 $0x108;
	_ =	swait.ge @!p0 [sflag:s8], $0x0  }
0x24: {  	s3 =	sadd.s32 $0x88, s3;
	s6 =	simm.s32 @!p1 $0x1082;
	[sflag:s4] =	ssyncset.s32 $0xFFFFF086  }
0x25: {  	[simem:s6], [sflag:s4] =	dma.local [hbm:s3], $0xF7A  }
0x26: {  	[smem:$0x3F9D] =	sst s1;
	(tag) =	ssettag s2;
	_ =	strace s9  }
0x27: {  	s1 =	sld [smem:$0x3FAD]  }
0x28: {  	s2 =	sld [smem:$0x3FAE]  }
0x29: {  	s4 =	sld [smem:$0x3FB0]  }
0x2a: {  	p0 =	seq.s32 s5, $0x0;
	s5 =	sld [smem:$0x3FB1]  }
0x2b: {  	s6 =	sld [smem:$0x3FB2]  }
0x2c: {  	s7 =	sld [smem:$0x3FB3]  }
0x2d: {  	s3 =	simm.s32 $0x108;
	s8 =	sld [smem:$0x3FB4]  }
0x2e: {  	s3 =	simm.s32 @!p0 $0x1082;
	s9 =	sld [smem:$0x3FB5]  }
0x2f: {  	lr =	sadd.s32 s0, s3;
	s0 =	sld [smem:$0x3FAC]  }
0x30: {  	s3 =	sld [smem:$0x3FAF]  }
0x31: {  	[smem:$0x3FB8] =	sst s10  }
0x32: {  	s10 =	sld [smem:$0x3FB6];
	_ =	sdelay $0x3  }
0x33: {  	p0 =	seq.s32 s10, $0x1;
	s10 =	sld [smem:$0x3FB8];
	_ =	sdelay $0x3  }
0x34: {  	[smem:$0x3FB8] =	sst s10  }
0x35: {  	s10 =	sld [smem:$0x3FB7];
	_ =	sdelay $0x3  }
0x36: {  	p1 =	seq.s32 s10, $0x1;
	s10 =	sld [smem:$0x3FB8];
	_ =	sdelay $0x3  }
0x37: {  	[smem:$0x3FB8] =	sst s10  }
0x38: {  	s10 =	sld [smem:$0x3FB9]  }
0x39: {  	_ = 	snop;
	(pc) =	sbr.ind lr, $3  }
0x3a: {  	_ = 	snop  }
0x3b: {  	_ = 	snop  }
0x3c: {  	p2 =	seq.s32 s10, $0x1;
	s10 =	sld [smem:$0x3FB8]  }
0x3d: {  	_ =	shalt  }
0x3e: {  	_ =	shalt  }
0x3f: {  	_ =	shalt  }
0x40: {  	_ =	shalt  }
0x41: {  	_ =	shalt  }
0x42: {  	_ =	shalt  }
0x43: {  	_ =	shalt  }
0x44: {  	_ =	shalt  }
0x45: {  	_ =	shalt  }
0x46: {  	_ =	shalt  }
0x47: {  	_ =	shalt  }
0x48: {  	_ =	shalt  }
0x49: {  	_ =	shalt  }
0x4a: {  	_ =	shalt  }
0x4b: {  	_ =	shalt  }
0x4c: {  	_ =	shalt  }
0x4d: {  	_ =	shalt  }
0x4e: {  	_ =	shalt  }
0x4f: {  	_ =	shalt  }
0x50: {  	_ =	shalt  }
0x51: {  	_ =	shalt  }
0x52: {  	_ =	shalt  }
0x53: {  	_ =	shalt  }
0x54: {  	_ =	shalt  }
0x55: {  	_ =	shalt  }
0x56: {  	_ =	shalt  }
0x57: {  	_ =	shalt  }
0x58: {  	_ =	shalt  }
0x59: {  	_ =	shalt  }
0x5a: {  	_ =	shalt  }
0x5b: {  	_ =	shalt  }
0x5c: {  	_ =	shalt  }
0x5d: {  	_ =	shalt  }
0x5e: {  	_ =	shalt  }
0x5f: {  	_ =	shalt  }
0x60: {  	_ =	shalt  }
0x61: {  	_ =	shalt  }
0x62: {  	_ =	shalt  }
0x63: {  	_ =	shalt  }
0x64: {  	_ =	shalt  }
0x65: {  	_ =	shalt  }
0x66: {  	_ =	shalt  }
0x67: {  	_ =	shalt  }
0x68: {  	_ =	shalt  }
0x69: {  	_ =	shalt  }
0x6a: {  	_ =	shalt  }
0x6b: {  	_ =	shalt  }
0x6c: {  	_ =	shalt  }
0x6d: {  	_ =	shalt  }
0x6e: {  	_ =	shalt  }
0x6f: {  	_ =	shalt  }
0x70: {  	_ =	shalt  }
0x71: {  	_ =	shalt  }
0x72: {  	_ =	shalt  }
0x73: {  	_ =	shalt  }
0x74: {  	_ =	shalt  }
0x75: {  	_ =	shalt  }
0x76: {  	_ =	shalt  }
0x77: {  	_ =	shalt  }
0x78: {  	_ =	shalt  }
0x79: {  	_ =	shalt  }
0x7a: {  	_ =	shalt  }
0x7b: {  	_ =	shalt  }
0x7c: {  	_ =	shalt  }
0x7d: {  	_ =	shalt  }
0x7e: {  	_ =	shalt  }
0x7f: {  	_ =	shalt  }
0x80: {  	_ =	shalt  }
0x81: {  	_ =	shalt  }
0x82: {  	_ =	shalt  }
0x83: {  	_ =	shalt  }
0x84: {  	_ =	shalt  }
0x85: {  	_ =	shalt  }
0x86: {  	_ =	shalt  }
0x87: {  	_ =	shalt  }
.Lfunc_end0:
.L_simem_size_0:
called_computation_lowered:
.L_overlay_start_0:
0x88: {  	s2 =	sld [smem:$0x3FD9]  }
0x89: {  	s3 =	sld [smem:$0x3FFE];
	_ =	sdelay $0x1  }
0x8a: {  	s1 =	srdreg.scid  }
0x8b: {  	s0 =	sand.u32 $0x1, s1  }
0x8c: {  	s16 =	sshll.u32 s0, $0xA;
	s2 =	sadd.s32 s3, s2  }
0x8d: {  	s2 =	sadd.s32 s2, s16  }
0x8e: {  	[smem:$0x3FC4] =	sst s2  }
0x8f: {  	_ = 	snop  }
0x90: {  	(tm) =	ssettm $0x1  }
0x91: {  	s17 =	sld [smem:$0x3FFB];
	_ =	sdelay $0x3  }
0x92: {  	_ =	strace s17  }
0x93: {  	s2 =	sld [smem:$0x3FFC];
	_ =	sdelay $0x3  }
0x94: {  	_ =	strace s2  }
0x95: {  	s2 =	sld [smem:$0x3FFD];
	_ =	sdelay $0x3  }
0x96: {  	_ =	strace s2  }
0x97: {  	_ =	strace $0x8FFFFFFF  }
0x98: {  	s18 =	sld [smem:$0x3FDB];
	_ =	sdelay $0x1  }
0x99: {  	s19 =	simm.s32 $_scs_section_size  }
0x9a: {  	s4 =	simm.s32 $_size__tile_overlayer_lowered;
	s5 =	simm.s32 $_tile_overlayer_lowered  }
0x9b: {  	s22 =	simm.s32 $0x1BFF;
	s21 =	sshll.u32 s5, $0x1;
	s2 =	sadd.s32 s19, s18  }
0x9c: {  	s6 =	simm.s32 $0x0;
	s20 =	sshll.u32 s4, $0x1;
	s4 =	sadd.s32 s21, s2  }
0x9d: {  	[timem:s6], [sflag:s22] =	dma.local [hbm:s4], s20  }
0x9e: {  	_ =	swait.ge [sflag:s22], s20  }
0x9f: {  	s3 =	ssub.s32 $0x0, s20;
	[sflag:s22] =	ssyncset.done $0x0  }
0xa0: {  	[sflag:s22] =	ssyncadd.s32 s3;
	_ =	sdelay $0x1  }
0xa1: {  	s23 =	simm.s32 $0x1B8B  }
0xa2: {  	_ =	swait.ge [sflag:s23], $0x1  }
0xa3: {  	[sflag:s23] =	ssyncset.done $0x0  }
0xa4: {  	s25 =	simm.s32 $0x1B8E;
	s24 =	sld [smem:$0x3FFE];
	[sflag:s23] =	ssyncadd.s32 $0xFFFFFFFF  }
0xa5: {  	s26 =	simm.s32 $execute0_lowered;
	[smem:$0x3FD2] =	sst s25  }
0xa6: {  	s4 =	sshll.u32 s26, $0x1;
	_ =	strace $0x80000046;
	[dreg:$0x1] =	wrdreg $0xFFFFFFFF  }
0xa7: {  	s28 =	simm.s32 $_size_execute0_lowered;
	s2 =	sadd.s32 s2, s4;
	[dreg:$0x0] =	wrdreg $0x0  }
0xa8: {  	s4 =	sshll.u32 s28, $0x1;
	[dreg:$0x2] =	wrdreg s2  }
0xa9: {  	[dreg:$0x3] =	wrdreg s4  }
0xaa: {  	[dreg:$0x4] =	wrdreg $0xC0  }
0xab: {  	_ =	task [dreg:s6], $0x5FFFF  }
0xac: {  	[dreg:$0x1] =	wrdreg $0xFFFFFFFF  }
0xad: {  	[dreg:$0x0] =	wrdreg $0x60  }
0xae: {  	[dreg:$0x2] =	wrdreg s24  }
0xaf: {  	[dreg:$0x3] =	wrdreg $0x9  }
0xb0: {  	_ =	task.clear_ibuf [dreg:s6], $0x4FFFF;
	_ =	strace $0x90000046  }
0xb1: {  	s29 =	simm.s32 $0x9;
	_ =	strace $0x80000048  }
0xb2: {  	_ =	swait.ge [sflag:s29], $0x1  }
0xb3: {  	[sflag:s29] =	ssyncadd.s32 $0xFFFFFFFF  }
0xb4: {  	_ =	strace $0x90000048  }
0xb5: {  	_ =	sfence  }
0xb6: {  	s30 =	sld [smem:$0x0];
	_ =	sdelay $0x2  }
0xb7: {  	s31 =	sshll.u32 s1, $0xD;
	s1 =	sshrl.u32 s1, $0x2  }
0xb8: {  	s3 =	sand.u32 $0x4000, s31;
	s1 =	sadd.s32 s1, s30  }
0xb9: {  	s0 =	sor.u32 s3, s0;
	s1 =	sshll.u32 s1, $0x11  }
0xba: {  	s0 =	sor.u32 s1, s0  }
0xbb: {  	s0 =	sadd.s32 $0x8F2B, s0  }
0xbc: {  	[sflag:s0] =	ssyncadd.remote.s32 $0x1  }
0xbd: {  	_ =	sfence.sel $0xFFFF  }
0xbe: {  	[dreg:$0x0] =	wrdreg $0xFFFFFFFF;
	(pc) =	sbr.abs _section_cstart, $3  }
0xbf: {  	[dreg:$0x1] =	wrdreg $0xFFFFFFFF  }
0xc0: {  	_ =	task.clear_ibuf [dreg:s6], $0x2FFFF;
	_ =	strace $0x9FFFFFFF  }
0xc1: {  	(tm) =	ssettm $0x7FFFFFFF  }
tec
execute0_lowered:
.L_overlay_start_1:
0x0: {  	(tag) =	ssettag $0x1  }
0x1: {  	s1 =	srdreg.scid;
	s0 =	stileid.u32  }
0x2: {  	s3 =	rddreg [dreg:$0x0];
	s8 =	simm.s32 $0x80;
	s9 =	simm.s32 $0x400  }
0x3: {  	s4 =	sand.u32 $0x1, s1;
	s2 =	sshll.u32 s0, $0x1;
	s1 =	rddreg [dreg:$0x1]  }
0x4: {  	s6 =	sshrl.u32 s0, $0x2;
	s5 =	sor.u32 s4, s2;
	s2 =	simm.s32 $0x0  }
0x5: {  	s6 =	smul.u32 $0x15000, s6;
	s4 =	ssub.s32 $0x2, s4;
	s7 =	sshll.u32 s5, $0x7  }
0x6: {  	[smem:$0x7FF] =	sst s2;
	s5 =	smul.u32 $0x510, s5;
	s7 =	sand.u32 $0x380, s7  }
0x7: {  	s31 =	sshrl.u32 s4, $0x1;
	_ =	strace $0x80000047;
	s6 =	sor.u32 s6, s7  }
0x8: {  	s5 =	sadd.s32 s5, s3;
	s7 =	ssub.s32 s4, s31;
	s6 =	sshrl.u32 s6, $0x3  }
0x9: {  	s6 =	sadd.s32 s6, s3;
	s3 =	sadd.s32 $0x1E00, s5;
	s5 =	smax.u32 s7, $0x1  }
0xa: {  	v0 =	vimm.f32 $0.0e+00;
	v1 =	vimm.f32 $1.000000000e+00;
	s7 =	simm.s32 $0x2880;
	s4 =	sadd.s32 $0xC000, s6;
	s6 =	simm.s32 $0x1  }
.LBB2_1:
0xb: {  	s10 =	simm.s32 $0x40;
	s11 =	simm.s32 $0x0  }
.LBB2_2:
0xc: {  	p0 =	sne.s32 s10, $0xA7C0;
	[tilespmem:s11+$0x2880] =	vst v0;
	s11 =	smov.u32 s10;
	s10 =	sadd.s32 $0x40, s10  }
.Ltmp0:
0xd: {  	(pc) =	sbr.rel @p0 .LBB2_2-.Ltmp0, $2  }
0xe: {  	_ =	sdelay $0x2  }
0xf: {  	s11 =	sshra.s32 s11, $0x2  }
0x10: {  	[tilespmem:s11+$0x2880] =	vst v0;
	s10 =	simm.s32 $0x0  }
0x11: {  	[tilespmem:s10], [sflag:$0x1] =	stream.linear.gather [hbm4b:s3+s10], $0x2880, $0x38;
	[tilespmem:$0x5280] =	vst v63  }
0x12: {  	_ =	swait.ge [sflag:s6], $0x2880  }
0x13: {  	[sflag:s6] =	ssyncset.done $0x0  }
0x14: {  	s11 =	simm.s32 $0x0;
	s10 =	simm.s32 $0x40;
	[sflag:s6] =	ssyncadd.s32 $0xFFFFD780  }
.LBB2_4:
0x15: {  	p0 =	sne.s32 s10, $0xA1C0;
	v2 =	vld [tilespmem:s11+$0x0];
	_ =	sdelay $0x3  }
.Ltmp1:
0x16: {  	(pc) =	sbr.rel @p0 .LBB2_4-.Ltmp1, $2  }
0x17: {  	_ =	sdelay $0x2  }
0x18: {  	s11 =	sshra.s32 s10, $0x2;
	s10 =	sadd.s32 $0x40, s10;
	[tilespmem:v2+s7+$0x0] =	vst.idx.add.f32.msk $0xffff, v1  }
0x19: {  	v2 =	vld [tilespmem:s11+$0x0];
	_ =	sdelay $0x5  }
0x1a: {  	s2 =	sadd.s32 $0x1, s2  }
0x1b: {  	p0 =	sne.s32 s2, s5  }
.Ltmp2:
0x1c: {  	[tilespmem:v2+s7+$0x0] =	vst.idx.add.f32.msk $0xffff, v1;
	(pc) =	sbr.rel @p0 .LBB2_1-.Ltmp2, $4  }
0x1d: {  	[hbm4b:s4+s8] =	stream.strided.scatter [tilespmem:s7], [sflag:$0x1], $0x2A00, s9, s8, $0x38;
	[tilespmem:$0x5280] =	vst v63  }
0x1e: {  	_ =	swait.ge [sflag:s6], $0x2A00  }
0x1f: {  	[sflag:s6] =	ssyncset.done $0x0  }
0x20: {  	[sflag:s6] =	ssyncadd.s32 $0xFFFFD600  }
0x21: {  	_ =	sfence.sel $0x180000  }
0x22: {  	[bflag:$0x0] =	sbarrier.arrive $0xFFFF  }
0x23: {  	p0 =	sne.s32 s0, $0x0;
	_ =	strace $0x90000047  }
0x24: {  	s0 =	sadd.s32 @!p0 $0x100000, s1;
	[bflag:$0x2] =	sbarrier.arrive $0xFFFF  }
0x25: {  	[sflag:s0] =	ssyncadd.tile.s32 @!p0 $0x1;
	_ =	shalt  }
.Lfunc_end2:
_tile_overlayer_lowered:
.L_overlay_start_2:
0x26: {  	(tag) =	ssettag $0x2  }
0x27: {  	s0 =	rddreg [dreg:$0x0];
	s2 =	stileid.u32  }
0x28: {  	s1 =	rddreg [dreg:$0x1];
	p0 =	sne.s32 s2, $0x0  }
0x29: {  	s3 =	rddreg [dreg:$0x2];
	[bflag:$0x3] =	sbarrier.arrive $0xFFFF;
	s2 =	simm.s32 @!p0 $0x1C01  }
0x2a: {  	[timem:s3], [sflag:s2] =	dma.local @!p0 [hbm:s0], s1  }
0x2b: {  	s0 =	simm.s32 @!p0 $0x1  }
0x2c: {  	_ =	swait.ge @!p0 [sflag:s0], s1  }
0x2d: {  	s1 =	ssub.s32 @!p0 $0x0, s1;
	[sflag:s0] =	ssyncset.done @!p0 $0x0  }
0x2e: {  	[sflag:s0] =	ssyncadd.s32 @!p0 s1  }
0x2f: {  	[bflag:$0x3] =	sbarrier.arrive $0xFFFF  }
0x30: {  	_ =	shalt  }

// kernel: kernel.9.cloned.1.call-start
scs
__scs_entry_jumppad:
0x0: {  	(pc) =	sbr.rel $0x88, $3  }
0x1: {  	(tag) =	ssettag $0x0;
	lr =	simm.s32 $0x1  }
0x2: {  	[smem:$0x3F9D] =	sst lr;
	_ =	strace $0xD0000000  }
0x3: {  	_ = 	snop  }
0x4: {  	_ = 	snop  }
0x5: {  	_ = 	snop  }
0x6: {  	_ = 	snop  }
0x7: {  	_ = 	snop  }
__scs_overlays_trampoline_lowered:
0x8: {  	[smem:$0x3FAC] =	sst s0  }
0x9: {  	[smem:$0x3FAD] =	sst s1  }
0xa: {  	[smem:$0x3FAE] =	sst s2  }
0xb: {  	[smem:$0x3FAF] =	sst s3  }
0xc: {  	[smem:$0x3FB0] =	sst s4  }
0xd: {  	[smem:$0x3FB1] =	sst s5  }
0xe: {  	[smem:$0x3FB2] =	sst s6  }
0xf: {  	[smem:$0x3FB3] =	sst s7  }
0x10: {  	[smem:$0x3FB4] =	sst s8  }
0x11: {  	[smem:$0x3FB5] =	sst s9;
	s0 =	simm.s32 @!p0 $0x0  }
0x12: {  	s1 =	sld [smem:$0x3F9B];
	s0 =	simm.s32 @p0 $0x1  }
0x13: {  	[smem:$0x3FB6] =	sst s0;
	s0 =	simm.s32 @!p1 $0x0  }
0x14: {  	s2 =	sld [smem:$0x3F9A];
	s0 =	simm.s32 @p1 $0x1  }
0x15: {  	[smem:$0x3FB7] =	sst s0;
	s0 =	simm.s32 @!p2 $0x0  }
0x16: {  	s3 =	sld [smem:$0x3FDB];
	s0 =	simm.s32 @p2 $0x1  }
0x17: {  	s4 =	simm.s32 $0x1BF5;
	[smem:$0x3FB9] =	sst s0  }
0x18: {  	s0 =	sld [smem:$0x3F9C];
	_ =	swait.ge [sflag:s4], $0x0  }
0x19: {  	s7 =	sld [smem:$0x3F9D]  }
0x1a: {  	s8 =	sadd.s32 $0xFFFFE003, lr  }
0x1b: {  	s9 =	sadd.s32 $0xFFFFFEF7, lr;
	s5 =	simm.s32 $0xFFFFFFFF;
	p2 =	slt.u32 s8, $0xFFFFF086  }
0x1c: {  	p1 =	slt.u32 s9, $0xF7A;
	s5 =	simm.s32 @!p2 $0x0  }
0x1d: {  	s5 =	simm.s32 @p1 $0x1;
	p0 =	seq.s32 s7, s2  }
0x1e: {  	s7 =	smul.u32 @!p0 $0xF7A, s2;
	p2 =	seq.s32 @!p0 s5, $0x0  }
0x1f: {  	s9 =	smul.u32 $0xF7A, s1;
	s8 =	simm.s32 @!p0 $0x1BF5;
	p2 =	por !p2, p0  }
0x20: {  	[sflag:s8] =	ssyncset.s32 @!p0 $0xFFFFF086;
	s6 =	sadd.s32 @!p0 s3, s7;
	s7 =	simm.s32 @!p0 $0x108  }
0x21: {  	s3 =	sadd.s32 s3, s9;
	s6 =	sadd.s32 @!p0 $0x88, s6;
	s7 =	simm.s32 @p2 $0x1082  }
0x22: {  	[simem:s7], [sflag:s8] =	dma.local @!p0 [hbm:s6], $0xF7A  }
0x23: {  	s9 =	sor.u32 $0xD0000000, s2;
	s6 =	simm.s32 $0x108;
	_ =	swait.ge @!p0 [sflag:s8], $0x0  }
0x24: {  	s3 =	sadd.s32 $0x88, s3;
	s6 =	simm.s32 @!p1 $0x1082;
	[sflag:s4] =	ssyncset.s32 $0xFFFFF086  }
0x25: {  	[simem:s6], [sflag:s4] =	dma.local [hbm:s3], $0xF7A  }
0x26: {  	[smem:$0x3F9D] =	sst s1;
	(tag) =	ssettag s2;
	_ =	strace s9  }
0x27: {  	s1 =	sld [smem:$0x3FAD]  }
0x28: {  	s2 =	sld [smem:$0x3FAE]  }
0x29: {  	s4 =	sld [smem:$0x3FB0]  }
0x2a: {  	p0 =	seq.s32 s5, $0x0;
	s5 =	sld [smem:$0x3FB1]  }
0x2b: {  	s6 =	sld [smem:$0x3FB2]  }
0x2c: {  	s7 =	sld [smem:$0x3FB3]  }
0x2d: {  	s3 =	simm.s32 $0x108;
	s8 =	sld [smem:$0x3FB4]  }
0x2e: {  	s3 =	simm.s32 @!p0 $0x1082;
	s9 =	sld [smem:$0x3FB5]  }
0x2f: {  	lr =	sadd.s32 s0, s3;
	s0 =	sld [smem:$0x3FAC]  }
0x30: {  	s3 =	sld [smem:$0x3FAF]  }
0x31: {  	[smem:$0x3FB8] =	sst s10  }
0x32: {  	s10 =	sld [smem:$0x3FB6];
	_ =	sdelay $0x3  }
0x33: {  	p0 =	seq.s32 s10, $0x1;
	s10 =	sld [smem:$0x3FB8];
	_ =	sdelay $0x3  }
0x34: {  	[smem:$0x3FB8] =	sst s10  }
0x35: {  	s10 =	sld [smem:$0x3FB7];
	_ =	sdelay $0x3  }
0x36: {  	p1 =	seq.s32 s10, $0x1;
	s10 =	sld [smem:$0x3FB8];
	_ =	sdelay $0x3  }
0x37: {  	[smem:$0x3FB8] =	sst s10  }
0x38: {  	s10 =	sld [smem:$0x3FB9]  }
0x39: {  	_ = 	snop;
	(pc) =	sbr.ind lr, $3  }
0x3a: {  	_ = 	snop  }
0x3b: {  	_ = 	snop  }
0x3c: {  	p2 =	seq.s32 s10, $0x1;
	s10 =	sld [smem:$0x3FB8]  }
0x3d: {  	_ =	shalt  }
0x3e: {  	_ =	shalt  }
0x3f: {  	_ =	shalt  }
0x40: {  	_ =	shalt  }
0x41: {  	_ =	shalt  }
0x42: {  	_ =	shalt  }
0x43: {  	_ =	shalt  }
0x44: {  	_ =	shalt  }
0x45: {  	_ =	shalt  }
0x46: {  	_ =	shalt  }
0x47: {  	_ =	shalt  }
0x48: {  	_ =	shalt  }
0x49: {  	_ =	shalt  }
0x4a: {  	_ =	shalt  }
0x4b: {  	_ =	shalt  }
0x4c: {  	_ =	shalt  }
0x4d: {  	_ =	shalt  }
0x4e: {  	_ =	shalt  }
0x4f: {  	_ =	shalt  }
0x50: {  	_ =	shalt  }
0x51: {  	_ =	shalt  }
0x52: {  	_ =	shalt  }
0x53: {  	_ =	shalt  }
0x54: {  	_ =	shalt  }
0x55: {  	_ =	shalt  }
0x56: {  	_ =	shalt  }
0x57: {  	_ =	shalt  }
0x58: {  	_ =	shalt  }
0x59: {  	_ =	shalt  }
0x5a: {  	_ =	shalt  }
0x5b: {  	_ =	shalt  }
0x5c: {  	_ =	shalt  }
0x5d: {  	_ =	shalt  }
0x5e: {  	_ =	shalt  }
0x5f: {  	_ =	shalt  }
0x60: {  	_ =	shalt  }
0x61: {  	_ =	shalt  }
0x62: {  	_ =	shalt  }
0x63: {  	_ =	shalt  }
0x64: {  	_ =	shalt  }
0x65: {  	_ =	shalt  }
0x66: {  	_ =	shalt  }
0x67: {  	_ =	shalt  }
0x68: {  	_ =	shalt  }
0x69: {  	_ =	shalt  }
0x6a: {  	_ =	shalt  }
0x6b: {  	_ =	shalt  }
0x6c: {  	_ =	shalt  }
0x6d: {  	_ =	shalt  }
0x6e: {  	_ =	shalt  }
0x6f: {  	_ =	shalt  }
0x70: {  	_ =	shalt  }
0x71: {  	_ =	shalt  }
0x72: {  	_ =	shalt  }
0x73: {  	_ =	shalt  }
0x74: {  	_ =	shalt  }
0x75: {  	_ =	shalt  }
0x76: {  	_ =	shalt  }
0x77: {  	_ =	shalt  }
0x78: {  	_ =	shalt  }
0x79: {  	_ =	shalt  }
0x7a: {  	_ =	shalt  }
0x7b: {  	_ =	shalt  }
0x7c: {  	_ =	shalt  }
0x7d: {  	_ =	shalt  }
0x7e: {  	_ =	shalt  }
0x7f: {  	_ =	shalt  }
0x80: {  	_ =	shalt  }
0x81: {  	_ =	shalt  }
0x82: {  	_ =	shalt  }
0x83: {  	_ =	shalt  }
0x84: {  	_ =	shalt  }
0x85: {  	_ =	shalt  }
0x86: {  	_ =	shalt  }
0x87: {  	_ =	shalt  }
.Lfunc_end0:
.L_simem_size_0:
called_computation.1_lowered:
.L_overlay_start_0:
0x88: {  	s2 =	sld [smem:$0x3FD9]  }
0x89: {  	s3 =	sld [smem:$0x3FFE];
	_ =	sdelay $0x1  }
0x8a: {  	s1 =	srdreg.scid  }
0x8b: {  	s0 =	sand.u32 $0x1, s1  }
0x8c: {  	s17 =	sshll.u32 s0, $0xA;
	s2 =	sadd.s32 s3, s2  }
0x8d: {  	s2 =	sadd.s32 s2, s17  }
0x8e: {  	[smem:$0x3FC4] =	sst s2  }
0x8f: {  	_ = 	snop  }
0x90: {  	s2 =	sld [smem:$0x3FD0];
	(tm) =	ssettm $0x1  }
0x91: {  	s18 =	sld [smem:$0x3FFB];
	_ =	sdelay $0x3  }
0x92: {  	_ =	strace s18  }
0x93: {  	s3 =	sld [smem:$0x3FFC];
	_ =	sdelay $0x3  }
0x94: {  	_ =	strace s3  }
0x95: {  	s3 =	sld [smem:$0x3FFD];
	_ =	sdelay $0x3  }
0x96: {  	_ =	strace s3  }
0x97: {  	_ =	strace $0x8FFFFFFF  }
0x98: {  	s19 =	sld [smem:$0x3FDB];
	_ =	sdelay $0x1  }
0x99: {  	s4 =	simm.s32 $_scs_section_size  }
0x9a: {  	s5 =	simm.s32 $_size__tile_overlayer_lowered;
	s6 =	simm.s32 $_tile_overlayer_lowered  }
0x9b: {  	s22 =	simm.s32 $0x1BFF;
	s21 =	sshll.u32 s6, $0x1;
	s3 =	sadd.s32 s4, s19  }
0x9c: {  	s7 =	simm.s32 $0x0;
	s20 =	sshll.u32 s5, $0x1;
	s5 =	sadd.s32 s21, s3  }
0x9d: {  	[timem:s7], [sflag:s22] =	dma.local [hbm:s5], s20  }
0x9e: {  	_ =	swait.ge [sflag:s22], s20  }
0x9f: {  	s4 =	ssub.s32 $0x0, s20;
	[sflag:s22] =	ssyncset.done $0x0  }
0xa0: {  	[sflag:s22] =	ssyncadd.s32 s4;
	_ =	sdelay $0x1  }
0xa1: {  	s23 =	simm.s32 $0x1B8B  }
0xa2: {  	_ =	swait.ge [sflag:s23], $0x1  }
0xa3: {  	[sflag:s23] =	ssyncset.done $0x0  }
0xa4: {  	s25 =	simm.s32 $0x1B8E;
	s24 =	sld [smem:$0x3FFE];
	[sflag:s23] =	ssyncadd.s32 $0xFFFFFFFF  }
0xa5: {  	s26 =	simm.s32 $execute0_lowered;
	[smem:$0x3FD2] =	sst s25  }
0xa6: {  	s5 =	sshll.u32 s26, $0x1;
	_ =	strace $0x80000049;
	[dreg:$0x1] =	wrdreg $0xFFFFFFFF  }
0xa7: {  	s28 =	simm.s32 $_size_execute0_lowered;
	s3 =	sadd.s32 s3, s5;
	[dreg:$0x0] =	wrdreg $0x0  }
0xa8: {  	s5 =	sshll.u32 s28, $0x1;
	[dreg:$0x2] =	wrdreg s3  }
0xa9: {  	[dreg:$0x3] =	wrdreg s5  }
0xaa: {  	[dreg:$0x4] =	wrdreg $0xC0  }
0xab: {  	_ =	task [dreg:s7], $0x5FFFF  }
0xac: {  	[dreg:$0x1] =	wrdreg $0xFFFFFFFF  }
0xad: {  	[dreg:$0x0] =	wrdreg $0x60  }
0xae: {  	[dreg:$0x2] =	wrdreg s24  }
0xaf: {  	[dreg:$0x3] =	wrdreg s2  }
0xb0: {  	[dreg:$0x4] =	wrdreg $0x96000  }
0xb1: {  	[dreg:$0x5] =	wrdreg $0x9  }
0xb2: {  	_ =	task.clear_ibuf [dreg:s7], $0x6FFFF;
	_ =	strace $0x90000049  }
0xb3: {  	s29 =	simm.s32 $0x9;
	_ =	strace $0x8000004B  }
0xb4: {  	_ =	swait.ge [sflag:s29], $0x1  }
0xb5: {  	[sflag:s29] =	ssyncadd.s32 $0xFFFFFFFF  }
0xb6: {  	_ =	strace $0x9000004B  }
0xb7: {  	_ =	sfence  }
0xb8: {  	s30 =	sld [smem:$0x0];
	_ =	sdelay $0x2  }
0xb9: {  	s31 =	sshll.u32 s1, $0xD;
	s1 =	sshrl.u32 s1, $0x2  }
0xba: {  	s3 =	sand.u32 $0x4000, s31;
	s1 =	sadd.s32 s1, s30  }
0xbb: {  	s0 =	sor.u32 s3, s0;
	s1 =	sshll.u32 s1, $0x11  }
0xbc: {  	s0 =	sor.u32 s1, s0  }
0xbd: {  	s0 =	sadd.s32 $0x8F2B, s0  }
0xbe: {  	[sflag:s0] =	ssyncadd.remote.s32 $0x1  }
0xbf: {  	_ =	sfence.sel $0xFFFF  }
0xc0: {  	[dreg:$0x0] =	wrdreg $0xFFFFFFFF;
	(pc) =	sbr.abs _section_cstart, $3  }
0xc1: {  	[dreg:$0x1] =	wrdreg $0xFFFFFFFF  }
0xc2: {  	_ =	task.clear_ibuf [dreg:s7], $0x2FFFF;
	_ =	strace $0x9FFFFFFF  }
0xc3: {  	(tm) =	ssettm $0x7FFFFFFF  }
tec
execute0_lowered:
.L_overlay_start_1:
0x0: {  	(tag) =	ssettag $0x1  }
0x1: {  	s1 =	rddreg [dreg:$0x0]  }
0x2: {  	s4 =	rddreg [dreg:$0x1]  }
0x3: {  	s2 =	rddreg [dreg:$0x2]  }
0x4: {  	s0 =	srdreg.scid;
	s23 =	stileid.u32  }
0x5: {  	s3 =	simm.s32 $0x0;
	s28 =	simm.s32 $0x7;
	s8 =	smul.u32 $0x2A0, s23  }
0x6: {  	s29 =	simm.s32 $0x3;
	s5 =	sand.u32 $0x1, s0;
	s11 =	smul.u32 $0x15000, s23  }
0x7: {  	s22 =	sshll.u32 s23, $0x1;
	[smem:$0x7FF] =	sst s3;
	s21 =	smul.u32 $0x1B00, s23  }
0x8: {  	s10 =	sadd.s32 $0x2BE00, s1;
	s6 =	ssub.s32 $0x2, s5;
	s12 =	smul.u32 $0x150000, s5  }
0x9: {  	s7 =	sor.u32 s5, s22;
	_ =	strace $0x8000004A;
	s5 =	smul.u32 $0xD80, s5  }
0xa: {  	s24 =	sshrl.u32 s6, $0x1;
	s9 =	smul.u32 $0xD80, s7;
	s15 =	sadd.s32 $0x120, s8  }
0xb: {  	s16 =	sadd.s32 $0x180, s8;
	s7 =	smul.u32 $0x6C00, s7;
	s19 =	sadd.s32 $0x1E0, s8  }
0xc: {  	s0 =	ssub.s32 s6, s24;
	s6 =	sadd.s32 $0x60, s8;
	s17 =	sshll.u32 s15, $0x7  }
0xd: {  	s18 =	sshll.u32 s16, $0x7;
	s20 =	sadd.s32 s11, s12;
	s24 =	sadd.s32 s4, s9  }
0xe: {  	s9 =	sadd.s32 $0xC0, s8;
	s13 =	sshll.u32 s6, $0x7;
	s8 =	sadd.s32 $0x240, s8  }
0xf: {  	s7 =	sshrl.u32 s7, $0x3;
	s20 =	sshrl.u32 s20, $0x3;
	s30 =	sadd.s32 s12, s17  }
0x10: {  	s31 =	sadd.s32 s17, s2;
	s0 =	smax.u32 s0, $0x1;
	s14 =	sshll.u32 s9, $0x7  }
0x11: {  	s7 =	sadd.s32 s4, s7;
	s22 =	sadd.s32 s12, s13;
	[smem:$0x7FA] =	sst s0  }
0x12: {  	s20 =	sadd.s32 s10, s20;
	s4 =	sadd.s32 s21, s4;
	[dreg:$0x5] =	wrdreg s24  }
0x13: {  	s13 =	sadd.s32 s13, s2;
	s0 =	simm.s32 $0x8;
	[dreg:$0x14] =	wrdreg s31  }
0x14: {  	[dreg:$0x6] =	wrdreg s20;
	s25 =	sshrl.u32 s22, $0x3;
	s26 =	sadd.s32 s12, s14  }
0x15: {  	s4 =	sadd.s32 s5, s4;
	s5 =	sshrl.u32 s30, $0x3;
	[dreg:$0x10] =	wrdreg s13  }
0x16: {  	s22 =	sadd.s32 s12, s18;
	s17 =	sadd.s32 $0x100, s7;
	[dreg:$0x4] =	wrdreg s4  }
0x17: {  	s14 =	sadd.s32 s14, s2;
	s20 =	sadd.s32 s10, s25;
	[dreg:$0x1f] =	wrdreg s17  }
0x18: {  	s21 =	sshrl.u32 s26, $0x3;
	s5 =	sadd.s32 s10, s5;
	[dreg:$0x12] =	wrdreg s14  }
0x19: {  	s26 =	smul.u32 $0x54000, s23;
	s23 =	sshll.u32 s9, $0x4;
	[dreg:$0x7] =	wrdreg s20  }
0x1a: {  	s9 =	sshll.u32 s8, $0x4;
	s20 =	sadd.s32 s10, s21;
	[dreg:$0x9] =	wrdreg s5  }
0x1b: {  	s5 =	sshrl.u32 s22, $0x3;
	[dreg:$0x8] =	wrdreg s20;
	s20 =	sshll.u32 s19, $0x7  }
0x1c: {  	s21 =	sshll.u32 s8, $0x7;
	s5 =	sadd.s32 s10, s5;
	s25 =	sadd.s32 s12, s20  }
0x1d: {  	[dreg:$0xa] =	wrdreg s5;
	s12 =	sadd.s32 s12, s21;
	s5 =	sshrl.u32 s25, $0x3  }
0x1e: {  	s12 =	sshrl.u32 s12, $0x3;
	s25 =	sshll.u32 s15, $0x4;
	s15 =	sadd.s32 $0xC0, s7  }
0x1f: {  	s5 =	sadd.s32 s10, s5;
	s30 =	sadd.s32 s10, s12;
	[dreg:$0x1d] =	wrdreg s15  }
0x20: {  	s12 =	sadd.s32 $0x1E00, s1;
	s10 =	sshrl.u32 s26, $0x2;
	[dreg:$0xb] =	wrdreg s5  }
0x21: {  	s26 =	sshll.u32 s16, $0x4;
	s16 =	sadd.s32 $0xE0, s7;
	[dreg:$0xc] =	wrdreg s30  }
0x22: {  	s22 =	sadd.s32 s10, s2;
	s10 =	sadd.s32 $0x80, s7;
	[dreg:$0x1e] =	wrdreg s16  }
0x23: {  	s30 =	sadd.s32 s18, s2;
	s18 =	sadd.s32 $0xD20, s7;
	[dreg:$0x1b] =	wrdreg s10  }
0x24: {  	s5 =	sshrl.u32 s11, $0x3;
	s11 =	sshll.u32 s6, $0x4;
	[smem:$0x7F7] =	sst s18  }
0x25: {  	s6 =	sadd.s32 s20, s2;
	s1 =	sadd.s32 s12, s5;
	[dreg:$0xe] =	wrdreg s22  }
0x26: {  	s5 =	sshll.u32 s19, $0x4;
	s19 =	sadd.s32 $0xD40, s7;
	[dreg:$0xd] =	wrdreg s1  }
0x27: {  	s20 =	smov.u32 s30;
	s30 =	sadd.s32 $0x60, s24;
	[smem:$0x7F8] =	sst s19  }
0x28: {  	s17 =	simm.s32 $0x3600;
	s8 =	simm.s32 $0x9;
	[smem:$0x7FD] =	sst s30  }
0x29: {  	s15 =	simm.s32 $0x600;
	s1 =	sadd.s32 s12, s11;
	[dreg:$0x16] =	wrdreg s20  }
0x2a: {  	s16 =	simm.s32 $0x500;
	s11 =	sadd.s32 $0xA0, s7;
	[dreg:$0xf] =	wrdreg s1  }
0x2b: {  	s10 =	simm.s32 $0x5;
	s1 =	sadd.s32 s12, s23;
	[dreg:$0x1c] =	wrdreg s11  }
0x2c: {  	s18 =	simm.s32 $0x6;
	s23 =	sadd.s32 $0x20, s24;
	[dreg:$0x11] =	wrdreg s1  }
0x2d: {  	s19 =	simm.s32 $0x6600;
	s1 =	sadd.s32 s12, s25;
	[smem:$0x7FB] =	sst s23  }
0x2e: {  	s11 =	simm.s32 $0x100;
	s25 =	sadd.s32 $0x40, s24;
	[dreg:$0x13] =	wrdreg s1  }
0x2f: {  	s24 =	smov.u32 s6;
	s23 =	simm.s32 $0x60;
	[smem:$0x7FC] =	sst s25  }
0x30: {  	s6 =	simm.s32 $0x0;
	s1 =	sadd.s32 s12, s26;
	[dreg:$0x18] =	wrdreg s24  }
0x31: {  	s26 =	sadd.s32 s21, s2;
	s21 =	sadd.s32 $0xD60, s7;
	[dreg:$0x15] =	wrdreg s1  }
0x32: {  	s25 =	simm.s32 $0x2;
	s7 =	simm.s32 $0x400;
	[smem:$0x7F9] =	sst s21  }
0x33: {  	s1 =	sadd.s32 s12, s5;
	s21 =	simm.s32 $0x1;
	[dreg:$0x1a] =	wrdreg s26  }
0x34: {  	s5 =	simm.s32 $0x4;
	[dreg:$0x17] =	wrdreg s1;
	s1 =	sadd.s32 s12, s9  }
0x35: {  	s9 =	simm.s32 $0xB;
	[dreg:$0x19] =	wrdreg s1;
	s1 =	simm.s32 $0xA  }
.LBB2_1:
0x36: {  	[smem:$0x7F6] =	sst s6  }
0x37: {  	s4 =	rddreg [dreg:$0x5]  }
0x38: {  	s6 =	sld [smem:$0x7FB]  }
0x39: {  	[tilespmem:s3], [sflag:$0x1] =	stream.linear.gather [hbm4b:s4+s3], $0x100, $0x38;
	[tilespmem:$0x1E600] =	vst v63  }
0x3a: {  	s4 =	sld [smem:$0x7FC]  }
0x3b: {  	[tilespmem:s11], [sflag:$0x2] =	stream.linear.gather [hbm4b:s6+s3], $0x100, $0x38;
	[tilespmem:$0x1E600] =	vst v63  }
0x3c: {  	s6 =	simm.s32 $0x200  }
0x3d: {  	[tilespmem:s6], [sflag:$0x3] =	stream.linear.gather [hbm4b:s4+s3], $0x100, $0x38;
	[tilespmem:$0x1E600] =	vst v63  }
0x3e: {  	s30 =	simm.s32 $0xC;
	s4 =	rddreg [dreg:$0xd]  }
0x3f: {  	[tilespmem:s15], [sflag:$0xC] =	stream.linear.gather [hbm4b:s4+s3], $0x3000, $0x38;
	[tilespmem:$0x1E600] =	vst v63  }
0x40: {  	_ =	swait.ge [sflag:s30], $0x3000  }
0x41: {  	[sflag:s30] =	ssyncset.done $0x0  }
0x42: {  	[sflag:s30] =	ssyncadd.s32 $0xFFFFD000  }
0x43: {  	[spmem:s22] =	stream.linear.scatter [tilespmem:s15], [sflag:$0xC], $0x3000, $0x38;
	[tilespmem:$0x1E600] =	vst v63  }
0x44: {  	_ =	swait.ge [sflag:s30], $0x3000  }
0x45: {  	[sflag:s30] =	ssyncset.done $0x0  }
0x46: {  	s22 =	rddreg [dreg:$0xf];
	[sflag:s30] =	ssyncadd.s32 $0xFFFFD000  }
0x47: {  	[tilespmem:s17], [sflag:$0xC] =	stream.linear.gather [hbm4b:s22+s3], $0x3000, $0x38;
	[tilespmem:$0x1E600] =	vst v63  }
0x48: {  	_ =	swait.ge [sflag:s30], $0x3000  }
0x49: {  	[sflag:s30] =	ssyncset.done $0x0  }
0x4a: {  	[sflag:s30] =	ssyncadd.s32 $0xFFFFD000  }
0x4b: {  	[spmem:s13] =	stream.linear.scatter [tilespmem:s17], [sflag:$0xC], $0x3000, $0x38;
	[tilespmem:$0x1E600] =	vst v63  }
0x4c: {  	_ =	swait.ge [sflag:s30], $0x3000  }
0x4d: {  	[sflag:s30] =	ssyncset.done $0x0  }
0x4e: {  	s13 =	rddreg [dreg:$0x11];
	[sflag:s30] =	ssyncadd.s32 $0xFFFFD000  }
0x4f: {  	[tilespmem:s19], [sflag:$0xC] =	stream.linear.gather [hbm4b:s13+s3], $0x3000, $0x38;
	[tilespmem:$0x1E600] =	vst v63  }
0x50: {  	_ =	swait.ge [sflag:s30], $0x3000  }
0x51: {  	[sflag:s30] =	ssyncset.done $0x0  }
0x52: {  	[sflag:s30] =	ssyncadd.s32 $0xFFFFD000  }
0x53: {  	[spmem:s14] =	stream.linear.scatter [tilespmem:s19], [sflag:$0xC], $0x3000, $0x38;
	[tilespmem:$0x1E600] =	vst v63  }
0x54: {  	_ =	swait.ge [sflag:s30], $0x3000  }
0x55: {  	[sflag:s30] =	ssyncset.done $0x0  }
0x56: {  	s22 =	rddreg [dreg:$0x13];
	[sflag:s30] =	ssyncadd.s32 $0xFFFFD000  }
0x57: {  	[tilespmem:s15], [sflag:$0xC] =	stream.linear.gather [hbm4b:s22+s3], $0x3000, $0x38;
	[tilespmem:$0x1E600] =	vst v63  }
0x58: {  	_ =	swait.ge [sflag:s30], $0x3000  }
0x59: {  	[sflag:s30] =	ssyncset.done $0x0  }
0x5a: {  	[sflag:s30] =	ssyncadd.s32 $0xFFFFD000  }
0x5b: {  	[spmem:s31] =	stream.linear.scatter [tilespmem:s15], [sflag:$0xC], $0x3000, $0x38;
	[tilespmem:$0x1E600] =	vst v63  }
0x5c: {  	_ =	swait.ge [sflag:s30], $0x3000  }
0x5d: {  	[sflag:s30] =	ssyncset.done $0x0  }
0x5e: {  	s13 =	rddreg [dreg:$0x15];
	[sflag:s30] =	ssyncadd.s32 $0xFFFFD000  }
0x5f: {  	[tilespmem:s17], [sflag:$0xC] =	stream.linear.gather [hbm4b:s13+s3], $0x3000, $0x38;
	[tilespmem:$0x1E600] =	vst v63  }
0x60: {  	_ =	swait.ge [sflag:s30], $0x3000  }
0x61: {  	[sflag:s30] =	ssyncset.done $0x0  }
0x62: {  	[sflag:s30] =	ssyncadd.s32 $0xFFFFD000  }
0x63: {  	[spmem:s20] =	stream.linear.scatter [tilespmem:s17], [sflag:$0xC], $0x3000, $0x38;
	[tilespmem:$0x1E600] =	vst v63  }
0x64: {  	_ =	swait.ge [sflag:s30], $0x3000  }
0x65: {  	[sflag:s30] =	ssyncset.done $0x0  }
0x66: {  	s14 =	rddreg [dreg:$0x17];
	[sflag:s30] =	ssyncadd.s32 $0xFFFFD000  }
0x67: {  	[tilespmem:s19], [sflag:$0xC] =	stream.linear.gather [hbm4b:s14+s3], $0x3000, $0x38;
	[tilespmem:$0x1E600] =	vst v63  }
0x68: {  	_ =	swait.ge [sflag:s30], $0x3000  }
0x69: {  	[sflag:s30] =	ssyncset.done $0x0  }
0x6a: {  	[sflag:s30] =	ssyncadd.s32 $0xFFFFD000  }
0x6b: {  	[spmem:s24] =	stream.linear.scatter [tilespmem:s19], [sflag:$0xC], $0x3000, $0x38;
	[tilespmem:$0x1E600] =	vst v63  }
0x6c: {  	_ =	swait.ge [sflag:s30], $0x3000  }
0x6d: {  	[sflag:s30] =	ssyncset.done $0x0  }
0x6e: {  	s20 =	rddreg [dreg:$0x19];
	[sflag:s30] =	ssyncadd.s32 $0xFFFFD000  }
0x6f: {  	[tilespmem:s15], [sflag:$0xC] =	stream.linear.gather [hbm4b:s20+s3], $0x3000, $0x38;
	[tilespmem:$0x1E600] =	vst v63  }
0x70: {  	_ =	swait.ge [sflag:s30], $0x3000  }
0x71: {  	[sflag:s30] =	ssyncset.done $0x0  }
0x72: {  	[sflag:s30] =	ssyncadd.s32 $0xFFFFD000  }
0x73: {  	[spmem:s26] =	stream.linear.scatter [tilespmem:s15], [sflag:$0xC], $0x3000, $0x38;
	[tilespmem:$0x1E600] =	vst v63  }
0x74: {  	_ =	swait.ge [sflag:s30], $0x3000  }
0x75: {  	[sflag:s30] =	ssyncset.done $0x0  }
0x76: {  	[sflag:s30] =	ssyncadd.s32 $0xFFFFD000  }
0x77: {  	[bflag:$0x0] =	sbarrier.arrive $0xFFFF  }
0x78: {  	_ =	swait.ge [sflag:s21], $0x100  }
0x79: {  	[sflag:s21] =	ssyncset.done $0x0  }
0x7a: {  	[sflag:s21] =	ssyncadd.s32 $0xFFFFFF00  }
0x7b: {  	[tilespmem:s15], [sflag:$0x7] =	stream.indirect.gather [hbm4b:s12+s23], $0x80, s3, s23, $0xb8;
	[tilespmem:$0x1E600] =	vst v63  }
0x7c: {  	_ =	swait.ge [sflag:s25], $0x100  }
0x7d: {  	[sflag:s25] =	ssyncset.done $0x0  }
0x7e: {  	[sflag:s25] =	ssyncadd.s32 $0xFFFFFF00  }
0x7f: {  	[tilespmem:s17], [sflag:$0x8] =	stream.indirect.gather [hbm4b:s12+s23], $0x80, s11, s23, $0xb8;
	[tilespmem:$0x1E600] =	vst v63  }
0x80: {  	_ =	swait.ge [sflag:s28], $0x3000  }
0x81: {  	[sflag:s28] =	ssyncset.done $0x0  }
0x82: {  	[sflag:s28] =	ssyncadd.s32 $0xFFFFD000  }
0x83: {  	_ =	swait.ge [sflag:s29], $0x100  }
0x84: {  	[sflag:s29] =	ssyncset.done $0x0  }
0x85: {  	[sflag:s29] =	ssyncadd.s32 $0xFFFFFF00  }
0x86: {  	[tilespmem:s19], [sflag:$0x9] =	stream.indirect.gather [hbm4b:s12+s23], $0x80, s6, s23, $0xb8;
	[tilespmem:$0x1E600] =	vst v63  }
0x87: {  	s26 =	simm.s32 $0x80;
	s22 =	sld [smem:$0x7FD]  }
0x88: {  	[spmem:s2] =	stream.indirect.scatter.add.f32 [tilespmem:s15], [sflag:$0xA], $0x80, s26, s23, $0xb8;
	[tilespmem:$0x1E600] =	vst v63  }
0x89: {  	s13 =	simm.s32 $0x300  }
0x8a: {  	[tilespmem:s13], [sflag:$0x4] =	stream.linear.gather [hbm4b:s22+s3], $0x100, $0x38;
	[tilespmem:$0x1E600] =	vst v63  }
0x8b: {  	_ =	swait.ge [sflag:s0], $0x3000  }
0x8c: {  	[sflag:s0] =	ssyncset.done $0x0  }
0x8d: {  	[sflag:s0] =	ssyncadd.s32 $0xFFFFD000  }
0x8e: {  	_ =	swait.ge [sflag:s1], $0x3000  }
0x8f: {  	[sflag:s1] =	ssyncset.done $0x0  }
0x90: {  	[sflag:s1] =	ssyncadd.s32 $0xFFFFD000  }
0x91: {  	_ =	swait.ge [sflag:s5], $0x100  }
0x92: {  	[sflag:s5] =	ssyncset.done $0x0  }
0x93: {  	[sflag:s5] =	ssyncadd.s32 $0xFFFFFF00  }
0x94: {  	[tilespmem:s15], [sflag:$0x7] =	stream.indirect.gather [hbm4b:s12+s23], $0x80, s13, s23, $0xb8;
	[tilespmem:$0x1E600] =	vst v63  }
0x95: {  	s30 =	simm.s32 $0x180  }
0x96: {  	[spmem:s2] =	stream.indirect.scatter.add.f32 [tilespmem:s17], [sflag:$0xB], $0x80, s30, s23, $0xb8;
	[tilespmem:$0x1E600] =	vst v63  }
0x97: {  	s24 =	rddreg [dreg:$0x1b]  }
0x98: {  	[tilespmem:s7], [sflag:$0x5] =	stream.linear.gather [hbm4b:s24+s3], $0x100, $0x38;
	[tilespmem:$0x1E600] =	vst v63  }
0x99: {  	_ =	swait.ge [sflag:s8], $0x3000  }
0x9a: {  	[sflag:s8] =	ssyncset.done $0x0  }
0x9b: {  	[sflag:s8] =	ssyncadd.s32 $0xFFFFD000  }
0x9c: {  	_ =	swait.ge [sflag:s9], $0x3000  }
0x9d: {  	[sflag:s9] =	ssyncset.done $0x0  }
0x9e: {  	[sflag:s9] =	ssyncadd.s32 $0xFFFFD000  }
0x9f: {  	_ =	swait.ge [sflag:s10], $0x100  }
0xa0: {  	[sflag:s10] =	ssyncset.done $0x0  }
0xa1: {  	[sflag:s10] =	ssyncadd.s32 $0xFFFFFF00  }
0xa2: {  	[tilespmem:s17], [sflag:$0x8] =	stream.indirect.gather [hbm4b:s12+s23], $0x80, s7, s23, $0xb8;
	[tilespmem:$0x1E600] =	vst v63  }
0xa3: {  	s22 =	simm.s32 $0x280  }
0xa4: {  	[spmem:s2] =	stream.indirect.scatter.add.f32 [tilespmem:s19], [sflag:$0xA], $0x80, s22, s23, $0xb8;
	[tilespmem:$0x1E600] =	vst v63  }
0xa5: {  	s31 =	rddreg [dreg:$0x1c]  }
0xa6: {  	[tilespmem:s16], [sflag:$0x6] =	stream.linear.gather [hbm4b:s31+s3], $0x100, $0x38;
	[tilespmem:$0x1E600] =	vst v63  }
0xa7: {  	_ =	swait.ge [sflag:s28], $0x3000  }
0xa8: {  	[sflag:s28] =	ssyncset.done $0x0  }
0xa9: {  	[sflag:s28] =	ssyncadd.s32 $0xFFFFD000  }
0xaa: {  	_ =	swait.ge [sflag:s1], $0x3000  }
0xab: {  	[sflag:s1] =	ssyncset.done $0x0  }
0xac: {  	[sflag:s1] =	ssyncadd.s32 $0xFFFFD000  }
0xad: {  	_ =	swait.ge [sflag:s18], $0x100  }
0xae: {  	[sflag:s18] =	ssyncset.done $0x0  }
0xaf: {  	[sflag:s18] =	ssyncadd.s32 $0xFFFFFF00  }
0xb0: {  	[tilespmem:s19], [sflag:$0x9] =	stream.indirect.gather [hbm4b:s12+s23], $0x80, s16, s23, $0xb8;
	[tilespmem:$0x1E600] =	vst v63  }
0xb1: {  	s24 =	simm.s32 $0x380  }
0xb2: {  	[spmem:s2] =	stream.indirect.scatter.add.f32 [tilespmem:s15], [sflag:$0xB], $0x80, s24, s23, $0xb8;
	[tilespmem:$0x1E600] =	vst v63  }
0xb3: {  	s14 =	rddreg [dreg:$0x1d]  }
0xb4: {  	[tilespmem:s3], [sflag:$0x1] =	stream.linear.gather [hbm4b:s14+s3], $0x100, $0x38;
	[tilespmem:$0x1E600] =	vst v63  }
0xb5: {  	_ =	swait.ge [sflag:s0], $0x3000  }
0xb6: {  	[sflag:s0] =	ssyncset.done $0x0  }
0xb7: {  	[sflag:s0] =	ssyncadd.s32 $0xFFFFD000  }
0xb8: {  	_ =	swait.ge [sflag:s9], $0x3000  }
0xb9: {  	[sflag:s9] =	ssyncset.done $0x0  }
0xba: {  	[sflag:s9] =	ssyncadd.s32 $0xFFFFD000  }
0xbb: {  	_ =	swait.ge [sflag:s21], $0x100  }
0xbc: {  	[sflag:s21] =	ssyncset.done $0x0  }
0xbd: {  	[sflag:s21] =	ssyncadd.s32 $0xFFFFFF00  }
0xbe: {  	[tilespmem:s15], [sflag:$0x7] =	stream.indirect.gather [hbm4b:s12+s23], $0x80, s3, s23, $0xb8;
	[tilespmem:$0x1E600] =	vst v63  }
0xbf: {  	s20 =	simm.s32 $0x480  }
0xc0: {  	[spmem:s2] =	stream.indirect.scatter.add.f32 [tilespmem:s17], [sflag:$0xA], $0x80, s20, s23, $0xb8;
	[tilespmem:$0x1E600] =	vst v63  }
0xc1: {  	s31 =	rddreg [dreg:$0x1e]  }
0xc2: {  	[tilespmem:s11], [sflag:$0x2] =	stream.linear.gather [hbm4b:s31+s3], $0x100, $0x38;
	[tilespmem:$0x1E600] =	vst v63  }
0xc3: {  	_ =	swait.ge [sflag:s8], $0x3000  }
0xc4: {  	[sflag:s8] =	ssyncset.done $0x0  }
0xc5: {  	[sflag:s8] =	ssyncadd.s32 $0xFFFFD000  }
0xc6: {  	_ =	swait.ge [sflag:s1], $0x3000  }
0xc7: {  	[sflag:s1] =	ssyncset.done $0x0  }
0xc8: {  	[sflag:s1] =	ssyncadd.s32 $0xFFFFD000  }
0xc9: {  	_ =	swait.ge [sflag:s25], $0x100  }
0xca: {  	[sflag:s25] =	ssyncset.done $0x0  }
0xcb: {  	[sflag:s25] =	ssyncadd.s32 $0xFFFFFF00  }
0xcc: {  	[tilespmem:s17], [sflag:$0x8] =	stream.indirect.gather [hbm4b:s12+s23], $0x80, s11, s23, $0xb8;
	[tilespmem:$0x1E600] =	vst v63  }
0xcd: {  	s31 =	simm.s32 $0x580  }
0xce: {  	[spmem:s2] =	stream.indirect.scatter.add.f32 [tilespmem:s19], [sflag:$0xB], $0x80, s31, s23, $0xb8;
	[tilespmem:$0x1E600] =	vst v63  }
0xcf: {  	s14 =	rddreg [dreg:$0x1f]  }
0xd0: {  	[tilespmem:s6], [sflag:$0x3] =	stream.linear.gather [hbm4b:s14+s3], $0x100, $0x38;
	[tilespmem:$0x1E600] =	vst v63  }
0xd1: {  	_ =	swait.ge [sflag:s28], $0x3000  }
0xd2: {  	[sflag:s28] =	ssyncset.done $0x0  }
0xd3: {  	[sflag:s28] =	ssyncadd.s32 $0xFFFFD000  }
0xd4: {  	_ =	swait.ge [sflag:s9], $0x3000  }
0xd5: {  	[sflag:s9] =	ssyncset.done $0x0  }
0xd6: {  	[sflag:s9] =	ssyncadd.s32 $0xFFFFD000  }
0xd7: {  	_ =	swait.ge [sflag:s29], $0x100  }
0xd8: {  	[sflag:s29] =	ssyncset.done $0x0  }
0xd9: {  	s20 =	rddreg [dreg:$0x4];
	[sflag:s29] =	ssyncadd.s32 $0xFFFFFF00  }
0xda: {  	[tilespmem:s19], [sflag:$0x9] =	stream.indirect.gather [hbm4b:s12+s23], $0x80, s6, s23, $0xb8;
	[tilespmem:$0x1E600] =	vst v63  }
0xdb: {  	s4 =	sadd.s32 $0x0, s20  }
0xdc: {  	[spmem:s2] =	stream.indirect.scatter.add.f32 [tilespmem:s15], [sflag:$0xA], $0x80, s26, s23, $0xb8;
	[tilespmem:$0x1E600] =	vst v63  }
0xdd: {  	s14 =	sadd.s32 $0x120, s4  }
0xde: {  	[tilespmem:s13], [sflag:$0x4] =	stream.linear.gather [hbm4b:s14+s3], $0x100, $0x38;
	[tilespmem:$0x1E600] =	vst v63  }
0xdf: {  	_ =	swait.ge [sflag:s0], $0x3000  }
0xe0: {  	[sflag:s0] =	ssyncset.done $0x0  }
0xe1: {  	[sflag:s0] =	ssyncadd.s32 $0xFFFFD000  }
0xe2: {  	_ =	swait.ge [sflag:s1], $0x3000  }
0xe3: {  	[sflag:s1] =	ssyncset.done $0x0  }
0xe4: {  	[sflag:s1] =	ssyncadd.s32 $0xFFFFD000  }
0xe5: {  	_ =	swait.ge [sflag:s5], $0x100  }
0xe6: {  	[sflag:s5] =	ssyncset.done $0x0  }
0xe7: {  	[sflag:s5] =	ssyncadd.s32 $0xFFFFFF00  }
0xe8: {  	[tilespmem:s15], [sflag:$0x7] =	stream.indirect.gather [hbm4b:s12+s23], $0x80, s13, s23, $0xb8;
	[tilespmem:$0x1E600] =	vst v63  }
0xe9: {  	_ = 	snop  }
0xea: {  	[spmem:s2] =	stream.indirect.scatter.add.f32 [tilespmem:s17], [sflag:$0xB], $0x80, s30, s23, $0xb8;
	[tilespmem:$0x1E600] =	vst v63  }
0xeb: {  	s20 =	sadd.s32 $0x140, s4  }
0xec: {  	[tilespmem:s7], [sflag:$0x5] =	stream.linear.gather [hbm4b:s20+s3], $0x100, $0x38;
	[tilespmem:$0x1E600] =	vst v63  }
0xed: {  	_ =	swait.ge [sflag:s8], $0x3000  }
0xee: {  	[sflag:s8] =	ssyncset.done $0x0  }
0xef: {  	[sflag:s8] =	ssyncadd.s32 $0xFFFFD000  }
0xf0: {  	_ =	swait.ge [sflag:s9], $0x3000  }
0xf1: {  	[sflag:s9] =	ssyncset.done $0x0  }
0xf2: {  	[sflag:s9] =	ssyncadd.s32 $0xFFFFD000  }
0xf3: {  	_ =	swait.ge [sflag:s10], $0x100  }
0xf4: {  	[sflag:s10] =	ssyncset.done $0x0  }
0xf5: {  	[sflag:s10] =	ssyncadd.s32 $0xFFFFFF00  }
0xf6: {  	[tilespmem:s17], [sflag:$0x8] =	stream.indirect.gather [hbm4b:s12+s23], $0x80, s7, s23, $0xb8;
	[tilespmem:$0x1E600] =	vst v63  }
0xf7: {  	_ = 	snop  }
0xf8: {  	[spmem:s2] =	stream.indirect.scatter.add.f32 [tilespmem:s19], [sflag:$0xA], $0x80, s22, s23, $0xb8;
	[tilespmem:$0x1E600] =	vst v63  }
0xf9: {  	s22 =	sadd.s32 $0x160, s4  }
0xfa: {  	[tilespmem:s16], [sflag:$0x6] =	stream.linear.gather [hbm4b:s22+s3], $0x100, $0x38;
	[tilespmem:$0x1E600] =	vst v63  }
0xfb: {  	_ =	swait.ge [sflag:s28], $0x3000  }
0xfc: {  	[sflag:s28] =	ssyncset.done $0x0  }
0xfd: {  	[sflag:s28] =	ssyncadd.s32 $0xFFFFD000  }
0xfe: {  	_ =	swait.ge [sflag:s1], $0x3000  }
0xff: {  	[sflag:s1] =	ssyncset.done $0x0  }
0x100: {  	[sflag:s1] =	ssyncadd.s32 $0xFFFFD000  }
0x101: {  	_ =	swait.ge [sflag:s18], $0x100  }
0x102: {  	[sflag:s18] =	ssyncset.done $0x0  }
0x103: {  	[sflag:s18] =	ssyncadd.s32 $0xFFFFFF00  }
0x104: {  	[tilespmem:s19], [sflag:$0x9] =	stream.indirect.gather [hbm4b:s12+s23], $0x80, s16, s23, $0xb8;
	[tilespmem:$0x1E600] =	vst v63  }
0x105: {  	_ = 	snop  }
0x106: {  	[spmem:s2] =	stream.indirect.scatter.add.f32 [tilespmem:s15], [sflag:$0xB], $0x80, s24, s23, $0xb8;
	[tilespmem:$0x1E600] =	vst v63  }
0x107: {  	s24 =	sadd.s32 $0x180, s4  }
0x108: {  	[tilespmem:s3], [sflag:$0x1] =	stream.linear.gather [hbm4b:s24+s3], $0x100, $0x38;
	[tilespmem:$0x1E600] =	vst v63  }
0x109: {  	_ =	swait.ge [sflag:s0], $0x3000  }
0x10a: {  	[sflag:s0] =	ssyncset.done $0x0  }
0x10b: {  	[sflag:s0] =	ssyncadd.s32 $0xFFFFD000  }
0x10c: {  	_ =	swait.ge [sflag:s9], $0x3000  }
0x10d: {  	[sflag:s9] =	ssyncset.done $0x0  }
0x10e: {  	[sflag:s9] =	ssyncadd.s32 $0xFFFFD000  }
0x10f: {  	_ =	swait.ge [sflag:s21], $0x100  }
0x110: {  	[sflag:s21] =	ssyncset.done $0x0  }
0x111: {  	[sflag:s21] =	ssyncadd.s32 $0xFFFFFF00  }
0x112: {  	[tilespmem:s15], [sflag:$0x7] =	stream.indirect.gather [hbm4b:s12+s23], $0x80, s3, s23, $0xb8;
	[tilespmem:$0x1E600] =	vst v63  }
0x113: {  	s26 =	simm.s32 $0x480  }
0x114: {  	[spmem:s2] =	stream.indirect.scatter.add.f32 [tilespmem:s17], [sflag:$0xA], $0x80, s26, s23, $0xb8;
	[tilespmem:$0x1E600] =	vst v63  }
0x115: {  	s30 =	sadd.s32 $0x1A0, s4  }
0x116: {  	[tilespmem:s11], [sflag:$0x2] =	stream.linear.gather [hbm4b:s30+s3], $0x100, $0x38;
	[tilespmem:$0x1E600] =	vst v63  }
0x117: {  	_ =	swait.ge [sflag:s8], $0x3000  }
0x118: {  	[sflag:s8] =	ssyncset.done $0x0  }
0x119: {  	[sflag:s8] =	ssyncadd.s32 $0xFFFFD000  }
0x11a: {  	_ =	swait.ge [sflag:s1], $0x3000  }
0x11b: {  	[sflag:s1] =	ssyncset.done $0x0  }
0x11c: {  	[sflag:s1] =	ssyncadd.s32 $0xFFFFD000  }
0x11d: {  	s6 =	simm.s32 $0x80;
	s14 =	simm.s32 $0x180;
	_ =	swait.ge [sflag:s25], $0x100  }
0x11e: {  	s13 =	simm.s32 $0x100;
	s20 =	simm.s32 $0x280;
	[sflag:s25] =	ssyncset.done $0x0  }
0x11f: {  	s22 =	simm.s32 $0x380;
	s4 =	sadd.s32 $0x1C0, s4;
	[sflag:s25] =	ssyncadd.s32 $0xFFFFFF00  }
0x120: {  	[tilespmem:s17], [sflag:$0x8] =	stream.indirect.gather [hbm4b:s12+s23], $0x80, s11, s23, $0xb8;
	[tilespmem:$0x1E600] =	vst v63  }
0x121: {  	s24 =	simm.s32 $0x480;
	s26 =	simm.s32 $0xC0;
	s11 =	simm.s32 $0x580  }
0x122: {  	[spmem:s2] =	stream.indirect.scatter.add.f32 [tilespmem:s19], [sflag:$0xB], $0x80, s31, s23, $0xb8;
	[tilespmem:$0x1E600] =	vst v63  }
.LBB2_2:
0x123: {  	s31 =	simm.s32 $0x200  }
0x124: {  	[tilespmem:s31], [sflag:$0x3] =	stream.linear.gather [hbm4b:s4+s3], $0x100, $0x38;
	[tilespmem:$0x1E600] =	vst v63  }
0x125: {  	_ =	swait.ge [sflag:s28], $0x3000  }
0x126: {  	[sflag:s28] =	ssyncset.done $0x0  }
0x127: {  	[sflag:s28] =	ssyncadd.s32 $0xFFFFD000  }
0x128: {  	_ =	swait.ge [sflag:s9], $0x3000  }
0x129: {  	[sflag:s9] =	ssyncset.done $0x0  }
0x12a: {  	[sflag:s9] =	ssyncadd.s32 $0xFFFFD000  }
0x12b: {  	_ =	swait.ge [sflag:s29], $0x100  }
0x12c: {  	[sflag:s29] =	ssyncset.done $0x0  }
0x12d: {  	s30 =	smov.u32 s26;
	s4 =	rddreg [dreg:$0x4];
	[sflag:s29] =	ssyncadd.s32 $0xFFFFFF00  }
0x12e: {  	[tilespmem:s19], [sflag:$0x9] =	stream.indirect.gather [hbm4b:s12+s23], $0x80, s31, s23, $0xb8;
	[tilespmem:$0x1E600] =	vst v63  }
0x12f: {  	s4 =	sadd.s32 s30, s4  }
0x130: {  	[spmem:s2] =	stream.indirect.scatter.add.f32 [tilespmem:s15], [sflag:$0xA], $0x80, s6, s23, $0xb8;
	[tilespmem:$0x1E600] =	vst v63  }
0x131: {  	s30 =	sadd.s32 $0x120, s4;
	s31 =	simm.s32 $0x300  }
0x132: {  	[tilespmem:s31], [sflag:$0x4] =	stream.linear.gather [hbm4b:s30+s3], $0x100, $0x38;
	[tilespmem:$0x1E600] =	vst v63  }
0x133: {  	_ =	swait.ge [sflag:s0], $0x3000  }
0x134: {  	[sflag:s0] =	ssyncset.done $0x0  }
0x135: {  	[sflag:s0] =	ssyncadd.s32 $0xFFFFD000  }
0x136: {  	_ =	swait.ge [sflag:s1], $0x3000  }
0x137: {  	[sflag:s1] =	ssyncset.done $0x0  }
0x138: {  	[sflag:s1] =	ssyncadd.s32 $0xFFFFD000  }
0x139: {  	_ =	swait.ge [sflag:s5], $0x100  }
0x13a: {  	[sflag:s5] =	ssyncset.done $0x0  }
0x13b: {  	[sflag:s5] =	ssyncadd.s32 $0xFFFFFF00  }
0x13c: {  	[tilespmem:s15], [sflag:$0x7] =	stream.indirect.gather [hbm4b:s12+s23], $0x80, s31, s23, $0xb8;
	[tilespmem:$0x1E600] =	vst v63  }
0x13d: {  	_ = 	snop  }
0x13e: {  	[spmem:s2] =	stream.indirect.scatter.add.f32 [tilespmem:s17], [sflag:$0xB], $0x80, s14, s23, $0xb8;
	[tilespmem:$0x1E600] =	vst v63  }
0x13f: {  	s31 =	sadd.s32 $0x140, s4  }
0x140: {  	[tilespmem:s7], [sflag:$0x5] =	stream.linear.gather [hbm4b:s31+s3], $0x100, $0x38;
	[tilespmem:$0x1E600] =	vst v63  }
0x141: {  	_ =	swait.ge [sflag:s8], $0x3000  }
0x142: {  	[sflag:s8] =	ssyncset.done $0x0  }
0x143: {  	[sflag:s8] =	ssyncadd.s32 $0xFFFFD000  }
0x144: {  	_ =	swait.ge [sflag:s9], $0x3000  }
0x145: {  	[sflag:s9] =	ssyncset.done $0x0  }
0x146: {  	[sflag:s9] =	ssyncadd.s32 $0xFFFFD000  }
0x147: {  	_ =	swait.ge [sflag:s10], $0x100  }
0x148: {  	[sflag:s10] =	ssyncset.done $0x0  }
0x149: {  	[sflag:s10] =	ssyncadd.s32 $0xFFFFFF00  }
0x14a: {  	[tilespmem:s17], [sflag:$0x8] =	stream.indirect.gather [hbm4b:s12+s23], $0x80, s7, s23, $0xb8;
	[tilespmem:$0x1E600] =	vst v63  }
0x14b: {  	_ = 	snop  }
0x14c: {  	[spmem:s2] =	stream.indirect.scatter.add.f32 [tilespmem:s19], [sflag:$0xA], $0x80, s20, s23, $0xb8;
	[tilespmem:$0x1E600] =	vst v63  }
0x14d: {  	s31 =	sadd.s32 $0x160, s4  }
0x14e: {  	[tilespmem:s16], [sflag:$0x6] =	stream.linear.gather [hbm4b:s31+s3], $0x100, $0x38;
	[tilespmem:$0x1E600] =	vst v63  }
0x14f: {  	_ =	swait.ge [sflag:s28], $0x3000  }
0x150: {  	[sflag:s28] =	ssyncset.done $0x0  }
0x151: {  	[sflag:s28] =	ssyncadd.s32 $0xFFFFD000  }
0x152: {  	_ =	swait.ge [sflag:s1], $0x3000  }
0x153: {  	[sflag:s1] =	ssyncset.done $0x0  }
0x154: {  	[sflag:s1] =	ssyncadd.s32 $0xFFFFD000  }
0x155: {  	_ =	swait.ge [sflag:s18], $0x100  }
0x156: {  	[sflag:s18] =	ssyncset.done $0x0  }
0x157: {  	[sflag:s18] =	ssyncadd.s32 $0xFFFFFF00  }
0x158: {  	[tilespmem:s19], [sflag:$0x9] =	stream.indirect.gather [hbm4b:s12+s23], $0x80, s16, s23, $0xb8;
	[tilespmem:$0x1E600] =	vst v63  }
0x159: {  	_ = 	snop  }
0x15a: {  	[spmem:s2] =	stream.indirect.scatter.add.f32 [tilespmem:s15], [sflag:$0xB], $0x80, s22, s23, $0xb8;
	[tilespmem:$0x1E600] =	vst v63  }
0x15b: {  	s31 =	sadd.s32 $0x180, s4  }
0x15c: {  	[tilespmem:s3], [sflag:$0x1] =	stream.linear.gather [hbm4b:s31+s3], $0x100, $0x38;
	[tilespmem:$0x1E600] =	vst v63  }
0x15d: {  	_ =	swait.ge [sflag:s0], $0x3000  }
0x15e: {  	[sflag:s0] =	ssyncset.done $0x0  }
0x15f: {  	[sflag:s0] =	ssyncadd.s32 $0xFFFFD000  }
0x160: {  	_ =	swait.ge [sflag:s9], $0x3000  }
0x161: {  	[sflag:s9] =	ssyncset.done $0x0  }
0x162: {  	[sflag:s9] =	ssyncadd.s32 $0xFFFFD000  }
0x163: {  	_ =	swait.ge [sflag:s21], $0x100  }
0x164: {  	[sflag:s21] =	ssyncset.done $0x0  }
0x165: {  	[sflag:s21] =	ssyncadd.s32 $0xFFFFFF00  }
0x166: {  	[tilespmem:s15], [sflag:$0x7] =	stream.indirect.gather [hbm4b:s12+s23], $0x80, s3, s23, $0xb8;
	[tilespmem:$0x1E600] =	vst v63  }
0x167: {  	_ = 	snop  }
0x168: {  	[spmem:s2] =	stream.indirect.scatter.add.f32 [tilespmem:s17], [sflag:$0xA], $0x80, s24, s23, $0xb8;
	[tilespmem:$0x1E600] =	vst v63  }
0x169: {  	s31 =	sadd.s32 $0x1A0, s4  }
0x16a: {  	[tilespmem:s13], [sflag:$0x2] =	stream.linear.gather [hbm4b:s31+s3], $0x100, $0x38;
	[tilespmem:$0x1E600] =	vst v63  }
0x16b: {  	_ =	swait.ge [sflag:s8], $0x3000  }
0x16c: {  	[sflag:s8] =	ssyncset.done $0x0  }
0x16d: {  	[sflag:s8] =	ssyncadd.s32 $0xFFFFD000  }
0x16e: {  	_ =	swait.ge [sflag:s1], $0x3000  }
0x16f: {  	[sflag:s1] =	ssyncset.done $0x0  }
0x170: {  	[sflag:s1] =	ssyncadd.s32 $0xFFFFD000  }
0x171: {  	p0 =	sne.s32 s26, $0xB40;
	_ =	swait.ge [sflag:s25], $0x100  }
.Ltmp0:
0x172: {  	[sflag:s25] =	ssyncset.done $0x0;
	(pc) =	sbr.rel @p0 .LBB2_2-.Ltmp0, $4  }
0x173: {  	[sflag:s25] =	ssyncadd.s32 $0xFFFFFF00  }
0x174: {  	[tilespmem:s17], [sflag:$0x8] =	stream.indirect.gather [hbm4b:s12+s23], $0x80, s13, s23, $0xb8;
	[tilespmem:$0x1E600] =	vst v63  }
0x175: {  	s26 =	sadd.s32 $0xC0, s26;
	s4 =	sadd.s32 $0x1C0, s4  }
0x176: {  	[spmem:s2] =	stream.indirect.scatter.add.f32 [tilespmem:s19], [sflag:$0xB], $0x80, s11, s23, $0xb8;
	[tilespmem:$0x1E600] =	vst v63  }
0x177: {  	s13 =	simm.s32 $0x200  }
0x178: {  	[tilespmem:s13], [sflag:$0x3] =	stream.linear.gather [hbm4b:s4+s3], $0x100, $0x38;
	[tilespmem:$0x1E600] =	vst v63  }
0x179: {  	_ =	swait.ge [sflag:s28], $0x3000  }
0x17a: {  	[sflag:s28] =	ssyncset.done $0x0  }
0x17b: {  	[sflag:s28] =	ssyncadd.s32 $0xFFFFD000  }
0x17c: {  	_ =	swait.ge [sflag:s9], $0x3000  }
0x17d: {  	[sflag:s9] =	ssyncset.done $0x0  }
0x17e: {  	[sflag:s9] =	ssyncadd.s32 $0xFFFFD000  }
0x17f: {  	_ =	swait.ge [sflag:s29], $0x100  }
0x180: {  	[sflag:s29] =	ssyncset.done $0x0  }
0x181: {  	[sflag:s29] =	ssyncadd.s32 $0xFFFFFF00  }
0x182: {  	[tilespmem:s19], [sflag:$0x9] =	stream.indirect.gather [hbm4b:s12+s23], $0x80, s13, s23, $0xb8;
	[tilespmem:$0x1E600] =	vst v63  }
0x183: {  	s13 =	sld [smem:$0x7F7]  }
0x184: {  	[spmem:s2] =	stream.indirect.scatter.add.f32 [tilespmem:s15], [sflag:$0xA], $0x80, s6, s23, $0xb8;
	[tilespmem:$0x1E600] =	vst v63  }
0x185: {  	s26 =	simm.s32 $0x300  }
0x186: {  	[tilespmem:s26], [sflag:$0x4] =	stream.linear.gather [hbm4b:s13+s3], $0x100, $0x38;
	[tilespmem:$0x1E600] =	vst v63  }
0x187: {  	_ =	swait.ge [sflag:s0], $0x3000  }
0x188: {  	[sflag:s0] =	ssyncset.done $0x0  }
0x189: {  	[sflag:s0] =	ssyncadd.s32 $0xFFFFD000  }
0x18a: {  	_ =	swait.ge [sflag:s1], $0x3000  }
0x18b: {  	[sflag:s1] =	ssyncset.done $0x0  }
0x18c: {  	[sflag:s1] =	ssyncadd.s32 $0xFFFFD000  }
0x18d: {  	_ =	swait.ge [sflag:s5], $0x100  }
0x18e: {  	[sflag:s5] =	ssyncset.done $0x0  }
0x18f: {  	[sflag:s5] =	ssyncadd.s32 $0xFFFFFF00  }
0x190: {  	[tilespmem:s15], [sflag:$0x7] =	stream.indirect.gather [hbm4b:s12+s23], $0x80, s26, s23, $0xb8;
	[tilespmem:$0x1E600] =	vst v63  }
0x191: {  	s30 =	sld [smem:$0x7F8]  }
0x192: {  	[spmem:s2] =	stream.indirect.scatter.add.f32 [tilespmem:s17], [sflag:$0xB], $0x80, s14, s23, $0xb8;
	[tilespmem:$0x1E600] =	vst v63  }
0x193: {  	_ = 	snop  }
0x194: {  	[tilespmem:s7], [sflag:$0x5] =	stream.linear.gather [hbm4b:s30+s3], $0x100, $0x38;
	[tilespmem:$0x1E600] =	vst v63  }
0x195: {  	_ =	swait.ge [sflag:s8], $0x3000  }
0x196: {  	[sflag:s8] =	ssyncset.done $0x0  }
0x197: {  	[sflag:s8] =	ssyncadd.s32 $0xFFFFD000  }
0x198: {  	_ =	swait.ge [sflag:s9], $0x3000  }
0x199: {  	[sflag:s9] =	ssyncset.done $0x0  }
0x19a: {  	[sflag:s9] =	ssyncadd.s32 $0xFFFFD000  }
0x19b: {  	_ =	swait.ge [sflag:s10], $0x100  }
0x19c: {  	[sflag:s10] =	ssyncset.done $0x0  }
0x19d: {  	[sflag:s10] =	ssyncadd.s32 $0xFFFFFF00  }
0x19e: {  	[tilespmem:s17], [sflag:$0x8] =	stream.indirect.gather [hbm4b:s12+s23], $0x80, s7, s23, $0xb8;
	[tilespmem:$0x1E600] =	vst v63  }
0x19f: {  	s6 =	sld [smem:$0x7F9]  }
0x1a0: {  	[spmem:s2] =	stream.indirect.scatter.add.f32 [tilespmem:s19], [sflag:$0xA], $0x80, s20, s23, $0xb8;
	[tilespmem:$0x1E600] =	vst v63  }
0x1a1: {  	_ = 	snop  }
0x1a2: {  	[tilespmem:s16], [sflag:$0x6] =	stream.linear.gather [hbm4b:s6+s3], $0x100, $0x38;
	[tilespmem:$0x1E600] =	vst v63  }
0x1a3: {  	_ =	swait.ge [sflag:s28], $0x3000  }
0x1a4: {  	[sflag:s28] =	ssyncset.done $0x0  }
0x1a5: {  	[sflag:s28] =	ssyncadd.s32 $0xFFFFD000  }
0x1a6: {  	_ =	swait.ge [sflag:s1], $0x3000  }
0x1a7: {  	[sflag:s1] =	ssyncset.done $0x0  }
0x1a8: {  	[sflag:s1] =	ssyncadd.s32 $0xFFFFD000  }
0x1a9: {  	_ =	swait.ge [sflag:s18], $0x100  }
0x1aa: {  	[sflag:s18] =	ssyncset.done $0x0  }
0x1ab: {  	[sflag:s18] =	ssyncadd.s32 $0xFFFFFF00  }
0x1ac: {  	[tilespmem:s19], [sflag:$0x9] =	stream.indirect.gather [hbm4b:s12+s23], $0x80, s16, s23, $0xb8;
	[tilespmem:$0x1E600] =	vst v63  }
0x1ad: {  	_ = 	snop  }
0x1ae: {  	[spmem:s2] =	stream.indirect.scatter.add.f32 [tilespmem:s15], [sflag:$0xB], $0x80, s22, s23, $0xb8;
	[tilespmem:$0x1E600] =	vst v63  }
0x1af: {  	_ =	swait.ge [sflag:s0], $0x3000  }
0x1b0: {  	[sflag:s0] =	ssyncset.done $0x0  }
0x1b1: {  	[sflag:s0] =	ssyncadd.s32 $0xFFFFD000  }
0x1b2: {  	_ =	swait.ge [sflag:s9], $0x3000  }
0x1b3: {  	[sflag:s9] =	ssyncset.done $0x0  }
0x1b4: {  	[sflag:s9] =	ssyncadd.s32 $0xFFFFD000  }
0x1b5: {  	[spmem:s2] =	stream.indirect.scatter.add.f32 [tilespmem:s17], [sflag:$0xA], $0x80, s24, s23, $0xb8;
	[tilespmem:$0x1E600] =	vst v63  }
0x1b6: {  	_ =	swait.ge [sflag:s8], $0x3000  }
0x1b7: {  	[sflag:s8] =	ssyncset.done $0x0  }
0x1b8: {  	[sflag:s8] =	ssyncadd.s32 $0xFFFFD000  }
0x1b9: {  	_ =	swait.ge [sflag:s1], $0x3000  }
0x1ba: {  	[sflag:s1] =	ssyncset.done $0x0  }
0x1bb: {  	[sflag:s1] =	ssyncadd.s32 $0xFFFFD000  }
0x1bc: {  	[spmem:s2] =	stream.indirect.scatter.add.f32 [tilespmem:s19], [sflag:$0xB], $0x80, s11, s23, $0xb8;
	[tilespmem:$0x1E600] =	vst v63  }
0x1bd: {  	_ =	swait.ge [sflag:s9], $0x3000  }
0x1be: {  	[sflag:s9] =	ssyncset.done $0x0  }
0x1bf: {  	[sflag:s9] =	ssyncadd.s32 $0xFFFFD000  }
0x1c0: {  	[bflag:$0x0] =	sbarrier.arrive $0xFFFF  }
0x1c1: {  	s30 =	simm.s32 $0xC;
	s22 =	rddreg [dreg:$0xe]  }
0x1c2: {  	[tilespmem:s15], [sflag:$0xC] =	stream.linear.gather [spmem:s22], $0x3000, $0x38;
	[tilespmem:$0x1E600] =	vst v63  }
0x1c3: {  	_ =	swait.ge [sflag:s30], $0x3000  }
0x1c4: {  	[sflag:s30] =	ssyncset.done $0x0  }
0x1c5: {  	s13 =	rddreg [dreg:$0x6];
	[sflag:s30] =	ssyncadd.s32 $0xFFFFD000  }
0x1c6: {  	[hbm4b:s13+s3] =	stream.linear.scatter [tilespmem:s15], [sflag:$0xC], $0x3000, $0x38;
	[tilespmem:$0x1E600] =	vst v63  }
0x1c7: {  	_ =	swait.ge [sflag:s30], $0x3000  }
0x1c8: {  	[sflag:s30] =	ssyncset.done $0x0  }
0x1c9: {  	s13 =	rddreg [dreg:$0x10];
	[sflag:s30] =	ssyncadd.s32 $0xFFFFD000  }
0x1ca: {  	[tilespmem:s17], [sflag:$0xC] =	stream.linear.gather [spmem:s13], $0x3000, $0x38;
	[tilespmem:$0x1E600] =	vst v63  }
0x1cb: {  	_ =	swait.ge [sflag:s30], $0x3000  }
0x1cc: {  	[sflag:s30] =	ssyncset.done $0x0  }
0x1cd: {  	s14 =	rddreg [dreg:$0x7];
	[sflag:s30] =	ssyncadd.s32 $0xFFFFD000  }
0x1ce: {  	[hbm4b:s14+s3] =	stream.linear.scatter [tilespmem:s17], [sflag:$0xC], $0x3000, $0x38;
	[tilespmem:$0x1E600] =	vst v63  }
0x1cf: {  	_ =	swait.ge [sflag:s30], $0x3000  }
0x1d0: {  	[sflag:s30] =	ssyncset.done $0x0  }
0x1d1: {  	s14 =	rddreg [dreg:$0x12];
	[sflag:s30] =	ssyncadd.s32 $0xFFFFD000  }
0x1d2: {  	[tilespmem:s15], [sflag:$0xC] =	stream.linear.gather [spmem:s14], $0x3000, $0x38;
	[tilespmem:$0x1E600] =	vst v63  }
0x1d3: {  	_ =	swait.ge [sflag:s30], $0x3000  }
0x1d4: {  	[sflag:s30] =	ssyncset.done $0x0  }
0x1d5: {  	s20 =	rddreg [dreg:$0x8];
	[sflag:s30] =	ssyncadd.s32 $0xFFFFD000  }
0x1d6: {  	[hbm4b:s20+s3] =	stream.linear.scatter [tilespmem:s15], [sflag:$0xC], $0x3000, $0x38;
	[tilespmem:$0x1E600] =	vst v63  }
0x1d7: {  	_ =	swait.ge [sflag:s30], $0x3000  }
0x1d8: {  	[sflag:s30] =	ssyncset.done $0x0  }
0x1d9: {  	s31 =	rddreg [dreg:$0x14];
	[sflag:s30] =	ssyncadd.s32 $0xFFFFD000  }
0x1da: {  	[tilespmem:s17], [sflag:$0xC] =	stream.linear.gather [spmem:s31], $0x3000, $0x38;
	[tilespmem:$0x1E600] =	vst v63  }
0x1db: {  	_ =	swait.ge [sflag:s30], $0x3000  }
0x1dc: {  	[sflag:s30] =	ssyncset.done $0x0  }
0x1dd: {  	s24 =	rddreg [dreg:$0x9];
	[sflag:s30] =	ssyncadd.s32 $0xFFFFD000  }
0x1de: {  	[hbm4b:s24+s3] =	stream.linear.scatter [tilespmem:s17], [sflag:$0xC], $0x3000, $0x38;
	[tilespmem:$0x1E600] =	vst v63  }
0x1df: {  	_ =	swait.ge [sflag:s30], $0x3000  }
0x1e0: {  	[sflag:s30] =	ssyncset.done $0x0  }
0x1e1: {  	s20 =	rddreg [dreg:$0x16];
	[sflag:s30] =	ssyncadd.s32 $0xFFFFD000  }
0x1e2: {  	[tilespmem:s15], [sflag:$0xC] =	stream.linear.gather [spmem:s20], $0x3000, $0x38;
	[tilespmem:$0x1E600] =	vst v63  }
0x1e3: {  	_ =	swait.ge [sflag:s30], $0x3000  }
0x1e4: {  	[sflag:s30] =	ssyncset.done $0x0  }
0x1e5: {  	s26 =	rddreg [dreg:$0xa];
	[sflag:s30] =	ssyncadd.s32 $0xFFFFD000  }
0x1e6: {  	[hbm4b:s26+s3] =	stream.linear.scatter [tilespmem:s15], [sflag:$0xC], $0x3000, $0x38;
	[tilespmem:$0x1E600] =	vst v63  }
0x1e7: {  	_ =	swait.ge [sflag:s30], $0x3000  }
0x1e8: {  	[sflag:s30] =	ssyncset.done $0x0  }
0x1e9: {  	s24 =	rddreg [dreg:$0x18];
	[sflag:s30] =	ssyncadd.s32 $0xFFFFD000  }
0x1ea: {  	[tilespmem:s17], [sflag:$0xC] =	stream.linear.gather [spmem:s24], $0x3000, $0x38;
	[tilespmem:$0x1E600] =	vst v63  }
0x1eb: {  	_ =	swait.ge [sflag:s30], $0x3000  }
0x1ec: {  	[sflag:s30] =	ssyncset.done $0x0  }
0x1ed: {  	s6 =	rddreg [dreg:$0xb];
	[sflag:s30] =	ssyncadd.s32 $0xFFFFD000  }
0x1ee: {  	[hbm4b:s6+s3] =	stream.linear.scatter [tilespmem:s17], [sflag:$0xC], $0x3000, $0x38;
	[tilespmem:$0x1E600] =	vst v63  }
0x1ef: {  	_ =	swait.ge [sflag:s30], $0x3000  }
0x1f0: {  	[sflag:s30] =	ssyncset.done $0x0  }
0x1f1: {  	s26 =	rddreg [dreg:$0x1a];
	[sflag:s30] =	ssyncadd.s32 $0xFFFFD000  }
0x1f2: {  	[tilespmem:s15], [sflag:$0xC] =	stream.linear.gather [spmem:s26], $0x3000, $0x38;
	[tilespmem:$0x1E600] =	vst v63  }
0x1f3: {  	_ =	swait.ge [sflag:s30], $0x3000  }
0x1f4: {  	[sflag:s30] =	ssyncset.done $0x0  }
0x1f5: {  	s11 =	rddreg [dreg:$0xc];
	[sflag:s30] =	ssyncadd.s32 $0xFFFFD000  }
0x1f6: {  	[hbm4b:s11+s3] =	stream.linear.scatter [tilespmem:s15], [sflag:$0xC], $0x3000, $0x38;
	[tilespmem:$0x1E600] =	vst v63  }
0x1f7: {  	_ =	swait.ge [sflag:s30], $0x3000  }
0x1f8: {  	s4 =	sld [smem:$0x7F6]  }
0x1f9: {  	s11 =	sld [smem:$0x7FA];
	_ =	sdelay $0x1  }
0x1fa: {  	s6 =	sadd.s32 $0x1, s4  }
0x1fb: {  	p0 =	sne.s32 s6, s11  }
.Ltmp1:
0x1fc: {  	_ = 	snop;
	(pc) =	sbr.rel @p0 .LBB2_1-.Ltmp1, $3  }
0x1fd: {  	_ =	sdelay $0x1  }
0x1fe: {  	[sflag:s30] =	ssyncset.done $0x0;
	s30 =	simm.s32 $0xC  }
0x1ff: {  	[sflag:s30] =	ssyncadd.s32 $0xFFFFD000;
	s11 =	simm.s32 $0x100  }
0x200: {  	_ =	sfence.sel $0x180000  }
0x201: {  	[bflag:$0x0] =	sbarrier.arrive $0xFFFF  }
0x202: {  	_ =	strace $0x9000004A  }
0x203: {  	s0 =	stileid.u32;
	[bflag:$0x2] =	sbarrier.arrive $0xFFFF  }
0x204: {  	p0 =	sne.s32 s0, $0x0;
	s0 =	rddreg [dreg:$0x3]  }
0x205: {  	s0 =	sadd.s32 @!p0 $0x100000, s0  }
0x206: {  	[sflag:s0] =	ssyncadd.tile.s32 @!p0 $0x1;
	_ =	shalt  }
.Lfunc_end2:
_tile_overlayer_lowered:
.L_overlay_start_2:
0x207: {  	(tag) =	ssettag $0x2  }
0x208: {  	s0 =	rddreg [dreg:$0x0];
	s2 =	stileid.u32  }
0x209: {  	s1 =	rddreg [dreg:$0x1];
	p0 =	sne.s32 s2, $0x0  }
0x20a: {  	s3 =	rddreg [dreg:$0x2];
	[bflag:$0x3] =	sbarrier.arrive $0xFFFF;
	s2 =	simm.s32 @!p0 $0x1C0C  }
0x20b: {  	[timem:s3], [sflag:s2] =	dma.local @!p0 [hbm:s0], s1  }
0x20c: {  	s0 =	simm.s32 @!p0 $0xC  }
0x20d: {  	_ =	swait.ge @!p0 [sflag:s0], s1  }
0x20e: {  	s1 =	ssub.s32 @!p0 $0x0, s1;
	[sflag:s0] =	ssyncset.done @!p0 $0x0  }
0x20f: {  	[sflag:s0] =	ssyncadd.s32 @!p0 s1  }
0x210: {  	[bflag:$0x3] =	sbarrier.arrive $0xFFFF  }
0x211: {  	_ =	shalt  }

</sc_bundles>
